<compile_context>
chip_gen: v7x
topology: tpu7x:2x2x1
jax: 0.10.2.dev20260603
libtpu: 0.0.44.dev20260713+nightly
codegen_flags: <defaults>
</compile_context>

<pallas_src>
import functools

import jax
import jax.numpy as jnp
from jax import lax
from jax.experimental import pallas as pl
from jax.experimental.pallas import tpu as pltpu
from jax.experimental.pallas import tpu_sc as plsc

_T = 32768
_H = 768
_E = 8
_BLK = 4096

_CHUNKS = (32768,)
_TB = _BLK // 128

_NC, _NS, _L = 2, 16, 16
_NW = _NC * _NS


def _gate_body(x_ref, w_ref, o_ref):
    lg = lax.dot_general(
        w_ref[...], x_ref[...],
        (((1,), (1,)), ((), ())),
        preferred_element_type=jnp.float32,
    )
    for b in range(_TB):
        o_ref[b] = lg[:, 128 * b:128 * (b + 1)]


def _gate_logits(x, W, start_tok, tch):
    steps = tch // _BLK
    step0 = start_tok // _BLK
    return pl.pallas_call(
        _gate_body,
        grid=(steps,),
        in_specs=[
            pl.BlockSpec((_BLK, _H), lambda i: (step0 + i, 0)),
            pl.BlockSpec((_E, _H), lambda i: (0, 0)),
        ],
        out_specs=pl.BlockSpec((_TB, _E, 128), lambda i: (i, 0, 0)),
        out_shape=jax.ShapeDtypeStruct((tch // 128, _E, 128), jnp.float32),
    )(x, W)


def _route_body(tpw, bpw,
                lg_hbm, w1_hbm, w2_hbm, i1_hbm, i2_hbm,
                l_v, ow1_v, ow2_v, oi1_v, oi2_v):
    wid = lax.axis_index("s") * _NC + lax.axis_index("c")
    base = wid * tpw
    pltpu.sync_copy(lg_hbm.at[pl.ds(wid * bpw, bpw)], l_v)

    def body(sub, carry):
        off = sub * _L
        for b in range(bpw):
            s = [l_v[b, e, pl.ds(off, _L)] for e in range(_E)]
            m1 = s[0]
            i1 = jnp.zeros((_L,), jnp.int32)
            for e in range(1, _E):
                gt = s[e] > m1
                m1 = jnp.where(gt, s[e], m1)
                i1 = jnp.where(gt, e, i1)
            neg = jnp.float32(-3.0e38)
            m2 = jnp.full((_L,), neg, jnp.float32)
            i2 = jnp.zeros((_L,), jnp.int32)
            for e in range(_E):
                cand = jnp.where(i1 == e, neg, s[e])
                gt = cand > m2
                m2 = jnp.where(gt, cand, m2)
                i2 = jnp.where(gt, e, i2)
            t = jnp.exp(m2 - m1)
            ssq = 1.0 + t * t
            bi = lax.bitcast_convert_type(ssq, jnp.int32)
            bi = 0x5F3759DF - (bi >> 1)
            y = lax.bitcast_convert_type(bi, jnp.float32)
            for _ in range(3):
                y = y * (1.5 - 0.5 * ssq * y * y)
            col = b * 128 + off
            ow1_v[pl.ds(col, _L)] = 2.0 * y
            ow2_v[pl.ds(col, _L)] = 2.0 * t * y
            oi1_v[pl.ds(col, _L)] = i1
            oi2_v[pl.ds(col, _L)] = i2
        return carry

    lax.fori_loop(0, 128 // _L, body, 0)
    pltpu.sync_copy(ow1_v, w1_hbm.at[pl.ds(base, tpw)])
    pltpu.sync_copy(ow2_v, w2_hbm.at[pl.ds(base, tpw)])
    pltpu.sync_copy(oi1_v, i1_hbm.at[pl.ds(base, tpw)])
    pltpu.sync_copy(oi2_v, i2_hbm.at[pl.ds(base, tpw)])


@functools.cache
def _route(tch):
    tpw = tch // _NW
    bpw = tpw // 128
    return pl.kernel(
        functools.partial(_route_body, tpw, bpw),
        out_type=[
            jax.ShapeDtypeStruct((tch,), jnp.float32),
            jax.ShapeDtypeStruct((tch,), jnp.float32),
            jax.ShapeDtypeStruct((tch,), jnp.int32),
            jax.ShapeDtypeStruct((tch,), jnp.int32),
        ],
        mesh=plsc.VectorSubcoreMesh(
            core_axis_name="c", subcore_axis_name="s",
            num_cores=_NC, num_subcores=_NS,
        ),
        scratch_types=[
            pltpu.VMEM((bpw, _E, 128), jnp.float32),
            pltpu.VMEM((tpw,), jnp.float32),
            pltpu.VMEM((tpw,), jnp.float32),
            pltpu.VMEM((tpw,), jnp.int32),
            pltpu.VMEM((tpw,), jnp.int32),
        ],
        compiler_params=pltpu.CompilerParams(
            needs_layout_passes=False, use_tc_tiling_on_sc=False),
    )


def kernel(x, W):
    ews, eis = [], []
    start = 0
    for tch in _CHUNKS:
        w1, w2, i1, i2 = _route(tch)(_gate_logits(x, W, start, tch))
        ews.append(jnp.stack([w1, w2], axis=-1))
        eis.append(jnp.stack([i1, i2], axis=-1))
        start += tch
    ew = jnp.concatenate(ews) if len(_CHUNKS) > 1 else ews[0]
    ei = jnp.concatenate(eis) if len(_CHUNKS) > 1 else eis[0]
    return ew, ei

# --- scband reference (transcript-rebuilt; emitter-appended) ---
"""Pipeline reference for scband-olmo3-moe-router-23141283791733 (READ-ONLY COPY).

The authoritative reference and input builder live on the scoring server;
editing this copy changes nothing except your own understanding.
"""

import jax, jax.numpy as jnp
import numpy as np

NUM_TOKENS = 32768
HIDDEN = 768
N_EXPERTS = 8
TOP_K = 2

def setup_inputs(seed: int = 0) -> dict:
    key = jax.random.key(seed)
    k1, k2 = jax.random.split(key)
    x = jax.random.normal(k1, (NUM_TOKENS, HIDDEN), dtype=jnp.float32)
    # gate: nn.Linear(hidden_size, n_routed_experts, bias=False) -> weight [E, H]
    W = jax.random.normal(k2, (N_EXPERTS, HIDDEN), dtype=jnp.float32) * 0.02
    return {"x": x, "W": W}

def reference(x, W):
    # logits = self.gate(x)
    logits = x @ W.T
    # gating_function == 'softmax'
    scores = jax.nn.softmax(logits, axis=-1)
    # torch.topk(scores, num_experts_per_tok, dim=-1)
    expert_weights, expert_indices = jax.lax.top_k(scores, TOP_K)
    # normalize_expert_weights = 2.0 -> divide by L2 norm along last dim
    norm = jnp.sqrt(jnp.sum(expert_weights * expert_weights, axis=-1, keepdims=True))
    expert_weights = expert_weights / norm
    # restore_weight_scale = True
    expert_weights = expert_weights * TOP_K
    return expert_weights, expert_indices

if __name__ == "__main__":
    import jax
    _d = setup_inputs()
    print(jax.jit(kernel)(*tuple(_d.values())))

</pallas_src>

<mosaic_0001>
#map = affine_map<(d0, d1) -> (0, 0, 0)>
#map1 = affine_map<(d0, d1) -> (0)>
module attributes {stable_mosaic.version = 14 : i64} {
  func.func @_route_body(%arg0: i32, %arg1: i32, %arg2: memref<256x8x128xf32, #tpu.memory_space<hbm>>, %arg3: memref<32768xf32, #tpu.memory_space<hbm>>, %arg4: memref<32768xf32, #tpu.memory_space<hbm>>, %arg5: memref<32768xi32, #tpu.memory_space<hbm>>, %arg6: memref<32768xi32, #tpu.memory_space<hbm>>, %arg7: memref<8x8x128xf32, #tpu.memory_space<vmem>>, %arg8: memref<1024xf32, #tpu.memory_space<vmem>>, %arg9: memref<1024xf32, #tpu.memory_space<vmem>>, %arg10: memref<1024xi32, #tpu.memory_space<vmem>>, %arg11: memref<1024xi32, #tpu.memory_space<vmem>>) attributes {dimension_semantics = [#tpu.dimension_semantics<core_parallel>, #tpu.dimension_semantics<subcore_parallel>], iteration_bounds = array<i64: 2, 16>, scalar_prefetch = 0 : i64, scratch_operands = 5 : i64, tpu.core_type = #tpu.core_type<sc_vector_subcore>, window_params = [{transform_indices = #map}, {transform_indices = #map1}, {transform_indices = #map1}, {transform_indices = #map1}, {transform_indices = #map1}]} {
    %mul3A = arith.constant 2 : i32
    %mul3A_0 = arith.muli %arg1, %mul3A : i32
    %add3A = arith.addi %mul3A_0, %arg0 : i32
    %mul3A_1 = arith.constant 1024 : i32
    %mul3A_2 = arith.muli %add3A, %mul3A_1 : i32
    %mul3A_3 = arith.constant 8 : i32
    %mul3A_4 = arith.muli %add3A, %mul3A_3 : i32
    "tpu.region"() ({
      %run_scoped3A = tpu.sem_alloc : memref<!tpu.dma_semaphore, #tpu.memory_space<semaphore_mem>>
      %dma_start3A = arith.constant 0 : i32
      %dma_start3A_10 = arith.constant 0 : i32
      %dma_start3A_11 = tpu.memref_slice %arg2[%mul3A_4, %dma_start3A, %dma_start3A_10] : memref<256x8x128xf32, #tpu.memory_space<hbm>> -> memref<8x8x128xf32, #tpu.memory_space<hbm>>
      %dma_start3A_12 = arith.constant 0 : i32
      %dma_start3A_13 = arith.constant 0 : i32
      %dma_start3A_14 = tpu.memref_slice %arg2[%mul3A_4, %dma_start3A_12, %dma_start3A_13] : memref<256x8x128xf32, #tpu.memory_space<hbm>> -> memref<8x8x128xf32, #tpu.memory_space<hbm>>
      tpu.enqueue_dma source(%dma_start3A_14 : memref<8x8x128xf32, #tpu.memory_space<hbm>>) target(%arg7 : memref<8x8x128xf32, #tpu.memory_space<vmem>>) target_semaphore(%run_scoped3A : memref<!tpu.dma_semaphore, #tpu.memory_space<semaphore_mem>>)
      %dma_wait3A = arith.constant 0 : i32
      %dma_wait3A_15 = arith.constant 0 : i32
      %dma_wait3A_16 = tpu.memref_slice %arg2[%mul3A_4, %dma_wait3A, %dma_wait3A_15] : memref<256x8x128xf32, #tpu.memory_space<hbm>> -> memref<8x8x128xf32, #tpu.memory_space<hbm>>
      %dma_wait3A_17 = arith.constant 0 : i32
      %dma_wait3A_18 = arith.constant 0 : i32
      %dma_wait3A_19 = tpu.memref_slice %arg2[%mul3A_4, %dma_wait3A_17, %dma_wait3A_18] : memref<256x8x128xf32, #tpu.memory_space<hbm>> -> memref<8x8x128xf32, #tpu.memory_space<hbm>>
      tpu.wait_dma2 semaphore(%run_scoped3A : memref<!tpu.dma_semaphore, #tpu.memory_space<semaphore_mem>>) src(%dma_wait3A_19 : memref<8x8x128xf32, #tpu.memory_space<hbm>>) dst(%arg7 : memref<8x8x128xf32, #tpu.memory_space<vmem>>)
      tpu.yield
    }) : () -> ()
    %scan3A = arith.constant 0 : i32
    %scan3A_5 = arith.constant 0 : i32
    %scan3A_6 = arith.constant 8 : i32
    %scan3A_7 = arith.addi %scan3A_5, %scan3A_6 : i32
    %scan3A_8 = arith.constant 1 : i32
    scf.for %scan3A_10 = %scan3A_5 to %scan3A_7 step %scan3A_8  : i32 {
      %mul3A_11 = arith.constant 16 : i32
      %mul3A_12 = arith.muli %scan3A_10, %mul3A_11 : i32
      %get3A = arith.constant 0 : i32
      %get3A_13 = arith.constant 0 : i32
      %get3A_14 = arith.index_cast %get3A : i32 to index
      %get3A_15 = arith.index_cast %get3A_13 : i32 to index
      %get3A_16 = arith.index_cast %mul3A_12 : i32 to index
      %get3A_17 = tpu.vector_load %arg7[%get3A_14, %get3A_15, %get3A_16] {strides = array<i32>} : memref<8x8x128xf32, #tpu.memory_space<vmem>>, vector<16xf32>,
      %get3A_18 = arith.constant 0 : i32
      %get3A_19 = arith.constant 1 : i32
      %get3A_20 = arith.index_cast %get3A_18 : i32 to index
      %get3A_21 = arith.index_cast %get3A_19 : i32 to index
      %get3A_22 = arith.index_cast %mul3A_12 : i32 to index
      %get3A_23 = tpu.vector_load %arg7[%get3A_20, %get3A_21, %get3A_22] {strides = array<i32>} : memref<8x8x128xf32, #tpu.memory_space<vmem>>, vector<16xf32>,
      %get3A_24 = arith.constant 0 : i32
      %get3A_25 = arith.constant 2 : i32
      %get3A_26 = arith.index_cast %get3A_24 : i32 to index
      %get3A_27 = arith.index_cast %get3A_25 : i32 to index
      %get3A_28 = arith.index_cast %mul3A_12 : i32 to index
      %get3A_29 = tpu.vector_load %arg7[%get3A_26, %get3A_27, %get3A_28] {strides = array<i32>} : memref<8x8x128xf32, #tpu.memory_space<vmem>>, vector<16xf32>,
      %get3A_30 = arith.constant 0 : i32
      %get3A_31 = arith.constant 3 : i32
      %get3A_32 = arith.index_cast %get3A_30 : i32 to index
      %get3A_33 = arith.index_cast %get3A_31 : i32 to index
      %get3A_34 = arith.index_cast %mul3A_12 : i32 to index
      %get3A_35 = tpu.vector_load %arg7[%get3A_32, %get3A_33, %get3A_34] {strides = array<i32>} : memref<8x8x128xf32, #tpu.memory_space<vmem>>, vector<16xf32>,
      %get3A_36 = arith.constant 0 : i32
      %get3A_37 = arith.constant 4 : i32
      %get3A_38 = arith.index_cast %get3A_36 : i32 to index
      %get3A_39 = arith.index_cast %get3A_37 : i32 to index
      %get3A_40 = arith.index_cast %mul3A_12 : i32 to index
      %get3A_41 = tpu.vector_load %arg7[%get3A_38, %get3A_39, %get3A_40] {strides = array<i32>} : memref<8x8x128xf32, #tpu.memory_space<vmem>>, vector<16xf32>,
      %get3A_42 = arith.constant 0 : i32
      %get3A_43 = arith.constant 5 : i32
      %get3A_44 = arith.index_cast %get3A_42 : i32 to index
      %get3A_45 = arith.index_cast %get3A_43 : i32 to index
      %get3A_46 = arith.index_cast %mul3A_12 : i32 to index
      %get3A_47 = tpu.vector_load %arg7[%get3A_44, %get3A_45, %get3A_46] {strides = array<i32>} : memref<8x8x128xf32, #tpu.memory_space<vmem>>, vector<16xf32>,
      %get3A_48 = arith.constant 0 : i32
      %get3A_49 = arith.constant 6 : i32
      %get3A_50 = arith.index_cast %get3A_48 : i32 to index
      %get3A_51 = arith.index_cast %get3A_49 : i32 to index
      %get3A_52 = arith.index_cast %mul3A_12 : i32 to index
      %get3A_53 = tpu.vector_load %arg7[%get3A_50, %get3A_51, %get3A_52] {strides = array<i32>} : memref<8x8x128xf32, #tpu.memory_space<vmem>>, vector<16xf32>,
      %get3A_54 = arith.constant 0 : i32
      %get3A_55 = arith.constant 7 : i32
      %get3A_56 = arith.index_cast %get3A_54 : i32 to index
      %get3A_57 = arith.index_cast %get3A_55 : i32 to index
      %get3A_58 = arith.index_cast %mul3A_12 : i32 to index
      %get3A_59 = tpu.vector_load %arg7[%get3A_56, %get3A_57, %get3A_58] {strides = array<i32>} : memref<8x8x128xf32, #tpu.memory_space<vmem>>, vector<16xf32>,
      %broadcast_in_dim3A = arith.constant 0 : i32
      %broadcast_in_dim3A_60 = vector.broadcast %broadcast_in_dim3A : i32 to vector<16xi32>
      %gt3A = arith.cmpf ogt, %get3A_23, %get3A_17 : vector<16xf32>
      %select_n3A = arith.select %gt3A, %get3A_23, %get3A_17 : vector<16xi1>, vector<16xf32>
      %jit3A = arith.constant 1 : i32
      %broadcast_in_dim3A_61 = vector.broadcast %jit3A : i32 to vector<16xi32>
      %select_n3A_62 = arith.select %gt3A, %broadcast_in_dim3A_61, %broadcast_in_dim3A_60 : vector<16xi1>, vector<16xi32>
      %gt3A_63 = arith.cmpf ogt, %get3A_29, %select_n3A : vector<16xf32>
      %select_n3A_64 = arith.select %gt3A_63, %get3A_29, %select_n3A : vector<16xi1>, vector<16xf32>
      %jit3A_65 = arith.constant 2 : i32
      %broadcast_in_dim3A_66 = vector.broadcast %jit3A_65 : i32 to vector<16xi32>
      %select_n3A_67 = arith.select %gt3A_63, %broadcast_in_dim3A_66, %select_n3A_62 : vector<16xi1>, vector<16xi32>
      %gt3A_68 = arith.cmpf ogt, %get3A_35, %select_n3A_64 : vector<16xf32>
      %select_n3A_69 = arith.select %gt3A_68, %get3A_35, %select_n3A_64 : vector<16xi1>, vector<16xf32>
      %jit3A_70 = arith.constant 3 : i32
      %broadcast_in_dim3A_71 = vector.broadcast %jit3A_70 : i32 to vector<16xi32>
      %select_n3A_72 = arith.select %gt3A_68, %broadcast_in_dim3A_71, %select_n3A_67 : vector<16xi1>, vector<16xi32>
      %gt3A_73 = arith.cmpf ogt, %get3A_41, %select_n3A_69 : vector<16xf32>
      %select_n3A_74 = arith.select %gt3A_73, %get3A_41, %select_n3A_69 : vector<16xi1>, vector<16xf32>
      %jit3A_75 = arith.constant 4 : i32
      %broadcast_in_dim3A_76 = vector.broadcast %jit3A_75 : i32 to vector<16xi32>
      %select_n3A_77 = arith.select %gt3A_73, %broadcast_in_dim3A_76, %select_n3A_72 : vector<16xi1>, vector<16xi32>
      %gt3A_78 = arith.cmpf ogt, %get3A_47, %select_n3A_74 : vector<16xf32>
      %select_n3A_79 = arith.select %gt3A_78, %get3A_47, %select_n3A_74 : vector<16xi1>, vector<16xf32>
      %jit3A_80 = arith.constant 5 : i32
      %broadcast_in_dim3A_81 = vector.broadcast %jit3A_80 : i32 to vector<16xi32>
      %select_n3A_82 = arith.select %gt3A_78, %broadcast_in_dim3A_81, %select_n3A_77 : vector<16xi1>, vector<16xi32>
      %gt3A_83 = arith.cmpf ogt, %get3A_53, %select_n3A_79 : vector<16xf32>
      %select_n3A_84 = arith.select %gt3A_83, %get3A_53, %select_n3A_79 : vector<16xi1>, vector<16xf32>
      %jit3A_85 = arith.constant 6 : i32
      %broadcast_in_dim3A_86 = vector.broadcast %jit3A_85 : i32 to vector<16xi32>
      %select_n3A_87 = arith.select %gt3A_83, %broadcast_in_dim3A_86, %select_n3A_82 : vector<16xi1>, vector<16xi32>
      %gt3A_88 = arith.cmpf ogt, %get3A_59, %select_n3A_84 : vector<16xf32>
      %select_n3A_89 = arith.select %gt3A_88, %get3A_59, %select_n3A_84 : vector<16xi1>, vector<16xf32>
      %jit3A_90 = arith.constant 7 : i32
      %broadcast_in_dim3A_91 = vector.broadcast %jit3A_90 : i32 to vector<16xi32>
      %select_n3A_92 = arith.select %gt3A_88, %broadcast_in_dim3A_91, %select_n3A_87 : vector<16xi1>, vector<16xi32>
      %broadcast_in_dim3A_93 = arith.constant -3.000000e+38 : f32
      %broadcast_in_dim3A_94 = vector.broadcast %broadcast_in_dim3A_93 : f32 to vector<16xf32>
      %broadcast_in_dim3A_95 = arith.constant 0 : i32
      %broadcast_in_dim3A_96 = vector.broadcast %broadcast_in_dim3A_95 : i32 to vector<16xi32>
      %eq3A = arith.constant 0 : i32
      %eq3A_97 = vector.broadcast %eq3A : i32 to vector<16xi32>
      %eq3A_98 = arith.cmpi eq, %select_n3A_92, %eq3A_97 : vector<16xi32>
      %jit3A_99 = arith.constant -3.000000e+38 : f32
      %broadcast_in_dim3A_100 = vector.broadcast %jit3A_99 : f32 to vector<16xf32>
      %select_n3A_101 = arith.select %eq3A_98, %broadcast_in_dim3A_100, %get3A_17 : vector<16xi1>, vector<16xf32>
      %gt3A_102 = arith.cmpf ogt, %select_n3A_101, %broadcast_in_dim3A_94 : vector<16xf32>
      %select_n3A_103 = arith.select %gt3A_102, %select_n3A_101, %broadcast_in_dim3A_94 : vector<16xi1>, vector<16xf32>
      %jit3A_104 = arith.constant 0 : i32
      %broadcast_in_dim3A_105 = vector.broadcast %jit3A_104 : i32 to vector<16xi32>
      %select_n3A_106 = arith.select %gt3A_102, %broadcast_in_dim3A_105, %broadcast_in_dim3A_96 : vector<16xi1>, vector<16xi32>
      %eq3A_107 = arith.constant 1 : i32
      %eq3A_108 = vector.broadcast %eq3A_107 : i32 to vector<16xi32>
      %eq3A_109 = arith.cmpi eq, %select_n3A_92, %eq3A_108 : vector<16xi32>
      %jit3A_110 = arith.constant -3.000000e+38 : f32
      %broadcast_in_dim3A_111 = vector.broadcast %jit3A_110 : f32 to vector<16xf32>
      %select_n3A_112 = arith.select %eq3A_109, %broadcast_in_dim3A_111, %get3A_23 : vector<16xi1>, vector<16xf32>
      %gt3A_113 = arith.cmpf ogt, %select_n3A_112, %select_n3A_103 : vector<16xf32>
      %select_n3A_114 = arith.select %gt3A_113, %select_n3A_112, %select_n3A_103 : vector<16xi1>, vector<16xf32>
      %jit3A_115 = arith.constant 1 : i32
      %broadcast_in_dim3A_116 = vector.broadcast %jit3A_115 : i32 to vector<16xi32>
      %select_n3A_117 = arith.select %gt3A_113, %broadcast_in_dim3A_116, %select_n3A_106 : vector<16xi1>, vector<16xi32>
      %eq3A_118 = arith.constant 2 : i32
      %eq3A_119 = vector.broadcast %eq3A_118 : i32 to vector<16xi32>
      %eq3A_120 = arith.cmpi eq, %select_n3A_92, %eq3A_119 : vector<16xi32>
      %jit3A_121 = arith.constant -3.000000e+38 : f32
      %broadcast_in_dim3A_122 = vector.broadcast %jit3A_121 : f32 to vector<16xf32>
      %select_n3A_123 = arith.select %eq3A_120, %broadcast_in_dim3A_122, %get3A_29 : vector<16xi1>, vector<16xf32>
      %gt3A_124 = arith.cmpf ogt, %select_n3A_123, %select_n3A_114 : vector<16xf32>
      %select_n3A_125 = arith.select %gt3A_124, %select_n3A_123, %select_n3A_114 : vector<16xi1>, vector<16xf32>
      %jit3A_126 = arith.constant 2 : i32
      %broadcast_in_dim3A_127 = vector.broadcast %jit3A_126 : i32 to vector<16xi32>
      %select_n3A_128 = arith.select %gt3A_124, %broadcast_in_dim3A_127, %select_n3A_117 : vector<16xi1>, vector<16xi32>
      %eq3A_129 = arith.constant 3 : i32
      %eq3A_130 = vector.broadcast %eq3A_129 : i32 to vector<16xi32>
      %eq3A_131 = arith.cmpi eq, %select_n3A_92, %eq3A_130 : vector<16xi32>
      %jit3A_132 = arith.constant -3.000000e+38 : f32
      %broadcast_in_dim3A_133 = vector.broadcast %jit3A_132 : f32 to vector<16xf32>
      %select_n3A_134 = arith.select %eq3A_131, %broadcast_in_dim3A_133, %get3A_35 : vector<16xi1>, vector<16xf32>
      %gt3A_135 = arith.cmpf ogt, %select_n3A_134, %select_n3A_125 : vector<16xf32>
      %select_n3A_136 = arith.select %gt3A_135, %select_n3A_134, %select_n3A_125 : vector<16xi1>, vector<16xf32>
      %jit3A_137 = arith.constant 3 : i32
      %broadcast_in_dim3A_138 = vector.broadcast %jit3A_137 : i32 to vector<16xi32>
      %select_n3A_139 = arith.select %gt3A_135, %broadcast_in_dim3A_138, %select_n3A_128 : vector<16xi1>, vector<16xi32>
      %eq3A_140 = arith.constant 4 : i32
      %eq3A_141 = vector.broadcast %eq3A_140 : i32 to vector<16xi32>
      %eq3A_142 = arith.cmpi eq, %select_n3A_92, %eq3A_141 : vector<16xi32>
      %jit3A_143 = arith.constant -3.000000e+38 : f32
      %broadcast_in_dim3A_144 = vector.broadcast %jit3A_143 : f32 to vector<16xf32>
      %select_n3A_145 = arith.select %eq3A_142, %broadcast_in_dim3A_144, %get3A_41 : vector<16xi1>, vector<16xf32>
      %gt3A_146 = arith.cmpf ogt, %select_n3A_145, %select_n3A_136 : vector<16xf32>
      %select_n3A_147 = arith.select %gt3A_146, %select_n3A_145, %select_n3A_136 : vector<16xi1>, vector<16xf32>
      %jit3A_148 = arith.constant 4 : i32
      %broadcast_in_dim3A_149 = vector.broadcast %jit3A_148 : i32 to vector<16xi32>
      %select_n3A_150 = arith.select %gt3A_146, %broadcast_in_dim3A_149, %select_n3A_139 : vector<16xi1>, vector<16xi32>
      %eq3A_151 = arith.constant 5 : i32
      %eq3A_152 = vector.broadcast %eq3A_151 : i32 to vector<16xi32>
      %eq3A_153 = arith.cmpi eq, %select_n3A_92, %eq3A_152 : vector<16xi32>
      %jit3A_154 = arith.constant -3.000000e+38 : f32
      %broadcast_in_dim3A_155 = vector.broadcast %jit3A_154 : f32 to vector<16xf32>
      %select_n3A_156 = arith.select %eq3A_153, %broadcast_in_dim3A_155, %get3A_47 : vector<16xi1>, vector<16xf32>
      %gt3A_157 = arith.cmpf ogt, %select_n3A_156, %select_n3A_147 : vector<16xf32>
      %select_n3A_158 = arith.select %gt3A_157, %select_n3A_156, %select_n3A_147 : vector<16xi1>, vector<16xf32>
      %jit3A_159 = arith.constant 5 : i32
      %broadcast_in_dim3A_160 = vector.broadcast %jit3A_159 : i32 to vector<16xi32>
      %select_n3A_161 = arith.select %gt3A_157, %broadcast_in_dim3A_160, %select_n3A_150 : vector<16xi1>, vector<16xi32>
      %eq3A_162 = arith.constant 6 : i32
      %eq3A_163 = vector.broadcast %eq3A_162 : i32 to vector<16xi32>
      %eq3A_164 = arith.cmpi eq, %select_n3A_92, %eq3A_163 : vector<16xi32>
      %jit3A_165 = arith.constant -3.000000e+38 : f32
      %broadcast_in_dim3A_166 = vector.broadcast %jit3A_165 : f32 to vector<16xf32>
      %select_n3A_167 = arith.select %eq3A_164, %broadcast_in_dim3A_166, %get3A_53 : vector<16xi1>, vector<16xf32>
      %gt3A_168 = arith.cmpf ogt, %select_n3A_167, %select_n3A_158 : vector<16xf32>
      %select_n3A_169 = arith.select %gt3A_168, %select_n3A_167, %select_n3A_158 : vector<16xi1>, vector<16xf32>
      %jit3A_170 = arith.constant 6 : i32
      %broadcast_in_dim3A_171 = vector.broadcast %jit3A_170 : i32 to vector<16xi32>
      %select_n3A_172 = arith.select %gt3A_168, %broadcast_in_dim3A_171, %select_n3A_161 : vector<16xi1>, vector<16xi32>
      %eq3A_173 = arith.constant 7 : i32
      %eq3A_174 = vector.broadcast %eq3A_173 : i32 to vector<16xi32>
      %eq3A_175 = arith.cmpi eq, %select_n3A_92, %eq3A_174 : vector<16xi32>
      %jit3A_176 = arith.constant -3.000000e+38 : f32
      %broadcast_in_dim3A_177 = vector.broadcast %jit3A_176 : f32 to vector<16xf32>
      %select_n3A_178 = arith.select %eq3A_175, %broadcast_in_dim3A_177, %get3A_59 : vector<16xi1>, vector<16xf32>
      %gt3A_179 = arith.cmpf ogt, %select_n3A_178, %select_n3A_169 : vector<16xf32>
      %select_n3A_180 = arith.select %gt3A_179, %select_n3A_178, %select_n3A_169 : vector<16xi1>, vector<16xf32>
      %jit3A_181 = arith.constant 7 : i32
      %broadcast_in_dim3A_182 = vector.broadcast %jit3A_181 : i32 to vector<16xi32>
      %select_n3A_183 = arith.select %gt3A_179, %broadcast_in_dim3A_182, %select_n3A_172 : vector<16xi1>, vector<16xi32>
      %sub3A = arith.subf %select_n3A_180, %select_n3A_89 : vector<16xf32>
      %exp3A = math.exp %sub3A : vector<16xf32>
      %mul3A_184 = arith.mulf %exp3A, %exp3A : vector<16xf32>
      %add3A_185 = arith.constant 1.000000e+00 : f32
      %add3A_186 = vector.broadcast %add3A_185 : f32 to vector<16xf32>
      %add3A_187 = arith.addf %add3A_186, %mul3A_184 : vector<16xf32>
      %bitcast_convert_type3A = tpu.bitcast %add3A_187 : vector<16xf32> -> vector<16xi32>
      %shift_right_arithmetic3A = arith.constant 1 : i32
      %shift_right_arithmetic3A_188 = vector.broadcast %shift_right_arithmetic3A : i32 to vector<16xi32>
      %shift_right_arithmetic3A_189 = arith.shrsi %bitcast_convert_type3A, %shift_right_arithmetic3A_188 : vector<16xi32>
      %sub3A_190 = arith.constant 1597463007 : i32
      %sub3A_191 = vector.broadcast %sub3A_190 : i32 to vector<16xi32>
      %sub3A_192 = arith.subi %sub3A_191, %shift_right_arithmetic3A_189 : vector<16xi32>
      %bitcast_convert_type3A_193 = tpu.bitcast %sub3A_192 : vector<16xi32> -> vector<16xf32>
      %mul3A_194 = arith.constant 5.000000e-01 : f32
      %mul3A_195 = vector.broadcast %mul3A_194 : f32 to vector<16xf32>
      %mul3A_196 = arith.mulf %mul3A_195, %add3A_187 : vector<16xf32>
      %mul3A_197 = arith.mulf %mul3A_196, %bitcast_convert_type3A_193 : vector<16xf32>
      %mul3A_198 = arith.mulf %mul3A_197, %bitcast_convert_type3A_193 : vector<16xf32>
      %sub3A_199 = arith.constant 1.500000e+00 : f32
      %sub3A_200 = vector.broadcast %sub3A_199 : f32 to vector<16xf32>
      %sub3A_201 = arith.subf %sub3A_200, %mul3A_198 : vector<16xf32>
      %mul3A_202 = arith.mulf %bitcast_convert_type3A_193, %sub3A_201 : vector<16xf32>
      %mul3A_203 = arith.constant 5.000000e-01 : f32
      %mul3A_204 = vector.broadcast %mul3A_203 : f32 to vector<16xf32>
      %mul3A_205 = arith.mulf %mul3A_204, %add3A_187 : vector<16xf32>
      %mul3A_206 = arith.mulf %mul3A_205, %mul3A_202 : vector<16xf32>
      %mul3A_207 = arith.mulf %mul3A_206, %mul3A_202 : vector<16xf32>
      %sub3A_208 = arith.constant 1.500000e+00 : f32
      %sub3A_209 = vector.broadcast %sub3A_208 : f32 to vector<16xf32>
      %sub3A_210 = arith.subf %sub3A_209, %mul3A_207 : vector<16xf32>
      %mul3A_211 = arith.mulf %mul3A_202, %sub3A_210 : vector<16xf32>
      %mul3A_212 = arith.constant 5.000000e-01 : f32
      %mul3A_213 = vector.broadcast %mul3A_212 : f32 to vector<16xf32>
      %mul3A_214 = arith.mulf %mul3A_213, %add3A_187 : vector<16xf32>
      %mul3A_215 = arith.mulf %mul3A_214, %mul3A_211 : vector<16xf32>
      %mul3A_216 = arith.mulf %mul3A_215, %mul3A_211 : vector<16xf32>
      %sub3A_217 = arith.constant 1.500000e+00 : f32
      %sub3A_218 = vector.broadcast %sub3A_217 : f32 to vector<16xf32>
      %sub3A_219 = arith.subf %sub3A_218, %mul3A_216 : vector<16xf32>
      %mul3A_220 = arith.mulf %mul3A_211, %sub3A_219 : vector<16xf32>
      %add3A_221 = arith.constant 0 : i32
      %add3A_222 = arith.addi %add3A_221, %mul3A_12 : i32
      %mul3A_223 = arith.constant 2.000000e+00 : f32
      %mul3A_224 = vector.broadcast %mul3A_223 : f32 to vector<16xf32>
      %mul3A_225 = arith.mulf %mul3A_224, %mul3A_220 : vector<16xf32>
      %swap3A = arith.index_cast %add3A_222 : i32 to index
      %swap3A_226 = tpu.vector_load %arg8[%swap3A] {strides = array<i32>} : memref<1024xf32, #tpu.memory_space<vmem>>, vector<16xf32>,
      tpu.vector_store %arg8[%swap3A], %mul3A_225 {strides = array<i32>} : memref<1024xf32, #tpu.memory_space<vmem>>, vector<16xf32>,
      %mul3A_227 = arith.constant 2.000000e+00 : f32
      %mul3A_228 = vector.broadcast %mul3A_227 : f32 to vector<16xf32>
      %mul3A_229 = arith.mulf %mul3A_228, %exp3A : vector<16xf32>
      %mul3A_230 = arith.mulf %mul3A_229, %mul3A_220 : vector<16xf32>
      %swap3A_231 = arith.index_cast %add3A_222 : i32 to index
      %swap3A_232 = tpu.vector_load %arg9[%swap3A_231] {strides = array<i32>} : memref<1024xf32, #tpu.memory_space<vmem>>, vector<16xf32>,
      tpu.vector_store %arg9[%swap3A_231], %mul3A_230 {strides = array<i32>} : memref<1024xf32, #tpu.memory_space<vmem>>, vector<16xf32>,
      %swap3A_233 = arith.index_cast %add3A_222 : i32 to index
      %swap3A_234 = tpu.vector_load %arg10[%swap3A_233] {strides = array<i32>} : memref<1024xi32, #tpu.memory_space<vmem>>, vector<16xi32>,
      tpu.vector_store %arg10[%swap3A_233], %select_n3A_92 {strides = array<i32>} : memref<1024xi32, #tpu.memory_space<vmem>>, vector<16xi32>,
      %swap3A_235 = arith.index_cast %add3A_222 : i32 to index
      %swap3A_236 = tpu.vector_load %arg11[%swap3A_235] {strides = array<i32>} : memref<1024xi32, #tpu.memory_space<vmem>>, vector<16xi32>,
      tpu.vector_store %arg11[%swap3A_235], %select_n3A_183 {strides = array<i32>} : memref<1024xi32, #tpu.memory_space<vmem>>, vector<16xi32>,
      %get3A_237 = arith.constant 1 : i32
      %get3A_238 = arith.constant 0 : i32
      %get3A_239 = arith.index_cast %get3A_237 : i32 to index
      %get3A_240 = arith.index_cast %get3A_238 : i32 to index
      %get3A_241 = arith.index_cast %mul3A_12 : i32 to index
      %get3A_242 = tpu.vector_load %arg7[%get3A_239, %get3A_240, %get3A_241] {strides = array<i32>} : memref<8x8x128xf32, #tpu.memory_space<vmem>>, vector<16xf32>,
      %get3A_243 = arith.constant 1 : i32
      %get3A_244 = arith.constant 1 : i32
      %get3A_245 = arith.index_cast %get3A_243 : i32 to index
      %get3A_246 = arith.index_cast %get3A_244 : i32 to index
      %get3A_247 = arith.index_cast %mul3A_12 : i32 to index
      %get3A_248 = tpu.vector_load %arg7[%get3A_245, %get3A_246, %get3A_247] {strides = array<i32>} : memref<8x8x128xf32, #tpu.memory_space<vmem>>, vector<16xf32>,
      %get3A_249 = arith.constant 1 : i32
      %get3A_250 = arith.constant 2 : i32
      %get3A_251 = arith.index_cast %get3A_249 : i32 to index
      %get3A_252 = arith.index_cast %get3A_250 : i32 to index
      %get3A_253 = arith.index_cast %mul3A_12 : i32 to index
      %get3A_254 = tpu.vector_load %arg7[%get3A_251, %get3A_252, %get3A_253] {strides = array<i32>} : memref<8x8x128xf32, #tpu.memory_space<vmem>>, vector<16xf32>,
      %get3A_255 = arith.constant 1 : i32
      %get3A_256 = arith.constant 3 : i32
      %get3A_257 = arith.index_cast %get3A_255 : i32 to index
      %get3A_258 = arith.index_cast %get3A_256 : i32 to index
      %get3A_259 = arith.index_cast %mul3A_12 : i32 to index
      %get3A_260 = tpu.vector_load %arg7[%get3A_257, %get3A_258, %get3A_259] {strides = array<i32>} : memref<8x8x128xf32, #tpu.memory_space<vmem>>, vector<16xf32>,
      %get3A_261 = arith.constant 1 : i32
      %get3A_262 = arith.constant 4 : i32
      %get3A_263 = arith.index_cast %get3A_261 : i32 to index
      %get3A_264 = arith.index_cast %get3A_262 : i32 to index
      %get3A_265 = arith.index_cast %mul3A_12 : i32 to index
      %get3A_266 = tpu.vector_load %arg7[%get3A_263, %get3A_264, %get3A_265] {strides = array<i32>} : memref<8x8x128xf32, #tpu.memory_space<vmem>>, vector<16xf32>,
      %get3A_267 = arith.constant 1 : i32
      %get3A_268 = arith.constant 5 : i32
      %get3A_269 = arith.index_cast %get3A_267 : i32 to index
      %get3A_270 = arith.index_cast %get3A_268 : i32 to index
      %get3A_271 = arith.index_cast %mul3A_12 : i32 to index
      %get3A_272 = tpu.vector_load %arg7[%get3A_269, %get3A_270, %get3A_271] {strides = array<i32>} : memref<8x8x128xf32, #tpu.memory_space<vmem>>, vector<16xf32>,
      %get3A_273 = arith.constant 1 : i32
      %get3A_274 = arith.constant 6 : i32
      %get3A_275 = arith.index_cast %get3A_273 : i32 to index
      %get3A_276 = arith.index_cast %get3A_274 : i32 to index
      %get3A_277 = arith.index_cast %mul3A_12 : i32 to index
      %get3A_278 = tpu.vector_load %arg7[%get3A_275, %get3A_276, %get3A_277] {strides = array<i32>} : memref<8x8x128xf32, #tpu.memory_space<vmem>>, vector<16xf32>,
      %get3A_279 = arith.constant 1 : i32
      %get3A_280 = arith.constant 7 : i32
      %get3A_281 = arith.index_cast %get3A_279 : i32 to index
      %get3A_282 = arith.index_cast %get3A_280 : i32 to index
      %get3A_283 = arith.index_cast %mul3A_12 : i32 to index
      %get3A_284 = tpu.vector_load %arg7[%get3A_281, %get3A_282, %get3A_283] {strides = array<i32>} : memref<8x8x128xf32, #tpu.memory_space<vmem>>, vector<16xf32>,
      %broadcast_in_dim3A_285 = arith.constant 0 : i32
      %broadcast_in_dim3A_286 = vector.broadcast %broadcast_in_dim3A_285 : i32 to vector<16xi32>
      %gt3A_287 = arith.cmpf ogt, %get3A_248, %get3A_242 : vector<16xf32>
      %select_n3A_288 = arith.select %gt3A_287, %get3A_248, %get3A_242 : vector<16xi1>, vector<16xf32>
      %jit3A_289 = arith.constant 1 : i32
      %broadcast_in_dim3A_290 = vector.broadcast %jit3A_289 : i32 to vector<16xi32>
      %select_n3A_291 = arith.select %gt3A_287, %broadcast_in_dim3A_290, %broadcast_in_dim3A_286 : vector<16xi1>, vector<16xi32>
      %gt3A_292 = arith.cmpf ogt, %get3A_254, %select_n3A_288 : vector<16xf32>
      %select_n3A_293 = arith.select %gt3A_292, %get3A_254, %select_n3A_288 : vector<16xi1>, vector<16xf32>
      %jit3A_294 = arith.constant 2 : i32
      %broadcast_in_dim3A_295 = vector.broadcast %jit3A_294 : i32 to vector<16xi32>
      %select_n3A_296 = arith.select %gt3A_292, %broadcast_in_dim3A_295, %select_n3A_291 : vector<16xi1>, vector<16xi32>
      %gt3A_297 = arith.cmpf ogt, %get3A_260, %select_n3A_293 : vector<16xf32>
      %select_n3A_298 = arith.select %gt3A_297, %get3A_260, %select_n3A_293 : vector<16xi1>, vector<16xf32>
      %jit3A_299 = arith.constant 3 : i32
      %broadcast_in_dim3A_300 = vector.broadcast %jit3A_299 : i32 to vector<16xi32>
      %select_n3A_301 = arith.select %gt3A_297, %broadcast_in_dim3A_300, %select_n3A_296 : vector<16xi1>, vector<16xi32>
      %gt3A_302 = arith.cmpf ogt, %get3A_266, %select_n3A_298 : vector<16xf32>
      %select_n3A_303 = arith.select %gt3A_302, %get3A_266, %select_n3A_298 : vector<16xi1>, vector<16xf32>
      %jit3A_304 = arith.constant 4 : i32
      %broadcast_in_dim3A_305 = vector.broadcast %jit3A_304 : i32 to vector<16xi32>
      %select_n3A_306 = arith.select %gt3A_302, %broadcast_in_dim3A_305, %select_n3A_301 : vector<16xi1>, vector<16xi32>
      %gt3A_307 = arith.cmpf ogt, %get3A_272, %select_n3A_303 : vector<16xf32>
      %select_n3A_308 = arith.select %gt3A_307, %get3A_272, %select_n3A_303 : vector<16xi1>, vector<16xf32>
      %jit3A_309 = arith.constant 5 : i32
      %broadcast_in_dim3A_310 = vector.broadcast %jit3A_309 : i32 to vector<16xi32>
      %select_n3A_311 = arith.select %gt3A_307, %broadcast_in_dim3A_310, %select_n3A_306 : vector<16xi1>, vector<16xi32>
      %gt3A_312 = arith.cmpf ogt, %get3A_278, %select_n3A_308 : vector<16xf32>
      %select_n3A_313 = arith.select %gt3A_312, %get3A_278, %select_n3A_308 : vector<16xi1>, vector<16xf32>
      %jit3A_314 = arith.constant 6 : i32
      %broadcast_in_dim3A_315 = vector.broadcast %jit3A_314 : i32 to vector<16xi32>
      %select_n3A_316 = arith.select %gt3A_312, %broadcast_in_dim3A_315, %select_n3A_311 : vector<16xi1>, vector<16xi32>
      %gt3A_317 = arith.cmpf ogt, %get3A_284, %select_n3A_313 : vector<16xf32>
      %select_n3A_318 = arith.select %gt3A_317, %get3A_284, %select_n3A_313 : vector<16xi1>, vector<16xf32>
      %jit3A_319 = arith.constant 7 : i32
      %broadcast_in_dim3A_320 = vector.broadcast %jit3A_319 : i32 to vector<16xi32>
      %select_n3A_321 = arith.select %gt3A_317, %broadcast_in_dim3A_320, %select_n3A_316 : vector<16xi1>, vector<16xi32>
      %broadcast_in_dim3A_322 = arith.constant -3.000000e+38 : f32
      %broadcast_in_dim3A_323 = vector.broadcast %broadcast_in_dim3A_322 : f32 to vector<16xf32>
      %broadcast_in_dim3A_324 = arith.constant 0 : i32
      %broadcast_in_dim3A_325 = vector.broadcast %broadcast_in_dim3A_324 : i32 to vector<16xi32>
      %eq3A_326 = arith.constant 0 : i32
      %eq3A_327 = vector.broadcast %eq3A_326 : i32 to vector<16xi32>
      %eq3A_328 = arith.cmpi eq, %select_n3A_321, %eq3A_327 : vector<16xi32>
      %jit3A_329 = arith.constant -3.000000e+38 : f32
      %broadcast_in_dim3A_330 = vector.broadcast %jit3A_329 : f32 to vector<16xf32>
      %select_n3A_331 = arith.select %eq3A_328, %broadcast_in_dim3A_330, %get3A_242 : vector<16xi1>, vector<16xf32>
      %gt3A_332 = arith.cmpf ogt, %select_n3A_331, %broadcast_in_dim3A_323 : vector<16xf32>
      %select_n3A_333 = arith.select %gt3A_332, %select_n3A_331, %broadcast_in_dim3A_323 : vector<16xi1>, vector<16xf32>
      %jit3A_334 = arith.constant 0 : i32
      %broadcast_in_dim3A_335 = vector.broadcast %jit3A_334 : i32 to vector<16xi32>
      %select_n3A_336 = arith.select %gt3A_332, %broadcast_in_dim3A_335, %broadcast_in_dim3A_325 : vector<16xi1>, vector<16xi32>
      %eq3A_337 = arith.constant 1 : i32
      %eq3A_338 = vector.broadcast %eq3A_337 : i32 to vector<16xi32>
      %eq3A_339 = arith.cmpi eq, %select_n3A_321, %eq3A_338 : vector<16xi32>
      %jit3A_340 = arith.constant -3.000000e+38 : f32
      %broadcast_in_dim3A_341 = vector.broadcast %jit3A_340 : f32 to vector<16xf32>
      %select_n3A_342 = arith.select %eq3A_339, %broadcast_in_dim3A_341, %get3A_248 : vector<16xi1>, vector<16xf32>
      %gt3A_343 = arith.cmpf ogt, %select_n3A_342, %select_n3A_333 : vector<16xf32>
      %select_n3A_344 = arith.select %gt3A_343, %select_n3A_342, %select_n3A_333 : vector<16xi1>, vector<16xf32>
      %jit3A_345 = arith.constant 1 : i32
      %broadcast_in_dim3A_346 = vector.broadcast %jit3A_345 : i32 to vector<16xi32>
      %select_n3A_347 = arith.select %gt3A_343, %broadcast_in_dim3A_346, %select_n3A_336 : vector<16xi1>, vector<16xi32>
      %eq3A_348 = arith.constant 2 : i32
      %eq3A_349 = vector.broadcast %eq3A_348 : i32 to vector<16xi32>
      %eq3A_350 = arith.cmpi eq, %select_n3A_321, %eq3A_349 : vector<16xi32>
      %jit3A_351 = arith.constant -3.000000e+38 : f32
      %broadcast_in_dim3A_352 = vector.broadcast %jit3A_351 : f32 to vector<16xf32>
      %select_n3A_353 = arith.select %eq3A_350, %broadcast_in_dim3A_352, %get3A_254 : vector<16xi1>, vector<16xf32>
      %gt3A_354 = arith.cmpf ogt, %select_n3A_353, %select_n3A_344 : vector<16xf32>
      %select_n3A_355 = arith.select %gt3A_354, %select_n3A_353, %select_n3A_344 : vector<16xi1>, vector<16xf32>
      %jit3A_356 = arith.constant 2 : i32
      %broadcast_in_dim3A_357 = vector.broadcast %jit3A_356 : i32 to vector<16xi32>
      %select_n3A_358 = arith.select %gt3A_354, %broadcast_in_dim3A_357, %select_n3A_347 : vector<16xi1>, vector<16xi32>
      %eq3A_359 = arith.constant 3 : i32
      %eq3A_360 = vector.broadcast %eq3A_359 : i32 to vector<16xi32>
      %eq3A_361 = arith.cmpi eq, %select_n3A_321, %eq3A_360 : vector<16xi32>
      %jit3A_362 = arith.constant -3.000000e+38 : f32
      %broadcast_in_dim3A_363 = vector.broadcast %jit3A_362 : f32 to vector<16xf32>
      %select_n3A_364 = arith.select %eq3A_361, %broadcast_in_dim3A_363, %get3A_260 : vector<16xi1>, vector<16xf32>
      %gt3A_365 = arith.cmpf ogt, %select_n3A_364, %select_n3A_355 : vector<16xf32>
      %select_n3A_366 = arith.select %gt3A_365, %select_n3A_364, %select_n3A_355 : vector<16xi1>, vector<16xf32>
      %jit3A_367 = arith.constant 3 : i32
      %broadcast_in_dim3A_368 = vector.broadcast %jit3A_367 : i32 to vector<16xi32>
      %select_n3A_369 = arith.select %gt3A_365, %broadcast_in_dim3A_368, %select_n3A_358 : vector<16xi1>, vector<16xi32>
      %eq3A_370 = arith.constant 4 : i32
      %eq3A_371 = vector.broadcast %eq3A_370 : i32 to vector<16xi32>
      %eq3A_372 = arith.cmpi eq, %select_n3A_321, %eq3A_371 : vector<16xi32>
      %jit3A_373 = arith.constant -3.000000e+38 : f32
      %broadcast_in_dim3A_374 = vector.broadcast %jit3A_373 : f32 to vector<16xf32>
      %select_n3A_375 = arith.select %eq3A_372, %broadcast_in_dim3A_374, %get3A_266 : vector<16xi1>, vector<16xf32>
      %gt3A_376 = arith.cmpf ogt, %select_n3A_375, %select_n3A_366 : vector<16xf32>
      %select_n3A_377 = arith.select %gt3A_376, %select_n3A_375, %select_n3A_366 : vector<16xi1>, vector<16xf32>
      %jit3A_378 = arith.constant 4 : i32
      %broadcast_in_dim3A_379 = vector.broadcast %jit3A_378 : i32 to vector<16xi32>
      %select_n3A_380 = arith.select %gt3A_376, %broadcast_in_dim3A_379, %select_n3A_369 : vector<16xi1>, vector<16xi32>
      %eq3A_381 = arith.constant 5 : i32
      %eq3A_382 = vector.broadcast %eq3A_381 : i32 to vector<16xi32>
      %eq3A_383 = arith.cmpi eq, %select_n3A_321, %eq3A_382 : vector<16xi32>
      %jit3A_384 = arith.constant -3.000000e+38 : f32
      %broadcast_in_dim3A_385 = vector.broadcast %jit3A_384 : f32 to vector<16xf32>
      %select_n3A_386 = arith.select %eq3A_383, %broadcast_in_dim3A_385, %get3A_272 : vector<16xi1>, vector<16xf32>
      %gt3A_387 = arith.cmpf ogt, %select_n3A_386, %select_n3A_377 : vector<16xf32>
      %select_n3A_388 = arith.select %gt3A_387, %select_n3A_386, %select_n3A_377 : vector<16xi1>, vector<16xf32>
      %jit3A_389 = arith.constant 5 : i32
      %broadcast_in_dim3A_390 = vector.broadcast %jit3A_389 : i32 to vector<16xi32>
      %select_n3A_391 = arith.select %gt3A_387, %broadcast_in_dim3A_390, %select_n3A_380 : vector<16xi1>, vector<16xi32>
      %eq3A_392 = arith.constant 6 : i32
      %eq3A_393 = vector.broadcast %eq3A_392 : i32 to vector<16xi32>
      %eq3A_394 = arith.cmpi eq, %select_n3A_321, %eq3A_393 : vector<16xi32>
      %jit3A_395 = arith.constant -3.000000e+38 : f32
      %broadcast_in_dim3A_396 = vector.broadcast %jit3A_395 : f32 to vector<16xf32>
      %select_n3A_397 = arith.select %eq3A_394, %broadcast_in_dim3A_396, %get3A_278 : vector<16xi1>, vector<16xf32>
      %gt3A_398 = arith.cmpf ogt, %select_n3A_397, %select_n3A_388 : vector<16xf32>
      %select_n3A_399 = arith.select %gt3A_398, %select_n3A_397, %select_n3A_388 : vector<16xi1>, vector<16xf32>
      %jit3A_400 = arith.constant 6 : i32
      %broadcast_in_dim3A_401 = vector.broadcast %jit3A_400 : i32 to vector<16xi32>
      %select_n3A_402 = arith.select %gt3A_398, %broadcast_in_dim3A_401, %select_n3A_391 : vector<16xi1>, vector<16xi32>
      %eq3A_403 = arith.constant 7 : i32
      %eq3A_404 = vector.broadcast %eq3A_403 : i32 to vector<16xi32>
      %eq3A_405 = arith.cmpi eq, %select_n3A_321, %eq3A_404 : vector<16xi32>
      %jit3A_406 = arith.constant -3.000000e+38 : f32
      %broadcast_in_dim3A_407 = vector.broadcast %jit3A_406 : f32 to vector<16xf32>
      %select_n3A_408 = arith.select %eq3A_405, %broadcast_in_dim3A_407, %get3A_284 : vector<16xi1>, vector<16xf32>
      %gt3A_409 = arith.cmpf ogt, %select_n3A_408, %select_n3A_399 : vector<16xf32>
      %select_n3A_410 = arith.select %gt3A_409, %select_n3A_408, %select_n3A_399 : vector<16xi1>, vector<16xf32>
      %jit3A_411 = arith.constant 7 : i32
      %broadcast_in_dim3A_412 = vector.broadcast %jit3A_411 : i32 to vector<16xi32>
      %select_n3A_413 = arith.select %gt3A_409, %broadcast_in_dim3A_412, %select_n3A_402 : vector<16xi1>, vector<16xi32>
      %sub3A_414 = arith.subf %select_n3A_410, %select_n3A_318 : vector<16xf32>
      %exp3A_415 = math.exp %sub3A_414 : vector<16xf32>
      %mul3A_416 = arith.mulf %exp3A_415, %exp3A_415 : vector<16xf32>
      %add3A_417 = arith.constant 1.000000e+00 : f32
      %add3A_418 = vector.broadcast %add3A_417 : f32 to vector<16xf32>
      %add3A_419 = arith.addf %add3A_418, %mul3A_416 : vector<16xf32>
      %bitcast_convert_type3A_420 = tpu.bitcast %add3A_419 : vector<16xf32> -> vector<16xi32>
      %shift_right_arithmetic3A_421 = arith.constant 1 : i32
      %shift_right_arithmetic3A_422 = vector.broadcast %shift_right_arithmetic3A_421 : i32 to vector<16xi32>
      %shift_right_arithmetic3A_423 = arith.shrsi %bitcast_convert_type3A_420, %shift_right_arithmetic3A_422 : vector<16xi32>
      %sub3A_424 = arith.constant 1597463007 : i32
      %sub3A_425 = vector.broadcast %sub3A_424 : i32 to vector<16xi32>
      %sub3A_426 = arith.subi %sub3A_425, %shift_right_arithmetic3A_423 : vector<16xi32>
      %bitcast_convert_type3A_427 = tpu.bitcast %sub3A_426 : vector<16xi32> -> vector<16xf32>
      %mul3A_428 = arith.constant 5.000000e-01 : f32
      %mul3A_429 = vector.broadcast %mul3A_428 : f32 to vector<16xf32>
      %mul3A_430 = arith.mulf %mul3A_429, %add3A_419 : vector<16xf32>
      %mul3A_431 = arith.mulf %mul3A_430, %bitcast_convert_type3A_427 : vector<16xf32>
      %mul3A_432 = arith.mulf %mul3A_431, %bitcast_convert_type3A_427 : vector<16xf32>
      %sub3A_433 = arith.constant 1.500000e+00 : f32
      %sub3A_434 = vector.broadcast %sub3A_433 : f32 to vector<16xf32>
      %sub3A_435 = arith.subf %sub3A_434, %mul3A_432 : vector<16xf32>
      %mul3A_436 = arith.mulf %bitcast_convert_type3A_427, %sub3A_435 : vector<16xf32>
      %mul3A_437 = arith.constant 5.000000e-01 : f32
      %mul3A_438 = vector.broadcast %mul3A_437 : f32 to vector<16xf32>
      %mul3A_439 = arith.mulf %mul3A_438, %add3A_419 : vector<16xf32>
      %mul3A_440 = arith.mulf %mul3A_439, %mul3A_436 : vector<16xf32>
      %mul3A_441 = arith.mulf %mul3A_440, %mul3A_436 : vector<16xf32>
      %sub3A_442 = arith.constant 1.500000e+00 : f32
      %sub3A_443 = vector.broadcast %sub3A_442 : f32 to vector<16xf32>
      %sub3A_444 = arith.subf %sub3A_443, %mul3A_441 : vector<16xf32>
      %mul3A_445 = arith.mulf %mul3A_436, %sub3A_444 : vector<16xf32>
      %mul3A_446 = arith.constant 5.000000e-01 : f32
      %mul3A_447 = vector.broadcast %mul3A_446 : f32 to vector<16xf32>
      %mul3A_448 = arith.mulf %mul3A_447, %add3A_419 : vector<16xf32>
      %mul3A_449 = arith.mulf %mul3A_448, %mul3A_445 : vector<16xf32>
      %mul3A_450 = arith.mulf %mul3A_449, %mul3A_445 : vector<16xf32>
      %sub3A_451 = arith.constant 1.500000e+00 : f32
      %sub3A_452 = vector.broadcast %sub3A_451 : f32 to vector<16xf32>
      %sub3A_453 = arith.subf %sub3A_452, %mul3A_450 : vector<16xf32>
      %mul3A_454 = arith.mulf %mul3A_445, %sub3A_453 : vector<16xf32>
      %add3A_455 = arith.constant 128 : i32
      %add3A_456 = arith.addi %add3A_455, %mul3A_12 : i32
      %mul3A_457 = arith.constant 2.000000e+00 : f32
      %mul3A_458 = vector.broadcast %mul3A_457 : f32 to vector<16xf32>
      %mul3A_459 = arith.mulf %mul3A_458, %mul3A_454 : vector<16xf32>
      %swap3A_460 = arith.index_cast %add3A_456 : i32 to index
      %swap3A_461 = tpu.vector_load %arg8[%swap3A_460] {strides = array<i32>} : memref<1024xf32, #tpu.memory_space<vmem>>, vector<16xf32>,
      tpu.vector_store %arg8[%swap3A_460], %mul3A_459 {strides = array<i32>} : memref<1024xf32, #tpu.memory_space<vmem>>, vector<16xf32>,
      %mul3A_462 = arith.constant 2.000000e+00 : f32
      %mul3A_463 = vector.broadcast %mul3A_462 : f32 to vector<16xf32>
      %mul3A_464 = arith.mulf %mul3A_463, %exp3A_415 : vector<16xf32>
      %mul3A_465 = arith.mulf %mul3A_464, %mul3A_454 : vector<16xf32>
      %swap3A_466 = arith.index_cast %add3A_456 : i32 to index
      %swap3A_467 = tpu.vector_load %arg9[%swap3A_466] {strides = array<i32>} : memref<1024xf32, #tpu.memory_space<vmem>>, vector<16xf32>,
      tpu.vector_store %arg9[%swap3A_466], %mul3A_465 {strides = array<i32>} : memref<1024xf32, #tpu.memory_space<vmem>>, vector<16xf32>,
      %swap3A_468 = arith.index_cast %add3A_456 : i32 to index
      %swap3A_469 = tpu.vector_load %arg10[%swap3A_468] {strides = array<i32>} : memref<1024xi32, #tpu.memory_space<vmem>>, vector<16xi32>,
      tpu.vector_store %arg10[%swap3A_468], %select_n3A_321 {strides = array<i32>} : memref<1024xi32, #tpu.memory_space<vmem>>, vector<16xi32>,
      %swap3A_470 = arith.index_cast %add3A_456 : i32 to index
      %swap3A_471 = tpu.vector_load %arg11[%swap3A_470] {strides = array<i32>} : memref<1024xi32, #tpu.memory_space<vmem>>, vector<16xi32>,
      tpu.vector_store %arg11[%swap3A_470], %select_n3A_413 {strides = array<i32>} : memref<1024xi32, #tpu.memory_space<vmem>>, vector<16xi32>,
      %get3A_472 = arith.constant 2 : i32
      %get3A_473 = arith.constant 0 : i32
      %get3A_474 = arith.index_cast %get3A_472 : i32 to index
      %get3A_475 = arith.index_cast %get3A_473 : i32 to index
      %get3A_476 = arith.index_cast %mul3A_12 : i32 to index
      %get3A_477 = tpu.vector_load %arg7[%get3A_474, %get3A_475, %get3A_476] {strides = array<i32>} : memref<8x8x128xf32, #tpu.memory_space<vmem>>, vector<16xf32>,
      %get3A_478 = arith.constant 2 : i32
      %get3A_479 = arith.constant 1 : i32
      %get3A_480 = arith.index_cast %get3A_478 : i32 to index
      %get3A_481 = arith.index_cast %get3A_479 : i32 to index
      %get3A_482 = arith.index_cast %mul3A_12 : i32 to index
      %get3A_483 = tpu.vector_load %arg7[%get3A_480, %get3A_481, %get3A_482] {strides = array<i32>} : memref<8x8x128xf32, #tpu.memory_space<vmem>>, vector<16xf32>,
      %get3A_484 = arith.constant 2 : i32
      %get3A_485 = arith.constant 2 : i32
      %get3A_486 = arith.index_cast %get3A_484 : i32 to index
      %get3A_487 = arith.index_cast %get3A_485 : i32 to index
      %get3A_488 = arith.index_cast %mul3A_12 : i32 to index
      %get3A_489 = tpu.vector_load %arg7[%get3A_486, %get3A_487, %get3A_488] {strides = array<i32>} : memref<8x8x128xf32, #tpu.memory_space<vmem>>, vector<16xf32>,
      %get3A_490 = arith.constant 2 : i32
      %get3A_491 = arith.constant 3 : i32
      %get3A_492 = arith.index_cast %get3A_490 : i32 to index
      %get3A_493 = arith.index_cast %get3A_491 : i32 to index
      %get3A_494 = arith.index_cast %mul3A_12 : i32 to index
      %get3A_495 = tpu.vector_load %arg7[%get3A_492, %get3A_493, %get3A_494] {strides = array<i32>} : memref<8x8x128xf32, #tpu.memory_space<vmem>>, vector<16xf32>,
      %get3A_496 = arith.constant 2 : i32
      %get3A_497 = arith.constant 4 : i32
      %get3A_498 = arith.index_cast %get3A_496 : i32 to index
      %get3A_499 = arith.index_cast %get3A_497 : i32 to index
      %get3A_500 = arith.index_cast %mul3A_12 : i32 to index
      %get3A_501 = tpu.vector_load %arg7[%get3A_498, %get3A_499, %get3A_500] {strides = array<i32>} : memref<8x8x128xf32, #tpu.memory_space<vmem>>, vector<16xf32>,
      %get3A_502 = arith.constant 2 : i32
      %get3A_503 = arith.constant 5 : i32
      %get3A_504 = arith.index_cast %get3A_502 : i32 to index
      %get3A_505 = arith.index_cast %get3A_503 : i32 to index
      %get3A_506 = arith.index_cast %mul3A_12 : i32 to index
      %get3A_507 = tpu.vector_load %arg7[%get3A_504, %get3A_505, %get3A_506] {strides = array<i32>} : memref<8x8x128xf32, #tpu.memory_space<vmem>>, vector<16xf32>,
      %get3A_508 = arith.constant 2 : i32
      %get3A_509 = arith.constant 6 : i32
      %get3A_510 = arith.index_cast %get3A_508 : i32 to index
      %get3A_511 = arith.index_cast %get3A_509 : i32 to index
      %get3A_512 = arith.index_cast %mul3A_12 : i32 to index
      %get3A_513 = tpu.vector_load %arg7[%get3A_510, %get3A_511, %get3A_512] {strides = array<i32>} : memref<8x8x128xf32, #tpu.memory_space<vmem>>, vector<16xf32>,
      %get3A_514 = arith.constant 2 : i32
      %get3A_515 = arith.constant 7 : i32
      %get3A_516 = arith.index_cast %get3A_514 : i32 to index
      %get3A_517 = arith.index_cast %get3A_515 : i32 to index
      %get3A_518 = arith.index_cast %mul3A_12 : i32 to index
      %get3A_519 = tpu.vector_load %arg7[%get3A_516, %get3A_517, %get3A_518] {strides = array<i32>} : memref<8x8x128xf32, #tpu.memory_space<vmem>>, vector<16xf32>,
      %broadcast_in_dim3A_520 = arith.constant 0 : i32
      %broadcast_in_dim3A_521 = vector.broadcast %broadcast_in_dim3A_520 : i32 to vector<16xi32>
      %gt3A_522 = arith.cmpf ogt, %get3A_483, %get3A_477 : vector<16xf32>
      %select_n3A_523 = arith.select %gt3A_522, %get3A_483, %get3A_477 : vector<16xi1>, vector<16xf32>
      %jit3A_524 = arith.constant 1 : i32
      %broadcast_in_dim3A_525 = vector.broadcast %jit3A_524 : i32 to vector<16xi32>
      %select_n3A_526 = arith.select %gt3A_522, %broadcast_in_dim3A_525, %broadcast_in_dim3A_521 : vector<16xi1>, vector<16xi32>
      %gt3A_527 = arith.cmpf ogt, %get3A_489, %select_n3A_523 : vector<16xf32>
      %select_n3A_528 = arith.select %gt3A_527, %get3A_489, %select_n3A_523 : vector<16xi1>, vector<16xf32>
      %jit3A_529 = arith.constant 2 : i32
      %broadcast_in_dim3A_530 = vector.broadcast %jit3A_529 : i32 to vector<16xi32>
      %select_n3A_531 = arith.select %gt3A_527, %broadcast_in_dim3A_530, %select_n3A_526 : vector<16xi1>, vector<16xi32>
      %gt3A_532 = arith.cmpf ogt, %get3A_495, %select_n3A_528 : vector<16xf32>
      %select_n3A_533 = arith.select %gt3A_532, %get3A_495, %select_n3A_528 : vector<16xi1>, vector<16xf32>
      %jit3A_534 = arith.constant 3 : i32
      %broadcast_in_dim3A_535 = vector.broadcast %jit3A_534 : i32 to vector<16xi32>
      %select_n3A_536 = arith.select %gt3A_532, %broadcast_in_dim3A_535, %select_n3A_531 : vector<16xi1>, vector<16xi32>
      %gt3A_537 = arith.cmpf ogt, %get3A_501, %select_n3A_533 : vector<16xf32>
      %select_n3A_538 = arith.select %gt3A_537, %get3A_501, %select_n3A_533 : vector<16xi1>, vector<16xf32>
      %jit3A_539 = arith.constant 4 : i32
      %broadcast_in_dim3A_540 = vector.broadcast %jit3A_539 : i32 to vector<16xi32>
      %select_n3A_541 = arith.select %gt3A_537, %broadcast_in_dim3A_540, %select_n3A_536 : vector<16xi1>, vector<16xi32>
      %gt3A_542 = arith.cmpf ogt, %get3A_507, %select_n3A_538 : vector<16xf32>
      %select_n3A_543 = arith.select %gt3A_542, %get3A_507, %select_n3A_538 : vector<16xi1>, vector<16xf32>
      %jit3A_544 = arith.constant 5 : i32
      %broadcast_in_dim3A_545 = vector.broadcast %jit3A_544 : i32 to vector<16xi32>
      %select_n3A_546 = arith.select %gt3A_542, %broadcast_in_dim3A_545, %select_n3A_541 : vector<16xi1>, vector<16xi32>
      %gt3A_547 = arith.cmpf ogt, %get3A_513, %select_n3A_543 : vector<16xf32>
      %select_n3A_548 = arith.select %gt3A_547, %get3A_513, %select_n3A_543 : vector<16xi1>, vector<16xf32>
      %jit3A_549 = arith.constant 6 : i32
      %broadcast_in_dim3A_550 = vector.broadcast %jit3A_549 : i32 to vector<16xi32>
      %select_n3A_551 = arith.select %gt3A_547, %broadcast_in_dim3A_550, %select_n3A_546 : vector<16xi1>, vector<16xi32>
      %gt3A_552 = arith.cmpf ogt, %get3A_519, %select_n3A_548 : vector<16xf32>
      %select_n3A_553 = arith.select %gt3A_552, %get3A_519, %select_n3A_548 : vector<16xi1>, vector<16xf32>
      %jit3A_554 = arith.constant 7 : i32
      %broadcast_in_dim3A_555 = vector.broadcast %jit3A_554 : i32 to vector<16xi32>
      %select_n3A_556 = arith.select %gt3A_552, %broadcast_in_dim3A_555, %select_n3A_551 : vector<16xi1>, vector<16xi32>
      %broadcast_in_dim3A_557 = arith.constant -3.000000e+38 : f32
      %broadcast_in_dim3A_558 = vector.broadcast %broadcast_in_dim3A_557 : f32 to vector<16xf32>
      %broadcast_in_dim3A_559 = arith.constant 0 : i32
      %broadcast_in_dim3A_560 = vector.broadcast %broadcast_in_dim3A_559 : i32 to vector<16xi32>
      %eq3A_561 = arith.constant 0 : i32
      %eq3A_562 = vector.broadcast %eq3A_561 : i32 to vector<16xi32>
      %eq3A_563 = arith.cmpi eq, %select_n3A_556, %eq3A_562 : vector<16xi32>
      %jit3A_564 = arith.constant -3.000000e+38 : f32
      %broadcast_in_dim3A_565 = vector.broadcast %jit3A_564 : f32 to vector<16xf32>
      %select_n3A_566 = arith.select %eq3A_563, %broadcast_in_dim3A_565, %get3A_477 : vector<16xi1>, vector<16xf32>
      %gt3A_567 = arith.cmpf ogt, %select_n3A_566, %broadcast_in_dim3A_558 : vector<16xf32>
      %select_n3A_568 = arith.select %gt3A_567, %select_n3A_566, %broadcast_in_dim3A_558 : vector<16xi1>, vector<16xf32>
      %jit3A_569 = arith.constant 0 : i32
      %broadcast_in_dim3A_570 = vector.broadcast %jit3A_569 : i32 to vector<16xi32>
      %select_n3A_571 = arith.select %gt3A_567, %broadcast_in_dim3A_570, %broadcast_in_dim3A_560 : vector<16xi1>, vector<16xi32>
      %eq3A_572 = arith.constant 1 : i32
      %eq3A_573 = vector.broadcast %eq3A_572 : i32 to vector<16xi32>
      %eq3A_574 = arith.cmpi eq, %select_n3A_556, %eq3A_573 : vector<16xi32>
      %jit3A_575 = arith.constant -3.000000e+38 : f32
      %broadcast_in_dim3A_576 = vector.broadcast %jit3A_575 : f32 to vector<16xf32>
      %select_n3A_577 = arith.select %eq3A_574, %broadcast_in_dim3A_576, %get3A_483 : vector<16xi1>, vector<16xf32>
      %gt3A_578 = arith.cmpf ogt, %select_n3A_577, %select_n3A_568 : vector<16xf32>
      %select_n3A_579 = arith.select %gt3A_578, %select_n3A_577, %select_n3A_568 : vector<16xi1>, vector<16xf32>
      %jit3A_580 = arith.constant 1 : i32
      %broadcast_in_dim3A_581 = vector.broadcast %jit3A_580 : i32 to vector<16xi32>
      %select_n3A_582 = arith.select %gt3A_578, %broadcast_in_dim3A_581, %select_n3A_571 : vector<16xi1>, vector<16xi32>
      %eq3A_583 = arith.constant 2 : i32
      %eq3A_584 = vector.broadcast %eq3A_583 : i32 to vector<16xi32>
      %eq3A_585 = arith.cmpi eq, %select_n3A_556, %eq3A_584 : vector<16xi32>
      %jit3A_586 = arith.constant -3.000000e+38 : f32
      %broadcast_in_dim3A_587 = vector.broadcast %jit3A_586 : f32 to vector<16xf32>
      %select_n3A_588 = arith.select %eq3A_585, %broadcast_in_dim3A_587, %get3A_489 : vector<16xi1>, vector<16xf32>
      %gt3A_589 = arith.cmpf ogt, %select_n3A_588, %select_n3A_579 : vector<16xf32>
      %select_n3A_590 = arith.select %gt3A_589, %select_n3A_588, %select_n3A_579 : vector<16xi1>, vector<16xf32>
      %jit3A_591 = arith.constant 2 : i32
      %broadcast_in_dim3A_592 = vector.broadcast %jit3A_591 : i32 to vector<16xi32>
      %select_n3A_593 = arith.select %gt3A_589, %broadcast_in_dim3A_592, %select_n3A_582 : vector<16xi1>, vector<16xi32>
      %eq3A_594 = arith.constant 3 : i32
      %eq3A_595 = vector.broadcast %eq3A_594 : i32 to vector<16xi32>
      %eq3A_596 = arith.cmpi eq, %select_n3A_556, %eq3A_595 : vector<16xi32>
      %jit3A_597 = arith.constant -3.000000e+38 : f32
      %broadcast_in_dim3A_598 = vector.broadcast %jit3A_597 : f32 to vector<16xf32>
      %select_n3A_599 = arith.select %eq3A_596, %broadcast_in_dim3A_598, %get3A_495 : vector<16xi1>, vector<16xf32>
      %gt3A_600 = arith.cmpf ogt, %select_n3A_599, %select_n3A_590 : vector<16xf32>
      %select_n3A_601 = arith.select %gt3A_600, %select_n3A_599, %select_n3A_590 : vector<16xi1>, vector<16xf32>
      %jit3A_602 = arith.constant 3 : i32
      %broadcast_in_dim3A_603 = vector.broadcast %jit3A_602 : i32 to vector<16xi32>
      %select_n3A_604 = arith.select %gt3A_600, %broadcast_in_dim3A_603, %select_n3A_593 : vector<16xi1>, vector<16xi32>
      %eq3A_605 = arith.constant 4 : i32
      %eq3A_606 = vector.broadcast %eq3A_605 : i32 to vector<16xi32>
      %eq3A_607 = arith.cmpi eq, %select_n3A_556, %eq3A_606 : vector<16xi32>
      %jit3A_608 = arith.constant -3.000000e+38 : f32
      %broadcast_in_dim3A_609 = vector.broadcast %jit3A_608 : f32 to vector<16xf32>
      %select_n3A_610 = arith.select %eq3A_607, %broadcast_in_dim3A_609, %get3A_501 : vector<16xi1>, vector<16xf32>
      %gt3A_611 = arith.cmpf ogt, %select_n3A_610, %select_n3A_601 : vector<16xf32>
      %select_n3A_612 = arith.select %gt3A_611, %select_n3A_610, %select_n3A_601 : vector<16xi1>, vector<16xf32>
      %jit3A_613 = arith.constant 4 : i32
      %broadcast_in_dim3A_614 = vector.broadcast %jit3A_613 : i32 to vector<16xi32>
      %select_n3A_615 = arith.select %gt3A_611, %broadcast_in_dim3A_614, %select_n3A_604 : vector<16xi1>, vector<16xi32>
      %eq3A_616 = arith.constant 5 : i32
      %eq3A_617 = vector.broadcast %eq3A_616 : i32 to vector<16xi32>
      %eq3A_618 = arith.cmpi eq, %select_n3A_556, %eq3A_617 : vector<16xi32>
      %jit3A_619 = arith.constant -3.000000e+38 : f32
      %broadcast_in_dim3A_620 = vector.broadcast %jit3A_619 : f32 to vector<16xf32>
      %select_n3A_621 = arith.select %eq3A_618, %broadcast_in_dim3A_620, %get3A_507 : vector<16xi1>, vector<16xf32>
      %gt3A_622 = arith.cmpf ogt, %select_n3A_621, %select_n3A_612 : vector<16xf32>
      %select_n3A_623 = arith.select %gt3A_622, %select_n3A_621, %select_n3A_612 : vector<16xi1>, vector<16xf32>
      %jit3A_624 = arith.constant 5 : i32
      %broadcast_in_dim3A_625 = vector.broadcast %jit3A_624 : i32 to vector<16xi32>
      %select_n3A_626 = arith.select %gt3A_622, %broadcast_in_dim3A_625, %select_n3A_615 : vector<16xi1>, vector<16xi32>
      %eq3A_627 = arith.constant 6 : i32
      %eq3A_628 = vector.broadcast %eq3A_627 : i32 to vector<16xi32>
      %eq3A_629 = arith.cmpi eq, %select_n3A_556, %eq3A_628 : vector<16xi32>
      %jit3A_630 = arith.constant -3.000000e+38 : f32
      %broadcast_in_dim3A_631 = vector.broadcast %jit3A_630 : f32 to vector<16xf32>
      %select_n3A_632 = arith.select %eq3A_629, %broadcast_in_dim3A_631, %get3A_513 : vector<16xi1>, vector<16xf32>
      %gt3A_633 = arith.cmpf ogt, %select_n3A_632, %select_n3A_623 : vector<16xf32>
      %select_n3A_634 = arith.select %gt3A_633, %select_n3A_632, %select_n3A_623 : vector<16xi1>, vector<16xf32>
      %jit3A_635 = arith.constant 6 : i32
      %broadcast_in_dim3A_636 = vector.broadcast %jit3A_635 : i32 to vector<16xi32>
      %select_n3A_637 = arith.select %gt3A_633, %broadcast_in_dim3A_636, %select_n3A_626 : vector<16xi1>, vector<16xi32>
      %eq3A_638 = arith.constant 7 : i32
      %eq3A_639 = vector.broadcast %eq3A_638 : i32 to vector<16xi32>
      %eq3A_640 = arith.cmpi eq, %select_n3A_556, %eq3A_639 : vector<16xi32>
      %jit3A_641 = arith.constant -3.000000e+38 : f32
      %broadcast_in_dim3A_642 = vector.broadcast %jit3A_641 : f32 to vector<16xf32>
      %select_n3A_643 = arith.select %eq3A_640, %broadcast_in_dim3A_642, %get3A_519 : vector<16xi1>, vector<16xf32>
      %gt3A_644 = arith.cmpf ogt, %select_n3A_643, %select_n3A_634 : vector<16xf32>
      %select_n3A_645 = arith.select %gt3A_644, %select_n3A_643, %select_n3A_634 : vector<16xi1>, vector<16xf32>
      %jit3A_646 = arith.constant 7 : i32
      %broadcast_in_dim3A_647 = vector.broadcast %jit3A_646 : i32 to vector<16xi32>
      %select_n3A_648 = arith.select %gt3A_644, %broadcast_in_dim3A_647, %select_n3A_637 : vector<16xi1>, vector<16xi32>
      %sub3A_649 = arith.subf %select_n3A_645, %select_n3A_553 : vector<16xf32>
      %exp3A_650 = math.exp %sub3A_649 : vector<16xf32>
      %mul3A_651 = arith.mulf %exp3A_650, %exp3A_650 : vector<16xf32>
      %add3A_652 = arith.constant 1.000000e+00 : f32
      %add3A_653 = vector.broadcast %add3A_652 : f32 to vector<16xf32>
      %add3A_654 = arith.addf %add3A_653, %mul3A_651 : vector<16xf32>
      %bitcast_convert_type3A_655 = tpu.bitcast %add3A_654 : vector<16xf32> -> vector<16xi32>
      %shift_right_arithmetic3A_656 = arith.constant 1 : i32
      %shift_right_arithmetic3A_657 = vector.broadcast %shift_right_arithmetic3A_656 : i32 to vector<16xi32>
      %shift_right_arithmetic3A_658 = arith.shrsi %bitcast_convert_type3A_655, %shift_right_arithmetic3A_657 : vector<16xi32>
      %sub3A_659 = arith.constant 1597463007 : i32
      %sub3A_660 = vector.broadcast %sub3A_659 : i32 to vector<16xi32>
      %sub3A_661 = arith.subi %sub3A_660, %shift_right_arithmetic3A_658 : vector<16xi32>
      %bitcast_convert_type3A_662 = tpu.bitcast %sub3A_661 : vector<16xi32> -> vector<16xf32>
      %mul3A_663 = arith.constant 5.000000e-01 : f32
      %mul3A_664 = vector.broadcast %mul3A_663 : f32 to vector<16xf32>
      %mul3A_665 = arith.mulf %mul3A_664, %add3A_654 : vector<16xf32>
      %mul3A_666 = arith.mulf %mul3A_665, %bitcast_convert_type3A_662 : vector<16xf32>
      %mul3A_667 = arith.mulf %mul3A_666, %bitcast_convert_type3A_662 : vector<16xf32>
      %sub3A_668 = arith.constant 1.500000e+00 : f32
      %sub3A_669 = vector.broadcast %sub3A_668 : f32 to vector<16xf32>
      %sub3A_670 = arith.subf %sub3A_669, %mul3A_667 : vector<16xf32>
      %mul3A_671 = arith.mulf %bitcast_convert_type3A_662, %sub3A_670 : vector<16xf32>
      %mul3A_672 = arith.constant 5.000000e-01 : f32
      %mul3A_673 = vector.broadcast %mul3A_672 : f32 to vector<16xf32>
      %mul3A_674 = arith.mulf %mul3A_673, %add3A_654 : vector<16xf32>
      %mul3A_675 = arith.mulf %mul3A_674, %mul3A_671 : vector<16xf32>
      %mul3A_676 = arith.mulf %mul3A_675, %mul3A_671 : vector<16xf32>
      %sub3A_677 = arith.constant 1.500000e+00 : f32
      %sub3A_678 = vector.broadcast %sub3A_677 : f32 to vector<16xf32>
      %sub3A_679 = arith.subf %sub3A_678, %mul3A_676 : vector<16xf32>
      %mul3A_680 = arith.mulf %mul3A_671, %sub3A_679 : vector<16xf32>
      %mul3A_681 = arith.constant 5.000000e-01 : f32
      %mul3A_682 = vector.broadcast %mul3A_681 : f32 to vector<16xf32>
      %mul3A_683 = arith.mulf %mul3A_682, %add3A_654 : vector<16xf32>
      %mul3A_684 = arith.mulf %mul3A_683, %mul3A_680 : vector<16xf32>
      %mul3A_685 = arith.mulf %mul3A_684, %mul3A_680 : vector<16xf32>
      %sub3A_686 = arith.constant 1.500000e+00 : f32
      %sub3A_687 = vector.broadcast %sub3A_686 : f32 to vector<16xf32>
      %sub3A_688 = arith.subf %sub3A_687, %mul3A_685 : vector<16xf32>
      %mul3A_689 = arith.mulf %mul3A_680, %sub3A_688 : vector<16xf32>
      %add3A_690 = arith.constant 256 : i32
      %add3A_691 = arith.addi %add3A_690, %mul3A_12 : i32
      %mul3A_692 = arith.constant 2.000000e+00 : f32
      %mul3A_693 = vector.broadcast %mul3A_692 : f32 to vector<16xf32>
      %mul3A_694 = arith.mulf %mul3A_693, %mul3A_689 : vector<16xf32>
      %swap3A_695 = arith.index_cast %add3A_691 : i32 to index
      %swap3A_696 = tpu.vector_load %arg8[%swap3A_695] {strides = array<i32>} : memref<1024xf32, #tpu.memory_space<vmem>>, vector<16xf32>,
      tpu.vector_store %arg8[%swap3A_695], %mul3A_694 {strides = array<i32>} : memref<1024xf32, #tpu.memory_space<vmem>>, vector<16xf32>,
      %mul3A_697 = arith.constant 2.000000e+00 : f32
      %mul3A_698 = vector.broadcast %mul3A_697 : f32 to vector<16xf32>
      %mul3A_699 = arith.mulf %mul3A_698, %exp3A_650 : vector<16xf32>
      %mul3A_700 = arith.mulf %mul3A_699, %mul3A_689 : vector<16xf32>
      %swap3A_701 = arith.index_cast %add3A_691 : i32 to index
      %swap3A_702 = tpu.vector_load %arg9[%swap3A_701] {strides = array<i32>} : memref<1024xf32, #tpu.memory_space<vmem>>, vector<16xf32>,
      tpu.vector_store %arg9[%swap3A_701], %mul3A_700 {strides = array<i32>} : memref<1024xf32, #tpu.memory_space<vmem>>, vector<16xf32>,
      %swap3A_703 = arith.index_cast %add3A_691 : i32 to index
      %swap3A_704 = tpu.vector_load %arg10[%swap3A_703] {strides = array<i32>} : memref<1024xi32, #tpu.memory_space<vmem>>, vector<16xi32>,
      tpu.vector_store %arg10[%swap3A_703], %select_n3A_556 {strides = array<i32>} : memref<1024xi32, #tpu.memory_space<vmem>>, vector<16xi32>,
      %swap3A_705 = arith.index_cast %add3A_691 : i32 to index
      %swap3A_706 = tpu.vector_load %arg11[%swap3A_705] {strides = array<i32>} : memref<1024xi32, #tpu.memory_space<vmem>>, vector<16xi32>,
      tpu.vector_store %arg11[%swap3A_705], %select_n3A_648 {strides = array<i32>} : memref<1024xi32, #tpu.memory_space<vmem>>, vector<16xi32>,
      %get3A_707 = arith.constant 3 : i32
      %get3A_708 = arith.constant 0 : i32
      %get3A_709 = arith.index_cast %get3A_707 : i32 to index
      %get3A_710 = arith.index_cast %get3A_708 : i32 to index
      %get3A_711 = arith.index_cast %mul3A_12 : i32 to index
      %get3A_712 = tpu.vector_load %arg7[%get3A_709, %get3A_710, %get3A_711] {strides = array<i32>} : memref<8x8x128xf32, #tpu.memory_space<vmem>>, vector<16xf32>,
      %get3A_713 = arith.constant 3 : i32
      %get3A_714 = arith.constant 1 : i32
      %get3A_715 = arith.index_cast %get3A_713 : i32 to index
      %get3A_716 = arith.index_cast %get3A_714 : i32 to index
      %get3A_717 = arith.index_cast %mul3A_12 : i32 to index
      %get3A_718 = tpu.vector_load %arg7[%get3A_715, %get3A_716, %get3A_717] {strides = array<i32>} : memref<8x8x128xf32, #tpu.memory_space<vmem>>, vector<16xf32>,
      %get3A_719 = arith.constant 3 : i32
      %get3A_720 = arith.constant 2 : i32
      %get3A_721 = arith.index_cast %get3A_719 : i32 to index
      %get3A_722 = arith.index_cast %get3A_720 : i32 to index
      %get3A_723 = arith.index_cast %mul3A_12 : i32 to index
      %get3A_724 = tpu.vector_load %arg7[%get3A_721, %get3A_722, %get3A_723] {strides = array<i32>} : memref<8x8x128xf32, #tpu.memory_space<vmem>>, vector<16xf32>,
      %get3A_725 = arith.constant 3 : i32
      %get3A_726 = arith.constant 3 : i32
      %get3A_727 = arith.index_cast %get3A_725 : i32 to index
      %get3A_728 = arith.index_cast %get3A_726 : i32 to index
      %get3A_729 = arith.index_cast %mul3A_12 : i32 to index
      %get3A_730 = tpu.vector_load %arg7[%get3A_727, %get3A_728, %get3A_729] {strides = array<i32>} : memref<8x8x128xf32, #tpu.memory_space<vmem>>, vector<16xf32>,
      %get3A_731 = arith.constant 3 : i32
      %get3A_732 = arith.constant 4 : i32
      %get3A_733 = arith.index_cast %get3A_731 : i32 to index
      %get3A_734 = arith.index_cast %get3A_732 : i32 to index
      %get3A_735 = arith.index_cast %mul3A_12 : i32 to index
      %get3A_736 = tpu.vector_load %arg7[%get3A_733, %get3A_734, %get3A_735] {strides = array<i32>} : memref<8x8x128xf32, #tpu.memory_space<vmem>>, vector<16xf32>,
      %get3A_737 = arith.constant 3 : i32
      %get3A_738 = arith.constant 5 : i32
      %get3A_739 = arith.index_cast %get3A_737 : i32 to index
      %get3A_740 = arith.index_cast %get3A_738 : i32 to index
      %get3A_741 = arith.index_cast %mul3A_12 : i32 to index
      %get3A_742 = tpu.vector_load %arg7[%get3A_739, %get3A_740, %get3A_741] {strides = array<i32>} : memref<8x8x128xf32, #tpu.memory_space<vmem>>, vector<16xf32>,
      %get3A_743 = arith.constant 3 : i32
      %get3A_744 = arith.constant 6 : i32
      %get3A_745 = arith.index_cast %get3A_743 : i32 to index
      %get3A_746 = arith.index_cast %get3A_744 : i32 to index
      %get3A_747 = arith.index_cast %mul3A_12 : i32 to index
      %get3A_748 = tpu.vector_load %arg7[%get3A_745, %get3A_746, %get3A_747] {strides = array<i32>} : memref<8x8x128xf32, #tpu.memory_space<vmem>>, vector<16xf32>,
      %get3A_749 = arith.constant 3 : i32
      %get3A_750 = arith.constant 7 : i32
      %get3A_751 = arith.index_cast %get3A_749 : i32 to index
      %get3A_752 = arith.index_cast %get3A_750 : i32 to index
      %get3A_753 = arith.index_cast %mul3A_12 : i32 to index
      %get3A_754 = tpu.vector_load %arg7[%get3A_751, %get3A_752, %get3A_753] {strides = array<i32>} : memref<8x8x128xf32, #tpu.memory_space<vmem>>, vector<16xf32>,
      %broadcast_in_dim3A_755 = arith.constant 0 : i32
      %broadcast_in_dim3A_756 = vector.broadcast %broadcast_in_dim3A_755 : i32 to vector<16xi32>
      %gt3A_757 = arith.cmpf ogt, %get3A_718, %get3A_712 : vector<16xf32>
      %select_n3A_758 = arith.select %gt3A_757, %get3A_718, %get3A_712 : vector<16xi1>, vector<16xf32>
      %jit3A_759 = arith.constant 1 : i32
      %broadcast_in_dim3A_760 = vector.broadcast %jit3A_759 : i32 to vector<16xi32>
      %select_n3A_761 = arith.select %gt3A_757, %broadcast_in_dim3A_760, %broadcast_in_dim3A_756 : vector<16xi1>, vector<16xi32>
      %gt3A_762 = arith.cmpf ogt, %get3A_724, %select_n3A_758 : vector<16xf32>
      %select_n3A_763 = arith.select %gt3A_762, %get3A_724, %select_n3A_758 : vector<16xi1>, vector<16xf32>
      %jit3A_764 = arith.constant 2 : i32
      %broadcast_in_dim3A_765 = vector.broadcast %jit3A_764 : i32 to vector<16xi32>
      %select_n3A_766 = arith.select %gt3A_762, %broadcast_in_dim3A_765, %select_n3A_761 : vector<16xi1>, vector<16xi32>
      %gt3A_767 = arith.cmpf ogt, %get3A_730, %select_n3A_763 : vector<16xf32>
      %select_n3A_768 = arith.select %gt3A_767, %get3A_730, %select_n3A_763 : vector<16xi1>, vector<16xf32>
      %jit3A_769 = arith.constant 3 : i32
      %broadcast_in_dim3A_770 = vector.broadcast %jit3A_769 : i32 to vector<16xi32>
      %select_n3A_771 = arith.select %gt3A_767, %broadcast_in_dim3A_770, %select_n3A_766 : vector<16xi1>, vector<16xi32>
      %gt3A_772 = arith.cmpf ogt, %get3A_736, %select_n3A_768 : vector<16xf32>
      %select_n3A_773 = arith.select %gt3A_772, %get3A_736, %select_n3A_768 : vector<16xi1>, vector<16xf32>
      %jit3A_774 = arith.constant 4 : i32
      %broadcast_in_dim3A_775 = vector.broadcast %jit3A_774 : i32 to vector<16xi32>
      %select_n3A_776 = arith.select %gt3A_772, %broadcast_in_dim3A_775, %select_n3A_771 : vector<16xi1>, vector<16xi32>
      %gt3A_777 = arith.cmpf ogt, %get3A_742, %select_n3A_773 : vector<16xf32>
      %select_n3A_778 = arith.select %gt3A_777, %get3A_742, %select_n3A_773 : vector<16xi1>, vector<16xf32>
      %jit3A_779 = arith.constant 5 : i32
      %broadcast_in_dim3A_780 = vector.broadcast %jit3A_779 : i32 to vector<16xi32>
      %select_n3A_781 = arith.select %gt3A_777, %broadcast_in_dim3A_780, %select_n3A_776 : vector<16xi1>, vector<16xi32>
      %gt3A_782 = arith.cmpf ogt, %get3A_748, %select_n3A_778 : vector<16xf32>
      %select_n3A_783 = arith.select %gt3A_782, %get3A_748, %select_n3A_778 : vector<16xi1>, vector<16xf32>
      %jit3A_784 = arith.constant 6 : i32
      %broadcast_in_dim3A_785 = vector.broadcast %jit3A_784 : i32 to vector<16xi32>
      %select_n3A_786 = arith.select %gt3A_782, %broadcast_in_dim3A_785, %select_n3A_781 : vector<16xi1>, vector<16xi32>
      %gt3A_787 = arith.cmpf ogt, %get3A_754, %select_n3A_783 : vector<16xf32>
      %select_n3A_788 = arith.select %gt3A_787, %get3A_754, %select_n3A_783 : vector<16xi1>, vector<16xf32>
      %jit3A_789 = arith.constant 7 : i32
      %broadcast_in_dim3A_790 = vector.broadcast %jit3A_789 : i32 to vector<16xi32>
      %select_n3A_791 = arith.select %gt3A_787, %broadcast_in_dim3A_790, %select_n3A_786 : vector<16xi1>, vector<16xi32>
      %broadcast_in_dim3A_792 = arith.constant -3.000000e+38 : f32
      %broadcast_in_dim3A_793 = vector.broadcast %broadcast_in_dim3A_792 : f32 to vector<16xf32>
      %broadcast_in_dim3A_794 = arith.constant 0 : i32
      %broadcast_in_dim3A_795 = vector.broadcast %broadcast_in_dim3A_794 : i32 to vector<16xi32>
      %eq3A_796 = arith.constant 0 : i32
      %eq3A_797 = vector.broadcast %eq3A_796 : i32 to vector<16xi32>
      %eq3A_798 = arith.cmpi eq, %select_n3A_791, %eq3A_797 : vector<16xi32>
      %jit3A_799 = arith.constant -3.000000e+38 : f32
      %broadcast_in_dim3A_800 = vector.broadcast %jit3A_799 : f32 to vector<16xf32>
      %select_n3A_801 = arith.select %eq3A_798, %broadcast_in_dim3A_800, %get3A_712 : vector<16xi1>, vector<16xf32>
      %gt3A_802 = arith.cmpf ogt, %select_n3A_801, %broadcast_in_dim3A_793 : vector<16xf32>
      %select_n3A_803 = arith.select %gt3A_802, %select_n3A_801, %broadcast_in_dim3A_793 : vector<16xi1>, vector<16xf32>
      %jit3A_804 = arith.constant 0 : i32
      %broadcast_in_dim3A_805 = vector.broadcast %jit3A_804 : i32 to vector<16xi32>
      %select_n3A_806 = arith.select %gt3A_802, %broadcast_in_dim3A_805, %broadcast_in_dim3A_795 : vector<16xi1>, vector<16xi32>
      %eq3A_807 = arith.constant 1 : i32
      %eq3A_808 = vector.broadcast %eq3A_807 : i32 to vector<16xi32>
      %eq3A_809 = arith.cmpi eq, %select_n3A_791, %eq3A_808 : vector<16xi32>
      %jit3A_810 = arith.constant -3.000000e+38 : f32
      %broadcast_in_dim3A_811 = vector.broadcast %jit3A_810 : f32 to vector<16xf32>
      %select_n3A_812 = arith.select %eq3A_809, %broadcast_in_dim3A_811, %get3A_718 : vector<16xi1>, vector<16xf32>
      %gt3A_813 = arith.cmpf ogt, %select_n3A_812, %select_n3A_803 : vector<16xf32>
      %select_n3A_814 = arith.select %gt3A_813, %select_n3A_812, %select_n3A_803 : vector<16xi1>, vector<16xf32>
      %jit3A_815 = arith.constant 1 : i32
      %broadcast_in_dim3A_816 = vector.broadcast %jit3A_815 : i32 to vector<16xi32>
      %select_n3A_817 = arith.select %gt3A_813, %broadcast_in_dim3A_816, %select_n3A_806 : vector<16xi1>, vector<16xi32>
      %eq3A_818 = arith.constant 2 : i32
      %eq3A_819 = vector.broadcast %eq3A_818 : i32 to vector<16xi32>
      %eq3A_820 = arith.cmpi eq, %select_n3A_791, %eq3A_819 : vector<16xi32>
      %jit3A_821 = arith.constant -3.000000e+38 : f32
      %broadcast_in_dim3A_822 = vector.broadcast %jit3A_821 : f32 to vector<16xf32>
      %select_n3A_823 = arith.select %eq3A_820, %broadcast_in_dim3A_822, %get3A_724 : vector<16xi1>, vector<16xf32>
      %gt3A_824 = arith.cmpf ogt, %select_n3A_823, %select_n3A_814 : vector<16xf32>
      %select_n3A_825 = arith.select %gt3A_824, %select_n3A_823, %select_n3A_814 : vector<16xi1>, vector<16xf32>
      %jit3A_826 = arith.constant 2 : i32
      %broadcast_in_dim3A_827 = vector.broadcast %jit3A_826 : i32 to vector<16xi32>
      %select_n3A_828 = arith.select %gt3A_824, %broadcast_in_dim3A_827, %select_n3A_817 : vector<16xi1>, vector<16xi32>
      %eq3A_829 = arith.constant 3 : i32
      %eq3A_830 = vector.broadcast %eq3A_829 : i32 to vector<16xi32>
      %eq3A_831 = arith.cmpi eq, %select_n3A_791, %eq3A_830 : vector<16xi32>
      %jit3A_832 = arith.constant -3.000000e+38 : f32
      %broadcast_in_dim3A_833 = vector.broadcast %jit3A_832 : f32 to vector<16xf32>
      %select_n3A_834 = arith.select %eq3A_831, %broadcast_in_dim3A_833, %get3A_730 : vector<16xi1>, vector<16xf32>
      %gt3A_835 = arith.cmpf ogt, %select_n3A_834, %select_n3A_825 : vector<16xf32>
      %select_n3A_836 = arith.select %gt3A_835, %select_n3A_834, %select_n3A_825 : vector<16xi1>, vector<16xf32>
      %jit3A_837 = arith.constant 3 : i32
      %broadcast_in_dim3A_838 = vector.broadcast %jit3A_837 : i32 to vector<16xi32>
      %select_n3A_839 = arith.select %gt3A_835, %broadcast_in_dim3A_838, %select_n3A_828 : vector<16xi1>, vector<16xi32>
      %eq3A_840 = arith.constant 4 : i32
      %eq3A_841 = vector.broadcast %eq3A_840 : i32 to vector<16xi32>
      %eq3A_842 = arith.cmpi eq, %select_n3A_791, %eq3A_841 : vector<16xi32>
      %jit3A_843 = arith.constant -3.000000e+38 : f32
      %broadcast_in_dim3A_844 = vector.broadcast %jit3A_843 : f32 to vector<16xf32>
      %select_n3A_845 = arith.select %eq3A_842, %broadcast_in_dim3A_844, %get3A_736 : vector<16xi1>, vector<16xf32>
      %gt3A_846 = arith.cmpf ogt, %select_n3A_845, %select_n3A_836 : vector<16xf32>
      %select_n3A_847 = arith.select %gt3A_846, %select_n3A_845, %select_n3A_836 : vector<16xi1>, vector<16xf32>
      %jit3A_848 = arith.constant 4 : i32
      %broadcast_in_dim3A_849 = vector.broadcast %jit3A_848 : i32 to vector<16xi32>
      %select_n3A_850 = arith.select %gt3A_846, %broadcast_in_dim3A_849, %select_n3A_839 : vector<16xi1>, vector<16xi32>
      %eq3A_851 = arith.constant 5 : i32
      %eq3A_852 = vector.broadcast %eq3A_851 : i32 to vector<16xi32>
      %eq3A_853 = arith.cmpi eq, %select_n3A_791, %eq3A_852 : vector<16xi32>
      %jit3A_854 = arith.constant -3.000000e+38 : f32
      %broadcast_in_dim3A_855 = vector.broadcast %jit3A_854 : f32 to vector<16xf32>
      %select_n3A_856 = arith.select %eq3A_853, %broadcast_in_dim3A_855, %get3A_742 : vector<16xi1>, vector<16xf32>
      %gt3A_857 = arith.cmpf ogt, %select_n3A_856, %select_n3A_847 : vector<16xf32>
      %select_n3A_858 = arith.select %gt3A_857, %select_n3A_856, %select_n3A_847 : vector<16xi1>, vector<16xf32>
      %jit3A_859 = arith.constant 5 : i32
      %broadcast_in_dim3A_860 = vector.broadcast %jit3A_859 : i32 to vector<16xi32>
      %select_n3A_861 = arith.select %gt3A_857, %broadcast_in_dim3A_860, %select_n3A_850 : vector<16xi1>, vector<16xi32>
      %eq3A_862 = arith.constant 6 : i32
      %eq3A_863 = vector.broadcast %eq3A_862 : i32 to vector<16xi32>
      %eq3A_864 = arith.cmpi eq, %select_n3A_791, %eq3A_863 : vector<16xi32>
      %jit3A_865 = arith.constant -3.000000e+38 : f32
      %broadcast_in_dim3A_866 = vector.broadcast %jit3A_865 : f32 to vector<16xf32>
      %select_n3A_867 = arith.select %eq3A_864, %broadcast_in_dim3A_866, %get3A_748 : vector<16xi1>, vector<16xf32>
      %gt3A_868 = arith.cmpf ogt, %select_n3A_867, %select_n3A_858 : vector<16xf32>
      %select_n3A_869 = arith.select %gt3A_868, %select_n3A_867, %select_n3A_858 : vector<16xi1>, vector<16xf32>
      %jit3A_870 = arith.constant 6 : i32
      %broadcast_in_dim3A_871 = vector.broadcast %jit3A_870 : i32 to vector<16xi32>
      %select_n3A_872 = arith.select %gt3A_868, %broadcast_in_dim3A_871, %select_n3A_861 : vector<16xi1>, vector<16xi32>
      %eq3A_873 = arith.constant 7 : i32
      %eq3A_874 = vector.broadcast %eq3A_873 : i32 to vector<16xi32>
      %eq3A_875 = arith.cmpi eq, %select_n3A_791, %eq3A_874 : vector<16xi32>
      %jit3A_876 = arith.constant -3.000000e+38 : f32
      %broadcast_in_dim3A_877 = vector.broadcast %jit3A_876 : f32 to vector<16xf32>
      %select_n3A_878 = arith.select %eq3A_875, %broadcast_in_dim3A_877, %get3A_754 : vector<16xi1>, vector<16xf32>
      %gt3A_879 = arith.cmpf ogt, %select_n3A_878, %select_n3A_869 : vector<16xf32>
      %select_n3A_880 = arith.select %gt3A_879, %select_n3A_878, %select_n3A_869 : vector<16xi1>, vector<16xf32>
      %jit3A_881 = arith.constant 7 : i32
      %broadcast_in_dim3A_882 = vector.broadcast %jit3A_881 : i32 to vector<16xi32>
      %select_n3A_883 = arith.select %gt3A_879, %broadcast_in_dim3A_882, %select_n3A_872 : vector<16xi1>, vector<16xi32>
      %sub3A_884 = arith.subf %select_n3A_880, %select_n3A_788 : vector<16xf32>
      %exp3A_885 = math.exp %sub3A_884 : vector<16xf32>
      %mul3A_886 = arith.mulf %exp3A_885, %exp3A_885 : vector<16xf32>
      %add3A_887 = arith.constant 1.000000e+00 : f32
      %add3A_888 = vector.broadcast %add3A_887 : f32 to vector<16xf32>
      %add3A_889 = arith.addf %add3A_888, %mul3A_886 : vector<16xf32>
      %bitcast_convert_type3A_890 = tpu.bitcast %add3A_889 : vector<16xf32> -> vector<16xi32>
      %shift_right_arithmetic3A_891 = arith.constant 1 : i32
      %shift_right_arithmetic3A_892 = vector.broadcast %shift_right_arithmetic3A_891 : i32 to vector<16xi32>
      %shift_right_arithmetic3A_893 = arith.shrsi %bitcast_convert_type3A_890, %shift_right_arithmetic3A_892 : vector<16xi32>
      %sub3A_894 = arith.constant 1597463007 : i32
      %sub3A_895 = vector.broadcast %sub3A_894 : i32 to vector<16xi32>
      %sub3A_896 = arith.subi %sub3A_895, %shift_right_arithmetic3A_893 : vector<16xi32>
      %bitcast_convert_type3A_897 = tpu.bitcast %sub3A_896 : vector<16xi32> -> vector<16xf32>
      %mul3A_898 = arith.constant 5.000000e-01 : f32
      %mul3A_899 = vector.broadcast %mul3A_898 : f32 to vector<16xf32>
      %mul3A_900 = arith.mulf %mul3A_899, %add3A_889 : vector<16xf32>
      %mul3A_901 = arith.mulf %mul3A_900, %bitcast_convert_type3A_897 : vector<16xf32>
      %mul3A_902 = arith.mulf %mul3A_901, %bitcast_convert_type3A_897 : vector<16xf32>
      %sub3A_903 = arith.constant 1.500000e+00 : f32
      %sub3A_904 = vector.broadcast %sub3A_903 : f32 to vector<16xf32>
      %sub3A_905 = arith.subf %sub3A_904, %mul3A_902 : vector<16xf32>
      %mul3A_906 = arith.mulf %bitcast_convert_type3A_897, %sub3A_905 : vector<16xf32>
      %mul3A_907 = arith.constant 5.000000e-01 : f32
      %mul3A_908 = vector.broadcast %mul3A_907 : f32 to vector<16xf32>
      %mul3A_909 = arith.mulf %mul3A_908, %add3A_889 : vector<16xf32>
      %mul3A_910 = arith.mulf %mul3A_909, %mul3A_906 : vector<16xf32>
      %mul3A_911 = arith.mulf %mul3A_910, %mul3A_906 : vector<16xf32>
      %sub3A_912 = arith.constant 1.500000e+00 : f32
      %sub3A_913 = vector.broadcast %sub3A_912 : f32 to vector<16xf32>
      %sub3A_914 = arith.subf %sub3A_913, %mul3A_911 : vector<16xf32>
      %mul3A_915 = arith.mulf %mul3A_906, %sub3A_914 : vector<16xf32>
      %mul3A_916 = arith.constant 5.000000e-01 : f32
      %mul3A_917 = vector.broadcast %mul3A_916 : f32 to vector<16xf32>
      %mul3A_918 = arith.mulf %mul3A_917, %add3A_889 : vector<16xf32>
      %mul3A_919 = arith.mulf %mul3A_918, %mul3A_915 : vector<16xf32>
      %mul3A_920 = arith.mulf %mul3A_919, %mul3A_915 : vector<16xf32>
      %sub3A_921 = arith.constant 1.500000e+00 : f32
      %sub3A_922 = vector.broadcast %sub3A_921 : f32 to vector<16xf32>
      %sub3A_923 = arith.subf %sub3A_922, %mul3A_920 : vector<16xf32>
      %mul3A_924 = arith.mulf %mul3A_915, %sub3A_923 : vector<16xf32>
      %add3A_925 = arith.constant 384 : i32
      %add3A_926 = arith.addi %add3A_925, %mul3A_12 : i32
      %mul3A_927 = arith.constant 2.000000e+00 : f32
      %mul3A_928 = vector.broadcast %mul3A_927 : f32 to vector<16xf32>
      %mul3A_929 = arith.mulf %mul3A_928, %mul3A_924 : vector<16xf32>
      %swap3A_930 = arith.index_cast %add3A_926 : i32 to index
      %swap3A_931 = tpu.vector_load %arg8[%swap3A_930] {strides = array<i32>} : memref<1024xf32, #tpu.memory_space<vmem>>, vector<16xf32>,
      tpu.vector_store %arg8[%swap3A_930], %mul3A_929 {strides = array<i32>} : memref<1024xf32, #tpu.memory_space<vmem>>, vector<16xf32>,
      %mul3A_932 = arith.constant 2.000000e+00 : f32
      %mul3A_933 = vector.broadcast %mul3A_932 : f32 to vector<16xf32>
      %mul3A_934 = arith.mulf %mul3A_933, %exp3A_885 : vector<16xf32>
      %mul3A_935 = arith.mulf %mul3A_934, %mul3A_924 : vector<16xf32>
      %swap3A_936 = arith.index_cast %add3A_926 : i32 to index
      %swap3A_937 = tpu.vector_load %arg9[%swap3A_936] {strides = array<i32>} : memref<1024xf32, #tpu.memory_space<vmem>>, vector<16xf32>,
      tpu.vector_store %arg9[%swap3A_936], %mul3A_935 {strides = array<i32>} : memref<1024xf32, #tpu.memory_space<vmem>>, vector<16xf32>,
      %swap3A_938 = arith.index_cast %add3A_926 : i32 to index
      %swap3A_939 = tpu.vector_load %arg10[%swap3A_938] {strides = array<i32>} : memref<1024xi32, #tpu.memory_space<vmem>>, vector<16xi32>,
      tpu.vector_store %arg10[%swap3A_938], %select_n3A_791 {strides = array<i32>} : memref<1024xi32, #tpu.memory_space<vmem>>, vector<16xi32>,
      %swap3A_940 = arith.index_cast %add3A_926 : i32 to index
      %swap3A_941 = tpu.vector_load %arg11[%swap3A_940] {strides = array<i32>} : memref<1024xi32, #tpu.memory_space<vmem>>, vector<16xi32>,
      tpu.vector_store %arg11[%swap3A_940], %select_n3A_883 {strides = array<i32>} : memref<1024xi32, #tpu.memory_space<vmem>>, vector<16xi32>,
      %get3A_942 = arith.constant 4 : i32
      %get3A_943 = arith.constant 0 : i32
      %get3A_944 = arith.index_cast %get3A_942 : i32 to index
      %get3A_945 = arith.index_cast %get3A_943 : i32 to index
      %get3A_946 = arith.index_cast %mul3A_12 : i32 to index
      %get3A_947 = tpu.vector_load %arg7[%get3A_944, %get3A_945, %get3A_946] {strides = array<i32>} : memref<8x8x128xf32, #tpu.memory_space<vmem>>, vector<16xf32>,
      %get3A_948 = arith.constant 4 : i32
      %get3A_949 = arith.constant 1 : i32
      %get3A_950 = arith.index_cast %get3A_948 : i32 to index
      %get3A_951 = arith.index_cast %get3A_949 : i32 to index
      %get3A_952 = arith.index_cast %mul3A_12 : i32 to index
      %get3A_953 = tpu.vector_load %arg7[%get3A_950, %get3A_951, %get3A_952] {strides = array<i32>} : memref<8x8x128xf32, #tpu.memory_space<vmem>>, vector<16xf32>,
      %get3A_954 = arith.constant 4 : i32
      %get3A_955 = arith.constant 2 : i32
      %get3A_956 = arith.index_cast %get3A_954 : i32 to index
      %get3A_957 = arith.index_cast %get3A_955 : i32 to index
      %get3A_958 = arith.index_cast %mul3A_12 : i32 to index
      %get3A_959 = tpu.vector_load %arg7[%get3A_956, %get3A_957, %get3A_958] {strides = array<i32>} : memref<8x8x128xf32, #tpu.memory_space<vmem>>, vector<16xf32>,
      %get3A_960 = arith.constant 4 : i32
      %get3A_961 = arith.constant 3 : i32
      %get3A_962 = arith.index_cast %get3A_960 : i32 to index
      %get3A_963 = arith.index_cast %get3A_961 : i32 to index
      %get3A_964 = arith.index_cast %mul3A_12 : i32 to index
      %get3A_965 = tpu.vector_load %arg7[%get3A_962, %get3A_963, %get3A_964] {strides = array<i32>} : memref<8x8x128xf32, #tpu.memory_space<vmem>>, vector<16xf32>,
      %get3A_966 = arith.constant 4 : i32
      %get3A_967 = arith.constant 4 : i32
      %get3A_968 = arith.index_cast %get3A_966 : i32 to index
      %get3A_969 = arith.index_cast %get3A_967 : i32 to index
      %get3A_970 = arith.index_cast %mul3A_12 : i32 to index
      %get3A_971 = tpu.vector_load %arg7[%get3A_968, %get3A_969, %get3A_970] {strides = array<i32>} : memref<8x8x128xf32, #tpu.memory_space<vmem>>, vector<16xf32>,
      %get3A_972 = arith.constant 4 : i32
      %get3A_973 = arith.constant 5 : i32
      %get3A_974 = arith.index_cast %get3A_972 : i32 to index
      %get3A_975 = arith.index_cast %get3A_973 : i32 to index
      %get3A_976 = arith.index_cast %mul3A_12 : i32 to index
      %get3A_977 = tpu.vector_load %arg7[%get3A_974, %get3A_975, %get3A_976] {strides = array<i32>} : memref<8x8x128xf32, #tpu.memory_space<vmem>>, vector<16xf32>,
      %get3A_978 = arith.constant 4 : i32
      %get3A_979 = arith.constant 6 : i32
      %get3A_980 = arith.index_cast %get3A_978 : i32 to index
      %get3A_981 = arith.index_cast %get3A_979 : i32 to index
      %get3A_982 = arith.index_cast %mul3A_12 : i32 to index
      %get3A_983 = tpu.vector_load %arg7[%get3A_980, %get3A_981, %get3A_982] {strides = array<i32>} : memref<8x8x128xf32, #tpu.memory_space<vmem>>, vector<16xf32>,
      %get3A_984 = arith.constant 4 : i32
      %get3A_985 = arith.constant 7 : i32
      %get3A_986 = arith.index_cast %get3A_984 : i32 to index
      %get3A_987 = arith.index_cast %get3A_985 : i32 to index
      %get3A_988 = arith.index_cast %mul3A_12 : i32 to index
      %get3A_989 = tpu.vector_load %arg7[%get3A_986, %get3A_987, %get3A_988] {strides = array<i32>} : memref<8x8x128xf32, #tpu.memory_space<vmem>>, vector<16xf32>,
      %broadcast_in_dim3A_990 = arith.constant 0 : i32
      %broadcast_in_dim3A_991 = vector.broadcast %broadcast_in_dim3A_990 : i32 to vector<16xi32>
      %gt3A_992 = arith.cmpf ogt, %get3A_953, %get3A_947 : vector<16xf32>
      %select_n3A_993 = arith.select %gt3A_992, %get3A_953, %get3A_947 : vector<16xi1>, vector<16xf32>
      %jit3A_994 = arith.constant 1 : i32
      %broadcast_in_dim3A_995 = vector.broadcast %jit3A_994 : i32 to vector<16xi32>
      %select_n3A_996 = arith.select %gt3A_992, %broadcast_in_dim3A_995, %broadcast_in_dim3A_991 : vector<16xi1>, vector<16xi32>
      %gt3A_997 = arith.cmpf ogt, %get3A_959, %select_n3A_993 : vector<16xf32>
      %select_n3A_998 = arith.select %gt3A_997, %get3A_959, %select_n3A_993 : vector<16xi1>, vector<16xf32>
      %jit3A_999 = arith.constant 2 : i32
      %broadcast_in_dim3A_1000 = vector.broadcast %jit3A_999 : i32 to vector<16xi32>
      %select_n3A_1001 = arith.select %gt3A_997, %broadcast_in_dim3A_1000, %select_n3A_996 : vector<16xi1>, vector<16xi32>
      %gt3A_1002 = arith.cmpf ogt, %get3A_965, %select_n3A_998 : vector<16xf32>
      %select_n3A_1003 = arith.select %gt3A_1002, %get3A_965, %select_n3A_998 : vector<16xi1>, vector<16xf32>
      %jit3A_1004 = arith.constant 3 : i32
      %broadcast_in_dim3A_1005 = vector.broadcast %jit3A_1004 : i32 to vector<16xi32>
      %select_n3A_1006 = arith.select %gt3A_1002, %broadcast_in_dim3A_1005, %select_n3A_1001 : vector<16xi1>, vector<16xi32>
      %gt3A_1007 = arith.cmpf ogt, %get3A_971, %select_n3A_1003 : vector<16xf32>
      %select_n3A_1008 = arith.select %gt3A_1007, %get3A_971, %select_n3A_1003 : vector<16xi1>, vector<16xf32>
      %jit3A_1009 = arith.constant 4 : i32
      %broadcast_in_dim3A_1010 = vector.broadcast %jit3A_1009 : i32 to vector<16xi32>
      %select_n3A_1011 = arith.select %gt3A_1007, %broadcast_in_dim3A_1010, %select_n3A_1006 : vector<16xi1>, vector<16xi32>
      %gt3A_1012 = arith.cmpf ogt, %get3A_977, %select_n3A_1008 : vector<16xf32>
      %select_n3A_1013 = arith.select %gt3A_1012, %get3A_977, %select_n3A_1008 : vector<16xi1>, vector<16xf32>
      %jit3A_1014 = arith.constant 5 : i32
      %broadcast_in_dim3A_1015 = vector.broadcast %jit3A_1014 : i32 to vector<16xi32>
      %select_n3A_1016 = arith.select %gt3A_1012, %broadcast_in_dim3A_1015, %select_n3A_1011 : vector<16xi1>, vector<16xi32>
      %gt3A_1017 = arith.cmpf ogt, %get3A_983, %select_n3A_1013 : vector<16xf32>
      %select_n3A_1018 = arith.select %gt3A_1017, %get3A_983, %select_n3A_1013 : vector<16xi1>, vector<16xf32>
      %jit3A_1019 = arith.constant 6 : i32
      %broadcast_in_dim3A_1020 = vector.broadcast %jit3A_1019 : i32 to vector<16xi32>
      %select_n3A_1021 = arith.select %gt3A_1017, %broadcast_in_dim3A_1020, %select_n3A_1016 : vector<16xi1>, vector<16xi32>
      %gt3A_1022 = arith.cmpf ogt, %get3A_989, %select_n3A_1018 : vector<16xf32>
      %select_n3A_1023 = arith.select %gt3A_1022, %get3A_989, %select_n3A_1018 : vector<16xi1>, vector<16xf32>
      %jit3A_1024 = arith.constant 7 : i32
      %broadcast_in_dim3A_1025 = vector.broadcast %jit3A_1024 : i32 to vector<16xi32>
      %select_n3A_1026 = arith.select %gt3A_1022, %broadcast_in_dim3A_1025, %select_n3A_1021 : vector<16xi1>, vector<16xi32>
      %broadcast_in_dim3A_1027 = arith.constant -3.000000e+38 : f32
      %broadcast_in_dim3A_1028 = vector.broadcast %broadcast_in_dim3A_1027 : f32 to vector<16xf32>
      %broadcast_in_dim3A_1029 = arith.constant 0 : i32
      %broadcast_in_dim3A_1030 = vector.broadcast %broadcast_in_dim3A_1029 : i32 to vector<16xi32>
      %eq3A_1031 = arith.constant 0 : i32
      %eq3A_1032 = vector.broadcast %eq3A_1031 : i32 to vector<16xi32>
      %eq3A_1033 = arith.cmpi eq, %select_n3A_1026, %eq3A_1032 : vector<16xi32>
      %jit3A_1034 = arith.constant -3.000000e+38 : f32
      %broadcast_in_dim3A_1035 = vector.broadcast %jit3A_1034 : f32 to vector<16xf32>
      %select_n3A_1036 = arith.select %eq3A_1033, %broadcast_in_dim3A_1035, %get3A_947 : vector<16xi1>, vector<16xf32>
      %gt3A_1037 = arith.cmpf ogt, %select_n3A_1036, %broadcast_in_dim3A_1028 : vector<16xf32>
      %select_n3A_1038 = arith.select %gt3A_1037, %select_n3A_1036, %broadcast_in_dim3A_1028 : vector<16xi1>, vector<16xf32>
      %jit3A_1039 = arith.constant 0 : i32
      %broadcast_in_dim3A_1040 = vector.broadcast %jit3A_1039 : i32 to vector<16xi32>
      %select_n3A_1041 = arith.select %gt3A_1037, %broadcast_in_dim3A_1040, %broadcast_in_dim3A_1030 : vector<16xi1>, vector<16xi32>
      %eq3A_1042 = arith.constant 1 : i32
      %eq3A_1043 = vector.broadcast %eq3A_1042 : i32 to vector<16xi32>
      %eq3A_1044 = arith.cmpi eq, %select_n3A_1026, %eq3A_1043 : vector<16xi32>
      %jit3A_1045 = arith.constant -3.000000e+38 : f32
      %broadcast_in_dim3A_1046 = vector.broadcast %jit3A_1045 : f32 to vector<16xf32>
      %select_n3A_1047 = arith.select %eq3A_1044, %broadcast_in_dim3A_1046, %get3A_953 : vector<16xi1>, vector<16xf32>
      %gt3A_1048 = arith.cmpf ogt, %select_n3A_1047, %select_n3A_1038 : vector<16xf32>
      %select_n3A_1049 = arith.select %gt3A_1048, %select_n3A_1047, %select_n3A_1038 : vector<16xi1>, vector<16xf32>
      %jit3A_1050 = arith.constant 1 : i32
      %broadcast_in_dim3A_1051 = vector.broadcast %jit3A_1050 : i32 to vector<16xi32>
      %select_n3A_1052 = arith.select %gt3A_1048, %broadcast_in_dim3A_1051, %select_n3A_1041 : vector<16xi1>, vector<16xi32>
      %eq3A_1053 = arith.constant 2 : i32
      %eq3A_1054 = vector.broadcast %eq3A_1053 : i32 to vector<16xi32>
      %eq3A_1055 = arith.cmpi eq, %select_n3A_1026, %eq3A_1054 : vector<16xi32>
      %jit3A_1056 = arith.constant -3.000000e+38 : f32
      %broadcast_in_dim3A_1057 = vector.broadcast %jit3A_1056 : f32 to vector<16xf32>
      %select_n3A_1058 = arith.select %eq3A_1055, %broadcast_in_dim3A_1057, %get3A_959 : vector<16xi1>, vector<16xf32>
      %gt3A_1059 = arith.cmpf ogt, %select_n3A_1058, %select_n3A_1049 : vector<16xf32>
      %select_n3A_1060 = arith.select %gt3A_1059, %select_n3A_1058, %select_n3A_1049 : vector<16xi1>, vector<16xf32>
      %jit3A_1061 = arith.constant 2 : i32
      %broadcast_in_dim3A_1062 = vector.broadcast %jit3A_1061 : i32 to vector<16xi32>
      %select_n3A_1063 = arith.select %gt3A_1059, %broadcast_in_dim3A_1062, %select_n3A_1052 : vector<16xi1>, vector<16xi32>
      %eq3A_1064 = arith.constant 3 : i32
      %eq3A_1065 = vector.broadcast %eq3A_1064 : i32 to vector<16xi32>
      %eq3A_1066 = arith.cmpi eq, %select_n3A_1026, %eq3A_1065 : vector<16xi32>
      %jit3A_1067 = arith.constant -3.000000e+38 : f32
      %broadcast_in_dim3A_1068 = vector.broadcast %jit3A_1067 : f32 to vector<16xf32>
      %select_n3A_1069 = arith.select %eq3A_1066, %broadcast_in_dim3A_1068, %get3A_965 : vector<16xi1>, vector<16xf32>
      %gt3A_1070 = arith.cmpf ogt, %select_n3A_1069, %select_n3A_1060 : vector<16xf32>
      %select_n3A_1071 = arith.select %gt3A_1070, %select_n3A_1069, %select_n3A_1060 : vector<16xi1>, vector<16xf32>
      %jit3A_1072 = arith.constant 3 : i32
      %broadcast_in_dim3A_1073 = vector.broadcast %jit3A_1072 : i32 to vector<16xi32>
      %select_n3A_1074 = arith.select %gt3A_1070, %broadcast_in_dim3A_1073, %select_n3A_1063 : vector<16xi1>, vector<16xi32>
      %eq3A_1075 = arith.constant 4 : i32
      %eq3A_1076 = vector.broadcast %eq3A_1075 : i32 to vector<16xi32>
      %eq3A_1077 = arith.cmpi eq, %select_n3A_1026, %eq3A_1076 : vector<16xi32>
      %jit3A_1078 = arith.constant -3.000000e+38 : f32
      %broadcast_in_dim3A_1079 = vector.broadcast %jit3A_1078 : f32 to vector<16xf32>
      %select_n3A_1080 = arith.select %eq3A_1077, %broadcast_in_dim3A_1079, %get3A_971 : vector<16xi1>, vector<16xf32>
      %gt3A_1081 = arith.cmpf ogt, %select_n3A_1080, %select_n3A_1071 : vector<16xf32>
      %select_n3A_1082 = arith.select %gt3A_1081, %select_n3A_1080, %select_n3A_1071 : vector<16xi1>, vector<16xf32>
      %jit3A_1083 = arith.constant 4 : i32
      %broadcast_in_dim3A_1084 = vector.broadcast %jit3A_1083 : i32 to vector<16xi32>
      %select_n3A_1085 = arith.select %gt3A_1081, %broadcast_in_dim3A_1084, %select_n3A_1074 : vector<16xi1>, vector<16xi32>
      %eq3A_1086 = arith.constant 5 : i32
      %eq3A_1087 = vector.broadcast %eq3A_1086 : i32 to vector<16xi32>
      %eq3A_1088 = arith.cmpi eq, %select_n3A_1026, %eq3A_1087 : vector<16xi32>
      %jit3A_1089 = arith.constant -3.000000e+38 : f32
      %broadcast_in_dim3A_1090 = vector.broadcast %jit3A_1089 : f32 to vector<16xf32>
      %select_n3A_1091 = arith.select %eq3A_1088, %broadcast_in_dim3A_1090, %get3A_977 : vector<16xi1>, vector<16xf32>
      %gt3A_1092 = arith.cmpf ogt, %select_n3A_1091, %select_n3A_1082 : vector<16xf32>
      %select_n3A_1093 = arith.select %gt3A_1092, %select_n3A_1091, %select_n3A_1082 : vector<16xi1>, vector<16xf32>
      %jit3A_1094 = arith.constant 5 : i32
      %broadcast_in_dim3A_1095 = vector.broadcast %jit3A_1094 : i32 to vector<16xi32>
      %select_n3A_1096 = arith.select %gt3A_1092, %broadcast_in_dim3A_1095, %select_n3A_1085 : vector<16xi1>, vector<16xi32>
      %eq3A_1097 = arith.constant 6 : i32
      %eq3A_1098 = vector.broadcast %eq3A_1097 : i32 to vector<16xi32>
      %eq3A_1099 = arith.cmpi eq, %select_n3A_1026, %eq3A_1098 : vector<16xi32>
      %jit3A_1100 = arith.constant -3.000000e+38 : f32
      %broadcast_in_dim3A_1101 = vector.broadcast %jit3A_1100 : f32 to vector<16xf32>
      %select_n3A_1102 = arith.select %eq3A_1099, %broadcast_in_dim3A_1101, %get3A_983 : vector<16xi1>, vector<16xf32>
      %gt3A_1103 = arith.cmpf ogt, %select_n3A_1102, %select_n3A_1093 : vector<16xf32>
      %select_n3A_1104 = arith.select %gt3A_1103, %select_n3A_1102, %select_n3A_1093 : vector<16xi1>, vector<16xf32>
      %jit3A_1105 = arith.constant 6 : i32
      %broadcast_in_dim3A_1106 = vector.broadcast %jit3A_1105 : i32 to vector<16xi32>
      %select_n3A_1107 = arith.select %gt3A_1103, %broadcast_in_dim3A_1106, %select_n3A_1096 : vector<16xi1>, vector<16xi32>
      %eq3A_1108 = arith.constant 7 : i32
      %eq3A_1109 = vector.broadcast %eq3A_1108 : i32 to vector<16xi32>
      %eq3A_1110 = arith.cmpi eq, %select_n3A_1026, %eq3A_1109 : vector<16xi32>
      %jit3A_1111 = arith.constant -3.000000e+38 : f32
      %broadcast_in_dim3A_1112 = vector.broadcast %jit3A_1111 : f32 to vector<16xf32>
      %select_n3A_1113 = arith.select %eq3A_1110, %broadcast_in_dim3A_1112, %get3A_989 : vector<16xi1>, vector<16xf32>
      %gt3A_1114 = arith.cmpf ogt, %select_n3A_1113, %select_n3A_1104 : vector<16xf32>
      %select_n3A_1115 = arith.select %gt3A_1114, %select_n3A_1113, %select_n3A_1104 : vector<16xi1>, vector<16xf32>
      %jit3A_1116 = arith.constant 7 : i32
      %broadcast_in_dim3A_1117 = vector.broadcast %jit3A_1116 : i32 to vector<16xi32>
      %select_n3A_1118 = arith.select %gt3A_1114, %broadcast_in_dim3A_1117, %select_n3A_1107 : vector<16xi1>, vector<16xi32>
      %sub3A_1119 = arith.subf %select_n3A_1115, %select_n3A_1023 : vector<16xf32>
      %exp3A_1120 = math.exp %sub3A_1119 : vector<16xf32>
      %mul3A_1121 = arith.mulf %exp3A_1120, %exp3A_1120 : vector<16xf32>
      %add3A_1122 = arith.constant 1.000000e+00 : f32
      %add3A_1123 = vector.broadcast %add3A_1122 : f32 to vector<16xf32>
      %add3A_1124 = arith.addf %add3A_1123, %mul3A_1121 : vector<16xf32>
      %bitcast_convert_type3A_1125 = tpu.bitcast %add3A_1124 : vector<16xf32> -> vector<16xi32>
      %shift_right_arithmetic3A_1126 = arith.constant 1 : i32
      %shift_right_arithmetic3A_1127 = vector.broadcast %shift_right_arithmetic3A_1126 : i32 to vector<16xi32>
      %shift_right_arithmetic3A_1128 = arith.shrsi %bitcast_convert_type3A_1125, %shift_right_arithmetic3A_1127 : vector<16xi32>
      %sub3A_1129 = arith.constant 1597463007 : i32
      %sub3A_1130 = vector.broadcast %sub3A_1129 : i32 to vector<16xi32>
      %sub3A_1131 = arith.subi %sub3A_1130, %shift_right_arithmetic3A_1128 : vector<16xi32>
      %bitcast_convert_type3A_1132 = tpu.bitcast %sub3A_1131 : vector<16xi32> -> vector<16xf32>
      %mul3A_1133 = arith.constant 5.000000e-01 : f32
      %mul3A_1134 = vector.broadcast %mul3A_1133 : f32 to vector<16xf32>
      %mul3A_1135 = arith.mulf %mul3A_1134, %add3A_1124 : vector<16xf32>
      %mul3A_1136 = arith.mulf %mul3A_1135, %bitcast_convert_type3A_1132 : vector<16xf32>
      %mul3A_1137 = arith.mulf %mul3A_1136, %bitcast_convert_type3A_1132 : vector<16xf32>
      %sub3A_1138 = arith.constant 1.500000e+00 : f32
      %sub3A_1139 = vector.broadcast %sub3A_1138 : f32 to vector<16xf32>
      %sub3A_1140 = arith.subf %sub3A_1139, %mul3A_1137 : vector<16xf32>
      %mul3A_1141 = arith.mulf %bitcast_convert_type3A_1132, %sub3A_1140 : vector<16xf32>
      %mul3A_1142 = arith.constant 5.000000e-01 : f32
      %mul3A_1143 = vector.broadcast %mul3A_1142 : f32 to vector<16xf32>
      %mul3A_1144 = arith.mulf %mul3A_1143, %add3A_1124 : vector<16xf32>
      %mul3A_1145 = arith.mulf %mul3A_1144, %mul3A_1141 : vector<16xf32>
      %mul3A_1146 = arith.mulf %mul3A_1145, %mul3A_1141 : vector<16xf32>
      %sub3A_1147 = arith.constant 1.500000e+00 : f32
      %sub3A_1148 = vector.broadcast %sub3A_1147 : f32 to vector<16xf32>
      %sub3A_1149 = arith.subf %sub3A_1148, %mul3A_1146 : vector<16xf32>
      %mul3A_1150 = arith.mulf %mul3A_1141, %sub3A_1149 : vector<16xf32>
      %mul3A_1151 = arith.constant 5.000000e-01 : f32
      %mul3A_1152 = vector.broadcast %mul3A_1151 : f32 to vector<16xf32>
      %mul3A_1153 = arith.mulf %mul3A_1152, %add3A_1124 : vector<16xf32>
      %mul3A_1154 = arith.mulf %mul3A_1153, %mul3A_1150 : vector<16xf32>
      %mul3A_1155 = arith.mulf %mul3A_1154, %mul3A_1150 : vector<16xf32>
      %sub3A_1156 = arith.constant 1.500000e+00 : f32
      %sub3A_1157 = vector.broadcast %sub3A_1156 : f32 to vector<16xf32>
      %sub3A_1158 = arith.subf %sub3A_1157, %mul3A_1155 : vector<16xf32>
      %mul3A_1159 = arith.mulf %mul3A_1150, %sub3A_1158 : vector<16xf32>
      %add3A_1160 = arith.constant 512 : i32
      %add3A_1161 = arith.addi %add3A_1160, %mul3A_12 : i32
      %mul3A_1162 = arith.constant 2.000000e+00 : f32
      %mul3A_1163 = vector.broadcast %mul3A_1162 : f32 to vector<16xf32>
      %mul3A_1164 = arith.mulf %mul3A_1163, %mul3A_1159 : vector<16xf32>
      %swap3A_1165 = arith.index_cast %add3A_1161 : i32 to index
      %swap3A_1166 = tpu.vector_load %arg8[%swap3A_1165] {strides = array<i32>} : memref<1024xf32, #tpu.memory_space<vmem>>, vector<16xf32>,
      tpu.vector_store %arg8[%swap3A_1165], %mul3A_1164 {strides = array<i32>} : memref<1024xf32, #tpu.memory_space<vmem>>, vector<16xf32>,
      %mul3A_1167 = arith.constant 2.000000e+00 : f32
      %mul3A_1168 = vector.broadcast %mul3A_1167 : f32 to vector<16xf32>
      %mul3A_1169 = arith.mulf %mul3A_1168, %exp3A_1120 : vector<16xf32>
      %mul3A_1170 = arith.mulf %mul3A_1169, %mul3A_1159 : vector<16xf32>
      %swap3A_1171 = arith.index_cast %add3A_1161 : i32 to index
      %swap3A_1172 = tpu.vector_load %arg9[%swap3A_1171] {strides = array<i32>} : memref<1024xf32, #tpu.memory_space<vmem>>, vector<16xf32>,
      tpu.vector_store %arg9[%swap3A_1171], %mul3A_1170 {strides = array<i32>} : memref<1024xf32, #tpu.memory_space<vmem>>, vector<16xf32>,
      %swap3A_1173 = arith.index_cast %add3A_1161 : i32 to index
      %swap3A_1174 = tpu.vector_load %arg10[%swap3A_1173] {strides = array<i32>} : memref<1024xi32, #tpu.memory_space<vmem>>, vector<16xi32>,
      tpu.vector_store %arg10[%swap3A_1173], %select_n3A_1026 {strides = array<i32>} : memref<1024xi32, #tpu.memory_space<vmem>>, vector<16xi32>,
      %swap3A_1175 = arith.index_cast %add3A_1161 : i32 to index
      %swap3A_1176 = tpu.vector_load %arg11[%swap3A_1175] {strides = array<i32>} : memref<1024xi32, #tpu.memory_space<vmem>>, vector<16xi32>,
      tpu.vector_store %arg11[%swap3A_1175], %select_n3A_1118 {strides = array<i32>} : memref<1024xi32, #tpu.memory_space<vmem>>, vector<16xi32>,
      %get3A_1177 = arith.constant 5 : i32
      %get3A_1178 = arith.constant 0 : i32
      %get3A_1179 = arith.index_cast %get3A_1177 : i32 to index
      %get3A_1180 = arith.index_cast %get3A_1178 : i32 to index
      %get3A_1181 = arith.index_cast %mul3A_12 : i32 to index
      %get3A_1182 = tpu.vector_load %arg7[%get3A_1179, %get3A_1180, %get3A_1181] {strides = array<i32>} : memref<8x8x128xf32, #tpu.memory_space<vmem>>, vector<16xf32>,
      %get3A_1183 = arith.constant 5 : i32
      %get3A_1184 = arith.constant 1 : i32
      %get3A_1185 = arith.index_cast %get3A_1183 : i32 to index
      %get3A_1186 = arith.index_cast %get3A_1184 : i32 to index
      %get3A_1187 = arith.index_cast %mul3A_12 : i32 to index
      %get3A_1188 = tpu.vector_load %arg7[%get3A_1185, %get3A_1186, %get3A_1187] {strides = array<i32>} : memref<8x8x128xf32, #tpu.memory_space<vmem>>, vector<16xf32>,
      %get3A_1189 = arith.constant 5 : i32
      %get3A_1190 = arith.constant 2 : i32
      %get3A_1191 = arith.index_cast %get3A_1189 : i32 to index
      %get3A_1192 = arith.index_cast %get3A_1190 : i32 to index
      %get3A_1193 = arith.index_cast %mul3A_12 : i32 to index
      %get3A_1194 = tpu.vector_load %arg7[%get3A_1191, %get3A_1192, %get3A_1193] {strides = array<i32>} : memref<8x8x128xf32, #tpu.memory_space<vmem>>, vector<16xf32>,
      %get3A_1195 = arith.constant 5 : i32
      %get3A_1196 = arith.constant 3 : i32
      %get3A_1197 = arith.index_cast %get3A_1195 : i32 to index
      %get3A_1198 = arith.index_cast %get3A_1196 : i32 to index
      %get3A_1199 = arith.index_cast %mul3A_12 : i32 to index
      %get3A_1200 = tpu.vector_load %arg7[%get3A_1197, %get3A_1198, %get3A_1199] {strides = array<i32>} : memref<8x8x128xf32, #tpu.memory_space<vmem>>, vector<16xf32>,
      %get3A_1201 = arith.constant 5 : i32
      %get3A_1202 = arith.constant 4 : i32
      %get3A_1203 = arith.index_cast %get3A_1201 : i32 to index
      %get3A_1204 = arith.index_cast %get3A_1202 : i32 to index
      %get3A_1205 = arith.index_cast %mul3A_12 : i32 to index
      %get3A_1206 = tpu.vector_load %arg7[%get3A_1203, %get3A_1204, %get3A_1205] {strides = array<i32>} : memref<8x8x128xf32, #tpu.memory_space<vmem>>, vector<16xf32>,
      %get3A_1207 = arith.constant 5 : i32
      %get3A_1208 = arith.constant 5 : i32
      %get3A_1209 = arith.index_cast %get3A_1207 : i32 to index
      %get3A_1210 = arith.index_cast %get3A_1208 : i32 to index
      %get3A_1211 = arith.index_cast %mul3A_12 : i32 to index
      %get3A_1212 = tpu.vector_load %arg7[%get3A_1209, %get3A_1210, %get3A_1211] {strides = array<i32>} : memref<8x8x128xf32, #tpu.memory_space<vmem>>, vector<16xf32>,
      %get3A_1213 = arith.constant 5 : i32
      %get3A_1214 = arith.constant 6 : i32
      %get3A_1215 = arith.index_cast %get3A_1213 : i32 to index
      %get3A_1216 = arith.index_cast %get3A_1214 : i32 to index
      %get3A_1217 = arith.index_cast %mul3A_12 : i32 to index
      %get3A_1218 = tpu.vector_load %arg7[%get3A_1215, %get3A_1216, %get3A_1217] {strides = array<i32>} : memref<8x8x128xf32, #tpu.memory_space<vmem>>, vector<16xf32>,
      %get3A_1219 = arith.constant 5 : i32
      %get3A_1220 = arith.constant 7 : i32
      %get3A_1221 = arith.index_cast %get3A_1219 : i32 to index
      %get3A_1222 = arith.index_cast %get3A_1220 : i32 to index
      %get3A_1223 = arith.index_cast %mul3A_12 : i32 to index
      %get3A_1224 = tpu.vector_load %arg7[%get3A_1221, %get3A_1222, %get3A_1223] {strides = array<i32>} : memref<8x8x128xf32, #tpu.memory_space<vmem>>, vector<16xf32>,
      %broadcast_in_dim3A_1225 = arith.constant 0 : i32
      %broadcast_in_dim3A_1226 = vector.broadcast %broadcast_in_dim3A_1225 : i32 to vector<16xi32>
      %gt3A_1227 = arith.cmpf ogt, %get3A_1188, %get3A_1182 : vector<16xf32>
      %select_n3A_1228 = arith.select %gt3A_1227, %get3A_1188, %get3A_1182 : vector<16xi1>, vector<16xf32>
      %jit3A_1229 = arith.constant 1 : i32
      %broadcast_in_dim3A_1230 = vector.broadcast %jit3A_1229 : i32 to vector<16xi32>
      %select_n3A_1231 = arith.select %gt3A_1227, %broadcast_in_dim3A_1230, %broadcast_in_dim3A_1226 : vector<16xi1>, vector<16xi32>
      %gt3A_1232 = arith.cmpf ogt, %get3A_1194, %select_n3A_1228 : vector<16xf32>
      %select_n3A_1233 = arith.select %gt3A_1232, %get3A_1194, %select_n3A_1228 : vector<16xi1>, vector<16xf32>
      %jit3A_1234 = arith.constant 2 : i32
      %broadcast_in_dim3A_1235 = vector.broadcast %jit3A_1234 : i32 to vector<16xi32>
      %select_n3A_1236 = arith.select %gt3A_1232, %broadcast_in_dim3A_1235, %select_n3A_1231 : vector<16xi1>, vector<16xi32>
      %gt3A_1237 = arith.cmpf ogt, %get3A_1200, %select_n3A_1233 : vector<16xf32>
      %select_n3A_1238 = arith.select %gt3A_1237, %get3A_1200, %select_n3A_1233 : vector<16xi1>, vector<16xf32>
      %jit3A_1239 = arith.constant 3 : i32
      %broadcast_in_dim3A_1240 = vector.broadcast %jit3A_1239 : i32 to vector<16xi32>
      %select_n3A_1241 = arith.select %gt3A_1237, %broadcast_in_dim3A_1240, %select_n3A_1236 : vector<16xi1>, vector<16xi32>
      %gt3A_1242 = arith.cmpf ogt, %get3A_1206, %select_n3A_1238 : vector<16xf32>
      %select_n3A_1243 = arith.select %gt3A_1242, %get3A_1206, %select_n3A_1238 : vector<16xi1>, vector<16xf32>
      %jit3A_1244 = arith.constant 4 : i32
      %broadcast_in_dim3A_1245 = vector.broadcast %jit3A_1244 : i32 to vector<16xi32>
      %select_n3A_1246 = arith.select %gt3A_1242, %broadcast_in_dim3A_1245, %select_n3A_1241 : vector<16xi1>, vector<16xi32>
      %gt3A_1247 = arith.cmpf ogt, %get3A_1212, %select_n3A_1243 : vector<16xf32>
      %select_n3A_1248 = arith.select %gt3A_1247, %get3A_1212, %select_n3A_1243 : vector<16xi1>, vector<16xf32>
      %jit3A_1249 = arith.constant 5 : i32
      %broadcast_in_dim3A_1250 = vector.broadcast %jit3A_1249 : i32 to vector<16xi32>
      %select_n3A_1251 = arith.select %gt3A_1247, %broadcast_in_dim3A_1250, %select_n3A_1246 : vector<16xi1>, vector<16xi32>
      %gt3A_1252 = arith.cmpf ogt, %get3A_1218, %select_n3A_1248 : vector<16xf32>
      %select_n3A_1253 = arith.select %gt3A_1252, %get3A_1218, %select_n3A_1248 : vector<16xi1>, vector<16xf32>
      %jit3A_1254 = arith.constant 6 : i32
      %broadcast_in_dim3A_1255 = vector.broadcast %jit3A_1254 : i32 to vector<16xi32>
      %select_n3A_1256 = arith.select %gt3A_1252, %broadcast_in_dim3A_1255, %select_n3A_1251 : vector<16xi1>, vector<16xi32>
      %gt3A_1257 = arith.cmpf ogt, %get3A_1224, %select_n3A_1253 : vector<16xf32>
      %select_n3A_1258 = arith.select %gt3A_1257, %get3A_1224, %select_n3A_1253 : vector<16xi1>, vector<16xf32>
      %jit3A_1259 = arith.constant 7 : i32
      %broadcast_in_dim3A_1260 = vector.broadcast %jit3A_1259 : i32 to vector<16xi32>
      %select_n3A_1261 = arith.select %gt3A_1257, %broadcast_in_dim3A_1260, %select_n3A_1256 : vector<16xi1>, vector<16xi32>
      %broadcast_in_dim3A_1262 = arith.constant -3.000000e+38 : f32
      %broadcast_in_dim3A_1263 = vector.broadcast %broadcast_in_dim3A_1262 : f32 to vector<16xf32>
      %broadcast_in_dim3A_1264 = arith.constant 0 : i32
      %broadcast_in_dim3A_1265 = vector.broadcast %broadcast_in_dim3A_1264 : i32 to vector<16xi32>
      %eq3A_1266 = arith.constant 0 : i32
      %eq3A_1267 = vector.broadcast %eq3A_1266 : i32 to vector<16xi32>
      %eq3A_1268 = arith.cmpi eq, %select_n3A_1261, %eq3A_1267 : vector<16xi32>
      %jit3A_1269 = arith.constant -3.000000e+38 : f32
      %broadcast_in_dim3A_1270 = vector.broadcast %jit3A_1269 : f32 to vector<16xf32>
      %select_n3A_1271 = arith.select %eq3A_1268, %broadcast_in_dim3A_1270, %get3A_1182 : vector<16xi1>, vector<16xf32>
      %gt3A_1272 = arith.cmpf ogt, %select_n3A_1271, %broadcast_in_dim3A_1263 : vector<16xf32>
      %select_n3A_1273 = arith.select %gt3A_1272, %select_n3A_1271, %broadcast_in_dim3A_1263 : vector<16xi1>, vector<16xf32>
      %jit3A_1274 = arith.constant 0 : i32
      %broadcast_in_dim3A_1275 = vector.broadcast %jit3A_1274 : i32 to vector<16xi32>
      %select_n3A_1276 = arith.select %gt3A_1272, %broadcast_in_dim3A_1275, %broadcast_in_dim3A_1265 : vector<16xi1>, vector<16xi32>
      %eq3A_1277 = arith.constant 1 : i32
      %eq3A_1278 = vector.broadcast %eq3A_1277 : i32 to vector<16xi32>
      %eq3A_1279 = arith.cmpi eq, %select_n3A_1261, %eq3A_1278 : vector<16xi32>
      %jit3A_1280 = arith.constant -3.000000e+38 : f32
      %broadcast_in_dim3A_1281 = vector.broadcast %jit3A_1280 : f32 to vector<16xf32>
      %select_n3A_1282 = arith.select %eq3A_1279, %broadcast_in_dim3A_1281, %get3A_1188 : vector<16xi1>, vector<16xf32>
      %gt3A_1283 = arith.cmpf ogt, %select_n3A_1282, %select_n3A_1273 : vector<16xf32>
      %select_n3A_1284 = arith.select %gt3A_1283, %select_n3A_1282, %select_n3A_1273 : vector<16xi1>, vector<16xf32>
      %jit3A_1285 = arith.constant 1 : i32
      %broadcast_in_dim3A_1286 = vector.broadcast %jit3A_1285 : i32 to vector<16xi32>
      %select_n3A_1287 = arith.select %gt3A_1283, %broadcast_in_dim3A_1286, %select_n3A_1276 : vector<16xi1>, vector<16xi32>
      %eq3A_1288 = arith.constant 2 : i32
      %eq3A_1289 = vector.broadcast %eq3A_1288 : i32 to vector<16xi32>
      %eq3A_1290 = arith.cmpi eq, %select_n3A_1261, %eq3A_1289 : vector<16xi32>
      %jit3A_1291 = arith.constant -3.000000e+38 : f32
      %broadcast_in_dim3A_1292 = vector.broadcast %jit3A_1291 : f32 to vector<16xf32>
      %select_n3A_1293 = arith.select %eq3A_1290, %broadcast_in_dim3A_1292, %get3A_1194 : vector<16xi1>, vector<16xf32>
      %gt3A_1294 = arith.cmpf ogt, %select_n3A_1293, %select_n3A_1284 : vector<16xf32>
      %select_n3A_1295 = arith.select %gt3A_1294, %select_n3A_1293, %select_n3A_1284 : vector<16xi1>, vector<16xf32>
      %jit3A_1296 = arith.constant 2 : i32
      %broadcast_in_dim3A_1297 = vector.broadcast %jit3A_1296 : i32 to vector<16xi32>
      %select_n3A_1298 = arith.select %gt3A_1294, %broadcast_in_dim3A_1297, %select_n3A_1287 : vector<16xi1>, vector<16xi32>
      %eq3A_1299 = arith.constant 3 : i32
      %eq3A_1300 = vector.broadcast %eq3A_1299 : i32 to vector<16xi32>
      %eq3A_1301 = arith.cmpi eq, %select_n3A_1261, %eq3A_1300 : vector<16xi32>
      %jit3A_1302 = arith.constant -3.000000e+38 : f32
      %broadcast_in_dim3A_1303 = vector.broadcast %jit3A_1302 : f32 to vector<16xf32>
      %select_n3A_1304 = arith.select %eq3A_1301, %broadcast_in_dim3A_1303, %get3A_1200 : vector<16xi1>, vector<16xf32>
      %gt3A_1305 = arith.cmpf ogt, %select_n3A_1304, %select_n3A_1295 : vector<16xf32>
      %select_n3A_1306 = arith.select %gt3A_1305, %select_n3A_1304, %select_n3A_1295 : vector<16xi1>, vector<16xf32>
      %jit3A_1307 = arith.constant 3 : i32
      %broadcast_in_dim3A_1308 = vector.broadcast %jit3A_1307 : i32 to vector<16xi32>
      %select_n3A_1309 = arith.select %gt3A_1305, %broadcast_in_dim3A_1308, %select_n3A_1298 : vector<16xi1>, vector<16xi32>
      %eq3A_1310 = arith.constant 4 : i32
      %eq3A_1311 = vector.broadcast %eq3A_1310 : i32 to vector<16xi32>
      %eq3A_1312 = arith.cmpi eq, %select_n3A_1261, %eq3A_1311 : vector<16xi32>
      %jit3A_1313 = arith.constant -3.000000e+38 : f32
      %broadcast_in_dim3A_1314 = vector.broadcast %jit3A_1313 : f32 to vector<16xf32>
      %select_n3A_1315 = arith.select %eq3A_1312, %broadcast_in_dim3A_1314, %get3A_1206 : vector<16xi1>, vector<16xf32>
      %gt3A_1316 = arith.cmpf ogt, %select_n3A_1315, %select_n3A_1306 : vector<16xf32>
      %select_n3A_1317 = arith.select %gt3A_1316, %select_n3A_1315, %select_n3A_1306 : vector<16xi1>, vector<16xf32>
      %jit3A_1318 = arith.constant 4 : i32
      %broadcast_in_dim3A_1319 = vector.broadcast %jit3A_1318 : i32 to vector<16xi32>
      %select_n3A_1320 = arith.select %gt3A_1316, %broadcast_in_dim3A_1319, %select_n3A_1309 : vector<16xi1>, vector<16xi32>
      %eq3A_1321 = arith.constant 5 : i32
      %eq3A_1322 = vector.broadcast %eq3A_1321 : i32 to vector<16xi32>
      %eq3A_1323 = arith.cmpi eq, %select_n3A_1261, %eq3A_1322 : vector<16xi32>
      %jit3A_1324 = arith.constant -3.000000e+38 : f32
      %broadcast_in_dim3A_1325 = vector.broadcast %jit3A_1324 : f32 to vector<16xf32>
      %select_n3A_1326 = arith.select %eq3A_1323, %broadcast_in_dim3A_1325, %get3A_1212 : vector<16xi1>, vector<16xf32>
      %gt3A_1327 = arith.cmpf ogt, %select_n3A_1326, %select_n3A_1317 : vector<16xf32>
      %select_n3A_1328 = arith.select %gt3A_1327, %select_n3A_1326, %select_n3A_1317 : vector<16xi1>, vector<16xf32>
      %jit3A_1329 = arith.constant 5 : i32
      %broadcast_in_dim3A_1330 = vector.broadcast %jit3A_1329 : i32 to vector<16xi32>
      %select_n3A_1331 = arith.select %gt3A_1327, %broadcast_in_dim3A_1330, %select_n3A_1320 : vector<16xi1>, vector<16xi32>
      %eq3A_1332 = arith.constant 6 : i32
      %eq3A_1333 = vector.broadcast %eq3A_1332 : i32 to vector<16xi32>
      %eq3A_1334 = arith.cmpi eq, %select_n3A_1261, %eq3A_1333 : vector<16xi32>
      %jit3A_1335 = arith.constant -3.000000e+38 : f32
      %broadcast_in_dim3A_1336 = vector.broadcast %jit3A_1335 : f32 to vector<16xf32>
      %select_n3A_1337 = arith.select %eq3A_1334, %broadcast_in_dim3A_1336, %get3A_1218 : vector<16xi1>, vector<16xf32>
      %gt3A_1338 = arith.cmpf ogt, %select_n3A_1337, %select_n3A_1328 : vector<16xf32>
      %select_n3A_1339 = arith.select %gt3A_1338, %select_n3A_1337, %select_n3A_1328 : vector<16xi1>, vector<16xf32>
      %jit3A_1340 = arith.constant 6 : i32
      %broadcast_in_dim3A_1341 = vector.broadcast %jit3A_1340 : i32 to vector<16xi32>
      %select_n3A_1342 = arith.select %gt3A_1338, %broadcast_in_dim3A_1341, %select_n3A_1331 : vector<16xi1>, vector<16xi32>
      %eq3A_1343 = arith.constant 7 : i32
      %eq3A_1344 = vector.broadcast %eq3A_1343 : i32 to vector<16xi32>
      %eq3A_1345 = arith.cmpi eq, %select_n3A_1261, %eq3A_1344 : vector<16xi32>
      %jit3A_1346 = arith.constant -3.000000e+38 : f32
      %broadcast_in_dim3A_1347 = vector.broadcast %jit3A_1346 : f32 to vector<16xf32>
      %select_n3A_1348 = arith.select %eq3A_1345, %broadcast_in_dim3A_1347, %get3A_1224 : vector<16xi1>, vector<16xf32>
      %gt3A_1349 = arith.cmpf ogt, %select_n3A_1348, %select_n3A_1339 : vector<16xf32>
      %select_n3A_1350 = arith.select %gt3A_1349, %select_n3A_1348, %select_n3A_1339 : vector<16xi1>, vector<16xf32>
      %jit3A_1351 = arith.constant 7 : i32
      %broadcast_in_dim3A_1352 = vector.broadcast %jit3A_1351 : i32 to vector<16xi32>
      %select_n3A_1353 = arith.select %gt3A_1349, %broadcast_in_dim3A_1352, %select_n3A_1342 : vector<16xi1>, vector<16xi32>
      %sub3A_1354 = arith.subf %select_n3A_1350, %select_n3A_1258 : vector<16xf32>
      %exp3A_1355 = math.exp %sub3A_1354 : vector<16xf32>
      %mul3A_1356 = arith.mulf %exp3A_1355, %exp3A_1355 : vector<16xf32>
      %add3A_1357 = arith.constant 1.000000e+00 : f32
      %add3A_1358 = vector.broadcast %add3A_1357 : f32 to vector<16xf32>
      %add3A_1359 = arith.addf %add3A_1358, %mul3A_1356 : vector<16xf32>
      %bitcast_convert_type3A_1360 = tpu.bitcast %add3A_1359 : vector<16xf32> -> vector<16xi32>
      %shift_right_arithmetic3A_1361 = arith.constant 1 : i32
      %shift_right_arithmetic3A_1362 = vector.broadcast %shift_right_arithmetic3A_1361 : i32 to vector<16xi32>
      %shift_right_arithmetic3A_1363 = arith.shrsi %bitcast_convert_type3A_1360, %shift_right_arithmetic3A_1362 : vector<16xi32>
      %sub3A_1364 = arith.constant 1597463007 : i32
      %sub3A_1365 = vector.broadcast %sub3A_1364 : i32 to vector<16xi32>
      %sub3A_1366 = arith.subi %sub3A_1365, %shift_right_arithmetic3A_1363 : vector<16xi32>
      %bitcast_convert_type3A_1367 = tpu.bitcast %sub3A_1366 : vector<16xi32> -> vector<16xf32>
      %mul3A_1368 = arith.constant 5.000000e-01 : f32
      %mul3A_1369 = vector.broadcast %mul3A_1368 : f32 to vector<16xf32>
      %mul3A_1370 = arith.mulf %mul3A_1369, %add3A_1359 : vector<16xf32>
      %mul3A_1371 = arith.mulf %mul3A_1370, %bitcast_convert_type3A_1367 : vector<16xf32>
      %mul3A_1372 = arith.mulf %mul3A_1371, %bitcast_convert_type3A_1367 : vector<16xf32>
      %sub3A_1373 = arith.constant 1.500000e+00 : f32
      %sub3A_1374 = vector.broadcast %sub3A_1373 : f32 to vector<16xf32>
      %sub3A_1375 = arith.subf %sub3A_1374, %mul3A_1372 : vector<16xf32>
      %mul3A_1376 = arith.mulf %bitcast_convert_type3A_1367, %sub3A_1375 : vector<16xf32>
      %mul3A_1377 = arith.constant 5.000000e-01 : f32
      %mul3A_1378 = vector.broadcast %mul3A_1377 : f32 to vector<16xf32>
      %mul3A_1379 = arith.mulf %mul3A_1378, %add3A_1359 : vector<16xf32>
      %mul3A_1380 = arith.mulf %mul3A_1379, %mul3A_1376 : vector<16xf32>
      %mul3A_1381 = arith.mulf %mul3A_1380, %mul3A_1376 : vector<16xf32>
      %sub3A_1382 = arith.constant 1.500000e+00 : f32
      %sub3A_1383 = vector.broadcast %sub3A_1382 : f32 to vector<16xf32>
      %sub3A_1384 = arith.subf %sub3A_1383, %mul3A_1381 : vector<16xf32>
      %mul3A_1385 = arith.mulf %mul3A_1376, %sub3A_1384 : vector<16xf32>
      %mul3A_1386 = arith.constant 5.000000e-01 : f32
      %mul3A_1387 = vector.broadcast %mul3A_1386 : f32 to vector<16xf32>
      %mul3A_1388 = arith.mulf %mul3A_1387, %add3A_1359 : vector<16xf32>
      %mul3A_1389 = arith.mulf %mul3A_1388, %mul3A_1385 : vector<16xf32>
      %mul3A_1390 = arith.mulf %mul3A_1389, %mul3A_1385 : vector<16xf32>
      %sub3A_1391 = arith.constant 1.500000e+00 : f32
      %sub3A_1392 = vector.broadcast %sub3A_1391 : f32 to vector<16xf32>
      %sub3A_1393 = arith.subf %sub3A_1392, %mul3A_1390 : vector<16xf32>
      %mul3A_1394 = arith.mulf %mul3A_1385, %sub3A_1393 : vector<16xf32>
      %add3A_1395 = arith.constant 640 : i32
      %add3A_1396 = arith.addi %add3A_1395, %mul3A_12 : i32
      %mul3A_1397 = arith.constant 2.000000e+00 : f32
      %mul3A_1398 = vector.broadcast %mul3A_1397 : f32 to vector<16xf32>
      %mul3A_1399 = arith.mulf %mul3A_1398, %mul3A_1394 : vector<16xf32>
      %swap3A_1400 = arith.index_cast %add3A_1396 : i32 to index
      %swap3A_1401 = tpu.vector_load %arg8[%swap3A_1400] {strides = array<i32>} : memref<1024xf32, #tpu.memory_space<vmem>>, vector<16xf32>,
      tpu.vector_store %arg8[%swap3A_1400], %mul3A_1399 {strides = array<i32>} : memref<1024xf32, #tpu.memory_space<vmem>>, vector<16xf32>,
      %mul3A_1402 = arith.constant 2.000000e+00 : f32
      %mul3A_1403 = vector.broadcast %mul3A_1402 : f32 to vector<16xf32>
      %mul3A_1404 = arith.mulf %mul3A_1403, %exp3A_1355 : vector<16xf32>
      %mul3A_1405 = arith.mulf %mul3A_1404, %mul3A_1394 : vector<16xf32>
      %swap3A_1406 = arith.index_cast %add3A_1396 : i32 to index
      %swap3A_1407 = tpu.vector_load %arg9[%swap3A_1406] {strides = array<i32>} : memref<1024xf32, #tpu.memory_space<vmem>>, vector<16xf32>,
      tpu.vector_store %arg9[%swap3A_1406], %mul3A_1405 {strides = array<i32>} : memref<1024xf32, #tpu.memory_space<vmem>>, vector<16xf32>,
      %swap3A_1408 = arith.index_cast %add3A_1396 : i32 to index
      %swap3A_1409 = tpu.vector_load %arg10[%swap3A_1408] {strides = array<i32>} : memref<1024xi32, #tpu.memory_space<vmem>>, vector<16xi32>,
      tpu.vector_store %arg10[%swap3A_1408], %select_n3A_1261 {strides = array<i32>} : memref<1024xi32, #tpu.memory_space<vmem>>, vector<16xi32>,
      %swap3A_1410 = arith.index_cast %add3A_1396 : i32 to index
      %swap3A_1411 = tpu.vector_load %arg11[%swap3A_1410] {strides = array<i32>} : memref<1024xi32, #tpu.memory_space<vmem>>, vector<16xi32>,
      tpu.vector_store %arg11[%swap3A_1410], %select_n3A_1353 {strides = array<i32>} : memref<1024xi32, #tpu.memory_space<vmem>>, vector<16xi32>,
      %get3A_1412 = arith.constant 6 : i32
      %get3A_1413 = arith.constant 0 : i32
      %get3A_1414 = arith.index_cast %get3A_1412 : i32 to index
      %get3A_1415 = arith.index_cast %get3A_1413 : i32 to index
      %get3A_1416 = arith.index_cast %mul3A_12 : i32 to index
      %get3A_1417 = tpu.vector_load %arg7[%get3A_1414, %get3A_1415, %get3A_1416] {strides = array<i32>} : memref<8x8x128xf32, #tpu.memory_space<vmem>>, vector<16xf32>,
      %get3A_1418 = arith.constant 6 : i32
      %get3A_1419 = arith.constant 1 : i32
      %get3A_1420 = arith.index_cast %get3A_1418 : i32 to index
      %get3A_1421 = arith.index_cast %get3A_1419 : i32 to index
      %get3A_1422 = arith.index_cast %mul3A_12 : i32 to index
      %get3A_1423 = tpu.vector_load %arg7[%get3A_1420, %get3A_1421, %get3A_1422] {strides = array<i32>} : memref<8x8x128xf32, #tpu.memory_space<vmem>>, vector<16xf32>,
      %get3A_1424 = arith.constant 6 : i32
      %get3A_1425 = arith.constant 2 : i32
      %get3A_1426 = arith.index_cast %get3A_1424 : i32 to index
      %get3A_1427 = arith.index_cast %get3A_1425 : i32 to index
      %get3A_1428 = arith.index_cast %mul3A_12 : i32 to index
      %get3A_1429 = tpu.vector_load %arg7[%get3A_1426, %get3A_1427, %get3A_1428] {strides = array<i32>} : memref<8x8x128xf32, #tpu.memory_space<vmem>>, vector<16xf32>,
      %get3A_1430 = arith.constant 6 : i32
      %get3A_1431 = arith.constant 3 : i32
      %get3A_1432 = arith.index_cast %get3A_1430 : i32 to index
      %get3A_1433 = arith.index_cast %get3A_1431 : i32 to index
      %get3A_1434 = arith.index_cast %mul3A_12 : i32 to index
      %get3A_1435 = tpu.vector_load %arg7[%get3A_1432, %get3A_1433, %get3A_1434] {strides = array<i32>} : memref<8x8x128xf32, #tpu.memory_space<vmem>>, vector<16xf32>,
      %get3A_1436 = arith.constant 6 : i32
      %get3A_1437 = arith.constant 4 : i32
      %get3A_1438 = arith.index_cast %get3A_1436 : i32 to index
      %get3A_1439 = arith.index_cast %get3A_1437 : i32 to index
      %get3A_1440 = arith.index_cast %mul3A_12 : i32 to index
      %get3A_1441 = tpu.vector_load %arg7[%get3A_1438, %get3A_1439, %get3A_1440] {strides = array<i32>} : memref<8x8x128xf32, #tpu.memory_space<vmem>>, vector<16xf32>,
      %get3A_1442 = arith.constant 6 : i32
      %get3A_1443 = arith.constant 5 : i32
      %get3A_1444 = arith.index_cast %get3A_1442 : i32 to index
      %get3A_1445 = arith.index_cast %get3A_1443 : i32 to index
      %get3A_1446 = arith.index_cast %mul3A_12 : i32 to index
      %get3A_1447 = tpu.vector_load %arg7[%get3A_1444, %get3A_1445, %get3A_1446] {strides = array<i32>} : memref<8x8x128xf32, #tpu.memory_space<vmem>>, vector<16xf32>,
      %get3A_1448 = arith.constant 6 : i32
      %get3A_1449 = arith.constant 6 : i32
      %get3A_1450 = arith.index_cast %get3A_1448 : i32 to index
      %get3A_1451 = arith.index_cast %get3A_1449 : i32 to index
      %get3A_1452 = arith.index_cast %mul3A_12 : i32 to index
      %get3A_1453 = tpu.vector_load %arg7[%get3A_1450, %get3A_1451, %get3A_1452] {strides = array<i32>} : memref<8x8x128xf32, #tpu.memory_space<vmem>>, vector<16xf32>,
      %get3A_1454 = arith.constant 6 : i32
      %get3A_1455 = arith.constant 7 : i32
      %get3A_1456 = arith.index_cast %get3A_1454 : i32 to index
      %get3A_1457 = arith.index_cast %get3A_1455 : i32 to index
      %get3A_1458 = arith.index_cast %mul3A_12 : i32 to index
      %get3A_1459 = tpu.vector_load %arg7[%get3A_1456, %get3A_1457, %get3A_1458] {strides = array<i32>} : memref<8x8x128xf32, #tpu.memory_space<vmem>>, vector<16xf32>,
      %broadcast_in_dim3A_1460 = arith.constant 0 : i32
      %broadcast_in_dim3A_1461 = vector.broadcast %broadcast_in_dim3A_1460 : i32 to vector<16xi32>
      %gt3A_1462 = arith.cmpf ogt, %get3A_1423, %get3A_1417 : vector<16xf32>
      %select_n3A_1463 = arith.select %gt3A_1462, %get3A_1423, %get3A_1417 : vector<16xi1>, vector<16xf32>
      %jit3A_1464 = arith.constant 1 : i32
      %broadcast_in_dim3A_1465 = vector.broadcast %jit3A_1464 : i32 to vector<16xi32>
      %select_n3A_1466 = arith.select %gt3A_1462, %broadcast_in_dim3A_1465, %broadcast_in_dim3A_1461 : vector<16xi1>, vector<16xi32>
      %gt3A_1467 = arith.cmpf ogt, %get3A_1429, %select_n3A_1463 : vector<16xf32>
      %select_n3A_1468 = arith.select %gt3A_1467, %get3A_1429, %select_n3A_1463 : vector<16xi1>, vector<16xf32>
      %jit3A_1469 = arith.constant 2 : i32
      %broadcast_in_dim3A_1470 = vector.broadcast %jit3A_1469 : i32 to vector<16xi32>
      %select_n3A_1471 = arith.select %gt3A_1467, %broadcast_in_dim3A_1470, %select_n3A_1466 : vector<16xi1>, vector<16xi32>
      %gt3A_1472 = arith.cmpf ogt, %get3A_1435, %select_n3A_1468 : vector<16xf32>
      %select_n3A_1473 = arith.select %gt3A_1472, %get3A_1435, %select_n3A_1468 : vector<16xi1>, vector<16xf32>
      %jit3A_1474 = arith.constant 3 : i32
      %broadcast_in_dim3A_1475 = vector.broadcast %jit3A_1474 : i32 to vector<16xi32>
      %select_n3A_1476 = arith.select %gt3A_1472, %broadcast_in_dim3A_1475, %select_n3A_1471 : vector<16xi1>, vector<16xi32>
      %gt3A_1477 = arith.cmpf ogt, %get3A_1441, %select_n3A_1473 : vector<16xf32>
      %select_n3A_1478 = arith.select %gt3A_1477, %get3A_1441, %select_n3A_1473 : vector<16xi1>, vector<16xf32>
      %jit3A_1479 = arith.constant 4 : i32
      %broadcast_in_dim3A_1480 = vector.broadcast %jit3A_1479 : i32 to vector<16xi32>
      %select_n3A_1481 = arith.select %gt3A_1477, %broadcast_in_dim3A_1480, %select_n3A_1476 : vector<16xi1>, vector<16xi32>
      %gt3A_1482 = arith.cmpf ogt, %get3A_1447, %select_n3A_1478 : vector<16xf32>
      %select_n3A_1483 = arith.select %gt3A_1482, %get3A_1447, %select_n3A_1478 : vector<16xi1>, vector<16xf32>
      %jit3A_1484 = arith.constant 5 : i32
      %broadcast_in_dim3A_1485 = vector.broadcast %jit3A_1484 : i32 to vector<16xi32>
      %select_n3A_1486 = arith.select %gt3A_1482, %broadcast_in_dim3A_1485, %select_n3A_1481 : vector<16xi1>, vector<16xi32>
      %gt3A_1487 = arith.cmpf ogt, %get3A_1453, %select_n3A_1483 : vector<16xf32>
      %select_n3A_1488 = arith.select %gt3A_1487, %get3A_1453, %select_n3A_1483 : vector<16xi1>, vector<16xf32>
      %jit3A_1489 = arith.constant 6 : i32
      %broadcast_in_dim3A_1490 = vector.broadcast %jit3A_1489 : i32 to vector<16xi32>
      %select_n3A_1491 = arith.select %gt3A_1487, %broadcast_in_dim3A_1490, %select_n3A_1486 : vector<16xi1>, vector<16xi32>
      %gt3A_1492 = arith.cmpf ogt, %get3A_1459, %select_n3A_1488 : vector<16xf32>
      %select_n3A_1493 = arith.select %gt3A_1492, %get3A_1459, %select_n3A_1488 : vector<16xi1>, vector<16xf32>
      %jit3A_1494 = arith.constant 7 : i32
      %broadcast_in_dim3A_1495 = vector.broadcast %jit3A_1494 : i32 to vector<16xi32>
      %select_n3A_1496 = arith.select %gt3A_1492, %broadcast_in_dim3A_1495, %select_n3A_1491 : vector<16xi1>, vector<16xi32>
      %broadcast_in_dim3A_1497 = arith.constant -3.000000e+38 : f32
      %broadcast_in_dim3A_1498 = vector.broadcast %broadcast_in_dim3A_1497 : f32 to vector<16xf32>
      %broadcast_in_dim3A_1499 = arith.constant 0 : i32
      %broadcast_in_dim3A_1500 = vector.broadcast %broadcast_in_dim3A_1499 : i32 to vector<16xi32>
      %eq3A_1501 = arith.constant 0 : i32
      %eq3A_1502 = vector.broadcast %eq3A_1501 : i32 to vector<16xi32>
      %eq3A_1503 = arith.cmpi eq, %select_n3A_1496, %eq3A_1502 : vector<16xi32>
      %jit3A_1504 = arith.constant -3.000000e+38 : f32
      %broadcast_in_dim3A_1505 = vector.broadcast %jit3A_1504 : f32 to vector<16xf32>
      %select_n3A_1506 = arith.select %eq3A_1503, %broadcast_in_dim3A_1505, %get3A_1417 : vector<16xi1>, vector<16xf32>
      %gt3A_1507 = arith.cmpf ogt, %select_n3A_1506, %broadcast_in_dim3A_1498 : vector<16xf32>
      %select_n3A_1508 = arith.select %gt3A_1507, %select_n3A_1506, %broadcast_in_dim3A_1498 : vector<16xi1>, vector<16xf32>
      %jit3A_1509 = arith.constant 0 : i32
      %broadcast_in_dim3A_1510 = vector.broadcast %jit3A_1509 : i32 to vector<16xi32>
      %select_n3A_1511 = arith.select %gt3A_1507, %broadcast_in_dim3A_1510, %broadcast_in_dim3A_1500 : vector<16xi1>, vector<16xi32>
      %eq3A_1512 = arith.constant 1 : i32
      %eq3A_1513 = vector.broadcast %eq3A_1512 : i32 to vector<16xi32>
      %eq3A_1514 = arith.cmpi eq, %select_n3A_1496, %eq3A_1513 : vector<16xi32>
      %jit3A_1515 = arith.constant -3.000000e+38 : f32
      %broadcast_in_dim3A_1516 = vector.broadcast %jit3A_1515 : f32 to vector<16xf32>
      %select_n3A_1517 = arith.select %eq3A_1514, %broadcast_in_dim3A_1516, %get3A_1423 : vector<16xi1>, vector<16xf32>
      %gt3A_1518 = arith.cmpf ogt, %select_n3A_1517, %select_n3A_1508 : vector<16xf32>
      %select_n3A_1519 = arith.select %gt3A_1518, %select_n3A_1517, %select_n3A_1508 : vector<16xi1>, vector<16xf32>
      %jit3A_1520 = arith.constant 1 : i32
      %broadcast_in_dim3A_1521 = vector.broadcast %jit3A_1520 : i32 to vector<16xi32>
      %select_n3A_1522 = arith.select %gt3A_1518, %broadcast_in_dim3A_1521, %select_n3A_1511 : vector<16xi1>, vector<16xi32>
      %eq3A_1523 = arith.constant 2 : i32
      %eq3A_1524 = vector.broadcast %eq3A_1523 : i32 to vector<16xi32>
      %eq3A_1525 = arith.cmpi eq, %select_n3A_1496, %eq3A_1524 : vector<16xi32>
      %jit3A_1526 = arith.constant -3.000000e+38 : f32
      %broadcast_in_dim3A_1527 = vector.broadcast %jit3A_1526 : f32 to vector<16xf32>
      %select_n3A_1528 = arith.select %eq3A_1525, %broadcast_in_dim3A_1527, %get3A_1429 : vector<16xi1>, vector<16xf32>
      %gt3A_1529 = arith.cmpf ogt, %select_n3A_1528, %select_n3A_1519 : vector<16xf32>
      %select_n3A_1530 = arith.select %gt3A_1529, %select_n3A_1528, %select_n3A_1519 : vector<16xi1>, vector<16xf32>
      %jit3A_1531 = arith.constant 2 : i32
      %broadcast_in_dim3A_1532 = vector.broadcast %jit3A_1531 : i32 to vector<16xi32>
      %select_n3A_1533 = arith.select %gt3A_1529, %broadcast_in_dim3A_1532, %select_n3A_1522 : vector<16xi1>, vector<16xi32>
      %eq3A_1534 = arith.constant 3 : i32
      %eq3A_1535 = vector.broadcast %eq3A_1534 : i32 to vector<16xi32>
      %eq3A_1536 = arith.cmpi eq, %select_n3A_1496, %eq3A_1535 : vector<16xi32>
      %jit3A_1537 = arith.constant -3.000000e+38 : f32
      %broadcast_in_dim3A_1538 = vector.broadcast %jit3A_1537 : f32 to vector<16xf32>
      %select_n3A_1539 = arith.select %eq3A_1536, %broadcast_in_dim3A_1538, %get3A_1435 : vector<16xi1>, vector<16xf32>
      %gt3A_1540 = arith.cmpf ogt, %select_n3A_1539, %select_n3A_1530 : vector<16xf32>
      %select_n3A_1541 = arith.select %gt3A_1540, %select_n3A_1539, %select_n3A_1530 : vector<16xi1>, vector<16xf32>
      %jit3A_1542 = arith.constant 3 : i32
      %broadcast_in_dim3A_1543 = vector.broadcast %jit3A_1542 : i32 to vector<16xi32>
      %select_n3A_1544 = arith.select %gt3A_1540, %broadcast_in_dim3A_1543, %select_n3A_1533 : vector<16xi1>, vector<16xi32>
      %eq3A_1545 = arith.constant 4 : i32
      %eq3A_1546 = vector.broadcast %eq3A_1545 : i32 to vector<16xi32>
      %eq3A_1547 = arith.cmpi eq, %select_n3A_1496, %eq3A_1546 : vector<16xi32>
      %jit3A_1548 = arith.constant -3.000000e+38 : f32
      %broadcast_in_dim3A_1549 = vector.broadcast %jit3A_1548 : f32 to vector<16xf32>
      %select_n3A_1550 = arith.select %eq3A_1547, %broadcast_in_dim3A_1549, %get3A_1441 : vector<16xi1>, vector<16xf32>
      %gt3A_1551 = arith.cmpf ogt, %select_n3A_1550, %select_n3A_1541 : vector<16xf32>
      %select_n3A_1552 = arith.select %gt3A_1551, %select_n3A_1550, %select_n3A_1541 : vector<16xi1>, vector<16xf32>
      %jit3A_1553 = arith.constant 4 : i32
      %broadcast_in_dim3A_1554 = vector.broadcast %jit3A_1553 : i32 to vector<16xi32>
      %select_n3A_1555 = arith.select %gt3A_1551, %broadcast_in_dim3A_1554, %select_n3A_1544 : vector<16xi1>, vector<16xi32>
      %eq3A_1556 = arith.constant 5 : i32
      %eq3A_1557 = vector.broadcast %eq3A_1556 : i32 to vector<16xi32>
      %eq3A_1558 = arith.cmpi eq, %select_n3A_1496, %eq3A_1557 : vector<16xi32>
      %jit3A_1559 = arith.constant -3.000000e+38 : f32
      %broadcast_in_dim3A_1560 = vector.broadcast %jit3A_1559 : f32 to vector<16xf32>
      %select_n3A_1561 = arith.select %eq3A_1558, %broadcast_in_dim3A_1560, %get3A_1447 : vector<16xi1>, vector<16xf32>
      %gt3A_1562 = arith.cmpf ogt, %select_n3A_1561, %select_n3A_1552 : vector<16xf32>
      %select_n3A_1563 = arith.select %gt3A_1562, %select_n3A_1561, %select_n3A_1552 : vector<16xi1>, vector<16xf32>
      %jit3A_1564 = arith.constant 5 : i32
      %broadcast_in_dim3A_1565 = vector.broadcast %jit3A_1564 : i32 to vector<16xi32>
      %select_n3A_1566 = arith.select %gt3A_1562, %broadcast_in_dim3A_1565, %select_n3A_1555 : vector<16xi1>, vector<16xi32>
      %eq3A_1567 = arith.constant 6 : i32
      %eq3A_1568 = vector.broadcast %eq3A_1567 : i32 to vector<16xi32>
      %eq3A_1569 = arith.cmpi eq, %select_n3A_1496, %eq3A_1568 : vector<16xi32>
      %jit3A_1570 = arith.constant -3.000000e+38 : f32
      %broadcast_in_dim3A_1571 = vector.broadcast %jit3A_1570 : f32 to vector<16xf32>
      %select_n3A_1572 = arith.select %eq3A_1569, %broadcast_in_dim3A_1571, %get3A_1453 : vector<16xi1>, vector<16xf32>
      %gt3A_1573 = arith.cmpf ogt, %select_n3A_1572, %select_n3A_1563 : vector<16xf32>
      %select_n3A_1574 = arith.select %gt3A_1573, %select_n3A_1572, %select_n3A_1563 : vector<16xi1>, vector<16xf32>
      %jit3A_1575 = arith.constant 6 : i32
      %broadcast_in_dim3A_1576 = vector.broadcast %jit3A_1575 : i32 to vector<16xi32>
      %select_n3A_1577 = arith.select %gt3A_1573, %broadcast_in_dim3A_1576, %select_n3A_1566 : vector<16xi1>, vector<16xi32>
      %eq3A_1578 = arith.constant 7 : i32
      %eq3A_1579 = vector.broadcast %eq3A_1578 : i32 to vector<16xi32>
      %eq3A_1580 = arith.cmpi eq, %select_n3A_1496, %eq3A_1579 : vector<16xi32>
      %jit3A_1581 = arith.constant -3.000000e+38 : f32
      %broadcast_in_dim3A_1582 = vector.broadcast %jit3A_1581 : f32 to vector<16xf32>
      %select_n3A_1583 = arith.select %eq3A_1580, %broadcast_in_dim3A_1582, %get3A_1459 : vector<16xi1>, vector<16xf32>
      %gt3A_1584 = arith.cmpf ogt, %select_n3A_1583, %select_n3A_1574 : vector<16xf32>
      %select_n3A_1585 = arith.select %gt3A_1584, %select_n3A_1583, %select_n3A_1574 : vector<16xi1>, vector<16xf32>
      %jit3A_1586 = arith.constant 7 : i32
      %broadcast_in_dim3A_1587 = vector.broadcast %jit3A_1586 : i32 to vector<16xi32>
      %select_n3A_1588 = arith.select %gt3A_1584, %broadcast_in_dim3A_1587, %select_n3A_1577 : vector<16xi1>, vector<16xi32>
      %sub3A_1589 = arith.subf %select_n3A_1585, %select_n3A_1493 : vector<16xf32>
      %exp3A_1590 = math.exp %sub3A_1589 : vector<16xf32>
      %mul3A_1591 = arith.mulf %exp3A_1590, %exp3A_1590 : vector<16xf32>
      %add3A_1592 = arith.constant 1.000000e+00 : f32
      %add3A_1593 = vector.broadcast %add3A_1592 : f32 to vector<16xf32>
      %add3A_1594 = arith.addf %add3A_1593, %mul3A_1591 : vector<16xf32>
      %bitcast_convert_type3A_1595 = tpu.bitcast %add3A_1594 : vector<16xf32> -> vector<16xi32>
      %shift_right_arithmetic3A_1596 = arith.constant 1 : i32
      %shift_right_arithmetic3A_1597 = vector.broadcast %shift_right_arithmetic3A_1596 : i32 to vector<16xi32>
      %shift_right_arithmetic3A_1598 = arith.shrsi %bitcast_convert_type3A_1595, %shift_right_arithmetic3A_1597 : vector<16xi32>
      %sub3A_1599 = arith.constant 1597463007 : i32
      %sub3A_1600 = vector.broadcast %sub3A_1599 : i32 to vector<16xi32>
      %sub3A_1601 = arith.subi %sub3A_1600, %shift_right_arithmetic3A_1598 : vector<16xi32>
      %bitcast_convert_type3A_1602 = tpu.bitcast %sub3A_1601 : vector<16xi32> -> vector<16xf32>
      %mul3A_1603 = arith.constant 5.000000e-01 : f32
      %mul3A_1604 = vector.broadcast %mul3A_1603 : f32 to vector<16xf32>
      %mul3A_1605 = arith.mulf %mul3A_1604, %add3A_1594 : vector<16xf32>
      %mul3A_1606 = arith.mulf %mul3A_1605, %bitcast_convert_type3A_1602 : vector<16xf32>
      %mul3A_1607 = arith.mulf %mul3A_1606, %bitcast_convert_type3A_1602 : vector<16xf32>
      %sub3A_1608 = arith.constant 1.500000e+00 : f32
      %sub3A_1609 = vector.broadcast %sub3A_1608 : f32 to vector<16xf32>
      %sub3A_1610 = arith.subf %sub3A_1609, %mul3A_1607 : vector<16xf32>
      %mul3A_1611 = arith.mulf %bitcast_convert_type3A_1602, %sub3A_1610 : vector<16xf32>
      %mul3A_1612 = arith.constant 5.000000e-01 : f32
      %mul3A_1613 = vector.broadcast %mul3A_1612 : f32 to vector<16xf32>
      %mul3A_1614 = arith.mulf %mul3A_1613, %add3A_1594 : vector<16xf32>
      %mul3A_1615 = arith.mulf %mul3A_1614, %mul3A_1611 : vector<16xf32>
      %mul3A_1616 = arith.mulf %mul3A_1615, %mul3A_1611 : vector<16xf32>
      %sub3A_1617 = arith.constant 1.500000e+00 : f32
      %sub3A_1618 = vector.broadcast %sub3A_1617 : f32 to vector<16xf32>
      %sub3A_1619 = arith.subf %sub3A_1618, %mul3A_1616 : vector<16xf32>
      %mul3A_1620 = arith.mulf %mul3A_1611, %sub3A_1619 : vector<16xf32>
      %mul3A_1621 = arith.constant 5.000000e-01 : f32
      %mul3A_1622 = vector.broadcast %mul3A_1621 : f32 to vector<16xf32>
      %mul3A_1623 = arith.mulf %mul3A_1622, %add3A_1594 : vector<16xf32>
      %mul3A_1624 = arith.mulf %mul3A_1623, %mul3A_1620 : vector<16xf32>
      %mul3A_1625 = arith.mulf %mul3A_1624, %mul3A_1620 : vector<16xf32>
      %sub3A_1626 = arith.constant 1.500000e+00 : f32
      %sub3A_1627 = vector.broadcast %sub3A_1626 : f32 to vector<16xf32>
      %sub3A_1628 = arith.subf %sub3A_1627, %mul3A_1625 : vector<16xf32>
      %mul3A_1629 = arith.mulf %mul3A_1620, %sub3A_1628 : vector<16xf32>
      %add3A_1630 = arith.constant 768 : i32
      %add3A_1631 = arith.addi %add3A_1630, %mul3A_12 : i32
      %mul3A_1632 = arith.constant 2.000000e+00 : f32
      %mul3A_1633 = vector.broadcast %mul3A_1632 : f32 to vector<16xf32>
      %mul3A_1634 = arith.mulf %mul3A_1633, %mul3A_1629 : vector<16xf32>
      %swap3A_1635 = arith.index_cast %add3A_1631 : i32 to index
      %swap3A_1636 = tpu.vector_load %arg8[%swap3A_1635] {strides = array<i32>} : memref<1024xf32, #tpu.memory_space<vmem>>, vector<16xf32>,
      tpu.vector_store %arg8[%swap3A_1635], %mul3A_1634 {strides = array<i32>} : memref<1024xf32, #tpu.memory_space<vmem>>, vector<16xf32>,
      %mul3A_1637 = arith.constant 2.000000e+00 : f32
      %mul3A_1638 = vector.broadcast %mul3A_1637 : f32 to vector<16xf32>
      %mul3A_1639 = arith.mulf %mul3A_1638, %exp3A_1590 : vector<16xf32>
      %mul3A_1640 = arith.mulf %mul3A_1639, %mul3A_1629 : vector<16xf32>
      %swap3A_1641 = arith.index_cast %add3A_1631 : i32 to index
      %swap3A_1642 = tpu.vector_load %arg9[%swap3A_1641] {strides = array<i32>} : memref<1024xf32, #tpu.memory_space<vmem>>, vector<16xf32>,
      tpu.vector_store %arg9[%swap3A_1641], %mul3A_1640 {strides = array<i32>} : memref<1024xf32, #tpu.memory_space<vmem>>, vector<16xf32>,
      %swap3A_1643 = arith.index_cast %add3A_1631 : i32 to index
      %swap3A_1644 = tpu.vector_load %arg10[%swap3A_1643] {strides = array<i32>} : memref<1024xi32, #tpu.memory_space<vmem>>, vector<16xi32>,
      tpu.vector_store %arg10[%swap3A_1643], %select_n3A_1496 {strides = array<i32>} : memref<1024xi32, #tpu.memory_space<vmem>>, vector<16xi32>,
      %swap3A_1645 = arith.index_cast %add3A_1631 : i32 to index
      %swap3A_1646 = tpu.vector_load %arg11[%swap3A_1645] {strides = array<i32>} : memref<1024xi32, #tpu.memory_space<vmem>>, vector<16xi32>,
      tpu.vector_store %arg11[%swap3A_1645], %select_n3A_1588 {strides = array<i32>} : memref<1024xi32, #tpu.memory_space<vmem>>, vector<16xi32>,
      %get3A_1647 = arith.constant 7 : i32
      %get3A_1648 = arith.constant 0 : i32
      %get3A_1649 = arith.index_cast %get3A_1647 : i32 to index
      %get3A_1650 = arith.index_cast %get3A_1648 : i32 to index
      %get3A_1651 = arith.index_cast %mul3A_12 : i32 to index
      %get3A_1652 = tpu.vector_load %arg7[%get3A_1649, %get3A_1650, %get3A_1651] {strides = array<i32>} : memref<8x8x128xf32, #tpu.memory_space<vmem>>, vector<16xf32>,
      %get3A_1653 = arith.constant 7 : i32
      %get3A_1654 = arith.constant 1 : i32
      %get3A_1655 = arith.index_cast %get3A_1653 : i32 to index
      %get3A_1656 = arith.index_cast %get3A_1654 : i32 to index
      %get3A_1657 = arith.index_cast %mul3A_12 : i32 to index
      %get3A_1658 = tpu.vector_load %arg7[%get3A_1655, %get3A_1656, %get3A_1657] {strides = array<i32>} : memref<8x8x128xf32, #tpu.memory_space<vmem>>, vector<16xf32>,
      %get3A_1659 = arith.constant 7 : i32
      %get3A_1660 = arith.constant 2 : i32
      %get3A_1661 = arith.index_cast %get3A_1659 : i32 to index
      %get3A_1662 = arith.index_cast %get3A_1660 : i32 to index
      %get3A_1663 = arith.index_cast %mul3A_12 : i32 to index
      %get3A_1664 = tpu.vector_load %arg7[%get3A_1661, %get3A_1662, %get3A_1663] {strides = array<i32>} : memref<8x8x128xf32, #tpu.memory_space<vmem>>, vector<16xf32>,
      %get3A_1665 = arith.constant 7 : i32
      %get3A_1666 = arith.constant 3 : i32
      %get3A_1667 = arith.index_cast %get3A_1665 : i32 to index
      %get3A_1668 = arith.index_cast %get3A_1666 : i32 to index
      %get3A_1669 = arith.index_cast %mul3A_12 : i32 to index
      %get3A_1670 = tpu.vector_load %arg7[%get3A_1667, %get3A_1668, %get3A_1669] {strides = array<i32>} : memref<8x8x128xf32, #tpu.memory_space<vmem>>, vector<16xf32>,
      %get3A_1671 = arith.constant 7 : i32
      %get3A_1672 = arith.constant 4 : i32
      %get3A_1673 = arith.index_cast %get3A_1671 : i32 to index
      %get3A_1674 = arith.index_cast %get3A_1672 : i32 to index
      %get3A_1675 = arith.index_cast %mul3A_12 : i32 to index
      %get3A_1676 = tpu.vector_load %arg7[%get3A_1673, %get3A_1674, %get3A_1675] {strides = array<i32>} : memref<8x8x128xf32, #tpu.memory_space<vmem>>, vector<16xf32>,
      %get3A_1677 = arith.constant 7 : i32
      %get3A_1678 = arith.constant 5 : i32
      %get3A_1679 = arith.index_cast %get3A_1677 : i32 to index
      %get3A_1680 = arith.index_cast %get3A_1678 : i32 to index
      %get3A_1681 = arith.index_cast %mul3A_12 : i32 to index
      %get3A_1682 = tpu.vector_load %arg7[%get3A_1679, %get3A_1680, %get3A_1681] {strides = array<i32>} : memref<8x8x128xf32, #tpu.memory_space<vmem>>, vector<16xf32>,
      %get3A_1683 = arith.constant 7 : i32
      %get3A_1684 = arith.constant 6 : i32
      %get3A_1685 = arith.index_cast %get3A_1683 : i32 to index
      %get3A_1686 = arith.index_cast %get3A_1684 : i32 to index
      %get3A_1687 = arith.index_cast %mul3A_12 : i32 to index
      %get3A_1688 = tpu.vector_load %arg7[%get3A_1685, %get3A_1686, %get3A_1687] {strides = array<i32>} : memref<8x8x128xf32, #tpu.memory_space<vmem>>, vector<16xf32>,
      %get3A_1689 = arith.constant 7 : i32
      %get3A_1690 = arith.constant 7 : i32
      %get3A_1691 = arith.index_cast %get3A_1689 : i32 to index
      %get3A_1692 = arith.index_cast %get3A_1690 : i32 to index
      %get3A_1693 = arith.index_cast %mul3A_12 : i32 to index
      %get3A_1694 = tpu.vector_load %arg7[%get3A_1691, %get3A_1692, %get3A_1693] {strides = array<i32>} : memref<8x8x128xf32, #tpu.memory_space<vmem>>, vector<16xf32>,
      %broadcast_in_dim3A_1695 = arith.constant 0 : i32
      %broadcast_in_dim3A_1696 = vector.broadcast %broadcast_in_dim3A_1695 : i32 to vector<16xi32>
      %gt3A_1697 = arith.cmpf ogt, %get3A_1658, %get3A_1652 : vector<16xf32>
      %select_n3A_1698 = arith.select %gt3A_1697, %get3A_1658, %get3A_1652 : vector<16xi1>, vector<16xf32>
      %jit3A_1699 = arith.constant 1 : i32
      %broadcast_in_dim3A_1700 = vector.broadcast %jit3A_1699 : i32 to vector<16xi32>
      %select_n3A_1701 = arith.select %gt3A_1697, %broadcast_in_dim3A_1700, %broadcast_in_dim3A_1696 : vector<16xi1>, vector<16xi32>
      %gt3A_1702 = arith.cmpf ogt, %get3A_1664, %select_n3A_1698 : vector<16xf32>
      %select_n3A_1703 = arith.select %gt3A_1702, %get3A_1664, %select_n3A_1698 : vector<16xi1>, vector<16xf32>
      %jit3A_1704 = arith.constant 2 : i32
      %broadcast_in_dim3A_1705 = vector.broadcast %jit3A_1704 : i32 to vector<16xi32>
      %select_n3A_1706 = arith.select %gt3A_1702, %broadcast_in_dim3A_1705, %select_n3A_1701 : vector<16xi1>, vector<16xi32>
      %gt3A_1707 = arith.cmpf ogt, %get3A_1670, %select_n3A_1703 : vector<16xf32>
      %select_n3A_1708 = arith.select %gt3A_1707, %get3A_1670, %select_n3A_1703 : vector<16xi1>, vector<16xf32>
      %jit3A_1709 = arith.constant 3 : i32
      %broadcast_in_dim3A_1710 = vector.broadcast %jit3A_1709 : i32 to vector<16xi32>
      %select_n3A_1711 = arith.select %gt3A_1707, %broadcast_in_dim3A_1710, %select_n3A_1706 : vector<16xi1>, vector<16xi32>
      %gt3A_1712 = arith.cmpf ogt, %get3A_1676, %select_n3A_1708 : vector<16xf32>
      %select_n3A_1713 = arith.select %gt3A_1712, %get3A_1676, %select_n3A_1708 : vector<16xi1>, vector<16xf32>
      %jit3A_1714 = arith.constant 4 : i32
      %broadcast_in_dim3A_1715 = vector.broadcast %jit3A_1714 : i32 to vector<16xi32>
      %select_n3A_1716 = arith.select %gt3A_1712, %broadcast_in_dim3A_1715, %select_n3A_1711 : vector<16xi1>, vector<16xi32>
      %gt3A_1717 = arith.cmpf ogt, %get3A_1682, %select_n3A_1713 : vector<16xf32>
      %select_n3A_1718 = arith.select %gt3A_1717, %get3A_1682, %select_n3A_1713 : vector<16xi1>, vector<16xf32>
      %jit3A_1719 = arith.constant 5 : i32
      %broadcast_in_dim3A_1720 = vector.broadcast %jit3A_1719 : i32 to vector<16xi32>
      %select_n3A_1721 = arith.select %gt3A_1717, %broadcast_in_dim3A_1720, %select_n3A_1716 : vector<16xi1>, vector<16xi32>
      %gt3A_1722 = arith.cmpf ogt, %get3A_1688, %select_n3A_1718 : vector<16xf32>
      %select_n3A_1723 = arith.select %gt3A_1722, %get3A_1688, %select_n3A_1718 : vector<16xi1>, vector<16xf32>
      %jit3A_1724 = arith.constant 6 : i32
      %broadcast_in_dim3A_1725 = vector.broadcast %jit3A_1724 : i32 to vector<16xi32>
      %select_n3A_1726 = arith.select %gt3A_1722, %broadcast_in_dim3A_1725, %select_n3A_1721 : vector<16xi1>, vector<16xi32>
      %gt3A_1727 = arith.cmpf ogt, %get3A_1694, %select_n3A_1723 : vector<16xf32>
      %select_n3A_1728 = arith.select %gt3A_1727, %get3A_1694, %select_n3A_1723 : vector<16xi1>, vector<16xf32>
      %jit3A_1729 = arith.constant 7 : i32
      %broadcast_in_dim3A_1730 = vector.broadcast %jit3A_1729 : i32 to vector<16xi32>
      %select_n3A_1731 = arith.select %gt3A_1727, %broadcast_in_dim3A_1730, %select_n3A_1726 : vector<16xi1>, vector<16xi32>
      %broadcast_in_dim3A_1732 = arith.constant -3.000000e+38 : f32
      %broadcast_in_dim3A_1733 = vector.broadcast %broadcast_in_dim3A_1732 : f32 to vector<16xf32>
      %broadcast_in_dim3A_1734 = arith.constant 0 : i32
      %broadcast_in_dim3A_1735 = vector.broadcast %broadcast_in_dim3A_1734 : i32 to vector<16xi32>
      %eq3A_1736 = arith.constant 0 : i32
      %eq3A_1737 = vector.broadcast %eq3A_1736 : i32 to vector<16xi32>
      %eq3A_1738 = arith.cmpi eq, %select_n3A_1731, %eq3A_1737 : vector<16xi32>
      %jit3A_1739 = arith.constant -3.000000e+38 : f32
      %broadcast_in_dim3A_1740 = vector.broadcast %jit3A_1739 : f32 to vector<16xf32>
      %select_n3A_1741 = arith.select %eq3A_1738, %broadcast_in_dim3A_1740, %get3A_1652 : vector<16xi1>, vector<16xf32>
      %gt3A_1742 = arith.cmpf ogt, %select_n3A_1741, %broadcast_in_dim3A_1733 : vector<16xf32>
      %select_n3A_1743 = arith.select %gt3A_1742, %select_n3A_1741, %broadcast_in_dim3A_1733 : vector<16xi1>, vector<16xf32>
      %jit3A_1744 = arith.constant 0 : i32
      %broadcast_in_dim3A_1745 = vector.broadcast %jit3A_1744 : i32 to vector<16xi32>
      %select_n3A_1746 = arith.select %gt3A_1742, %broadcast_in_dim3A_1745, %broadcast_in_dim3A_1735 : vector<16xi1>, vector<16xi32>
      %eq3A_1747 = arith.constant 1 : i32
      %eq3A_1748 = vector.broadcast %eq3A_1747 : i32 to vector<16xi32>
      %eq3A_1749 = arith.cmpi eq, %select_n3A_1731, %eq3A_1748 : vector<16xi32>
      %jit3A_1750 = arith.constant -3.000000e+38 : f32
      %broadcast_in_dim3A_1751 = vector.broadcast %jit3A_1750 : f32 to vector<16xf32>
      %select_n3A_1752 = arith.select %eq3A_1749, %broadcast_in_dim3A_1751, %get3A_1658 : vector<16xi1>, vector<16xf32>
      %gt3A_1753 = arith.cmpf ogt, %select_n3A_1752, %select_n3A_1743 : vector<16xf32>
      %select_n3A_1754 = arith.select %gt3A_1753, %select_n3A_1752, %select_n3A_1743 : vector<16xi1>, vector<16xf32>
      %jit3A_1755 = arith.constant 1 : i32
      %broadcast_in_dim3A_1756 = vector.broadcast %jit3A_1755 : i32 to vector<16xi32>
      %select_n3A_1757 = arith.select %gt3A_1753, %broadcast_in_dim3A_1756, %select_n3A_1746 : vector<16xi1>, vector<16xi32>
      %eq3A_1758 = arith.constant 2 : i32
      %eq3A_1759 = vector.broadcast %eq3A_1758 : i32 to vector<16xi32>
      %eq3A_1760 = arith.cmpi eq, %select_n3A_1731, %eq3A_1759 : vector<16xi32>
      %jit3A_1761 = arith.constant -3.000000e+38 : f32
      %broadcast_in_dim3A_1762 = vector.broadcast %jit3A_1761 : f32 to vector<16xf32>
      %select_n3A_1763 = arith.select %eq3A_1760, %broadcast_in_dim3A_1762, %get3A_1664 : vector<16xi1>, vector<16xf32>
      %gt3A_1764 = arith.cmpf ogt, %select_n3A_1763, %select_n3A_1754 : vector<16xf32>
      %select_n3A_1765 = arith.select %gt3A_1764, %select_n3A_1763, %select_n3A_1754 : vector<16xi1>, vector<16xf32>
      %jit3A_1766 = arith.constant 2 : i32
      %broadcast_in_dim3A_1767 = vector.broadcast %jit3A_1766 : i32 to vector<16xi32>
      %select_n3A_1768 = arith.select %gt3A_1764, %broadcast_in_dim3A_1767, %select_n3A_1757 : vector<16xi1>, vector<16xi32>
      %eq3A_1769 = arith.constant 3 : i32
      %eq3A_1770 = vector.broadcast %eq3A_1769 : i32 to vector<16xi32>
      %eq3A_1771 = arith.cmpi eq, %select_n3A_1731, %eq3A_1770 : vector<16xi32>
      %jit3A_1772 = arith.constant -3.000000e+38 : f32
      %broadcast_in_dim3A_1773 = vector.broadcast %jit3A_1772 : f32 to vector<16xf32>
      %select_n3A_1774 = arith.select %eq3A_1771, %broadcast_in_dim3A_1773, %get3A_1670 : vector<16xi1>, vector<16xf32>
      %gt3A_1775 = arith.cmpf ogt, %select_n3A_1774, %select_n3A_1765 : vector<16xf32>
      %select_n3A_1776 = arith.select %gt3A_1775, %select_n3A_1774, %select_n3A_1765 : vector<16xi1>, vector<16xf32>
      %jit3A_1777 = arith.constant 3 : i32
      %broadcast_in_dim3A_1778 = vector.broadcast %jit3A_1777 : i32 to vector<16xi32>
      %select_n3A_1779 = arith.select %gt3A_1775, %broadcast_in_dim3A_1778, %select_n3A_1768 : vector<16xi1>, vector<16xi32>
      %eq3A_1780 = arith.constant 4 : i32
      %eq3A_1781 = vector.broadcast %eq3A_1780 : i32 to vector<16xi32>
      %eq3A_1782 = arith.cmpi eq, %select_n3A_1731, %eq3A_1781 : vector<16xi32>
      %jit3A_1783 = arith.constant -3.000000e+38 : f32
      %broadcast_in_dim3A_1784 = vector.broadcast %jit3A_1783 : f32 to vector<16xf32>
      %select_n3A_1785 = arith.select %eq3A_1782, %broadcast_in_dim3A_1784, %get3A_1676 : vector<16xi1>, vector<16xf32>
      %gt3A_1786 = arith.cmpf ogt, %select_n3A_1785, %select_n3A_1776 : vector<16xf32>
      %select_n3A_1787 = arith.select %gt3A_1786, %select_n3A_1785, %select_n3A_1776 : vector<16xi1>, vector<16xf32>
      %jit3A_1788 = arith.constant 4 : i32
      %broadcast_in_dim3A_1789 = vector.broadcast %jit3A_1788 : i32 to vector<16xi32>
      %select_n3A_1790 = arith.select %gt3A_1786, %broadcast_in_dim3A_1789, %select_n3A_1779 : vector<16xi1>, vector<16xi32>
      %eq3A_1791 = arith.constant 5 : i32
      %eq3A_1792 = vector.broadcast %eq3A_1791 : i32 to vector<16xi32>
      %eq3A_1793 = arith.cmpi eq, %select_n3A_1731, %eq3A_1792 : vector<16xi32>
      %jit3A_1794 = arith.constant -3.000000e+38 : f32
      %broadcast_in_dim3A_1795 = vector.broadcast %jit3A_1794 : f32 to vector<16xf32>
      %select_n3A_1796 = arith.select %eq3A_1793, %broadcast_in_dim3A_1795, %get3A_1682 : vector<16xi1>, vector<16xf32>
      %gt3A_1797 = arith.cmpf ogt, %select_n3A_1796, %select_n3A_1787 : vector<16xf32>
      %select_n3A_1798 = arith.select %gt3A_1797, %select_n3A_1796, %select_n3A_1787 : vector<16xi1>, vector<16xf32>
      %jit3A_1799 = arith.constant 5 : i32
      %broadcast_in_dim3A_1800 = vector.broadcast %jit3A_1799 : i32 to vector<16xi32>
      %select_n3A_1801 = arith.select %gt3A_1797, %broadcast_in_dim3A_1800, %select_n3A_1790 : vector<16xi1>, vector<16xi32>
      %eq3A_1802 = arith.constant 6 : i32
      %eq3A_1803 = vector.broadcast %eq3A_1802 : i32 to vector<16xi32>
      %eq3A_1804 = arith.cmpi eq, %select_n3A_1731, %eq3A_1803 : vector<16xi32>
      %jit3A_1805 = arith.constant -3.000000e+38 : f32
      %broadcast_in_dim3A_1806 = vector.broadcast %jit3A_1805 : f32 to vector<16xf32>
      %select_n3A_1807 = arith.select %eq3A_1804, %broadcast_in_dim3A_1806, %get3A_1688 : vector<16xi1>, vector<16xf32>
      %gt3A_1808 = arith.cmpf ogt, %select_n3A_1807, %select_n3A_1798 : vector<16xf32>
      %select_n3A_1809 = arith.select %gt3A_1808, %select_n3A_1807, %select_n3A_1798 : vector<16xi1>, vector<16xf32>
      %jit3A_1810 = arith.constant 6 : i32
      %broadcast_in_dim3A_1811 = vector.broadcast %jit3A_1810 : i32 to vector<16xi32>
      %select_n3A_1812 = arith.select %gt3A_1808, %broadcast_in_dim3A_1811, %select_n3A_1801 : vector<16xi1>, vector<16xi32>
      %eq3A_1813 = arith.constant 7 : i32
      %eq3A_1814 = vector.broadcast %eq3A_1813 : i32 to vector<16xi32>
      %eq3A_1815 = arith.cmpi eq, %select_n3A_1731, %eq3A_1814 : vector<16xi32>
      %jit3A_1816 = arith.constant -3.000000e+38 : f32
      %broadcast_in_dim3A_1817 = vector.broadcast %jit3A_1816 : f32 to vector<16xf32>
      %select_n3A_1818 = arith.select %eq3A_1815, %broadcast_in_dim3A_1817, %get3A_1694 : vector<16xi1>, vector<16xf32>
      %gt3A_1819 = arith.cmpf ogt, %select_n3A_1818, %select_n3A_1809 : vector<16xf32>
      %select_n3A_1820 = arith.select %gt3A_1819, %select_n3A_1818, %select_n3A_1809 : vector<16xi1>, vector<16xf32>
      %jit3A_1821 = arith.constant 7 : i32
      %broadcast_in_dim3A_1822 = vector.broadcast %jit3A_1821 : i32 to vector<16xi32>
      %select_n3A_1823 = arith.select %gt3A_1819, %broadcast_in_dim3A_1822, %select_n3A_1812 : vector<16xi1>, vector<16xi32>
      %sub3A_1824 = arith.subf %select_n3A_1820, %select_n3A_1728 : vector<16xf32>
      %exp3A_1825 = math.exp %sub3A_1824 : vector<16xf32>
      %mul3A_1826 = arith.mulf %exp3A_1825, %exp3A_1825 : vector<16xf32>
      %add3A_1827 = arith.constant 1.000000e+00 : f32
      %add3A_1828 = vector.broadcast %add3A_1827 : f32 to vector<16xf32>
      %add3A_1829 = arith.addf %add3A_1828, %mul3A_1826 : vector<16xf32>
      %bitcast_convert_type3A_1830 = tpu.bitcast %add3A_1829 : vector<16xf32> -> vector<16xi32>
      %shift_right_arithmetic3A_1831 = arith.constant 1 : i32
      %shift_right_arithmetic3A_1832 = vector.broadcast %shift_right_arithmetic3A_1831 : i32 to vector<16xi32>
      %shift_right_arithmetic3A_1833 = arith.shrsi %bitcast_convert_type3A_1830, %shift_right_arithmetic3A_1832 : vector<16xi32>
      %sub3A_1834 = arith.constant 1597463007 : i32
      %sub3A_1835 = vector.broadcast %sub3A_1834 : i32 to vector<16xi32>
      %sub3A_1836 = arith.subi %sub3A_1835, %shift_right_arithmetic3A_1833 : vector<16xi32>
      %bitcast_convert_type3A_1837 = tpu.bitcast %sub3A_1836 : vector<16xi32> -> vector<16xf32>
      %mul3A_1838 = arith.constant 5.000000e-01 : f32
      %mul3A_1839 = vector.broadcast %mul3A_1838 : f32 to vector<16xf32>
      %mul3A_1840 = arith.mulf %mul3A_1839, %add3A_1829 : vector<16xf32>
      %mul3A_1841 = arith.mulf %mul3A_1840, %bitcast_convert_type3A_1837 : vector<16xf32>
      %mul3A_1842 = arith.mulf %mul3A_1841, %bitcast_convert_type3A_1837 : vector<16xf32>
      %sub3A_1843 = arith.constant 1.500000e+00 : f32
      %sub3A_1844 = vector.broadcast %sub3A_1843 : f32 to vector<16xf32>
      %sub3A_1845 = arith.subf %sub3A_1844, %mul3A_1842 : vector<16xf32>
      %mul3A_1846 = arith.mulf %bitcast_convert_type3A_1837, %sub3A_1845 : vector<16xf32>
      %mul3A_1847 = arith.constant 5.000000e-01 : f32
      %mul3A_1848 = vector.broadcast %mul3A_1847 : f32 to vector<16xf32>
      %mul3A_1849 = arith.mulf %mul3A_1848, %add3A_1829 : vector<16xf32>
      %mul3A_1850 = arith.mulf %mul3A_1849, %mul3A_1846 : vector<16xf32>
      %mul3A_1851 = arith.mulf %mul3A_1850, %mul3A_1846 : vector<16xf32>
      %sub3A_1852 = arith.constant 1.500000e+00 : f32
      %sub3A_1853 = vector.broadcast %sub3A_1852 : f32 to vector<16xf32>
      %sub3A_1854 = arith.subf %sub3A_1853, %mul3A_1851 : vector<16xf32>
      %mul3A_1855 = arith.mulf %mul3A_1846, %sub3A_1854 : vector<16xf32>
      %mul3A_1856 = arith.constant 5.000000e-01 : f32
      %mul3A_1857 = vector.broadcast %mul3A_1856 : f32 to vector<16xf32>
      %mul3A_1858 = arith.mulf %mul3A_1857, %add3A_1829 : vector<16xf32>
      %mul3A_1859 = arith.mulf %mul3A_1858, %mul3A_1855 : vector<16xf32>
      %mul3A_1860 = arith.mulf %mul3A_1859, %mul3A_1855 : vector<16xf32>
      %sub3A_1861 = arith.constant 1.500000e+00 : f32
      %sub3A_1862 = vector.broadcast %sub3A_1861 : f32 to vector<16xf32>
      %sub3A_1863 = arith.subf %sub3A_1862, %mul3A_1860 : vector<16xf32>
      %mul3A_1864 = arith.mulf %mul3A_1855, %sub3A_1863 : vector<16xf32>
      %add3A_1865 = arith.constant 896 : i32
      %add3A_1866 = arith.addi %add3A_1865, %mul3A_12 : i32
      %mul3A_1867 = arith.constant 2.000000e+00 : f32
      %mul3A_1868 = vector.broadcast %mul3A_1867 : f32 to vector<16xf32>
      %mul3A_1869 = arith.mulf %mul3A_1868, %mul3A_1864 : vector<16xf32>
      %swap3A_1870 = arith.index_cast %add3A_1866 : i32 to index
      %swap3A_1871 = tpu.vector_load %arg8[%swap3A_1870] {strides = array<i32>} : memref<1024xf32, #tpu.memory_space<vmem>>, vector<16xf32>,
      tpu.vector_store %arg8[%swap3A_1870], %mul3A_1869 {strides = array<i32>} : memref<1024xf32, #tpu.memory_space<vmem>>, vector<16xf32>,
      %mul3A_1872 = arith.constant 2.000000e+00 : f32
      %mul3A_1873 = vector.broadcast %mul3A_1872 : f32 to vector<16xf32>
      %mul3A_1874 = arith.mulf %mul3A_1873, %exp3A_1825 : vector<16xf32>
      %mul3A_1875 = arith.mulf %mul3A_1874, %mul3A_1864 : vector<16xf32>
      %swap3A_1876 = arith.index_cast %add3A_1866 : i32 to index
      %swap3A_1877 = tpu.vector_load %arg9[%swap3A_1876] {strides = array<i32>} : memref<1024xf32, #tpu.memory_space<vmem>>, vector<16xf32>,
      tpu.vector_store %arg9[%swap3A_1876], %mul3A_1875 {strides = array<i32>} : memref<1024xf32, #tpu.memory_space<vmem>>, vector<16xf32>,
      %swap3A_1878 = arith.index_cast %add3A_1866 : i32 to index
      %swap3A_1879 = tpu.vector_load %arg10[%swap3A_1878] {strides = array<i32>} : memref<1024xi32, #tpu.memory_space<vmem>>, vector<16xi32>,
      tpu.vector_store %arg10[%swap3A_1878], %select_n3A_1731 {strides = array<i32>} : memref<1024xi32, #tpu.memory_space<vmem>>, vector<16xi32>,
      %swap3A_1880 = arith.index_cast %add3A_1866 : i32 to index
      %swap3A_1881 = tpu.vector_load %arg11[%swap3A_1880] {strides = array<i32>} : memref<1024xi32, #tpu.memory_space<vmem>>, vector<16xi32>,
      tpu.vector_store %arg11[%swap3A_1880], %select_n3A_1823 {strides = array<i32>} : memref<1024xi32, #tpu.memory_space<vmem>>, vector<16xi32>,
    }
    %scan3A_9 = arith.constant 8 : i32
    "tpu.region"() ({
      %run_scoped3A = tpu.sem_alloc : memref<!tpu.dma_semaphore, #tpu.memory_space<semaphore_mem>>
      %dma_start3A = tpu.memref_slice %arg3[%mul3A_2] : memref<32768xf32, #tpu.memory_space<hbm>> -> memref<1024xf32, #tpu.memory_space<hbm>>
      %dma_start3A_10 = tpu.memref_slice %arg3[%mul3A_2] : memref<32768xf32, #tpu.memory_space<hbm>> -> memref<1024xf32, #tpu.memory_space<hbm>>
      tpu.enqueue_dma source(%arg8 : memref<1024xf32, #tpu.memory_space<vmem>>) target(%dma_start3A_10 : memref<1024xf32, #tpu.memory_space<hbm>>) target_semaphore(%run_scoped3A : memref<!tpu.dma_semaphore, #tpu.memory_space<semaphore_mem>>)
      %dma_wait3A = tpu.memref_slice %arg3[%mul3A_2] : memref<32768xf32, #tpu.memory_space<hbm>> -> memref<1024xf32, #tpu.memory_space<hbm>>
      %dma_wait3A_11 = tpu.memref_slice %arg3[%mul3A_2] : memref<32768xf32, #tpu.memory_space<hbm>> -> memref<1024xf32, #tpu.memory_space<hbm>>
      tpu.wait_dma2 semaphore(%run_scoped3A : memref<!tpu.dma_semaphore, #tpu.memory_space<semaphore_mem>>) src(%arg8 : memref<1024xf32, #tpu.memory_space<vmem>>) dst(%dma_wait3A_11 : memref<1024xf32, #tpu.memory_space<hbm>>)
      tpu.yield
    }) : () -> ()
    "tpu.region"() ({
      %run_scoped3A = tpu.sem_alloc : memref<!tpu.dma_semaphore, #tpu.memory_space<semaphore_mem>>
      %dma_start3A = tpu.memref_slice %arg4[%mul3A_2] : memref<32768xf32, #tpu.memory_space<hbm>> -> memref<1024xf32, #tpu.memory_space<hbm>>
      %dma_start3A_10 = tpu.memref_slice %arg4[%mul3A_2] : memref<32768xf32, #tpu.memory_space<hbm>> -> memref<1024xf32, #tpu.memory_space<hbm>>
      tpu.enqueue_dma source(%arg9 : memref<1024xf32, #tpu.memory_space<vmem>>) target(%dma_start3A_10 : memref<1024xf32, #tpu.memory_space<hbm>>) target_semaphore(%run_scoped3A : memref<!tpu.dma_semaphore, #tpu.memory_space<semaphore_mem>>)
      %dma_wait3A = tpu.memref_slice %arg4[%mul3A_2] : memref<32768xf32, #tpu.memory_space<hbm>> -> memref<1024xf32, #tpu.memory_space<hbm>>
      %dma_wait3A_11 = tpu.memref_slice %arg4[%mul3A_2] : memref<32768xf32, #tpu.memory_space<hbm>> -> memref<1024xf32, #tpu.memory_space<hbm>>
      tpu.wait_dma2 semaphore(%run_scoped3A : memref<!tpu.dma_semaphore, #tpu.memory_space<semaphore_mem>>) src(%arg9 : memref<1024xf32, #tpu.memory_space<vmem>>) dst(%dma_wait3A_11 : memref<1024xf32, #tpu.memory_space<hbm>>)
      tpu.yield
    }) : () -> ()
    "tpu.region"() ({
      %run_scoped3A = tpu.sem_alloc : memref<!tpu.dma_semaphore, #tpu.memory_space<semaphore_mem>>
      %dma_start3A = tpu.memref_slice %arg5[%mul3A_2] : memref<32768xi32, #tpu.memory_space<hbm>> -> memref<1024xi32, #tpu.memory_space<hbm>>
      %dma_start3A_10 = tpu.memref_slice %arg5[%mul3A_2] : memref<32768xi32, #tpu.memory_space<hbm>> -> memref<1024xi32, #tpu.memory_space<hbm>>
      tpu.enqueue_dma source(%arg10 : memref<1024xi32, #tpu.memory_space<vmem>>) target(%dma_start3A_10 : memref<1024xi32, #tpu.memory_space<hbm>>) target_semaphore(%run_scoped3A : memref<!tpu.dma_semaphore, #tpu.memory_space<semaphore_mem>>)
      %dma_wait3A = tpu.memref_slice %arg5[%mul3A_2] : memref<32768xi32, #tpu.memory_space<hbm>> -> memref<1024xi32, #tpu.memory_space<hbm>>
      %dma_wait3A_11 = tpu.memref_slice %arg5[%mul3A_2] : memref<32768xi32, #tpu.memory_space<hbm>> -> memref<1024xi32, #tpu.memory_space<hbm>>
      tpu.wait_dma2 semaphore(%run_scoped3A : memref<!tpu.dma_semaphore, #tpu.memory_space<semaphore_mem>>) src(%arg10 : memref<1024xi32, #tpu.memory_space<vmem>>) dst(%dma_wait3A_11 : memref<1024xi32, #tpu.memory_space<hbm>>)
      tpu.yield
    }) : () -> ()
    "tpu.region"() ({
      %run_scoped3A = tpu.sem_alloc : memref<!tpu.dma_semaphore, #tpu.memory_space<semaphore_mem>>
      %dma_start3A = tpu.memref_slice %arg6[%mul3A_2] : memref<32768xi32, #tpu.memory_space<hbm>> -> memref<1024xi32, #tpu.memory_space<hbm>>
      %dma_start3A_10 = tpu.memref_slice %arg6[%mul3A_2] : memref<32768xi32, #tpu.memory_space<hbm>> -> memref<1024xi32, #tpu.memory_space<hbm>>
      tpu.enqueue_dma source(%arg11 : memref<1024xi32, #tpu.memory_space<vmem>>) target(%dma_start3A_10 : memref<1024xi32, #tpu.memory_space<hbm>>) target_semaphore(%run_scoped3A : memref<!tpu.dma_semaphore, #tpu.memory_space<semaphore_mem>>)
      %dma_wait3A = tpu.memref_slice %arg6[%mul3A_2] : memref<32768xi32, #tpu.memory_space<hbm>> -> memref<1024xi32, #tpu.memory_space<hbm>>
      %dma_wait3A_11 = tpu.memref_slice %arg6[%mul3A_2] : memref<32768xi32, #tpu.memory_space<hbm>> -> memref<1024xi32, #tpu.memory_space<hbm>>
      tpu.wait_dma2 semaphore(%run_scoped3A : memref<!tpu.dma_semaphore, #tpu.memory_space<semaphore_mem>>) src(%arg11 : memref<1024xi32, #tpu.memory_space<vmem>>) dst(%dma_wait3A_11 : memref<1024xi32, #tpu.memory_space<hbm>>)
      tpu.yield
    }) : () -> ()
    return
  }
}

module attributes {stable_mosaic.version = 14 : i64} {
  func.func @_gate_body(%arg0: i32, %arg1: memref<4096x768xf32, #tpu.memory_space<vmem>>, %arg2: memref<8x768xf32, #tpu.memory_space<vmem>>, %arg3: memref<32x8x128xf32, #tpu.memory_space<vmem>>) attributes {dimension_semantics = [#tpu.dimension_semantics<arbitrary>], iteration_bounds = array<i64: 8>, scalar_prefetch = 0 : i64, scratch_operands = 0 : i64, tpu.core_type = #tpu.core_type<tc>, window_params = [{transform_indices = @transform_0, window_bounds = array<i64: 4096, 768>}, {pipeline_mode = #tpu.pipeline_mode<synchronous>, transform_indices = @transform_1, window_bounds = array<i64: 8, 768>}, {transform_indices = @transform_2, window_bounds = array<i64: 32, 8, 128>}]} {
    %get3A = arith.constant 0 : index
    %get3A_0 = arith.constant 0 : index
    %get3A_1 = vector.load %arg2[%get3A, %get3A_0] : memref<8x768xf32, #tpu.memory_space<vmem>>, vector<8x768xf32>
    %get3A_2 = arith.constant 0 : index
    %get3A_3 = arith.constant 0 : index
    %get3A_4 = vector.load %arg1[%get3A_2, %get3A_3] : memref<4096x768xf32, #tpu.memory_space<vmem>>, vector<4096x768xf32>
    %dot_general3A = arith.constant dense<0.000000e+00> : vector<8x4096xf32>
    %dot_general3A_5 = tpu.matmul %get3A_1, %get3A_4, %dot_general3A {dimension_numbers = #tpu.dot_dimension_numbers<[1], [1], [0], [0], [0, 0, 1, 0], [], []>, transpose_lhs_hint = false} : vector<8x768xf32>, vector<4096x768xf32>, vector<8x4096xf32> -> vector<8x4096xf32>
    %slice3A = vector.extract_strided_slice %dot_general3A_5 {offsets = [0, 0], sizes = [8, 128], strides = [1, 1]} : vector<8x4096xf32> to vector<8x128xf32>
    %swap3A = arith.constant 0 : index
    %swap3A_6 = arith.constant 0 : index
    %swap3A_7 = arith.constant 0 : index
    %swap3A_8 = vector.load %arg3[%swap3A, %swap3A_6, %swap3A_7] : memref<32x8x128xf32, #tpu.memory_space<vmem>>, vector<1x8x128xf32>
    %swap3A_9 = vector.shape_cast %swap3A_8 : vector<1x8x128xf32> to vector<8x128xf32>
    %swap3A_10 = vector.shape_cast %slice3A : vector<8x128xf32> to vector<1x8x128xf32>
    tpu.vector_store %arg3[%swap3A, %swap3A_6, %swap3A_7], %swap3A_10 {strides = array<i32>} : memref<32x8x128xf32, #tpu.memory_space<vmem>>, vector<1x8x128xf32>,
    %slice3A_11 = vector.extract_strided_slice %dot_general3A_5 {offsets = [0, 128], sizes = [8, 128], strides = [1, 1]} : vector<8x4096xf32> to vector<8x128xf32>
    %swap3A_12 = arith.constant 1 : index
    %swap3A_13 = arith.constant 0 : index
    %swap3A_14 = arith.constant 0 : index
    %swap3A_15 = vector.load %arg3[%swap3A_12, %swap3A_13, %swap3A_14] : memref<32x8x128xf32, #tpu.memory_space<vmem>>, vector<1x8x128xf32>
    %swap3A_16 = vector.shape_cast %swap3A_15 : vector<1x8x128xf32> to vector<8x128xf32>
    %swap3A_17 = vector.shape_cast %slice3A_11 : vector<8x128xf32> to vector<1x8x128xf32>
    tpu.vector_store %arg3[%swap3A_12, %swap3A_13, %swap3A_14], %swap3A_17 {strides = array<i32>} : memref<32x8x128xf32, #tpu.memory_space<vmem>>, vector<1x8x128xf32>,
    %slice3A_18 = vector.extract_strided_slice %dot_general3A_5 {offsets = [0, 256], sizes = [8, 128], strides = [1, 1]} : vector<8x4096xf32> to vector<8x128xf32>
    %swap3A_19 = arith.constant 2 : index
    %swap3A_20 = arith.constant 0 : index
    %swap3A_21 = arith.constant 0 : index
    %swap3A_22 = vector.load %arg3[%swap3A_19, %swap3A_20, %swap3A_21] : memref<32x8x128xf32, #tpu.memory_space<vmem>>, vector<1x8x128xf32>
    %swap3A_23 = vector.shape_cast %swap3A_22 : vector<1x8x128xf32> to vector<8x128xf32>
    %swap3A_24 = vector.shape_cast %slice3A_18 : vector<8x128xf32> to vector<1x8x128xf32>
    tpu.vector_store %arg3[%swap3A_19, %swap3A_20, %swap3A_21], %swap3A_24 {strides = array<i32>} : memref<32x8x128xf32, #tpu.memory_space<vmem>>, vector<1x8x128xf32>,
    %slice3A_25 = vector.extract_strided_slice %dot_general3A_5 {offsets = [0, 384], sizes = [8, 128], strides = [1, 1]} : vector<8x4096xf32> to vector<8x128xf32>
    %swap3A_26 = arith.constant 3 : index
    %swap3A_27 = arith.constant 0 : index
    %swap3A_28 = arith.constant 0 : index
    %swap3A_29 = vector.load %arg3[%swap3A_26, %swap3A_27, %swap3A_28] : memref<32x8x128xf32, #tpu.memory_space<vmem>>, vector<1x8x128xf32>
    %swap3A_30 = vector.shape_cast %swap3A_29 : vector<1x8x128xf32> to vector<8x128xf32>
    %swap3A_31 = vector.shape_cast %slice3A_25 : vector<8x128xf32> to vector<1x8x128xf32>
    tpu.vector_store %arg3[%swap3A_26, %swap3A_27, %swap3A_28], %swap3A_31 {strides = array<i32>} : memref<32x8x128xf32, #tpu.memory_space<vmem>>, vector<1x8x128xf32>,
    %slice3A_32 = vector.extract_strided_slice %dot_general3A_5 {offsets = [0, 512], sizes = [8, 128], strides = [1, 1]} : vector<8x4096xf32> to vector<8x128xf32>
    %swap3A_33 = arith.constant 4 : index
    %swap3A_34 = arith.constant 0 : index
    %swap3A_35 = arith.constant 0 : index
    %swap3A_36 = vector.load %arg3[%swap3A_33, %swap3A_34, %swap3A_35] : memref<32x8x128xf32, #tpu.memory_space<vmem>>, vector<1x8x128xf32>
    %swap3A_37 = vector.shape_cast %swap3A_36 : vector<1x8x128xf32> to vector<8x128xf32>
    %swap3A_38 = vector.shape_cast %slice3A_32 : vector<8x128xf32> to vector<1x8x128xf32>
    tpu.vector_store %arg3[%swap3A_33, %swap3A_34, %swap3A_35], %swap3A_38 {strides = array<i32>} : memref<32x8x128xf32, #tpu.memory_space<vmem>>, vector<1x8x128xf32>,
    %slice3A_39 = vector.extract_strided_slice %dot_general3A_5 {offsets = [0, 640], sizes = [8, 128], strides = [1, 1]} : vector<8x4096xf32> to vector<8x128xf32>
    %swap3A_40 = arith.constant 5 : index
    %swap3A_41 = arith.constant 0 : index
    %swap3A_42 = arith.constant 0 : index
    %swap3A_43 = vector.load %arg3[%swap3A_40, %swap3A_41, %swap3A_42] : memref<32x8x128xf32, #tpu.memory_space<vmem>>, vector<1x8x128xf32>
    %swap3A_44 = vector.shape_cast %swap3A_43 : vector<1x8x128xf32> to vector<8x128xf32>
    %swap3A_45 = vector.shape_cast %slice3A_39 : vector<8x128xf32> to vector<1x8x128xf32>
    tpu.vector_store %arg3[%swap3A_40, %swap3A_41, %swap3A_42], %swap3A_45 {strides = array<i32>} : memref<32x8x128xf32, #tpu.memory_space<vmem>>, vector<1x8x128xf32>,
    %slice3A_46 = vector.extract_strided_slice %dot_general3A_5 {offsets = [0, 768], sizes = [8, 128], strides = [1, 1]} : vector<8x4096xf32> to vector<8x128xf32>
    %swap3A_47 = arith.constant 6 : index
    %swap3A_48 = arith.constant 0 : index
    %swap3A_49 = arith.constant 0 : index
    %swap3A_50 = vector.load %arg3[%swap3A_47, %swap3A_48, %swap3A_49] : memref<32x8x128xf32, #tpu.memory_space<vmem>>, vector<1x8x128xf32>
    %swap3A_51 = vector.shape_cast %swap3A_50 : vector<1x8x128xf32> to vector<8x128xf32>
    %swap3A_52 = vector.shape_cast %slice3A_46 : vector<8x128xf32> to vector<1x8x128xf32>
    tpu.vector_store %arg3[%swap3A_47, %swap3A_48, %swap3A_49], %swap3A_52 {strides = array<i32>} : memref<32x8x128xf32, #tpu.memory_space<vmem>>, vector<1x8x128xf32>,
    %slice3A_53 = vector.extract_strided_slice %dot_general3A_5 {offsets = [0, 896], sizes = [8, 128], strides = [1, 1]} : vector<8x4096xf32> to vector<8x128xf32>
    %swap3A_54 = arith.constant 7 : index
    %swap3A_55 = arith.constant 0 : index
    %swap3A_56 = arith.constant 0 : index
    %swap3A_57 = vector.load %arg3[%swap3A_54, %swap3A_55, %swap3A_56] : memref<32x8x128xf32, #tpu.memory_space<vmem>>, vector<1x8x128xf32>
    %swap3A_58 = vector.shape_cast %swap3A_57 : vector<1x8x128xf32> to vector<8x128xf32>
    %swap3A_59 = vector.shape_cast %slice3A_53 : vector<8x128xf32> to vector<1x8x128xf32>
    tpu.vector_store %arg3[%swap3A_54, %swap3A_55, %swap3A_56], %swap3A_59 {strides = array<i32>} : memref<32x8x128xf32, #tpu.memory_space<vmem>>, vector<1x8x128xf32>,
    %slice3A_60 = vector.extract_strided_slice %dot_general3A_5 {offsets = [0, 1024], sizes = [8, 128], strides = [1, 1]} : vector<8x4096xf32> to vector<8x128xf32>
    %swap3A_61 = arith.constant 8 : index
    %swap3A_62 = arith.constant 0 : index
    %swap3A_63 = arith.constant 0 : index
    %swap3A_64 = vector.load %arg3[%swap3A_61, %swap3A_62, %swap3A_63] : memref<32x8x128xf32, #tpu.memory_space<vmem>>, vector<1x8x128xf32>
    %swap3A_65 = vector.shape_cast %swap3A_64 : vector<1x8x128xf32> to vector<8x128xf32>
    %swap3A_66 = vector.shape_cast %slice3A_60 : vector<8x128xf32> to vector<1x8x128xf32>
    tpu.vector_store %arg3[%swap3A_61, %swap3A_62, %swap3A_63], %swap3A_66 {strides = array<i32>} : memref<32x8x128xf32, #tpu.memory_space<vmem>>, vector<1x8x128xf32>,
    %slice3A_67 = vector.extract_strided_slice %dot_general3A_5 {offsets = [0, 1152], sizes = [8, 128], strides = [1, 1]} : vector<8x4096xf32> to vector<8x128xf32>
    %swap3A_68 = arith.constant 9 : index
    %swap3A_69 = arith.constant 0 : index
    %swap3A_70 = arith.constant 0 : index
    %swap3A_71 = vector.load %arg3[%swap3A_68, %swap3A_69, %swap3A_70] : memref<32x8x128xf32, #tpu.memory_space<vmem>>, vector<1x8x128xf32>
    %swap3A_72 = vector.shape_cast %swap3A_71 : vector<1x8x128xf32> to vector<8x128xf32>
    %swap3A_73 = vector.shape_cast %slice3A_67 : vector<8x128xf32> to vector<1x8x128xf32>
    tpu.vector_store %arg3[%swap3A_68, %swap3A_69, %swap3A_70], %swap3A_73 {strides = array<i32>} : memref<32x8x128xf32, #tpu.memory_space<vmem>>, vector<1x8x128xf32>,
    %slice3A_74 = vector.extract_strided_slice %dot_general3A_5 {offsets = [0, 1280], sizes = [8, 128], strides = [1, 1]} : vector<8x4096xf32> to vector<8x128xf32>
    %swap3A_75 = arith.constant 10 : index
    %swap3A_76 = arith.constant 0 : index
    %swap3A_77 = arith.constant 0 : index
    %swap3A_78 = vector.load %arg3[%swap3A_75, %swap3A_76, %swap3A_77] : memref<32x8x128xf32, #tpu.memory_space<vmem>>, vector<1x8x128xf32>
    %swap3A_79 = vector.shape_cast %swap3A_78 : vector<1x8x128xf32> to vector<8x128xf32>
    %swap3A_80 = vector.shape_cast %slice3A_74 : vector<8x128xf32> to vector<1x8x128xf32>
    tpu.vector_store %arg3[%swap3A_75, %swap3A_76, %swap3A_77], %swap3A_80 {strides = array<i32>} : memref<32x8x128xf32, #tpu.memory_space<vmem>>, vector<1x8x128xf32>,
    %slice3A_81 = vector.extract_strided_slice %dot_general3A_5 {offsets = [0, 1408], sizes = [8, 128], strides = [1, 1]} : vector<8x4096xf32> to vector<8x128xf32>
    %swap3A_82 = arith.constant 11 : index
    %swap3A_83 = arith.constant 0 : index
    %swap3A_84 = arith.constant 0 : index
    %swap3A_85 = vector.load %arg3[%swap3A_82, %swap3A_83, %swap3A_84] : memref<32x8x128xf32, #tpu.memory_space<vmem>>, vector<1x8x128xf32>
    %swap3A_86 = vector.shape_cast %swap3A_85 : vector<1x8x128xf32> to vector<8x128xf32>
    %swap3A_87 = vector.shape_cast %slice3A_81 : vector<8x128xf32> to vector<1x8x128xf32>
    tpu.vector_store %arg3[%swap3A_82, %swap3A_83, %swap3A_84], %swap3A_87 {strides = array<i32>} : memref<32x8x128xf32, #tpu.memory_space<vmem>>, vector<1x8x128xf32>,
    %slice3A_88 = vector.extract_strided_slice %dot_general3A_5 {offsets = [0, 1536], sizes = [8, 128], strides = [1, 1]} : vector<8x4096xf32> to vector<8x128xf32>
    %swap3A_89 = arith.constant 12 : index
    %swap3A_90 = arith.constant 0 : index
    %swap3A_91 = arith.constant 0 : index
    %swap3A_92 = vector.load %arg3[%swap3A_89, %swap3A_90, %swap3A_91] : memref<32x8x128xf32, #tpu.memory_space<vmem>>, vector<1x8x128xf32>
    %swap3A_93 = vector.shape_cast %swap3A_92 : vector<1x8x128xf32> to vector<8x128xf32>
    %swap3A_94 = vector.shape_cast %slice3A_88 : vector<8x128xf32> to vector<1x8x128xf32>
    tpu.vector_store %arg3[%swap3A_89, %swap3A_90, %swap3A_91], %swap3A_94 {strides = array<i32>} : memref<32x8x128xf32, #tpu.memory_space<vmem>>, vector<1x8x128xf32>,
    %slice3A_95 = vector.extract_strided_slice %dot_general3A_5 {offsets = [0, 1664], sizes = [8, 128], strides = [1, 1]} : vector<8x4096xf32> to vector<8x128xf32>
    %swap3A_96 = arith.constant 13 : index
    %swap3A_97 = arith.constant 0 : index
    %swap3A_98 = arith.constant 0 : index
    %swap3A_99 = vector.load %arg3[%swap3A_96, %swap3A_97, %swap3A_98] : memref<32x8x128xf32, #tpu.memory_space<vmem>>, vector<1x8x128xf32>
    %swap3A_100 = vector.shape_cast %swap3A_99 : vector<1x8x128xf32> to vector<8x128xf32>
    %swap3A_101 = vector.shape_cast %slice3A_95 : vector<8x128xf32> to vector<1x8x128xf32>
    tpu.vector_store %arg3[%swap3A_96, %swap3A_97, %swap3A_98], %swap3A_101 {strides = array<i32>} : memref<32x8x128xf32, #tpu.memory_space<vmem>>, vector<1x8x128xf32>,
    %slice3A_102 = vector.extract_strided_slice %dot_general3A_5 {offsets = [0, 1792], sizes = [8, 128], strides = [1, 1]} : vector<8x4096xf32> to vector<8x128xf32>
    %swap3A_103 = arith.constant 14 : index
    %swap3A_104 = arith.constant 0 : index
    %swap3A_105 = arith.constant 0 : index
    %swap3A_106 = vector.load %arg3[%swap3A_103, %swap3A_104, %swap3A_105] : memref<32x8x128xf32, #tpu.memory_space<vmem>>, vector<1x8x128xf32>
    %swap3A_107 = vector.shape_cast %swap3A_106 : vector<1x8x128xf32> to vector<8x128xf32>
    %swap3A_108 = vector.shape_cast %slice3A_102 : vector<8x128xf32> to vector<1x8x128xf32>
    tpu.vector_store %arg3[%swap3A_103, %swap3A_104, %swap3A_105], %swap3A_108 {strides = array<i32>} : memref<32x8x128xf32, #tpu.memory_space<vmem>>, vector<1x8x128xf32>,
    %slice3A_109 = vector.extract_strided_slice %dot_general3A_5 {offsets = [0, 1920], sizes = [8, 128], strides = [1, 1]} : vector<8x4096xf32> to vector<8x128xf32>
    %swap3A_110 = arith.constant 15 : index
    %swap3A_111 = arith.constant 0 : index
    %swap3A_112 = arith.constant 0 : index
    %swap3A_113 = vector.load %arg3[%swap3A_110, %swap3A_111, %swap3A_112] : memref<32x8x128xf32, #tpu.memory_space<vmem>>, vector<1x8x128xf32>
    %swap3A_114 = vector.shape_cast %swap3A_113 : vector<1x8x128xf32> to vector<8x128xf32>
    %swap3A_115 = vector.shape_cast %slice3A_109 : vector<8x128xf32> to vector<1x8x128xf32>
    tpu.vector_store %arg3[%swap3A_110, %swap3A_111, %swap3A_112], %swap3A_115 {strides = array<i32>} : memref<32x8x128xf32, #tpu.memory_space<vmem>>, vector<1x8x128xf32>,
    %slice3A_116 = vector.extract_strided_slice %dot_general3A_5 {offsets = [0, 2048], sizes = [8, 128], strides = [1, 1]} : vector<8x4096xf32> to vector<8x128xf32>
    %swap3A_117 = arith.constant 16 : index
    %swap3A_118 = arith.constant 0 : index
    %swap3A_119 = arith.constant 0 : index
    %swap3A_120 = vector.load %arg3[%swap3A_117, %swap3A_118, %swap3A_119] : memref<32x8x128xf32, #tpu.memory_space<vmem>>, vector<1x8x128xf32>
    %swap3A_121 = vector.shape_cast %swap3A_120 : vector<1x8x128xf32> to vector<8x128xf32>
    %swap3A_122 = vector.shape_cast %slice3A_116 : vector<8x128xf32> to vector<1x8x128xf32>
    tpu.vector_store %arg3[%swap3A_117, %swap3A_118, %swap3A_119], %swap3A_122 {strides = array<i32>} : memref<32x8x128xf32, #tpu.memory_space<vmem>>, vector<1x8x128xf32>,
    %slice3A_123 = vector.extract_strided_slice %dot_general3A_5 {offsets = [0, 2176], sizes = [8, 128], strides = [1, 1]} : vector<8x4096xf32> to vector<8x128xf32>
    %swap3A_124 = arith.constant 17 : index
    %swap3A_125 = arith.constant 0 : index
    %swap3A_126 = arith.constant 0 : index
    %swap3A_127 = vector.load %arg3[%swap3A_124, %swap3A_125, %swap3A_126] : memref<32x8x128xf32, #tpu.memory_space<vmem>>, vector<1x8x128xf32>
    %swap3A_128 = vector.shape_cast %swap3A_127 : vector<1x8x128xf32> to vector<8x128xf32>
    %swap3A_129 = vector.shape_cast %slice3A_123 : vector<8x128xf32> to vector<1x8x128xf32>
    tpu.vector_store %arg3[%swap3A_124, %swap3A_125, %swap3A_126], %swap3A_129 {strides = array<i32>} : memref<32x8x128xf32, #tpu.memory_space<vmem>>, vector<1x8x128xf32>,
    %slice3A_130 = vector.extract_strided_slice %dot_general3A_5 {offsets = [0, 2304], sizes = [8, 128], strides = [1, 1]} : vector<8x4096xf32> to vector<8x128xf32>
    %swap3A_131 = arith.constant 18 : index
    %swap3A_132 = arith.constant 0 : index
    %swap3A_133 = arith.constant 0 : index
    %swap3A_134 = vector.load %arg3[%swap3A_131, %swap3A_132, %swap3A_133] : memref<32x8x128xf32, #tpu.memory_space<vmem>>, vector<1x8x128xf32>
    %swap3A_135 = vector.shape_cast %swap3A_134 : vector<1x8x128xf32> to vector<8x128xf32>
    %swap3A_136 = vector.shape_cast %slice3A_130 : vector<8x128xf32> to vector<1x8x128xf32>
    tpu.vector_store %arg3[%swap3A_131, %swap3A_132, %swap3A_133], %swap3A_136 {strides = array<i32>} : memref<32x8x128xf32, #tpu.memory_space<vmem>>, vector<1x8x128xf32>,
    %slice3A_137 = vector.extract_strided_slice %dot_general3A_5 {offsets = [0, 2432], sizes = [8, 128], strides = [1, 1]} : vector<8x4096xf32> to vector<8x128xf32>
    %swap3A_138 = arith.constant 19 : index
    %swap3A_139 = arith.constant 0 : index
    %swap3A_140 = arith.constant 0 : index
    %swap3A_141 = vector.load %arg3[%swap3A_138, %swap3A_139, %swap3A_140] : memref<32x8x128xf32, #tpu.memory_space<vmem>>, vector<1x8x128xf32>
    %swap3A_142 = vector.shape_cast %swap3A_141 : vector<1x8x128xf32> to vector<8x128xf32>
    %swap3A_143 = vector.shape_cast %slice3A_137 : vector<8x128xf32> to vector<1x8x128xf32>
    tpu.vector_store %arg3[%swap3A_138, %swap3A_139, %swap3A_140], %swap3A_143 {strides = array<i32>} : memref<32x8x128xf32, #tpu.memory_space<vmem>>, vector<1x8x128xf32>,
    %slice3A_144 = vector.extract_strided_slice %dot_general3A_5 {offsets = [0, 2560], sizes = [8, 128], strides = [1, 1]} : vector<8x4096xf32> to vector<8x128xf32>
    %swap3A_145 = arith.constant 20 : index
    %swap3A_146 = arith.constant 0 : index
    %swap3A_147 = arith.constant 0 : index
    %swap3A_148 = vector.load %arg3[%swap3A_145, %swap3A_146, %swap3A_147] : memref<32x8x128xf32, #tpu.memory_space<vmem>>, vector<1x8x128xf32>
    %swap3A_149 = vector.shape_cast %swap3A_148 : vector<1x8x128xf32> to vector<8x128xf32>
    %swap3A_150 = vector.shape_cast %slice3A_144 : vector<8x128xf32> to vector<1x8x128xf32>
    tpu.vector_store %arg3[%swap3A_145, %swap3A_146, %swap3A_147], %swap3A_150 {strides = array<i32>} : memref<32x8x128xf32, #tpu.memory_space<vmem>>, vector<1x8x128xf32>,
    %slice3A_151 = vector.extract_strided_slice %dot_general3A_5 {offsets = [0, 2688], sizes = [8, 128], strides = [1, 1]} : vector<8x4096xf32> to vector<8x128xf32>
    %swap3A_152 = arith.constant 21 : index
    %swap3A_153 = arith.constant 0 : index
    %swap3A_154 = arith.constant 0 : index
    %swap3A_155 = vector.load %arg3[%swap3A_152, %swap3A_153, %swap3A_154] : memref<32x8x128xf32, #tpu.memory_space<vmem>>, vector<1x8x128xf32>
    %swap3A_156 = vector.shape_cast %swap3A_155 : vector<1x8x128xf32> to vector<8x128xf32>
    %swap3A_157 = vector.shape_cast %slice3A_151 : vector<8x128xf32> to vector<1x8x128xf32>
    tpu.vector_store %arg3[%swap3A_152, %swap3A_153, %swap3A_154], %swap3A_157 {strides = array<i32>} : memref<32x8x128xf32, #tpu.memory_space<vmem>>, vector<1x8x128xf32>,
    %slice3A_158 = vector.extract_strided_slice %dot_general3A_5 {offsets = [0, 2816], sizes = [8, 128], strides = [1, 1]} : vector<8x4096xf32> to vector<8x128xf32>
    %swap3A_159 = arith.constant 22 : index
    %swap3A_160 = arith.constant 0 : index
    %swap3A_161 = arith.constant 0 : index
    %swap3A_162 = vector.load %arg3[%swap3A_159, %swap3A_160, %swap3A_161] : memref<32x8x128xf32, #tpu.memory_space<vmem>>, vector<1x8x128xf32>
    %swap3A_163 = vector.shape_cast %swap3A_162 : vector<1x8x128xf32> to vector<8x128xf32>
    %swap3A_164 = vector.shape_cast %slice3A_158 : vector<8x128xf32> to vector<1x8x128xf32>
    tpu.vector_store %arg3[%swap3A_159, %swap3A_160, %swap3A_161], %swap3A_164 {strides = array<i32>} : memref<32x8x128xf32, #tpu.memory_space<vmem>>, vector<1x8x128xf32>,
    %slice3A_165 = vector.extract_strided_slice %dot_general3A_5 {offsets = [0, 2944], sizes = [8, 128], strides = [1, 1]} : vector<8x4096xf32> to vector<8x128xf32>
    %swap3A_166 = arith.constant 23 : index
    %swap3A_167 = arith.constant 0 : index
    %swap3A_168 = arith.constant 0 : index
    %swap3A_169 = vector.load %arg3[%swap3A_166, %swap3A_167, %swap3A_168] : memref<32x8x128xf32, #tpu.memory_space<vmem>>, vector<1x8x128xf32>
    %swap3A_170 = vector.shape_cast %swap3A_169 : vector<1x8x128xf32> to vector<8x128xf32>
    %swap3A_171 = vector.shape_cast %slice3A_165 : vector<8x128xf32> to vector<1x8x128xf32>
    tpu.vector_store %arg3[%swap3A_166, %swap3A_167, %swap3A_168], %swap3A_171 {strides = array<i32>} : memref<32x8x128xf32, #tpu.memory_space<vmem>>, vector<1x8x128xf32>,
    %slice3A_172 = vector.extract_strided_slice %dot_general3A_5 {offsets = [0, 3072], sizes = [8, 128], strides = [1, 1]} : vector<8x4096xf32> to vector<8x128xf32>
    %swap3A_173 = arith.constant 24 : index
    %swap3A_174 = arith.constant 0 : index
    %swap3A_175 = arith.constant 0 : index
    %swap3A_176 = vector.load %arg3[%swap3A_173, %swap3A_174, %swap3A_175] : memref<32x8x128xf32, #tpu.memory_space<vmem>>, vector<1x8x128xf32>
    %swap3A_177 = vector.shape_cast %swap3A_176 : vector<1x8x128xf32> to vector<8x128xf32>
    %swap3A_178 = vector.shape_cast %slice3A_172 : vector<8x128xf32> to vector<1x8x128xf32>
    tpu.vector_store %arg3[%swap3A_173, %swap3A_174, %swap3A_175], %swap3A_178 {strides = array<i32>} : memref<32x8x128xf32, #tpu.memory_space<vmem>>, vector<1x8x128xf32>,
    %slice3A_179 = vector.extract_strided_slice %dot_general3A_5 {offsets = [0, 3200], sizes = [8, 128], strides = [1, 1]} : vector<8x4096xf32> to vector<8x128xf32>
    %swap3A_180 = arith.constant 25 : index
    %swap3A_181 = arith.constant 0 : index
    %swap3A_182 = arith.constant 0 : index
    %swap3A_183 = vector.load %arg3[%swap3A_180, %swap3A_181, %swap3A_182] : memref<32x8x128xf32, #tpu.memory_space<vmem>>, vector<1x8x128xf32>
    %swap3A_184 = vector.shape_cast %swap3A_183 : vector<1x8x128xf32> to vector<8x128xf32>
    %swap3A_185 = vector.shape_cast %slice3A_179 : vector<8x128xf32> to vector<1x8x128xf32>
    tpu.vector_store %arg3[%swap3A_180, %swap3A_181, %swap3A_182], %swap3A_185 {strides = array<i32>} : memref<32x8x128xf32, #tpu.memory_space<vmem>>, vector<1x8x128xf32>,
    %slice3A_186 = vector.extract_strided_slice %dot_general3A_5 {offsets = [0, 3328], sizes = [8, 128], strides = [1, 1]} : vector<8x4096xf32> to vector<8x128xf32>
    %swap3A_187 = arith.constant 26 : index
    %swap3A_188 = arith.constant 0 : index
    %swap3A_189 = arith.constant 0 : index
    %swap3A_190 = vector.load %arg3[%swap3A_187, %swap3A_188, %swap3A_189] : memref<32x8x128xf32, #tpu.memory_space<vmem>>, vector<1x8x128xf32>
    %swap3A_191 = vector.shape_cast %swap3A_190 : vector<1x8x128xf32> to vector<8x128xf32>
    %swap3A_192 = vector.shape_cast %slice3A_186 : vector<8x128xf32> to vector<1x8x128xf32>
    tpu.vector_store %arg3[%swap3A_187, %swap3A_188, %swap3A_189], %swap3A_192 {strides = array<i32>} : memref<32x8x128xf32, #tpu.memory_space<vmem>>, vector<1x8x128xf32>,
    %slice3A_193 = vector.extract_strided_slice %dot_general3A_5 {offsets = [0, 3456], sizes = [8, 128], strides = [1, 1]} : vector<8x4096xf32> to vector<8x128xf32>
    %swap3A_194 = arith.constant 27 : index
    %swap3A_195 = arith.constant 0 : index
    %swap3A_196 = arith.constant 0 : index
    %swap3A_197 = vector.load %arg3[%swap3A_194, %swap3A_195, %swap3A_196] : memref<32x8x128xf32, #tpu.memory_space<vmem>>, vector<1x8x128xf32>
    %swap3A_198 = vector.shape_cast %swap3A_197 : vector<1x8x128xf32> to vector<8x128xf32>
    %swap3A_199 = vector.shape_cast %slice3A_193 : vector<8x128xf32> to vector<1x8x128xf32>
    tpu.vector_store %arg3[%swap3A_194, %swap3A_195, %swap3A_196], %swap3A_199 {strides = array<i32>} : memref<32x8x128xf32, #tpu.memory_space<vmem>>, vector<1x8x128xf32>,
    %slice3A_200 = vector.extract_strided_slice %dot_general3A_5 {offsets = [0, 3584], sizes = [8, 128], strides = [1, 1]} : vector<8x4096xf32> to vector<8x128xf32>
    %swap3A_201 = arith.constant 28 : index
    %swap3A_202 = arith.constant 0 : index
    %swap3A_203 = arith.constant 0 : index
    %swap3A_204 = vector.load %arg3[%swap3A_201, %swap3A_202, %swap3A_203] : memref<32x8x128xf32, #tpu.memory_space<vmem>>, vector<1x8x128xf32>
    %swap3A_205 = vector.shape_cast %swap3A_204 : vector<1x8x128xf32> to vector<8x128xf32>
    %swap3A_206 = vector.shape_cast %slice3A_200 : vector<8x128xf32> to vector<1x8x128xf32>
    tpu.vector_store %arg3[%swap3A_201, %swap3A_202, %swap3A_203], %swap3A_206 {strides = array<i32>} : memref<32x8x128xf32, #tpu.memory_space<vmem>>, vector<1x8x128xf32>,
    %slice3A_207 = vector.extract_strided_slice %dot_general3A_5 {offsets = [0, 3712], sizes = [8, 128], strides = [1, 1]} : vector<8x4096xf32> to vector<8x128xf32>
    %swap3A_208 = arith.constant 29 : index
    %swap3A_209 = arith.constant 0 : index
    %swap3A_210 = arith.constant 0 : index
    %swap3A_211 = vector.load %arg3[%swap3A_208, %swap3A_209, %swap3A_210] : memref<32x8x128xf32, #tpu.memory_space<vmem>>, vector<1x8x128xf32>
    %swap3A_212 = vector.shape_cast %swap3A_211 : vector<1x8x128xf32> to vector<8x128xf32>
    %swap3A_213 = vector.shape_cast %slice3A_207 : vector<8x128xf32> to vector<1x8x128xf32>
    tpu.vector_store %arg3[%swap3A_208, %swap3A_209, %swap3A_210], %swap3A_213 {strides = array<i32>} : memref<32x8x128xf32, #tpu.memory_space<vmem>>, vector<1x8x128xf32>,
    %slice3A_214 = vector.extract_strided_slice %dot_general3A_5 {offsets = [0, 3840], sizes = [8, 128], strides = [1, 1]} : vector<8x4096xf32> to vector<8x128xf32>
    %swap3A_215 = arith.constant 30 : index
    %swap3A_216 = arith.constant 0 : index
    %swap3A_217 = arith.constant 0 : index
    %swap3A_218 = vector.load %arg3[%swap3A_215, %swap3A_216, %swap3A_217] : memref<32x8x128xf32, #tpu.memory_space<vmem>>, vector<1x8x128xf32>
    %swap3A_219 = vector.shape_cast %swap3A_218 : vector<1x8x128xf32> to vector<8x128xf32>
    %swap3A_220 = vector.shape_cast %slice3A_214 : vector<8x128xf32> to vector<1x8x128xf32>
    tpu.vector_store %arg3[%swap3A_215, %swap3A_216, %swap3A_217], %swap3A_220 {strides = array<i32>} : memref<32x8x128xf32, #tpu.memory_space<vmem>>, vector<1x8x128xf32>,
    %slice3A_221 = vector.extract_strided_slice %dot_general3A_5 {offsets = [0, 3968], sizes = [8, 128], strides = [1, 1]} : vector<8x4096xf32> to vector<8x128xf32>
    %swap3A_222 = arith.constant 31 : index
    %swap3A_223 = arith.constant 0 : index
    %swap3A_224 = arith.constant 0 : index
    %swap3A_225 = vector.load %arg3[%swap3A_222, %swap3A_223, %swap3A_224] : memref<32x8x128xf32, #tpu.memory_space<vmem>>, vector<1x8x128xf32>
    %swap3A_226 = vector.shape_cast %swap3A_225 : vector<1x8x128xf32> to vector<8x128xf32>
    %swap3A_227 = vector.shape_cast %slice3A_221 : vector<8x128xf32> to vector<1x8x128xf32>
    tpu.vector_store %arg3[%swap3A_222, %swap3A_223, %swap3A_224], %swap3A_227 {strides = array<i32>} : memref<32x8x128xf32, #tpu.memory_space<vmem>>, vector<1x8x128xf32>,
    return
  }
  func.func @transform_0(%arg0: i32) -> (i32, i32) {
    %add3A = arith.constant 0 : i32
    %add3A_0 = arith.addi %add3A, %arg0 : i32
    %c0_i32 = arith.constant 0 : i32
    %c0_i32_1 = arith.constant 0 : i32
    return %add3A_0, %c0_i32 : i32, i32
  }
  func.func @transform_1(%arg0: i32) -> (i32, i32) {
    %c0_i32 = arith.constant 0 : i32
    %c0_i32_0 = arith.constant 0 : i32
    %c0_i32_1 = arith.constant 0 : i32
    return %c0_i32, %c0_i32_0 : i32, i32
  }
  func.func @transform_2(%arg0: i32) -> (i32, i32, i32) {
    %c0_i32 = arith.constant 0 : i32
    %c0_i32_0 = arith.constant 0 : i32
    %c0_i32_1 = arith.constant 0 : i32
    return %arg0, %c0_i32, %c0_i32_0 : i32, i32, i32
  }
}

</mosaic_0001>

<sc_bundles>
// kernel: kernel.4.cloned.1.call-start
scs
__scs_entry_jumppad:
0x0: {  	(pc) =	sbr.rel $0x88, $3  }
0x1: {  	(tag) =	ssettag $0x0;
	lr =	simm.s32 $0x1  }
0x2: {  	[smem:$0x3F9F] =	sst lr;
	_ =	strace $0xD0000000  }
0x3: {  	_ = 	snop  }
0x4: {  	_ = 	snop  }
0x5: {  	_ = 	snop  }
0x6: {  	_ = 	snop  }
0x7: {  	_ = 	snop  }
__scs_overlays_trampoline_lowered:
0x8: {  	[smem:$0x3FAE] =	sst s0  }
0x9: {  	[smem:$0x3FAF] =	sst s1  }
0xa: {  	[smem:$0x3FB0] =	sst s2  }
0xb: {  	[smem:$0x3FB1] =	sst s3  }
0xc: {  	[smem:$0x3FB2] =	sst s4  }
0xd: {  	[smem:$0x3FB3] =	sst s5  }
0xe: {  	[smem:$0x3FB4] =	sst s6  }
0xf: {  	[smem:$0x3FB5] =	sst s7  }
0x10: {  	[smem:$0x3FB6] =	sst s8  }
0x11: {  	[smem:$0x3FB7] =	sst s9;
	s0 =	simm.s32 @!p0 $0x0  }
0x12: {  	s1 =	sld [smem:$0x3F9D];
	s0 =	simm.s32 @p0 $0x1  }
0x13: {  	[smem:$0x3FB8] =	sst s0;
	s0 =	simm.s32 @!p1 $0x0  }
0x14: {  	s2 =	sld [smem:$0x3F9C];
	s0 =	simm.s32 @p1 $0x1  }
0x15: {  	[smem:$0x3FB9] =	sst s0;
	s0 =	simm.s32 @!p2 $0x0  }
0x16: {  	s3 =	sld [smem:$0x3FDB];
	s0 =	simm.s32 @p2 $0x1  }
0x17: {  	s4 =	simm.s32 $0x1BF5;
	[smem:$0x3FBB] =	sst s0  }
0x18: {  	s0 =	sld [smem:$0x3F9E];
	_ =	swait.ge [sflag:s4], $0x0  }
0x19: {  	s7 =	sld [smem:$0x3F9F]  }
0x1a: {  	s8 =	sadd.s32 $0xFFFFE003, lr  }
0x1b: {  	s9 =	sadd.s32 $0xFFFFFEF7, lr;
	s5 =	simm.s32 $0xFFFFFFFF;
	p2 =	slt.u32 s8, $0xFFFFF086  }
0x1c: {  	p1 =	slt.u32 s9, $0xF7A;
	s5 =	simm.s32 @!p2 $0x0  }
0x1d: {  	s5 =	simm.s32 @p1 $0x1;
	p0 =	seq.s32 s7, s2  }
0x1e: {  	s7 =	smul.u32 @!p0 $0xF7A, s2;
	p2 =	seq.s32 @!p0 s5, $0x0  }
0x1f: {  	s9 =	smul.u32 $0xF7A, s1;
	s8 =	simm.s32 @!p0 $0x1BF5;
	p2 =	por !p2, p0  }
0x20: {  	[sflag:s8] =	ssyncset.s32 @!p0 $0xFFFFF086;
	s6 =	sadd.s32 @!p0 s3, s7;
	s7 =	simm.s32 @!p0 $0x108  }
0x21: {  	s3 =	sadd.s32 s3, s9;
	s6 =	sadd.s32 @!p0 $0x88, s6;
	s7 =	simm.s32 @p2 $0x1082  }
0x22: {  	[simem:s7], [sflag:s8] =	dma.local @!p0 [hbm:s6], $0xF7A  }
0x23: {  	s9 =	sor.u32 $0xD0000000, s2;
	s6 =	simm.s32 $0x108;
	_ =	swait.ge @!p0 [sflag:s8], $0x0  }
0x24: {  	s3 =	sadd.s32 $0x88, s3;
	s6 =	simm.s32 @!p1 $0x1082;
	[sflag:s4] =	ssyncset.s32 $0xFFFFF086  }
0x25: {  	[simem:s6], [sflag:s4] =	dma.local [hbm:s3], $0xF7A  }
0x26: {  	[smem:$0x3F9F] =	sst s1;
	(tag) =	ssettag s2;
	_ =	strace s9  }
0x27: {  	s1 =	sld [smem:$0x3FAF]  }
0x28: {  	s2 =	sld [smem:$0x3FB0]  }
0x29: {  	s4 =	sld [smem:$0x3FB2]  }
0x2a: {  	p0 =	seq.s32 s5, $0x0;
	s5 =	sld [smem:$0x3FB3]  }
0x2b: {  	s6 =	sld [smem:$0x3FB4]  }
0x2c: {  	s7 =	sld [smem:$0x3FB5]  }
0x2d: {  	s3 =	simm.s32 $0x108;
	s8 =	sld [smem:$0x3FB6]  }
0x2e: {  	s3 =	simm.s32 @!p0 $0x1082;
	s9 =	sld [smem:$0x3FB7]  }
0x2f: {  	lr =	sadd.s32 s0, s3;
	s0 =	sld [smem:$0x3FAE]  }
0x30: {  	s3 =	sld [smem:$0x3FB1]  }
0x31: {  	[smem:$0x3FBA] =	sst s10  }
0x32: {  	s10 =	sld [smem:$0x3FB8];
	_ =	sdelay $0x3  }
0x33: {  	p0 =	seq.s32 s10, $0x1;
	s10 =	sld [smem:$0x3FBA];
	_ =	sdelay $0x3  }
0x34: {  	[smem:$0x3FBA] =	sst s10  }
0x35: {  	s10 =	sld [smem:$0x3FB9];
	_ =	sdelay $0x3  }
0x36: {  	p1 =	seq.s32 s10, $0x1;
	s10 =	sld [smem:$0x3FBA];
	_ =	sdelay $0x3  }
0x37: {  	[smem:$0x3FBA] =	sst s10  }
0x38: {  	s10 =	sld [smem:$0x3FBB]  }
0x39: {  	_ = 	snop;
	(pc) =	sbr.ind lr, $3  }
0x3a: {  	_ = 	snop  }
0x3b: {  	_ = 	snop  }
0x3c: {  	p2 =	seq.s32 s10, $0x1;
	s10 =	sld [smem:$0x3FBA]  }
0x3d: {  	_ =	shalt  }
0x3e: {  	_ =	shalt  }
0x3f: {  	_ =	shalt  }
0x40: {  	_ =	shalt  }
0x41: {  	_ =	shalt  }
0x42: {  	_ =	shalt  }
0x43: {  	_ =	shalt  }
0x44: {  	_ =	shalt  }
0x45: {  	_ =	shalt  }
0x46: {  	_ =	shalt  }
0x47: {  	_ =	shalt  }
0x48: {  	_ =	shalt  }
0x49: {  	_ =	shalt  }
0x4a: {  	_ =	shalt  }
0x4b: {  	_ =	shalt  }
0x4c: {  	_ =	shalt  }
0x4d: {  	_ =	shalt  }
0x4e: {  	_ =	shalt  }
0x4f: {  	_ =	shalt  }
0x50: {  	_ =	shalt  }
0x51: {  	_ =	shalt  }
0x52: {  	_ =	shalt  }
0x53: {  	_ =	shalt  }
0x54: {  	_ =	shalt  }
0x55: {  	_ =	shalt  }
0x56: {  	_ =	shalt  }
0x57: {  	_ =	shalt  }
0x58: {  	_ =	shalt  }
0x59: {  	_ =	shalt  }
0x5a: {  	_ =	shalt  }
0x5b: {  	_ =	shalt  }
0x5c: {  	_ =	shalt  }
0x5d: {  	_ =	shalt  }
0x5e: {  	_ =	shalt  }
0x5f: {  	_ =	shalt  }
0x60: {  	_ =	shalt  }
0x61: {  	_ =	shalt  }
0x62: {  	_ =	shalt  }
0x63: {  	_ =	shalt  }
0x64: {  	_ =	shalt  }
0x65: {  	_ =	shalt  }
0x66: {  	_ =	shalt  }
0x67: {  	_ =	shalt  }
0x68: {  	_ =	shalt  }
0x69: {  	_ =	shalt  }
0x6a: {  	_ =	shalt  }
0x6b: {  	_ =	shalt  }
0x6c: {  	_ =	shalt  }
0x6d: {  	_ =	shalt  }
0x6e: {  	_ =	shalt  }
0x6f: {  	_ =	shalt  }
0x70: {  	_ =	shalt  }
0x71: {  	_ =	shalt  }
0x72: {  	_ =	shalt  }
0x73: {  	_ =	shalt  }
0x74: {  	_ =	shalt  }
0x75: {  	_ =	shalt  }
0x76: {  	_ =	shalt  }
0x77: {  	_ =	shalt  }
0x78: {  	_ =	shalt  }
0x79: {  	_ =	shalt  }
0x7a: {  	_ =	shalt  }
0x7b: {  	_ =	shalt  }
0x7c: {  	_ =	shalt  }
0x7d: {  	_ =	shalt  }
0x7e: {  	_ =	shalt  }
0x7f: {  	_ =	shalt  }
0x80: {  	_ =	shalt  }
0x81: {  	_ =	shalt  }
0x82: {  	_ =	shalt  }
0x83: {  	_ =	shalt  }
0x84: {  	_ =	shalt  }
0x85: {  	_ =	shalt  }
0x86: {  	_ =	shalt  }
0x87: {  	_ =	shalt  }
.Lfunc_end0:
.L_simem_size_0:
called_computation_lowered:
.L_overlay_start_0:
0x88: {  	s2 =	sld [smem:$0x3FD9]  }
0x89: {  	s3 =	sld [smem:$0x3FFE];
	_ =	sdelay $0x1  }
0x8a: {  	s1 =	srdreg.scid  }
0x8b: {  	s0 =	sand.u32 $0x1, s1  }
0x8c: {  	s14 =	sshll.u32 s0, $0xA;
	s2 =	sadd.s32 s3, s2  }
0x8d: {  	s2 =	sadd.s32 s2, s14  }
0x8e: {  	[smem:$0x3FC6] =	sst s2  }
0x8f: {  	_ = 	snop  }
0x90: {  	s2 =	sld [smem:$0x3FD0];
	_ =	sdelay $0x2  }
0x91: {  	s15 =	simm.s32 $0xA;
	s4 =	simm.s32 $0x10  }
0x92: {  	[smem:s4], [sflag:s15] =	dma.local [hbm:s2], $0x1  }
0x93: {  	_ =	swait.eq [sflag:s15], $0x1  }
0x94: {  	[sflag:s15] =	ssyncset.done $0x0  }
0x95: {  	[sflag:s15] =	ssyncadd.s32 $0xFFFFFFFF  }
0x96: {  	s16 =	sld [smem:$0x11];
	(tm) =	ssettm $0x1  }
0x97: {  	s17 =	sld [smem:$0x3FFB];
	_ =	sdelay $0x3  }
0x98: {  	_ =	strace s17  }
0x99: {  	s3 =	sld [smem:$0x3FFC];
	_ =	sdelay $0x3  }
0x9a: {  	_ =	strace s3  }
0x9b: {  	s3 =	sld [smem:$0x3FFD];
	_ =	sdelay $0x3  }
0x9c: {  	_ =	strace s3  }
0x9d: {  	_ =	strace $0x8FFFFFFF  }
0x9e: {  	s18 =	sld [smem:$0x3FDB];
	_ =	sdelay $0x1  }
0x9f: {  	s19 =	simm.s32 $_scs_section_size  }
0xa0: {  	s5 =	simm.s32 $_size__tile_overlayer_lowered;
	s6 =	simm.s32 $_tile_overlayer_lowered  }
0xa1: {  	s22 =	simm.s32 $0x1BFF;
	s21 =	sshll.u32 s6, $0x1;
	s3 =	sadd.s32 s19, s18  }
0xa2: {  	s7 =	simm.s32 $0x0;
	s20 =	sshll.u32 s5, $0x1;
	s5 =	sadd.s32 s21, s3  }
0xa3: {  	[timem:s7], [sflag:s22] =	dma.local [hbm:s5], s20  }
0xa4: {  	_ =	swait.ge [sflag:s22], s20  }
0xa5: {  	s4 =	ssub.s32 $0x0, s20;
	[sflag:s22] =	ssyncset.done $0x0  }
0xa6: {  	[sflag:s22] =	ssyncadd.s32 s4;
	_ =	sdelay $0x1  }
0xa7: {  	s23 =	simm.s32 $0x1B8B  }
0xa8: {  	_ =	swait.ge [sflag:s23], $0x1  }
0xa9: {  	[sflag:s23] =	ssyncset.done $0x0  }
0xaa: {  	s25 =	simm.s32 $0x1B8E;
	s24 =	sld [smem:$0x3FFE];
	[sflag:s23] =	ssyncadd.s32 $0xFFFFFFFF  }
0xab: {  	s26 =	simm.s32 $execute0_lowered;
	[smem:$0x3FD2] =	sst s25  }
0xac: {  	s5 =	sshll.u32 s26, $0x1;
	_ =	strace $0x80000046;
	[dreg:$0x1] =	wrdreg $0xFFFFFFFF  }
0xad: {  	s28 =	simm.s32 $_size_execute0_lowered;
	s3 =	sadd.s32 s3, s5;
	[dreg:$0x0] =	wrdreg $0x0  }
0xae: {  	s5 =	sshll.u32 s28, $0x1;
	[dreg:$0x2] =	wrdreg s3  }
0xaf: {  	[dreg:$0x3] =	wrdreg s5  }
0xb0: {  	[dreg:$0x4] =	wrdreg $0xC0  }
0xb1: {  	_ =	task [dreg:s7], $0x5FFFF  }
0xb2: {  	[dreg:$0x1] =	wrdreg $0xFFFFFFFF  }
0xb3: {  	[dreg:$0x0] =	wrdreg $0x60  }
0xb4: {  	[dreg:$0x2] =	wrdreg s24  }
0xb5: {  	[dreg:$0x3] =	wrdreg s16  }
0xb6: {  	[dreg:$0x4] =	wrdreg $0x9  }
0xb7: {  	_ =	task.clear_ibuf [dreg:s7], $0x5FFFF;
	_ =	strace $0x90000046  }
0xb8: {  	s29 =	simm.s32 $0x9;
	_ =	strace $0x80000048  }
0xb9: {  	_ =	swait.ge [sflag:s29], $0x1  }
0xba: {  	[sflag:s29] =	ssyncadd.s32 $0xFFFFFFFF  }
0xbb: {  	_ =	strace $0x90000048  }
0xbc: {  	_ =	sfence  }
0xbd: {  	s30 =	sld [smem:$0x0];
	_ =	sdelay $0x2  }
0xbe: {  	s31 =	sshll.u32 s1, $0xD;
	s1 =	sshrl.u32 s1, $0x2  }
0xbf: {  	s3 =	sand.u32 $0x4000, s31;
	s1 =	sadd.s32 s1, s30  }
0xc0: {  	s0 =	sor.u32 s3, s0;
	s1 =	sshll.u32 s1, $0x11  }
0xc1: {  	s0 =	sor.u32 s1, s0  }
0xc2: {  	s0 =	sadd.s32 $0x8F2B, s0  }
0xc3: {  	[sflag:s0] =	ssyncadd.remote.s32 $0x1  }
0xc4: {  	_ =	sfence.sel $0xFFFF  }
0xc5: {  	[dreg:$0x0] =	wrdreg $0xFFFFFFFF;
	(pc) =	sbr.abs _section_cstart, $3  }
0xc6: {  	[dreg:$0x1] =	wrdreg $0xFFFFFFFF  }
0xc7: {  	_ =	task.clear_ibuf [dreg:s7], $0x2FFFF;
	_ =	strace $0x9FFFFFFF  }
0xc8: {  	(tm) =	ssettm $0x7FFFFFFF  }
0xc9: {  	_ =	shalt  }
tec
execute0_lowered:
.L_overlay_start_1:
0x0: {  	(tag) =	ssettag $0x1  }
0x1: {  	s3 =	rddreg [dreg:$0x0]  }
0x2: {  	s4 =	rddreg [dreg:$0x1]  }
0x3: {  	s0 =	rddreg [dreg:$0x2]  }
0x4: {  	s2 =	simm.s32 $0x0;
	s5 =	srdreg.scid;
	s1 =	stileid.u32  }
0x5: {  	s10 =	simm.s32 $0x2000;
	s11 =	simm.s32 $0x2400;
	s12 =	simm.s32 $0x2800  }
0x6: {  	s13 =	simm.s32 $0x2C00;
	s5 =	sand.u32 $0x1, s5;
	s6 =	sshll.u32 s1, $0x1  }
0x7: {  	s14 =	simm.s32 $0x0;
	[smem:$0x7FF] =	sst s2;
	s6 =	sor.u32 s5, s6  }
0x8: {  	_ =	strace $0x80000047;
	s5 =	ssub.s32 $0x2, s5;
	s7 =	sshll.u32 s6, $0xA  }
0x9: {  	s6 =	sshll.u32 s6, $0x7;
	s8 =	sshrl.u32 s5, $0x1;
	s7 =	sadd.s32 s7, s3  }
0xa: {  	s9 =	sadd.s32 s6, s3;
	s8 =	ssub.s32 s5, s8;
	s4 =	sadd.s32 s4, s6  }
0xb: {  	s3 =	sadd.s32 $0xC00, s7;
	s5 =	sadd.s32 $0x8C00, s9;
	s6 =	sadd.s32 $0x9C00, s9  }
0xc: {  	s7 =	sadd.s32 $0xAC00, s9;
	s8 =	smax.u32 s8, $0x1;
	s9 =	simm.s32 $0x1  }
.LBB2_1:
0xd: {  	[tilespmem:s2], [sflag:$0x1] =	stream.linear.gather [hbm4b:s3+s2], $0x2000, $0x38;
	[tilespmem:$0x3000] =	vst v63  }
0xe: {  	_ =	swait.ge [sflag:s9], $0x2000  }
0xf: {  	[sflag:s9] =	ssyncset.done $0x0  }
0x10: {  	s15 =	simm.s32 $0xFFFFFF80;
	[sflag:s9] =	ssyncadd.s32 $0xFFFFE000  }
0x11: {  	v0 =	vld [tilespmem:s15+$0x1C80]  }
0x12: {  	v1 =	vld [tilespmem:s15+$0x1D00]  }
0x13: {  	v63 =	vld [tilespmem:s15+$0x80]  }
0x14: {  	v2 =	vld [tilespmem:s15+$0x1D80]  }
0x15: {  	v18 =	vld [tilespmem:s15+$0x100]  }
0x16: {  	v3 =	vld [tilespmem:s15+$0x1E00]  }
0x17: {  	v17 =	vld [tilespmem:s15+$0x480]  }
0x18: {  	v4 =	vld [tilespmem:s15+$0x1E80]  }
0x19: {  	v19 =	vld [tilespmem:s15+$0x500]  }
0x1a: {  	v6 =	vld [tilespmem:s15+$0x1F00]  }
0x1b: {  	v31 =	vld [tilespmem:s15+$0x1880]  }
0x1c: {  	v30 =	vld [tilespmem:s15+$0x1900]  }
0x1d: {  	v22 =	vld [tilespmem:s15+$0x880]  }
0x1e: {  	v8 =	vld [tilespmem:s15+$0x1F80];
	vm0 =	vgt.f32 v1, v0  }
0x1f: {  	v9 =	vimm.s32 $0x0;
	v20 =	vld [tilespmem:s15+$0x900];
	v5 =	vsel vm0, v1, v0  }
0x20: {  	v16 =	vimm.s32 $0x0;
	v38 =	vld [tilespmem:s15+$0x180];
	vm4 =	vgt.f32 v18, v63;
	vm1 =	vgt.f32 v2, v5  }
0x21: {  	v10 =	vld [tilespmem:s15+$0x580];
	vm7 =	vgt.f32 v30, v31;
	v28 =	vsel vm4, v18, v63;
	v5 =	vsel vm1, v2, v5  }
0x22: {  	v14 =	vld [tilespmem:s15+$0x2000];
	v7 =	vsel vm0, $0x1, v9;
	v37 =	vsel vm4, $0x1, v9;
	vm2 =	vgt.f32 v3, v5  }
0x23: {  	v11 =	vld [tilespmem:s15+$0xC80];
	vm4 =	vgt.f32 v19, v17;
	v58 =	vsel vm7, $0x1, v9;
	v5 =	vsel vm2, v3, v5  }
0x24: {  	v36 =	vld [tilespmem:s15+$0x1080];
	v29 =	vsel vm4, v19, v17;
	v39 =	vsel vm4, $0x1, v9;
	vm3 =	vgt.f32 v4, v5  }
0x25: {  	v26 =	vld [tilespmem:s15+$0x1100];
	vm11 =	vgt.f32 v38, v28;
	v7 =	vsel vm1, $0x2, v7;
	v5 =	vsel vm3, v4, v5  }
0x26: {  	v25 =	vld [tilespmem:s15+$0xD00];
	vm10 =	vgt.f32 v10, v29;
	v59 =	vsel vm11, $0x2, v37;
	vm0 =	vgt.f32 v6, v5  }
0x27: {  	v23 =	vld [tilespmem:s15+$0x1480];
	v7 =	vsel vm2, $0x3, v7;
	vm2 =	vgt.f32 v20, v22;
	v5 =	vsel vm0, v6, v5  }
0x28: {  	v13 =	vld [tilespmem:s15+$0x1500];
	v60 =	vsel vm10, $0x2, v39;
	v32 =	vsel vm2, v20, v22;
	vm1 =	vgt.f32 v8, v5  }
0x29: {  	v40 =	vsel vm2, $0x1, v9;
	v7 =	vsel vm3, $0x4, v7;
	v5 =	vsel vm1, v8, v5  }
0x2a: {  	vm2 =	vgt.f32 v26, v36;
	v7 =	vsel vm0, $0x5, v7;
	vm0 =	vgt.f32 v14, v5  }
0x2b: {  	vm3 =	vgt.f32 v25, v11;
	v7 =	vsel vm1, $0x6, v7;
	vm0 =	vmneg vm0  }
0x2c: {  	v34 =	vsel vm2, v26, v36;
	v33 =	vsel vm3, v25, v11;
	v7 =	vnsel vm0, $0x7, v7  }
0x2d: {  	v41 =	vsel vm3, $0x1, v9;
	vm3 =	vgt.f32 v13, v23;
	vm4 =	veq.s32 v7, $0x0  }
0x2e: {  	[tilespmem:$0x1FCC0] =	vst v13;
	v35 =	vsel vm3, v13, v23;
	v13 =	vimm.s32 $0x0;
	v0 =	vsel vm4, $0xFF61B1E6, v0  }
0x2f: {  	v24 =	vld [tilespmem:s15+$0x1980];
	vm12 =	vmand vm1, vm0;
	vm5 =	veq.s32 v7, $0x1;
	vm4 =	vgt.f32 v0, $-3.000000010e+38  }
0x30: {  	v5 =	vsel vm0, v5, v14;
	v1 =	vsel vm5, $0xFF61B1E6, v1;
	v0 =	vnsel vm4, $0xFF61B1E6, v0  }
0x31: {  	v12 =	vld [tilespmem:s15+$0x980];
	vm6 =	veq.s32 v7, $0x4;
	vm9 =	veq.s32 v7, $0x5;
	vm4 =	vgt.f32 v1, v0  }
0x32: {  	v21 =	vld [tilespmem:s15+$0xD80];
	[tilespmem:$0x1FCB0] =	vst v5;
	v5 =	vsel vm2, $0x1, v9;
	vm5 =	veq.s32 v7, $0x2;
	v13 =	vsel vm4, $0xFFFFFFFF, v13  }
0x33: {  	v15 =	vld [tilespmem:s15+$0x1580];
	v0 =	vsel vm4, v1, v0;
	v1 =	vsel vm5, $0xFF61B1E6, v2;
	v2 =	vsel vm7, v30, v31  }
0x34: {  	v44 =	vld [tilespmem:s15+$0x200];
	vm5 =	veq.s32 v7, $0x3;
	vm4 =	vgt.f32 v1, v0;
	vm1 =	vgt.f32 v24, v2  }
0x35: {  	[tilespmem:$0x1FE50] =	vst v13;
	v13 =	vld [tilespmem:s15+$0x1180];
	v16 =	vsel vm4, $0xFFFFFFFF, v16;
	v0 =	vsel vm4, v1, v0;
	v1 =	vsel vm5, $0xFF61B1E6, v3  }
0x36: {  	v45 =	vld [tilespmem:s15+$0x600];
	[tilespmem:$0x1FCD0] =	vst v10;
	v3 =	vmovc v10;
	v10 =	vimm.s32 $0x0;
	vm5 =	vgt.f32 v12, v32;
	vm4 =	vgt.f32 v1, v0  }
0x37: {  	v46 =	vld [tilespmem:s15+$0xA00];
	[tilespmem:$0x1FCE0] =	vst v12;
	v2 =	vsel vm1, v24, v2;
	v49 =	vsel vm5, $0x2, v40;
	v10 =	vsel vm4, $0xFFFFFFFF, v10  }
0x38: {  	v48 =	vld [tilespmem:s15+$0xE00];
	[tilespmem:$0x1FD10] =	vst v15;
	v0 =	vsel vm4, v1, v0;
	v1 =	vsel vm6, $0xFF61B1E6, v4;
	vm6 =	vgt.f32 v21, v33  }
0x39: {  	v47 =	vld [tilespmem:s15+$0x1200];
	[tilespmem:s15+$0x2C00] =	vst v7;
	v4 =	vimm.s32 $0x0;
	vm4 =	vgt.f32 v1, v0;
	v50 =	vsel vm6, $0x2, v41  }
0x3a: {  	v57 =	vld [tilespmem:s15+$0x280];
	[tilespmem:$0x1FE60] =	vst v16;
	v4 =	vsel vm4, $0xFFFFFFFF, v4;
	vm8 =	vgt.f32 v13, v34;
	v16 =	vsel vm4, v1, v0  }
0x3b: {  	v51 =	vld [tilespmem:s15+$0xA80];
	v7 =	vmovc v13;
	[tilespmem:$0x1FD00] =	vst v13;
	v13 =	vsel vm9, $0xFF61B1E6, v6;
	vm9 =	vgt.f32 v15, v35;
	v0 =	vsel vm11, v38, v28  }
0x3c: {  	v27 =	vld [tilespmem:s15+$0x1280];
	[tilespmem:$0x1FF20] =	vst v10;
	v6 =	vmovc v15;
	v1 =	vsel vm10, v3, v29;
	v15 =	vnsel vm0, $0xFF61B1E6, v14;
	v14 =	vsel vm3, $0x1, v9  }
0x3d: {  	v61 =	vld [tilespmem:s15+$0x1680];
	v10 =	vmovc v12;
	[tilespmem:$0x1FF60] =	vst v4;
	v12 =	vsel vm12, $0xFF61B1E6, v8;
	v4 =	vsel vm6, v21, v33;
	v42 =	vsel vm8, v7, v34  }
0x3e: {  	[tilespmem:$0x1FD20] =	vst v24;
	v24 =	vld [tilespmem:s15+$0x680];
	v43 =	vsel vm9, v6, v35;
	vm14 =	vgt.f32 v44, v0;
	vm13 =	vgt.f32 v45, v1  }
0x3f: {  	v9 =	vld [tilespmem:s15+$0xE80];
	v34 =	vmovc v44;
	v5 =	vsel vm8, $0x2, v5;
	v14 =	vsel vm9, $0x2, v14;
	v3 =	vsel vm5, v10, v32  }
0x40: {  	[tilespmem:$0x1FCF0] =	vst v21;
	v8 =	vld [tilespmem:s15+$0x1600];
	vm0 =	vgt.f32 v48, v4;
	vm2 =	vgt.f32 v47, v42;
	v0 =	vsel vm14, v34, v0  }
0x41: {  	[tilespmem:$0x1FD30] =	vst v47;
	v21 =	vld [tilespmem:s15+$0x1A00];
	v32 =	vmovc v45;
	v52 =	vsel vm14, $0x3, v59;
	v53 =	vsel vm13, $0x3, v60;
	vm12 =	vgt.f32 v46, v3  }
0x42: {  	v56 =	vld [tilespmem:s15+$0x780];
	v7 =	vmovc v46;
	v1 =	vsel vm13, v32, v1;
	v4 =	vsel vm0, v48, v4;
	v47 =	vsel vm2, v47, v42  }
0x43: {  	v54 =	vld [tilespmem:s15+$0xB80];
	vm11 =	vgt.f32 v57, v0;
	v50 =	vsel vm0, $0x3, v50;
	v3 =	vsel vm12, v7, v3  }
0x44: {  	v39 =	vld [tilespmem:s15+$0xF00];
	v37 =	vmovc v24;
	vm6 =	vgt.f32 v24, v1;
	v0 =	vsel vm11, v57, v0;
	v49 =	vsel vm12, $0x3, v49  }
0x45: {  	v10 =	vld [tilespmem:s15+$0x1A80];
	vm5 =	vgt.f32 v51, v3;
	vm8 =	vgt.f32 v9, v4;
	v1 =	vsel vm6, v37, v1  }
0x46: {  	v35 =	vld [tilespmem:s15+$0x1300];
	v29 =	vmovc v7;
	vm3 =	vgt.f32 v8, v43;
	vm7 =	vgt.f32 v21, v2;
	v7 =	vmovc v51;
	v51 =	vsel vm1, $0x2, v58  }
0x47: {  	v24 =	vld [tilespmem:s15+$0x700];
	vm1 =	vgt.f32 v27, v47;
	v4 =	vsel vm8, v9, v4;
	v62 =	vsel vm3, v8, v43  }
0x48: {  	v42 =	vld [tilespmem:s15+$0xB00];
	v2 =	vsel vm7, v21, v2;
	v3 =	vsel vm5, v7, v3;
	v58 =	vsel vm1, v27, v47  }
0x49: {  	v40 =	vmovc v57;
	v57 =	vld [tilespmem:s15+$0x1380];
	v14 =	vsel vm3, $0x3, v14;
	vm3 =	vgt.f32 v39, v4;
	v60 =	vsel vm7, $0x3, v51  }
0x4a: {  	[tilespmem:$0x1FD40] =	vst v8;
	v43 =	vld [tilespmem:s15+$0x300];
	v8 =	vsel vm6, $0x4, v53;
	vm9 =	vgt.f32 v61, v62;
	vm10 =	vgt.f32 v10, v2  }
0x4b: {  	v45 =	vmovc v7;
	v7 =	vld [tilespmem:s15+$0x1700];
	vm13 =	vgt.f32 v35, v58;
	v4 =	vsel vm3, v39, v4;
	v59 =	vsel vm9, v61, v62  }
0x4c: {  	[tilespmem:$0x1FD80] =	vst v61;
	v47 =	vld [tilespmem:s15+$0x1B00];
	v2 =	vsel vm10, v10, v2;
	vm0 =	vgt.f32 v24, v1;
	v61 =	vsel vm2, $0x3, v5  }
0x4d: {  	vm2 =	vgt.f32 v42, v3;
	v62 =	vsel vm11, $0x4, v52;
	v5 =	vsel vm13, v35, v58  }
0x4e: {  	v14 =	vsel vm9, $0x4, v14;
	v6 =	vsel vm10, $0x4, v60;
	v1 =	vsel vm0, v24, v1  }
0x4f: {  	[tilespmem:$0x1FDA0] =	vst v24;
	v3 =	vsel vm2, v42, v3;
	v24 =	vsel vm5, $0x4, v49;
	vm10 =	vgt.f32 v57, v5  }
0x50: {  	v55 =	vld [tilespmem:s15+$0xF80];
	[tilespmem:$0x1FD70] =	vst v27;
	vm7 =	vgt.f32 v56, v1;
	vm11 =	vgt.f32 v54, v3;
	v5 =	vsel vm10, v57, v5  }
0x51: {  	v28 =	vmovc v48;
	v48 =	vld [tilespmem:s15+$0x380];
	vm12 =	vgt.f32 v43, v0;
	vm14 =	vgt.f32 v7, v59;
	vm15 =	vgt.f32 v47, v2  }
0x52: {  	[tilespmem:$0x1FD60] =	vst v9;
	v41 =	vsel vm7, v56, v1;
	v27 =	vsel vm11, v54, v3;
	v1 =	vsel vm0, $0x5, v8  }
0x53: {  	[tilespmem:$0x1FD90] =	vst v10;
	v49 =	vld [tilespmem:s15+$0xC00];
	v3 =	vsel vm2, $0x5, v24;
	v0 =	vsel vm12, v43, v0;
	v9 =	vsel vm14, v7, v59  }
0x54: {  	v53 =	vld [tilespmem:s15+$0x1000];
	[tilespmem:$0x1FDC0] =	vst v7;
	v10 =	vsel vm15, v47, v2;
	v7 =	vsel vm8, $0x4, v50;
	v2 =	vsel vm1, $0x4, v61  }
0x55: {  	v52 =	vld [tilespmem:s15+$0x400];
	vm8 =	vgt.f32 v55, v4;
	v6 =	vsel vm15, $0x5, v6;
	v8 =	vsel vm7, $0x6, v1  }
0x56: {  	[tilespmem:$0x1FD50] =	vst v21;
	v3 =	vsel vm11, $0x6, v3;
	vm4 =	vgt.f32 v48, v0;
	v21 =	vsel vm8, v55, v4  }
0x57: {  	v59 =	vld [tilespmem:s15+$0x800];
	v4 =	vsel vm3, $0x5, v7;
	v2 =	vsel vm13, $0x5, v2;
	v7 =	vsel vm14, $0x5, v14  }
0x58: {  	v50 =	vld [tilespmem:s15+$0x1400];
	v61 =	vsel vm4, v48, v0;
	v0 =	vimm.s32 $0x0;
	vm2 =	vgt.f32 v49, v27  }
0x59: {  	vm3 =	vgt.f32 v53, v21;
	v14 =	vsel vm8, $0x6, v4;
	v2 =	vsel vm10, $0x6, v2  }
0x5a: {  	v0 =	vsel vm4, $0xFFFFFFFF, v0;
	vm1 =	vgt.f32 v52, v61;
	vm9 =	vmneg vm3  }
0x5b: {  	vm3 =	vgt.f32 v13, v16;
	[tilespmem:$0x1FDD0] =	vst v0;
	v0 =	vsel vm12, $0x5, v62;
	vm14 =	vmneg vm1  }
0x5c: {  	v4 =	vld [tilespmem:s15+$0x1780];
	vm12 =	vmneg vm2;
	v1 =	vnsel vm9, $0x7, v14;
	v14 =	vimm.s32 $0x0  }
0x5d: {  	v13 =	vsel vm3, v13, v16;
	vm0 =	vgt.f32 v59, v41;
	vm5 =	vgt.f32 v50, v5  }
0x5e: {  	[tilespmem:$0x1FE20] =	vst v5;
	v0 =	vsel vm4, $0x6, v0;
	v5 =	vnsel vm12, $0x7, v3;
	v14 =	vsel vm3, $0xFFFFFFFF, v14  }
0x5f: {  	v3 =	vld [tilespmem:s15+$0x1B80];
	vm13 =	vmneg vm0;
	vm6 =	vmneg vm5;
	v60 =	vnsel vm14, $0x7, v0  }
0x60: {  	[tilespmem:$0x1FDE0] =	vst v61;
	v61 =	vnsel vm13, $0x7, v8;
	v0 =	vnsel vm6, $0x7, v2;
	vm0 =	veq.s32 v60, $0x0  }
0x61: {  	v62 =	vld [tilespmem:s15+$0x1800];
	vm2 =	vgt.f32 v4, v9;
	vm1 =	veq.s32 v61, $0x0;
	v2 =	vsel vm0, $0xFF61B1E6, v63  }
0x62: {  	vm0 =	veq.s32 v5, $0x0;
	v63 =	vld [tilespmem:s15+$0x1C00];
	v7 =	vsel vm2, $0x6, v7;
	v8 =	vsel vm1, $0xFF61B1E6, v17  }
0x63: {  	vm1 =	veq.s32 v1, $0x0;
	v17 =	vsel vm0, $0xFF61B1E6, v22;
	vm0 =	veq.s32 v0, $0x0  }
0x64: {  	v22 =	vsel vm1, $0xFF61B1E6, v11;
	v36 =	vsel vm0, $0xFF61B1E6, v36;
	vm5 =	vgt.f32 v3, v10  }
0x65: {  	v11 =	vsel vm2, v4, v9;
	vm1 =	vgt.f32 v12, v13;
	v9 =	vsel vm5, v3, v10  }
0x66: {  	vm0 =	vgt.f32 v62, v11;
	v6 =	vsel vm5, $0x6, v6;
	v10 =	vimm.s32 $0x0  }
0x67: {  	[tilespmem:$0x1FE40] =	vst v9;
	vm4 =	vmneg vm0;
	vm3 =	vgt.f32 v63, v9;
	v9 =	vimm.s32 $0x0  }
0x68: {  	v51 =	vnsel vm4, $0x7, v7;
	v9 =	vsel vm1, $0xFFFFFFFF, v9;
	vm15 =	vmneg vm3  }
0x69: {  	vm3 =	veq.s32 v51, $0x0;
	[tilespmem:$0x1FC90] =	vst v9;
	v9 =	vsel vm1, v12, v13;
	vm1 =	vgt.f32 v36, $-3.000000010e+38  }
0x6a: {  	[tilespmem:$0x1FE00] =	vst v27;
	v58 =	vnsel vm15, $0x7, v6;
	v6 =	vld [tilespmem:$0x1FCB0];
	vm0 =	vgt.f32 v15, v9;
	v27 =	vnsel vm1, $0xFF61B1E6, v36  }
0x6b: {  	v10 =	vsel vm0, $0xFFFFFFFF, v10;
	v9 =	vsel vm0, v15, v9;
	vm0 =	veq.s32 v58, $0x0  }
0x6c: {  	[tilespmem:$0x1FE10] =	vst v21;
	vm1 =	veq.s32 v61, $0x1;
	v12 =	vsel vm0, $0xFF61B1E6, v31;
	vm0 =	vgt.f32 v2, $-3.000000010e+38  }
0x6d: {  	[tilespmem:$0x1FCA0] =	vst v10;
	v10 =	vsel vm3, $0xFF61B1E6, v23;
	vm3 =	vgt.f32 v22, $-3.000000010e+38;
	v21 =	vnsel vm0, $0xFF61B1E6, v2  }
0x6e: {  	[tilespmem:$0x1FDF0] =	vst v41;
	vm0 =	vgt.f32 v8, $-3.000000010e+38;
	v41 =	vnsel vm3, $0xFF61B1E6, v22;
	vm3 =	vgt.f32 v10, $-3.000000010e+38;
	v2 =	vld [tilespmem:$0x1FCC0]  }
0x6f: {  	v7 =	vmovc v5;
	v9 =	vsub.f32 v9, v6;
	v31 =	vnsel vm3, $0xFF61B1E6, v10;
	vm3 =	veq.s32 v5, $0x1;
	v5 =	vld [tilespmem:$0x1FCD0]  }
0x70: {  	v36 =	vsel vm1, $0xFF61B1E6, v19;
	v13 =	vnsel vm0, $0xFF61B1E6, v8;
	vm0 =	vgt.f32 v17, $-3.000000010e+38  }
0x71: {  	vm1 =	veq.s32 v0, $0x1;
	v15 =	vnsel vm0, $0xFF61B1E6, v17;
	v9 =	vmul.f32 $1.442695020e+00, v9  }
0x72: {  	vm0 =	veq.s32 v60, $0x1;
	v8 =	vsel vm3, $0xFF61B1E6, v20;
	vm3 =	veq.s32 v51, $0x1  }
0x73: {  	(erf) = vpow2.f32 v9;
	v2 =	vsel vm3, $0xFF61B1E6, v2;
	vm3 =	veq.s32 v61, $0x2  }
0x74: {  	v9 =	vsel vm1, $0xFF61B1E6, v26;
	v26 =	vmovc v0;
	v5 =	vsel vm3, $0xFF61B1E6, v5;
	vm3 =	veq.s32 v0, $0x2;
	v0 =	vld [tilespmem:$0x1FCE0]  }
0x75: {  	v23 =	vsel vm0, $0xFF61B1E6, v18;
	vm0 =	vgt.f32 v12, $-3.000000010e+38  }
0x76: {  	v44 =	vnsel vm0, $0xFF61B1E6, v12;
	vm0 =	veq.s32 v1, $0x1  }
0x77: {  	v10 =	vsel vm0, $0xFF61B1E6, v25;
	vm0 =	veq.s32 v58, $0x1  }
0x78: {  	v16 =	vsel vm0, $0xFF61B1E6, v30;
	vm0 =	veq.s32 v7, $0x2  }
0x79: {  	[tilespmem:$0x1FE30] =	vst v11;
	v11 =	vsel vm0, $0xFF61B1E6, v0;
	v0 =	vld [tilespmem:$0x1FCF0];
	_ =	sdelay $0x1  }
0x7a: {  	[tilespmem:$0x1FF80] =	vst v14;
	v14 =	vld [tilespmem:$0x1FD10]  }
0x7b: {  	vm1 =	veq.s32 v60, $0x2  }
0x7c: {  	v6 =	vsel vm1, $0xFF61B1E6, v38;
	vm1 =	veq.s32 v1, $0x2  }
0x7d: {  	v12 =	vsel vm1, $0xFF61B1E6, v0;
	v0 =	vld [tilespmem:$0x1FD00]  }
0x7e: {  	vm0 =	veq.s32 v51, $0x2  }
0x7f: {  	v19 =	vsel vm0, $0xFF61B1E6, v14;
	v14 =	vld [tilespmem:$0x1FD20];
	_ =	sdelay $0x2  }
0x80: {  	v17 =	vmov v7;
	v7 =	vsel vm3, $0xFF61B1E6, v0;
	v0 =	vpop (erf)  }
0x81: {  	vm1 =	veq.s32 v58, $0x2;
	[tilespmem:$0x1FFC0] =	vst v0;
	v0 =	vmul.f32 v0, v0  }
0x82: {  	vm0 =	veq.s32 v60, $0x3;
	v18 =	vsel vm1, $0xFF61B1E6, v14  }
0x83: {  	[tilespmem:$0x1FDB0] =	vst v35;
	v14 =	vsel vm0, $0xFF61B1E6, v34;
	vm0 =	veq.s32 v61, $0x3;
	v0 =	vadd.f32 $1.000000000e+00, v0  }
0x84: {  	[tilespmem:$0x1FFE0] =	vst v1;
	vm1 =	veq.s32 v1, $0x3;
	v32 =	vsel vm0, $0xFF61B1E6, v32  }
0x85: {  	v35 =	vmovc v17;
	[tilespmem:$0x1FFD0] =	vst v17;
	v30 =	vmovc v1;
	vm0 =	veq.s32 v17, $0x3;
	v1 =	vshra.s32 v0, $0x1;
	v17 =	vmul.f32 $5.000000000e-01, v0;
	v0 =	vld [tilespmem:$0x1FD30];
	_ =	sdelay $0x3  }
0x86: {  	v24 =	vsel vm0, $0xFF61B1E6, v29;
	vm0 =	veq.s32 v26, $0x3  }
0x87: {  	v29 =	vsel vm0, $0xFF61B1E6, v0;
	v0 =	vld [tilespmem:$0x1FD40];
	_ =	sdelay $0x2  }
0x88: {  	v22 =	vld [tilespmem:$0x1FD50]  }
0x89: {  	v20 =	vsel vm1, $0xFF61B1E6, v28;
	vm1 =	veq.s32 v51, $0x3  }
0x8a: {  	v28 =	vsel vm1, $0xFF61B1E6, v0;
	vm1 =	veq.s32 v60, $0x4  }
0x8b: {  	v38 =	vmov v26;
	[tilespmem:$0x1FFF0] =	vst v26;
	v34 =	vsel vm1, $0xFF61B1E6, v40;
	vm1 =	veq.s32 v26, $0x4;
	v26 =	vld [tilespmem:$0x1FD60]  }
0x8c: {  	vm0 =	veq.s32 v58, $0x3  }
0x8d: {  	v22 =	vsel vm0, $0xFF61B1E6, v22;
	vm0 =	veq.s32 v61, $0x4  }
0x8e: {  	v33 =	vsel vm0, $0xFF61B1E6, v37;
	vm0 =	veq.s32 v35, $0x4  }
0x8f: {  	v1 =	vsub.s32 $0x5F3759DF, v1;
	v25 =	vsel vm0, $0xFF61B1E6, v45;
	vm0 =	veq.s32 v30, $0x4  }
0x90: {  	v0 =	vmul.f32 v1, v17;
	v37 =	vsel vm0, $0xFF61B1E6, v26;
	v26 =	vld [tilespmem:$0x1FD70];
	_ =	sdelay $0x1  }
0x91: {  	v0 =	vmul.f32 v1, v0;
	_ =	sdelay $0x1  }
0x92: {  	v45 =	vld [tilespmem:$0x1FD90];
	v0 =	vsub.f32 $1.500000000e+00, v0  }
0x93: {  	v40 =	vsel vm1, $0xFF61B1E6, v26;
	v26 =	vld [tilespmem:$0x1FD80]  }
0x94: {  	v0 =	vmul.f32 v1, v0;
	v1 =	vld [tilespmem:$0x1FDA0];
	_ =	sdelay $0x2  }
0x95: {  	vm0 =	veq.s32 v51, $0x4;
	vm1 =	veq.s32 v58, $0x4  }
0x96: {  	v46 =	vsel vm1, $0xFF61B1E6, v45;
	v26 =	vsel vm0, $0xFF61B1E6, v26;
	vm0 =	veq.s32 v61, $0x5  }
0x97: {  	[tilespmem:$0x1FF50] =	vst v17;
	vm1 =	veq.s32 v35, $0x5;
	v35 =	vsel vm0, $0xFF61B1E6, v1;
	v1 =	vmul.f32 v0, v17;
	v17 =	vld [tilespmem:$0x1FDB0];
	_ =	sdelay $0x1  }
0x98: {  	vm3 =	veq.s32 v60, $0x5  }
0x99: {  	v45 =	vsel vm3, $0xFF61B1E6, v43;
	vm0 =	veq.s32 v30, $0x5  }
0x9a: {  	v43 =	vsel vm1, $0xFF61B1E6, v42;
	v42 =	vsel vm0, $0xFF61B1E6, v39;
	vm0 =	veq.s32 v38, $0x5  }
0x9b: {  	v38 =	vsel vm0, $0xFF61B1E6, v17;
	v17 =	vld [tilespmem:$0x1FDC0];
	_ =	sdelay $0x3  }
0x9c: {  	vm0 =	veq.s32 v51, $0x5  }
0x9d: {  	v39 =	vsel vm0, $0xFF61B1E6, v17;
	v17 =	vld [tilespmem:$0x1FDD0];
	_ =	sdelay $0x2  }
0x9e: {  	v1 =	vmul.f32 v1, v0;
	_ =	sdelay $0x1  }
0x9f: {  	v1 =	vsub.f32 $1.500000000e+00, v1;
	vm0 =	vnez.u8 v17  }
0xa0: {  	vm0 =	vmand vm0, vm14  }
0xa1: {  	v30 =	vsel vm0, $0xFF61B1E6, v48;
	v48 =	vmul.f32 v1, v0;
	v0 =	vld [tilespmem:$0x1FDE0];
	_ =	sdelay $0x2  }
0xa2: {  	vm0 =	vmand vm8, vm9  }
0xa3: {  	v55 =	vsel vm0, $0xFF61B1E6, v55;
	vm0 =	vmand vm2, vm4  }
0xa4: {  	v1 =	vsel vm0, $0xFF61B1E6, v4;
	v4 =	vsel vm14, v0, v52;
	v0 =	vld [tilespmem:$0x1FDF0];
	_ =	sdelay $0x2  }
0xa5: {  	vm2 =	vmand vm5, vm15  }
0xa6: {  	v3 =	vsel vm2, $0xFF61B1E6, v3;
	vm2 =	vgt.f32 v36, v13  }
0xa7: {  	v13 =	vsel vm2, v36, v13;
	v36 =	vsel vm13, v0, v59;
	v0 =	vld [tilespmem:$0x1FE00];
	_ =	sdelay $0x4  }
0xa8: {  	v0 =	vsel vm12, v0, v49  }
0xa9: {  	[tilespmem:$0x1FEF0] =	vst v0;
	v0 =	vld [tilespmem:$0x1FE10]  }
0xaa: {  	vm1 =	veq.s32 v58, $0x5  }
0xab: {  	v47 =	vsel vm1, $0xFF61B1E6, v47;
	vm1 =	vmand vm7, vm13  }
0xac: {  	v56 =	vsel vm1, $0xFF61B1E6, v56;
	vm1 =	vmand vm10, vm6  }
0xad: {  	v57 =	vsel vm1, $0xFF61B1E6, v57;
	vm1 =	vgt.f32 v23, v21  }
0xae: {  	v21 =	vsel vm1, v23, v21;
	v23 =	vnsel vm13, $0xFF61B1E6, v59;
	v59 =	vsel vm9, v0, v53;
	v0 =	vld [tilespmem:$0x1FE20];
	_ =	sdelay $0x2  }
0xaf: {  	vm3 =	vmand vm11, vm12  }
0xb0: {  	v54 =	vsel vm3, $0xFF61B1E6, v54;
	vm3 =	vgt.f32 v10, v41;
	vm5 =	vgt.f32 v9, v27  }
0xb1: {  	vm7 =	vgt.f32 v2, v31;
	v9 =	vsel vm5, v9, v27;
	v27 =	vsel vm6, v0, v50;
	v0 =	vld [tilespmem:$0x1FE30]  }
0xb2: {  	v10 =	vsel vm3, v10, v41;
	v2 =	vsel vm7, v2, v31  }
0xb3: {  	v31 =	vnsel vm6, $0xFF61B1E6, v50;
	vm10 =	vgt.f32 v12, v10;
	vm0 =	vgt.f32 v8, v15  }
0xb4: {  	v10 =	vsel vm10, v12, v10;
	v8 =	vsel vm0, v8, v15;
	vm8 =	vgt.f32 v5, v13  }
0xb5: {  	vm11 =	vgt.f32 v7, v9;
	v52 =	vnsel vm14, $0xFF61B1E6, v52;
	v5 =	vsel vm8, v5, v13  }
0xb6: {  	vm14 =	vgt.f32 v32, v5;
	vm13 =	vgt.f32 v19, v2;
	v15 =	vsel vm4, v0, v62;
	v0 =	vld [tilespmem:$0x1FE40]  }
0xb7: {  	v7 =	vsel vm11, v7, v9;
	v5 =	vsel vm14, v32, v5;
	v2 =	vsel vm13, v19, v2  }
0xb8: {  	v49 =	vnsel vm12, $0xFF61B1E6, v49;
	v53 =	vnsel vm9, $0xFF61B1E6, v53;
	vm9 =	vgt.f32 v11, v8  }
0xb9: {  	vm6 =	vgt.f32 v16, v44;
	v50 =	vnsel vm4, $0xFF61B1E6, v62;
	vm4 =	vgt.f32 v6, v21  }
0xba: {  	v17 =	vld [tilespmem:$0x1FE50];
	v8 =	vsel vm9, v11, v8;
	v16 =	vsel vm6, v16, v44;
	v6 =	vsel vm4, v6, v21  }
0xbb: {  	v62 =	vsel vm15, v0, v63;
	v63 =	vnsel vm15, $0xFF61B1E6, v63;
	v0 =	vimm.s32 $0x0  }
0xbc: {  	v13 =	vsel vm1, $0x1, v0;
	v21 =	vsel vm2, $0x1, v0;
	v44 =	vsel vm0, $0x1, v0  }
0xbd: {  	v9 =	vsel vm3, $0x1, v0;
	v11 =	vsel vm5, $0x1, v0;
	vm5 =	vgt.f32 v18, v16  }
0xbe: {  	v12 =	vsel vm7, $0x1, v0;
	v0 =	vimm.s32 $0x0;
	vm0 =	vgt.f32 v14, v6  }
0xbf: {  	vm1 =	vgt.f32 v24, v8;
	vm2 =	vnez.u8 v17;
	vm3 =	vgt.f32 v28, v2  }
0xc0: {  	v16 =	vsel vm5, v18, v16;
	v6 =	vsel vm0, v14, v6;
	v13 =	vsel vm4, $0x2, v13  }
0xc1: {  	v14 =	vsel vm6, $0x1, v0;
	v18 =	vsel vm2, $0x1, v0;
	vm2 =	vgt.f32 v20, v10  }
0xc2: {  	v8 =	vsel vm1, v24, v8;
	v19 =	vsel vm8, $0x2, v21;
	vm6 =	vgt.f32 v29, v7  }
0xc3: {  	v9 =	vsel vm10, $0x2, v9;
	v0 =	vimm.s32 $0x0;
	vm4 =	vgt.f32 v22, v16  }
0xc4: {  	v2 =	vsel vm3, v28, v2;
	v11 =	vsel vm11, $0x2, v11;
	v0 =	vsel vm4, $0xFFFFFFFF, v0  }
0xc5: {  	v16 =	vsel vm4, v22, v16;
	vm4 =	vgt.f32 v33, v5;
	[tilespmem:$0x1FF10] =	vst v0;
	v0 =	vimm.s32 $0x0  }
0xc6: {  	v12 =	vsel vm13, $0x2, v12;
	v10 =	vsel vm2, v20, v10;
	v0 =	vsel vm4, $0xFFFFFFFF, v0  }
0xc7: {  	v14 =	vsel vm5, $0x2, v14;
	vm5 =	vgt.f32 v25, v8;
	[tilespmem:$0x1FF30] =	vst v0;
	v0 =	vimm.s32 $0x0  }
0xc8: {  	v20 =	vsel vm9, $0x2, v44;
	v7 =	vsel vm6, v29, v7;
	v0 =	vsel vm5, $0xFFFFFFFF, v0  }
0xc9: {  	vm12 =	vgt.f32 v34, v6;
	v13 =	vsel vm0, $0x3, v13;
	vm11 =	vgt.f32 v26, v2;
	[tilespmem:$0x1FF40] =	vst v0;
	v0 =	vld [tilespmem:$0x1FE60]  }
0xca: {  	v11 =	vsel vm6, $0x3, v11;
	v6 =	vsel vm12, v34, v6;
	v8 =	vsel vm5, v25, v8  }
0xcb: {  	vm10 =	vgt.f32 v40, v7;
	v2 =	vsel vm11, v26, v2;
	vm15 =	vgt.f32 v46, v16  }
0xcc: {  	v5 =	vsel vm4, v33, v5;
	vm13 =	vgt.f32 v45, v6;
	v16 =	vsel vm15, v46, v16  }
0xcd: {  	v7 =	vsel vm10, v40, v7;
	v6 =	vsel vm13, v45, v6;
	vm0 =	vgt.f32 v47, v16  }
0xce: {  	v16 =	vsel vm0, v47, v16;
	vm4 =	vnez.u8 v0;
	v0 =	vimm.s32 $0x0  }
0xcf: {  	v17 =	vsel vm4, $0x2, v18;
	v18 =	vsel vm14, $0x3, v19;
	v0 =	vsel vm0, $0xFFFFFFFF, v0  }
0xd0: {  	vm14 =	vgt.f32 v35, v5;
	vm0 =	vgt.f32 v30, v6;
	[tilespmem:$0x1FF70] =	vst v0;
	v0 =	vimm.s32 $0x0  }
0xd1: {  	vm6 =	vgt.f32 v43, v8;
	v5 =	vsel vm14, v35, v5;
	v0 =	vsel vm0, $0xFFFFFFFF, v0  }
0xd2: {  	v6 =	vsel vm0, v30, v6;
	vm0 =	vgt.f32 v56, v5;
	[tilespmem:$0x1FF90] =	vst v0;
	v0 =	vimm.s32 $0x0  }
0xd3: {  	v8 =	vsel vm6, v43, v8;
	vm8 =	vgt.f32 v38, v7;
	v0 =	vsel vm0, $0xFFFFFFFF, v0  }
0xd4: {  	v19 =	vsel vm1, $0x3, v20;
	vm1 =	vgt.f32 v54, v8;
	[tilespmem:$0x1FFA0] =	vst v0;
	v0 =	vimm.s32 $0x0  }
0xd5: {  	vm9 =	vgt.f32 v39, v2;
	v7 =	vsel vm8, v38, v7;
	v0 =	vsel vm1, $0xFFFFFFFF, v0  }
0xd6: {  	v8 =	vsel vm1, v54, v8;
	vm1 =	vgt.f32 v57, v7;
	[tilespmem:$0x1FFB0] =	vst v0;
	v0 =	vimm.s32 $0x0  }
0xd7: {  	v2 =	vsel vm9, v39, v2;
	v0 =	vsel vm1, $0xFFFFFFFF, v0  }
0xd8: {  	v5 =	vsel vm0, v56, v5;
	vm0 =	vgt.f32 v1, v2;
	[tilespmem:$0x1FE70] =	vst v0;
	v0 =	vimm.s32 $0x0  }
0xd9: {  	vm5 =	vgt.f32 v37, v10;
	v0 =	vsel vm0, $0xFFFFFFFF, v0  }
0xda: {  	v1 =	vsel vm0, v1, v2;
	vm0 =	vgt.f32 v3, v16;
	[tilespmem:$0x1FE80] =	vst v0;
	v0 =	vimm.s32 $0x0  }
0xdb: {  	v10 =	vsel vm5, v37, v10;
	v0 =	vsel vm0, $0xFFFFFFFF, v0  }
0xdc: {  	v7 =	vsel vm1, v57, v7;
	vm1 =	vgt.f32 v23, v5;
	[tilespmem:$0x1FE90] =	vst v0;
	v0 =	vimm.s32 $0x0  }
0xdd: {  	v9 =	vsel vm2, $0x3, v9;
	vm7 =	vgt.f32 v42, v10;
	v0 =	vsel vm1, $0xFFFFFFFF, v0  }
0xde: {  	v10 =	vsel vm7, v42, v10;
	vm4 =	vgt.f32 v31, v7;
	[tilespmem:$0x1FEA0] =	vst v0;
	v0 =	vimm.s32 $0x0  }
0xdf: {  	v12 =	vsel vm3, $0x3, v12;
	vm2 =	vgt.f32 v55, v10;
	v0 =	vsel vm4, $0xFFFFFFFF, v0  }
0xe0: {  	v5 =	vsel vm1, v23, v5;
	vm1 =	vgt.f32 v49, v8;
	[tilespmem:$0x1FEB0] =	vst v0;
	v0 =	vimm.s32 $0x0  }
0xe1: {  	v10 =	vsel vm2, v55, v10;
	vm3 =	vgt.f32 v52, v6;
	v0 =	vsel vm1, $0xFFFFFFFF, v0  }
0xe2: {  	v3 =	vsel vm0, v3, v16;
	vm0 =	vgt.f32 v53, v10;
	[tilespmem:$0x1FEC0] =	vst v0;
	v0 =	vimm.s32 $0x0  }
0xe3: {  	v2 =	vsel vm3, v52, v6;
	v0 =	vsel vm0, $0xFFFFFFFF, v0  }
0xe4: {  	v6 =	vsel vm0, v53, v10;
	vm0 =	vgt.f32 v50, v1;
	[tilespmem:$0x1FED0] =	vst v0;
	v0 =	vimm.s32 $0x0  }
0xe5: {  	v0 =	vsel vm0, $0xFFFFFFFF, v0  }
0xe6: {  	[tilespmem:$0x1FEE0] =	vst v0;
	v0 =	vld [tilespmem:$0x1FEF0];
	_ =	sdelay $0x3  }
0xe7: {  	v2 =	vsub.f32 v2, v4;
	v4 =	vsel vm1, v49, v8;
	v1 =	vsel vm0, v50, v1  }
0xe8: {  	vm0 =	vgt.f32 v63, v3;
	v4 =	vsub.f32 v4, v0;
	v0 =	vimm.s32 $0x0  }
0xe9: {  	v0 =	vsel vm0, $0xFFFFFFFF, v0  }
0xea: {  	[tilespmem:$0x1FF00] =	vst v0;
	v0 =	vld [tilespmem:$0x1FF10];
	_ =	sdelay $0x2  }
0xeb: {  	v2 =	vmul.f32 $1.442695020e+00, v2;
	_ =	sdelay $0x1  }
0xec: {  	(erf) = vpow2.f32 v2;
	v2 =	vsel vm0, v63, v3;
	vm0 =	vnez.u8 v0;
	v0 =	vld [tilespmem:$0x1FF20]  }
0xed: {  	v5 =	vsub.f32 v5, v36;
	_ =	sdelay $0x1  }
0xee: {  	v5 =	vmul.f32 $1.442695020e+00, v5  }
0xef: {  	v7 =	vsel vm4, v31, v7;
	v6 =	vsub.f32 v6, v59  }
0xf0: {  	(erf) = vpow2.f32 v5;
	v5 =	vsel vm0, $0x3, v14;
	vm0 =	vnez.u8 v0;
	v0 =	vld [tilespmem:$0x1FF30]  }
0xf1: {  	v3 =	vsub.f32 v7, v27;
	v4 =	vmul.f32 $1.442695020e+00, v4  }
0xf2: {  	v6 =	vmul.f32 $1.442695020e+00, v6  }
0xf3: {  	v3 =	vmul.f32 $1.442695020e+00, v3;
	(erf) = vpow2.f32 v4  }
0xf4: {  	v1 =	vsub.f32 v1, v15;
	(erf) = vpow2.f32 v6  }
0xf5: {  	(erf) = vpow2.f32 v3;
	v3 =	vsel vm0, $0x3, v17;
	vm0 =	vnez.u8 v0;
	v0 =	vld [tilespmem:$0x1FF40];
	_ =	sdelay $0x1  }
0xf6: {  	v1 =	vmul.f32 $1.442695020e+00, v1;
	_ =	sdelay $0x1  }
0xf7: {  	v2 =	vsub.f32 v2, v62;
	(erf) = vpow2.f32 v1  }
0xf8: {  	v6 =	vsel vm0, $0x4, v18;
	vm0 =	vnez.u8 v0;
	v0 =	vld [tilespmem:$0x1FF50]  }
0xf9: {  	v2 =	vmul.f32 $1.442695020e+00, v2  }
0xfa: {  	v8 =	vsel vm10, $0x4, v11;
	v11 =	vpop (erf)  }
0xfb: {  	v10 =	vsel vm8, $0x5, v8;
	(erf) = vpow2.f32 v2;
	v2 =	vsel vm5, $0x4, v9;
	v14 =	vpop (erf)  }
0xfc: {  	v9 =	vsel vm11, $0x4, v12;
	v12 =	vmul.f32 v11, v11;
	v8 =	vmul.f32 v14, v14;
	v24 =	vpop (erf)  }
0xfd: {  	v25 =	vpop (erf);
	v7 =	vmul.f32 v48, v0;
	v0 =	vld [tilespmem:$0x1FF60]  }
0xfe: {  	v4 =	vsel vm12, $0x4, v13;
	v12 =	vadd.f32 $1.000000000e+00, v12;
	v8 =	vadd.f32 $1.000000000e+00, v8;
	v26 =	vpop (erf)  }
0xff: {  	v13 =	vsel vm9, $0x5, v9;
	v9 =	vmul.f32 v25, v25;
	v16 =	vmul.f32 v26, v26  }
0x100: {  	v15 =	vshra.s32 v12, $0x1;
	v12 =	vmul.f32 $5.000000000e-01, v12;
	v29 =	vmul.f32 $5.000000000e-01, v8;
	v27 =	vpop (erf)  }
0x101: {  	v9 =	vadd.f32 $1.000000000e+00, v9;
	v17 =	vmul.f32 v27, v27;
	v16 =	vadd.f32 $1.000000000e+00, v16  }
0x102: {  	v1 =	vsel vm0, $0x4, v19;
	vm0 =	vnez.u8 v0;
	v0 =	vmul.f32 v24, v24  }
0x103: {  	v15 =	vsub.s32 $0x5F3759DF, v15;
	v18 =	vshra.s32 v8, $0x1;
	v17 =	vadd.f32 $1.000000000e+00, v17  }
0x104: {  	v28 =	vpop (erf);
	v53 =	vmul.f32 $5.000000000e-01, v9;
	v54 =	vmul.f32 $5.000000000e-01, v16;
	v0 =	vadd.f32 $1.000000000e+00, v0  }
0x105: {  	v18 =	vsub.s32 $0x5F3759DF, v18;
	v55 =	vmul.f32 $5.000000000e-01, v17;
	v19 =	vmul.f32 v28, v28  }
0x106: {  	v8 =	vshra.s32 v0, $0x1;
	v52 =	vmul.f32 $5.000000000e-01, v0;
	v0 =	vshra.s32 v9, $0x1  }
0x107: {  	v9 =	vshra.s32 v16, $0x1;
	v16 =	vshra.s32 v17, $0x1;
	v17 =	vmul.f32 v15, v12  }
0x108: {  	v20 =	vmul.f32 v18, v29;
	v19 =	vadd.f32 $1.000000000e+00, v19  }
0x109: {  	v17 =	vmul.f32 v15, v17  }
0x10a: {  	v20 =	vmul.f32 v18, v20;
	v56 =	vmul.f32 $5.000000000e-01, v19  }
0x10b: {  	v19 =	vshra.s32 v19, $0x1;
	v0 =	vsub.s32 $0x5F3759DF, v0;
	v17 =	vsub.f32 $1.500000000e+00, v17  }
0x10c: {  	v20 =	vsub.f32 $1.500000000e+00, v20;
	v19 =	vsub.s32 $0x5F3759DF, v19;
	v22 =	vmul.f32 v0, v53  }
0x10d: {  	v8 =	vsub.s32 $0x5F3759DF, v8;
	v17 =	vmul.f32 v15, v17;
	v15 =	vmul.f32 v19, v56  }
0x10e: {  	v59 =	vmul.f32 v18, v20;
	v9 =	vsub.s32 $0x5F3759DF, v9;
	v21 =	vmul.f32 v8, v52  }
0x10f: {  	v16 =	vsub.s32 $0x5F3759DF, v16;
	v22 =	vmul.f32 v0, v22;
	v15 =	vmul.f32 v19, v15  }
0x110: {  	v23 =	vmul.f32 v9, v54;
	v57 =	vmul.f32 v16, v55  }
0x111: {  	v21 =	vmul.f32 v8, v21;
	v18 =	vsub.f32 $1.500000000e+00, v22;
	v22 =	vsub.f32 $1.500000000e+00, v15;
	v15 =	vld [tilespmem:$0x1FF70];
	_ =	sdelay $0x1  }
0x112: {  	v23 =	vmul.f32 v9, v23;
	v35 =	vmul.f32 v16, v57;
	v21 =	vsub.f32 $1.500000000e+00, v21;
	_ =	sdelay $0x1  }
0x113: {  	v20 =	vsub.f32 $1.500000000e+00, v23;
	v8 =	vmul.f32 v8, v21;
	v21 =	vsub.f32 $1.500000000e+00, v35  }
0x114: {  	v5 =	vsel vm15, $0x4, v5;
	v3 =	vsel vm0, $0x4, v3;
	vm0 =	vnez.u8 v15  }
0x115: {  	v15 =	vsel vm0, $0x5, v5;
	v5 =	vmul.f32 v9, v20;
	v9 =	vmul.f32 v16, v21;
	v16 =	vld [tilespmem:$0x1FF80];
	_ =	sdelay $0x3  }
0x116: {  	v0 =	vmul.f32 v0, v18;
	v18 =	vmul.f32 v17, v12  }
0x117: {  	vm0 =	vnez.u8 v16  }
0x118: {  	v16 =	vsel vm0, $0x5, v3;
	v3 =	vmul.f32 v19, v22;
	v19 =	vmul.f32 v18, v17  }
0x119: {  	v18 =	vld [tilespmem:$0x1FF90]  }
0x11a: {  	v62 =	vsub.f32 $1.500000000e+00, v19;
	v19 =	vld [tilespmem:$0x1FFA0];
	_ =	sdelay $0x3  }
0x11b: {  	v4 =	vsel vm13, $0x5, v4;
	vm0 =	vnez.u8 v18  }
0x11c: {  	v18 =	vsel vm0, $0x6, v4;
	vm0 =	vnez.u8 v19;
	v19 =	vld [tilespmem:$0x1FFB0]  }
0x11d: {  	v4 =	vmul.f32 v59, v29  }
0x11e: {  	v21 =	vmul.f32 v8, v52  }
0x11f: {  	v6 =	vsel vm14, $0x5, v6;
	v22 =	vmul.f32 v0, v53;
	v4 =	vmul.f32 v4, v59  }
0x120: {  	v1 =	vsel vm6, $0x5, v1;
	v35 =	vmul.f32 v62, v17;
	v17 =	vmul.f32 v3, v56  }
0x121: {  	v20 =	vsel vm0, $0x6, v6;
	v4 =	vsub.f32 $1.500000000e+00, v4;
	vm0 =	vnez.u8 v19  }
0x122: {  	v19 =	vsel vm0, $0x6, v1;
	v1 =	vmul.f32 v21, v8;
	v21 =	vmul.f32 v22, v0;
	_ =	sdelay $0x1  }
0x123: {  	v36 =	vmul.f32 v4, v59;
	v4 =	vmul.f32 v17, v3;
	v17 =	vsub.f32 $1.500000000e+00, v21  }
0x124: {  	v7 =	vmul.f32 v7, v48  }
0x125: {  	v6 =	vmul.f32 v9, v55;
	v63 =	vmul.f32 v17, v0;
	v0 =	vld [tilespmem:$0x1FFC0]  }
0x126: {  	v7 =	vsub.f32 $1.500000000e+00, v7  }
0x127: {  	v23 =	vmul.f32 v5, v54;
	v6 =	vmul.f32 v6, v9  }
0x128: {  	v2 =	vsel vm7, $0x5, v2;
	v7 =	vmul.f32 v7, v48  }
0x129: {  	v6 =	vsub.f32 $1.500000000e+00, v6;
	v22 =	vmul.f32 v23, v5;
	v1 =	vsub.f32 $1.500000000e+00, v1  }
0x12a: {  	v4 =	vsub.f32 $1.500000000e+00, v4;
	v21 =	vsel vm2, $0x6, v2;
	v0 =	vadd.f32 v0, v0  }
0x12b: {  	v1 =	vmul.f32 v1, v8;
	v8 =	vsub.f32 $1.500000000e+00, v22;
	v22 =	vmul.f32 v6, v9  }
0x12c: {  	v2 =	vmul.f32 v7, v0;
	v0 =	vadd.f32 v11, v11;
	v11 =	vadd.f32 v27, v27;
	v27 =	vld [tilespmem:$0x1FFE0]  }
0x12d: {  	v17 =	vmul.f32 v4, v3;
	v4 =	vmul.f32 v35, v12  }
0x12e: {  	v9 =	vadd.f32 v24, v24;
	v6 =	vmul.f32 v36, v29;
	v23 =	vmul.f32 v8, v5  }
0x12f: {  	[tilespmem:s15+$0x2880] =	vst v60;
	v3 =	vld [tilespmem:$0x1FFD0];
	v8 =	vadd.f32 v14, v14;
	v14 =	vmul.f32 v1, v52;
	v24 =	vmul.f32 v63, v53  }
0x130: {  	[tilespmem:s15+$0x2900] =	vst v61;
	v12 =	vadd.f32 v26, v26;
	v26 =	vmul.f32 v17, v56;
	v4 =	vmul.f32 v4, v35  }
0x131: {  	v5 =	vadd.f32 v25, v25;
	v6 =	vmul.f32 v6, v36;
	v25 =	vmul.f32 v23, v54;
	[tilespmem:s15+$0x2A00] =	vst v27;
	v27 =	vld [tilespmem:$0x1FFF0]  }
0x132: {  	[tilespmem:s15+$0x2B00] =	vst v51;
	v14 =	vmul.f32 v14, v1;
	v24 =	vmul.f32 v24, v63  }
0x133: {  	v4 =	vsub.f32 $1.500000000e+00, v4;
	v6 =	vsub.f32 $1.500000000e+00, v6;
	[tilespmem:s15+$0x2800] =	vst v2;
	v2 =	vmul.f32 v22, v55  }
0x134: {  	v26 =	vmul.f32 v26, v17;
	[tilespmem:s15+$0x2980] =	vst v3;
	v3 =	vadd.f32 v28, v28;
	v24 =	vsub.f32 $1.500000000e+00, v24  }
0x135: {  	[tilespmem:s15+$0x2B80] =	vst v58;
	v25 =	vmul.f32 v25, v23;
	v7 =	vadd.f32 v7, v7;
	v2 =	vmul.f32 v2, v22  }
0x136: {  	v24 =	vmul.f32 v24, v63;
	[tilespmem:s15+$0x2A80] =	vst v27;
	v27 =	vsub.f32 $1.500000000e+00, v14;
	v14 =	vmul.f32 v4, v35  }
0x137: {  	s17 =	simm.s32 $0xFFFFFF90;
	[tilespmem:s15+$0x2400] =	vst v7;
	v7 =	vsub.f32 $1.500000000e+00, v2;
	v4 =	vsub.f32 $1.500000000e+00, v25;
	v25 =	vmul.f32 v6, v36  }
0x138: {  	s16 =	simm.s32 $0xFFFFFE80;
	v2 =	vsub.f32 $1.500000000e+00, v26;
	v26 =	vmul.f32 v27, v1;
	v1 =	vld [tilespmem:s17+$0x1C80];
	v27 =	vadd.f32 v14, v14  }
.LBB2_2:
0x139: {  	v6 =	vld [tilespmem:s17+$0x1D00];
	v28 =	vadd.f32 v25, v25  }
0x13a: {  	v29 =	vld [tilespmem:s17+$0x80];
	[tilespmem:s15+$0x2080] =	vst v27  }
0x13b: {  	v0 =	vmul.f32 v14, v0;
	v14 =	vld [tilespmem:s17+$0x1D80];
	[tilespmem:s15+$0x2100] =	vst v28  }
0x13c: {  	v4 =	vmul.f32 v4, v23;
	v23 =	vmul.f32 v26, v9;
	v9 =	vld [tilespmem:s17+$0x100]  }
0x13d: {  	[tilespmem:s15+$0x2480] =	vst v0;
	v0 =	vmul.f32 v24, v5;
	v5 =	vld [tilespmem:$0x1FE70];
	_ =	sdelay $0x4  }
0x13e: {  	vm1 =	vnez.u8 v5;
	v5 =	vld [tilespmem:$0x1FE80];
	_ =	sdelay $0x4  }
0x13f: {  	v10 =	vsel vm1, $0x6, v10;
	vm1 =	vnez.u8 v5;
	v5 =	vld [tilespmem:$0x1FE90];
	_ =	sdelay $0x3  }
0x140: {  	v2 =	vmul.f32 v2, v17  }
0x141: {  	v17 =	vmul.f32 v25, v8;
	v13 =	vsel vm1, $0x6, v13;
	vm1 =	vnez.u8 v5;
	v5 =	vld [tilespmem:$0x1FC90]  }
0x142: {  	v7 =	vmul.f32 v7, v22;
	v22 =	vadd.f32 v26, v26  }
0x143: {  	v8 =	vld [tilespmem:s17+$0x1E00];
	[tilespmem:s15+$0x2500] =	vst v17  }
0x144: {  	v25 =	vadd.f32 v24, v24;
	v30 =	vld [tilespmem:s17+$0x480];
	[tilespmem:s15+$0x2180] =	vst v22  }
0x145: {  	v17 =	vadd.f32 v7, v7;
	v7 =	vmul.f32 v7, v11;
	v11 =	vld [tilespmem:s17+$0x1E80];
	[tilespmem:s15+$0x2580] =	vst v23  }
0x146: {  	v31 =	vimm.s32 $0x0;
	v24 =	vadd.f32 v4, v4;
	v28 =	vld [tilespmem:s17+$0x500];
	[tilespmem:s15+$0x2200] =	vst v25;
	vm2 =	vnez.u8 v5  }
0x147: {  	v4 =	vmul.f32 v4, v12;
	v12 =	vld [tilespmem:s17+$0x1F00];
	v16 =	vsel vm2, $0x6, v16;
	vm2 =	vgt.f32 v9, v29  }
0x148: {  	[tilespmem:s15+$0x2600] =	vst v0;
	v5 =	vld [tilespmem:$0x1FEA0];
	v0 =	vsel vm2, $0x1, v31  }
0x149: {  	[tilespmem:$0x1F610] =	vst v0;
	v0 =	vld [tilespmem:$0x1FEC0];
	_ =	sdelay $0x3  }
0x14a: {  	v18 =	vsel vm3, $0x7, v18;
	vm3 =	vnez.u8 v5  }
0x14b: {  	v20 =	vsel vm3, $0x7, v20;
	vm3 =	vnez.u8 v0;
	v0 =	vld [tilespmem:$0x1FED0];
	_ =	sdelay $0x4  }
0x14c: {  	v19 =	vsel vm3, $0x7, v19;
	vm3 =	vnez.u8 v0;
	v0 =	vld [tilespmem:$0x1FEB0];
	_ =	sdelay $0x4  }
0x14d: {  	vm4 =	vnez.u8 v0;
	v0 =	vld [tilespmem:$0x1FEE0];
	_ =	sdelay $0x1  }
0x14e: {  	vm0 =	vgt.f32 v6, v1  }
0x14f: {  	v26 =	vadd.f32 v2, v2;
	v2 =	vmul.f32 v2, v3;
	v3 =	vsel vm0, v6, v1;
	v27 =	vld [tilespmem:s17+$0x880];
	[tilespmem:s15+$0x2280] =	vst v24  }
0x150: {  	v22 =	vsel vm1, $0x6, v15;
	vm1 =	vgt.f32 v14, v3;
	v15 =	vld [tilespmem:s17+$0x1F80]  }
0x151: {  	[tilespmem:s15+$0x2680] =	vst v4;
	v3 =	vsel vm1, v14, v3;
	v4 =	vsel vm4, $0x7, v10;
	vm4 =	vnez.u8 v0;
	v0 =	vld [tilespmem:$0x1FF00]  }
0x152: {  	[tilespmem:$0x1F760] =	vst v29;
	v5 =	vsel vm2, v9, v29;
	vm2 =	vgt.f32 v8, v3  }
0x153: {  	[tilespmem:$0x1F780] =	vst v9;
	v3 =	vsel vm2, v8, v3  }
0x154: {  	v9 =	vld [tilespmem:s17+$0x900];
	[tilespmem:s15+$0x2300] =	vst v17;
	v21 =	vsel vm3, $0x7, v21;
	vm3 =	vgt.f32 v11, v3  }
0x155: {  	[tilespmem:$0x1F790] =	vst v28;
	v17 =	vsel vm3, v11, v3;
	v10 =	vld [tilespmem:s17+$0x2000]  }
0x156: {  	[tilespmem:s15+$0x2700] =	vst v7;
	v7 =	vsel vm0, $0x1, v31;
	vm0 =	vgt.f32 v12, v17;
	vm5 =	vnez.u8 v0;
	v0 =	vld [tilespmem:$0x1FCA0]  }
0x157: {  	v61 =	vld [tilespmem:s17+$0xC80];
	[tilespmem:s15+$0x2380] =	vst v26;
	v7 =	vsel vm1, $0x2, v7;
	v17 =	vsel vm0, v12, v17  }
0x158: {  	vm1 =	vgt.f32 v15, v17;
	v23 =	vsel vm4, $0x7, v13;
	v13 =	vld [tilespmem:s17+$0xD00];
	[tilespmem:s15+$0x2780] =	vst v2;
	v2 =	vsel vm2, $0x3, v7  }
0x159: {  	v17 =	vsel vm1, v15, v17;
	vm4 =	vgt.f32 v28, v30;
	v62 =	vld [tilespmem:s17+$0x1080];
	[tilespmem:s15+$0x2C80] =	vst v18;
	v2 =	vsel vm3, $0x4, v2  }
0x15a: {  	v28 =	vsel vm4, v28, v30;
	v43 =	vld [tilespmem:s17+$0x1100];
	[tilespmem:s15+$0x2D00] =	vst v20;
	v7 =	vsel vm0, $0x5, v2;
	vm0 =	vgt.f32 v10, v17  }
0x15b: {  	v63 =	vld [tilespmem:s17+$0x1480];
	[tilespmem:s15+$0x2D80] =	vst v19;
	v18 =	vsel vm1, $0x6, v7;
	vm0 =	vmneg vm0;
	vm2 =	vnez.u8 v0  }
0x15c: {  	v47 =	vld [tilespmem:s17+$0x1500];
	[tilespmem:s15+$0x2E00] =	vst v21;
	v19 =	vnsel vm0, $0x7, v18;
	v16 =	vsel vm2, $0x7, v16;
	vm2 =	vgt.f32 v9, v27  }
0x15d: {  	v26 =	vld [tilespmem:s17+$0x1880];
	[tilespmem:s15+$0x2E80] =	vst v4;
	v29 =	vsel vm2, v9, v27;
	v55 =	vsel vm2, $0x1, v31;
	vm2 =	vgt.f32 v13, v61  }
0x15e: {  	[tilespmem:$0x1F770] =	vst v30;
	v60 =	vld [tilespmem:s17+$0x1900];
	v30 =	vsel vm2, v13, v61;
	v3 =	vsel vm2, $0x1, v31;
	vm2 =	veq.s32 v19, $0x0  }
0x15f: {  	v1 =	vsel vm2, $0xFF61B1E6, v1  }
0x160: {  	v24 =	vsel vm4, $0x1, v31;
	vm3 =	veq.s32 v19, $0x1;
	vm2 =	vgt.f32 v1, $-3.000000010e+38  }
0x161: {  	v2 =	vimm.s32 $0x0;
	v6 =	vsel vm3, $0xFF61B1E6, v6;
	v1 =	vnsel vm2, $0xFF61B1E6, v1  }
0x162: {  	v22 =	vsel vm5, $0x7, v22;
	v4 =	vimm.s32 $0x0;
	[tilespmem:s15+$0x2F00] =	vst v23;
	vm3 =	vgt.f32 v6, v1  }
0x163: {  	v0 =	vld [tilespmem:s17+$0x180];
	[tilespmem:s15+$0x2F80] =	vst v22;
	vm5 =	vgt.f32 v60, v26;
	vm2 =	veq.s32 v19, $0x2;
	v2 =	vsel vm3, $0xFFFFFFFF, v2  }
0x164: {  	v1 =	vsel vm3, v6, v1;
	v6 =	vsel vm2, $0xFF61B1E6, v14;
	[tilespmem:$0x1FA50] =	vst v2;
	v2 =	vimm.s32 $0x0  }
0x165: {  	v39 =	vld [tilespmem:s17+$0x580];
	[tilespmem:s15+$0x3000] =	vst v16;
	s15 =	smov.u32 s17;
	vm2 =	veq.s32 v19, $0x3;
	vm3 =	vgt.f32 v6, v1;
	v2 =	vsel vm5, $0xFFFFFFFF, v2  }
0x166: {  	v50 =	vld [tilespmem:s15+$0x1180];
	v1 =	vsel vm3, v6, v1;
	v6 =	vsel vm2, $0xFF61B1E6, v8;
	[tilespmem:$0x1F600] =	vst v2;
	v2 =	vimm.s32 $0x0  }
0x167: {  	vm2 =	veq.s32 v19, $0x4;
	v2 =	vsel vm3, $0xFFFFFFFF, v2;
	vm3 =	vgt.f32 v6, v1  }
0x168: {  	v56 =	vld [tilespmem:s15+$0x1580];
	v4 =	vsel vm3, $0xFFFFFFFF, v4;
	v1 =	vsel vm3, v6, v1;
	v6 =	vsel vm2, $0xFF61B1E6, v11  }
0x169: {  	vm4 =	vgt.f32 v43, v62;
	[tilespmem:$0x1FB60] =	vst v4;
	vm3 =	vgt.f32 v6, v1;
	v4 =	vimm.s32 $0x0  }
0x16a: {  	v23 =	vsel vm4, v43, v62;
	v4 =	vsel vm3, $0xFFFFFFFF, v4  }
0x16b: {  	vm6 =	vgt.f32 v47, v63;
	vm7 =	vgt.f32 v50, v23;
	[tilespmem:$0x1FBD0] =	vst v4;
	v4 =	vimm.s32 $0x0  }
0x16c: {  	v16 =	vsel vm6, v47, v63;
	v58 =	vld [tilespmem:s15+$0x1980];
	vm2 =	veq.s32 v19, $0x5;
	v4 =	vsel vm7, $0xFFFFFFFF, v4  }
0x16d: {  	v1 =	vsel vm3, v6, v1;
	vm3 =	vgt.f32 v56, v16;
	[tilespmem:$0x1F620] =	vst v4;
	v4 =	vimm.s32 $0x0  }
0x16e: {  	v6 =	vsel vm2, $0xFF61B1E6, v12;
	v4 =	vsel vm3, $0xFFFFFFFF, v4  }
0x16f: {  	vm2 =	vgt.f32 v6, v1;
	[tilespmem:$0x1F630] =	vst v4;
	v4 =	vimm.s32 $0x0  }
0x170: {  	v14 =	vsel vm5, v60, v26;
	v4 =	vsel vm2, $0xFFFFFFFF, v4  }
0x171: {  	vm1 =	vmand vm1, vm0;
	vm8 =	vgt.f32 v58, v14;
	[tilespmem:$0x1FC40] =	vst v4;
	v4 =	vimm.s32 $0x0  }
0x172: {  	[tilespmem:$0x1FAD0] =	vst v2;
	v2 =	vld [tilespmem:s15+$0x200];
	v1 =	vsel vm2, v6, v1;
	v6 =	vsel vm1, $0xFF61B1E6, v15;
	v4 =	vsel vm8, $0xFFFFFFFF, v4  }
0x173: {  	v33 =	vld [tilespmem:s15+$0x980];
	vm1 =	vgt.f32 v6, v1;
	[tilespmem:$0x1F640] =	vst v4;
	v4 =	vimm.s32 $0x0  }
0x174: {  	v42 =	vld [tilespmem:s15+$0x600];
	v1 =	vsel vm1, v6, v1;
	v6 =	vnsel vm0, $0xFF61B1E6, v10;
	v4 =	vsel vm1, $0xFFFFFFFF, v4  }
0x175: {  	v44 =	vld [tilespmem:s15+$0xD80];
	vm5 =	vgt.f32 v0, v5;
	vm1 =	vgt.f32 v6, v1;
	[tilespmem:$0x1FC90] =	vst v4;
	v4 =	vimm.s32 $0x0  }
0x176: {  	v32 =	vld [tilespmem:s15+$0xA00];
	vm13 =	vgt.f32 v39, v28;
	v5 =	vsel vm5, v0, v5;
	v4 =	vsel vm1, $0xFFFFFFFF, v4  }
0x177: {  	v1 =	vsel vm1, v6, v1;
	vm1 =	vgt.f32 v2, v5;
	[tilespmem:$0x1FCA0] =	vst v4;
	v4 =	vimm.s32 $0x0  }
0x178: {  	v36 =	vld [tilespmem:s15+$0xE00];
	vm14 =	vgt.f32 v33, v29;
	v8 =	vsel vm13, v39, v28;
	v4 =	vsel vm1, $0xFFFFFFFF, v4  }
0x179: {  	v51 =	vld [tilespmem:s15+$0x1600];
	v10 =	vsel vm0, v17, v10;
	vm0 =	vgt.f32 v42, v8;
	[tilespmem:$0x1F650] =	vst v4;
	v4 =	vimm.s32 $0x0  }
0x17a: {  	v48 =	vld [tilespmem:s15+$0x1200];
	vm15 =	vgt.f32 v44, v30;
	v11 =	vsel vm14, v33, v29;
	v4 =	vsel vm0, $0xFFFFFFFF, v4  }
0x17b: {  	v16 =	vsel vm3, v56, v16;
	vm3 =	vgt.f32 v32, v11;
	[tilespmem:$0x1F660] =	vst v4;
	v4 =	vimm.s32 $0x0  }
0x17c: {  	v59 =	vld [tilespmem:s15+$0x1A00];
	v12 =	vsel vm15, v44, v30;
	v4 =	vsel vm3, $0xFFFFFFFF, v4  }
0x17d: {  	v23 =	vsel vm7, v50, v23;
	vm7 =	vgt.f32 v36, v12;
	[tilespmem:$0x1F670] =	vst v4;
	v4 =	vimm.s32 $0x0  }
0x17e: {  	[tilespmem:$0x1F7A0] =	vst v9;
	v9 =	vimm.s32 $0x0;
	v7 =	vld [tilespmem:s15+$0x680];
	vm12 =	vgt.f32 v51, v16;
	v4 =	vsel vm7, $0xFFFFFFFF, v4  }
0x17f: {  	v57 =	vld [tilespmem:s15+$0x1A80];
	v8 =	vsel vm0, v42, v8;
	vm2 =	vgt.f32 v48, v23;
	[tilespmem:$0x1F680] =	vst v4;
	v4 =	vimm.s32 $0x0  }
0x180: {  	[tilespmem:$0x1F7C0] =	vst v0;
	v0 =	vld [tilespmem:s15+$0x280];
	v6 =	vsel vm8, v58, v14;
	v1 =	vsub.f32 v1, v10;
	v4 =	vsel vm2, $0xFFFFFFFF, v4  }
0x181: {  	v49 =	vld [tilespmem:s15+$0x1280];
	vm9 =	vgt.f32 v59, v6;
	v10 =	vsel vm3, v32, v11;
	[tilespmem:$0x1F690] =	vst v4;
	v4 =	vimm.s32 $0x0  }
0x182: {  	[tilespmem:$0x1F7D0] =	vst v2;
	v5 =	vsel vm1, v2, v5;
	v2 =	vld [tilespmem:s15+$0x300];
	v1 =	vmul.f32 $1.442695020e+00, v1;
	v4 =	vsel vm12, $0xFFFFFFFF, v4  }
0x183: {  	v11 =	vsel vm7, v36, v12;
	v12 =	vsel vm12, v51, v16;
	v6 =	vsel vm9, v59, v6;
	[tilespmem:$0x1F6A0] =	vst v4;
	v4 =	vld [tilespmem:s15+$0x700]  }
0x184: {  	v38 =	vld [tilespmem:s15+$0x1300];
	vm8 =	vgt.f32 v57, v6;
	(erf) = vpow2.f32 v1;
	vm0 =	vgt.f32 v7, v8  }
0x185: {  	v41 =	vld [tilespmem:s15+$0xA80];
	v1 =	vsel vm2, v48, v23;
	v9 =	vsel vm0, $0xFFFFFFFF, v9;
	vm12 =	vgt.f32 v0, v5  }
0x186: {  	v54 =	vld [tilespmem:s15+$0x1B00];
	vm10 =	vgt.f32 v49, v1;
	v8 =	vsel vm0, v7, v8;
	v5 =	vsel vm12, v0, v5  }
0x187: {  	v34 =	vld [tilespmem:s15+$0xE80];
	[tilespmem:$0x1F7F0] =	vst v7;
	v7 =	vimm.s32 $0x0;
	v1 =	vsel vm10, v49, v1;
	vm3 =	vgt.f32 v2, v5  }
0x188: {  	v29 =	vld [tilespmem:s15+$0xB00];
	[tilespmem:$0x1F800] =	vst v2;
	v21 =	vsel vm3, v2, v5;
	v2 =	vimm.s32 $0x0;
	vm0 =	vgt.f32 v4, v8  }
0x189: {  	[tilespmem:s15+$0x2C00] =	vst v19;
	v7 =	vsel vm0, $0xFFFFFFFF, v7;
	v19 =	vsel vm0, v4, v8;
	vm0 =	vgt.f32 v38, v1  }
0x18a: {  	v30 =	vld [tilespmem:s15+$0xF00];
	vm11 =	vgt.f32 v41, v10;
	v6 =	vsel vm8, v57, v6;
	v2 =	vsel vm0, $0xFFFFFFFF, v2  }
0x18b: {  	v15 =	vsel vm0, v38, v1;
	vm0 =	vgt.f32 v54, v6;
	v1 =	vimm.s32 $0x0  }
0x18c: {  	v10 =	vsel vm11, v41, v10;
	[tilespmem:$0x1F6E0] =	vst v7;
	v1 =	vsel vm0, $0xFFFFFFFF, v1  }
0x18d: {  	vm7 =	vgt.f32 v34, v11;
	vm2 =	vgt.f32 v29, v10;
	v7 =	vimm.s32 $0x0;
	[tilespmem:$0x1F730] =	vst v1;
	v1 =	vld [tilespmem:$0x1F610]  }
0x18e: {  	v11 =	vsel vm7, v34, v11;
	v7 =	vsel vm2, $0xFFFFFFFF, v7  }
0x18f: {  	v16 =	vsel vm4, $0x1, v31;
	vm4 =	vgt.f32 v30, v11;
	[tilespmem:$0x1F6F0] =	vst v7;
	v7 =	vimm.s32 $0x0  }
0x190: {  	v52 =	vld [tilespmem:s15+$0x1680];
	v7 =	vsel vm4, $0xFFFFFFFF, v7  }
0x191: {  	[tilespmem:$0x1F700] =	vst v7;
	v7 =	vld [tilespmem:$0x1F600]  }
0x192: {  	v18 =	vsel vm2, v29, v10;
	v10 =	vsel vm5, $0x2, v1;
	v1 =	vld [tilespmem:$0x1F620]  }
0x193: {  	[tilespmem:$0x1F7E0] =	vst v0;
	v0 =	vimm.s32 $0x0;
	v25 =	vpop (erf)  }
0x194: {  	v53 =	vld [tilespmem:s15+$0x1700];
	[tilespmem:$0x1F6B0] =	vst v9;
	v0 =	vsel vm3, $0xFFFFFFFF, v0;
	v8 =	vmul.f32 v25, v25  }
0x195: {  	vm1 =	vgt.f32 v52, v12;
	v9 =	vimm.s32 $0x0;
	[tilespmem:$0x1F6D0] =	vst v0;
	v0 =	vld [tilespmem:s15+$0x380]  }
0x196: {  	v37 =	vld [tilespmem:s15+$0x1780];
	v12 =	vsel vm1, v52, v12;
	v9 =	vsel vm1, $0xFFFFFFFF, v9;
	v8 =	vadd.f32 $1.000000000e+00, v8  }
0x197: {  	vm1 =	vnez.u8 v7;
	v7 =	vsel vm0, v54, v6;
	vm0 =	vnez.u8 v1;
	v1 =	vld [tilespmem:$0x1F630]  }
0x198: {  	v17 =	vsel vm4, v30, v11;
	[tilespmem:$0x1F710] =	vst v2;
	v2 =	vimm.s32 $0x0;
	v11 =	vshra.s32 v8, $0x1  }
0x199: {  	v5 =	vsub.s32 $0x5F3759DF, v11;
	v14 =	vsel vm1, $0x1, v31;
	vm1 =	vgt.f32 v53, v12  }
0x19a: {  	v11 =	vimm.s32 $0x0;
	vm5 =	vgt.f32 v0, v21;
	v40 =	vsel vm1, v53, v12  }
0x19b: {  	v2 =	vsel vm1, $0xFFFFFFFF, v2;
	vm1 =	vgt.f32 v37, v40;
	v16 =	vsel vm0, $0x2, v16  }
0x19c: {  	v20 =	vld [tilespmem:s15+$0x780];
	[tilespmem:$0x1F8D0] =	vst v0;
	v11 =	vsel vm1, $0xFFFFFFFF, v11;
	vm0 =	vnez.u8 v1;
	v1 =	vmovc v0;
	v0 =	vimm.s32 $0x0  }
0x19d: {  	[tilespmem:$0x1F750] =	vst v11;
	v11 =	vld [tilespmem:$0x1F650];
	v0 =	vsel vm5, $0xFFFFFFFF, v0  }
0x19e: {  	[tilespmem:$0x1F740] =	vst v0;
	v0 =	vld [tilespmem:$0x1F640];
	_ =	sdelay $0x2  }
0x19f: {  	v46 =	vsel vm6, $0x1, v31  }
0x1a0: {  	[tilespmem:$0x1F810] =	vst v4;
	v4 =	vsel vm13, $0x2, v24;
	vm2 =	vgt.f32 v20, v19;
	vm13 =	vnez.u8 v11  }
0x1a1: {  	[tilespmem:$0x1F8F0] =	vst v20;
	v46 =	vsel vm0, $0x2, v46;
	vm0 =	vnez.u8 v0;
	v0 =	vmovc v20;
	v20 =	vsel vm13, $0x3, v10;
	v10 =	vld [tilespmem:$0x1F660];
	_ =	sdelay $0x2  }
0x1a2: {  	v28 =	vld [tilespmem:s15+$0xF80]  }
0x1a3: {  	v35 =	vld [tilespmem:s15+$0x1380]  }
0x1a4: {  	[tilespmem:$0x1F6C0] =	vst v9;
	v9 =	vmul.f32 $5.000000000e-01, v8;
	vm13 =	vnez.u8 v10;
	v10 =	vld [tilespmem:$0x1F670]  }
0x1a5: {  	v45 =	vld [tilespmem:s15+$0xB80]  }
0x1a6: {  	[tilespmem:$0x1F720] =	vst v2;
	v2 =	vmul.f32 v5, v9  }
0x1a7: {  	[tilespmem:$0x1F7B0] =	vst v13;
	v13 =	vsel vm14, $0x2, v55;
	v55 =	vld [tilespmem:s15+$0x1B80];
	v3 =	vsel vm15, $0x2, v3;
	vm15 =	vgt.f32 v28, v17  }
0x1a8: {  	vm14 =	vgt.f32 v35, v15;
	v2 =	vmul.f32 v5, v2;
	v21 =	vsel vm5, v1, v21  }
0x1a9: {  	v1 =	vimm.s32 $0x0;
	v4 =	vsel vm13, $0x3, v4;
	vm13 =	vnez.u8 v10;
	v10 =	vld [tilespmem:$0x1F680]  }
0x1aa: {  	vm4 =	vgt.f32 v45, v18;
	v2 =	vsub.f32 $1.500000000e+00, v2;
	v1 =	vsel vm15, $0xFFFFFFFF, v1  }
0x1ab: {  	[tilespmem:$0x1F870] =	vst v1;
	v1 =	vimm.s32 $0x0;
	v19 =	vsel vm2, v0, v19;
	v0 =	vimm.s32 $0x0  }
0x1ac: {  	v22 =	vld [tilespmem:s15+$0xC00];
	vm6 =	vgt.f32 v55, v7;
	v1 =	vsel vm14, $0xFFFFFFFF, v1;
	v0 =	vsel vm2, $0xFFFFFFFF, v0  }
0x1ad: {  	[tilespmem:$0x1F830] =	vst v0;
	v0 =	vmul.f32 v5, v2;
	v2 =	vsel vm4, v45, v18;
	v18 =	vsel vm6, v55, v7;
	v7 =	vld [tilespmem:$0x1F6B0]  }
0x1ae: {  	[tilespmem:$0x1F890] =	vst v1;
	v1 =	vimm.s32 $0x0;
	v13 =	vsel vm13, $0x3, v13;
	vm13 =	vnez.u8 v10;
	v10 =	vld [tilespmem:$0x1F690]  }
0x1af: {  	v23 =	vld [tilespmem:s15+$0x800];
	v1 =	vsel vm6, $0xFFFFFFFF, v1;
	v5 =	vsel vm15, v28, v17;
	v17 =	vsel vm1, v37, v40  }
0x1b0: {  	[tilespmem:$0x1F8C0] =	vst v1;
	v40 =	vsel vm12, $0x4, v20;
	v1 =	vmul.f32 v0, v9;
	v20 =	vsel vm11, $0x4, v13;
	v13 =	vld [tilespmem:$0x1F6C0]  }
0x1b1: {  	v6 =	vimm.s32 $0x0;
	v14 =	vsel vm0, $0x2, v14  }
0x1b2: {  	v6 =	vsel vm4, $0xFFFFFFFF, v6;
	v14 =	vsel vm9, $0x3, v14;
	v1 =	vmul.f32 v1, v0  }
0x1b3: {  	vm0 =	vnez.u8 v7;
	v3 =	vsel vm13, $0x3, v3;
	vm13 =	vnez.u8 v10;
	v10 =	vld [tilespmem:$0x1F6A0]  }
0x1b4: {  	v8 =	vld [tilespmem:s15+$0x1000];
	vm4 =	vgt.f32 v23, v19;
	v4 =	vsel vm0, $0x4, v4;
	v1 =	vsub.f32 $1.500000000e+00, v1  }
0x1b5: {  	[tilespmem:$0x1F950] =	vst v23;
	v23 =	vmovc v2;
	vm0 =	vnez.u8 v13;
	v13 =	vsel vm8, $0x4, v14;
	vm8 =	vgt.f32 v22, v2;
	v2 =	vld [tilespmem:$0x1F6D0]  }
0x1b6: {  	v0 =	vmul.f32 v1, v0;
	v1 =	vld [tilespmem:$0x1F6E0];
	_ =	sdelay $0x1  }
0x1b7: {  	v16 =	vsel vm13, $0x3, v16;
	vm13 =	vnez.u8 v10  }
0x1b8: {  	v46 =	vsel vm13, $0x3, v46  }
0x1b9: {  	v10 =	vsel vm14, v35, v15;
	v15 =	vsel vm0, $0x4, v46;
	vm0 =	vnez.u8 v2  }
0x1ba: {  	[tilespmem:$0x1F9A0] =	vst v5;
	vm9 =	vgt.f32 v8, v5;
	v2 =	vld [tilespmem:$0x1F6F0];
	v5 =	vsel vm0, $0x5, v40;
	vm0 =	vnez.u8 v1  }
0x1bb: {  	v1 =	vsel vm0, $0x5, v4;
	v4 =	vld [tilespmem:$0x1F700];
	_ =	sdelay $0x1  }
0x1bc: {  	[tilespmem:$0x1F850] =	vst v6;
	v6 =	vld [tilespmem:s15+$0x1400];
	_ =	sdelay $0x1  }
0x1bd: {  	v24 =	vld [tilespmem:s15+$0x400];
	vm0 =	vnez.u8 v2  }
0x1be: {  	v2 =	vsel vm0, $0x5, v20;
	vm0 =	vnez.u8 v4;
	v4 =	vld [tilespmem:$0x1F710];
	_ =	sdelay $0x1  }
0x1bf: {  	[tilespmem:$0x1F970] =	vst v6;
	vm5 =	vmmov vm6;
	vm6 =	vgt.f32 v6, v10;
	v6 =	vld [tilespmem:$0x1F720];
	_ =	sdelay $0x1  }
0x1c0: {  	v3 =	vsel vm7, $0x4, v3;
	vm7 =	vgt.f32 v24, v21  }
0x1c1: {  	v7 =	vsel vm10, $0x4, v16;
	v3 =	vsel vm0, $0x5, v3;
	vm0 =	vnez.u8 v4  }
0x1c2: {  	vm1 =	vmneg vm7;
	v4 =	vsel vm0, $0x5, v7  }
0x1c3: {  	vm0 =	vnez.u8 v6;
	v6 =	vmul.f32 v0, v9;
	v9 =	vimm.s32 $0x0  }
0x1c4: {  	v9 =	vsel vm1, $0xFFFFFFFF, v9  }
0x1c5: {  	vm13 =	vmmov vm2;
	vm2 =	vmneg vm4;
	[tilespmem:$0x1F940] =	vst v9;
	v9 =	vimm.s32 $0x0  }
0x1c6: {  	v9 =	vsel vm2, $0xFFFFFFFF, v9  }
0x1c7: {  	[tilespmem:$0x1F820] =	vst v9;
	v9 =	vld [tilespmem:$0x1F730];
	_ =	sdelay $0x4  }
0x1c8: {  	v7 =	vsel vm0, $0x5, v15;
	vm0 =	vnez.u8 v9  }
0x1c9: {  	v11 =	vld [tilespmem:s15+$0x1800];
	[tilespmem:$0x1F9B0] =	vst v10;
	v9 =	vimm.s32 $0x0;
	v10 =	vsel vm0, $0x5, v13;
	vm0 =	vmneg vm8  }
0x1ca: {  	v9 =	vsel vm0, $0xFFFFFFFF, v9  }
0x1cb: {  	v12 =	vld [tilespmem:s15+$0x1C00];
	vm3 =	vmneg vm9;
	[tilespmem:$0x1F840] =	vst v9;
	v9 =	vimm.s32 $0x0  }
0x1cc: {  	v9 =	vsel vm3, $0xFFFFFFFF, v9  }
0x1cd: {  	vm8 =	vmneg vm6;
	[tilespmem:$0x1F860] =	vst v9;
	v9 =	vimm.s32 $0x0  }
0x1ce: {  	vm11 =	vgt.f32 v11, v17;
	v9 =	vsel vm8, $0xFFFFFFFF, v9  }
0x1cf: {  	vm4 =	vmneg vm11;
	[tilespmem:$0x1F880] =	vst v9;
	v9 =	vimm.s32 $0x0  }
0x1d0: {  	vm12 =	vgt.f32 v12, v18;
	v9 =	vsel vm4, $0xFFFFFFFF, v9  }
0x1d1: {  	vm12 =	vmneg vm12;
	[tilespmem:$0x1F8A0] =	vst v9;
	v9 =	vimm.s32 $0x0  }
0x1d2: {  	v9 =	vsel vm12, $0xFFFFFFFF, v9  }
0x1d3: {  	[tilespmem:$0x1F8B0] =	vst v9;
	v9 =	vld [tilespmem:$0x1F740];
	_ =	sdelay $0x4  }
0x1d4: {  	vm7 =	vnez.u8 v9;
	v9 =	vld [tilespmem:$0x1F850];
	_ =	sdelay $0x1  }
0x1d5: {  	v6 =	vmul.f32 v6, v0;
	_ =	sdelay $0x1  }
0x1d6: {  	v6 =	vsub.f32 $1.500000000e+00, v6;
	v13 =	vsel vm14, $0x6, v4;
	v4 =	vld [tilespmem:$0x1F750]  }
0x1d7: {  	v1 =	vsel vm13, $0x6, v1;
	vm13 =	vnez.u8 v9;
	v9 =	vld [tilespmem:$0x1F770]  }
0x1d8: {  	v14 =	vmul.f32 v6, v0;
	v0 =	vadd.f32 v25, v25;
	v5 =	vsel vm7, $0x6, v5  }
0x1d9: {  	v3 =	vsel vm15, $0x6, v3;
	v6 =	vnsel vm1, $0x7, v5  }
0x1da: {  	v5 =	vnsel vm2, $0x7, v1;
	v1 =	vsel vm5, $0x6, v10;
	v10 =	vmul.f32 v14, v0  }
0x1db: {  	v3 =	vnsel vm3, $0x7, v3;
	vm11 =	vnez.u8 v4;
	vm5 =	veq.s32 v5, $0x0  }
0x1dc: {  	v7 =	vsel vm11, $0x6, v7;
	v0 =	vnsel vm8, $0x7, v13;
	[tilespmem:s15+$0x2800] =	vst v10;
	v10 =	vsel vm5, $0xFF61B1E6, v9;
	v9 =	vld [tilespmem:$0x1F7A0]  }
0x1dd: {  	v1 =	vnsel vm12, $0x7, v1;
	vm12 =	veq.s32 v3, $0x0;
	v2 =	vsel vm13, $0x6, v2  }
0x1de: {  	[tilespmem:$0x1F9D0] =	vst v18;
	vm3 =	veq.s32 v0, $0x1;
	v4 =	vnsel vm0, $0x7, v2;
	v2 =	vnsel vm4, $0x7, v7;
	v7 =	vld [tilespmem:$0x1F760]  }
0x1df: {  	v18 =	vld [tilespmem:$0x1F780];
	[tilespmem:$0x1FC50] =	vst v14;
	vm1 =	veq.s32 v3, $0x1;
	v14 =	vsel vm12, $0xFF61B1E6, v61;
	v25 =	vsel vm3, $0xFF61B1E6, v43  }
0x1e0: {  	vm13 =	veq.s32 v0, $0x0;
	vm15 =	veq.s32 v4, $0x0;
	vm2 =	veq.s32 v4, $0x1  }
0x1e1: {  	vm14 =	veq.s32 v2, $0x0;
	v13 =	vsel vm15, $0xFF61B1E6, v27;
	v27 =	vsel vm2, $0xFF61B1E6, v9;
	v9 =	vld [tilespmem:$0x1F7B0]  }
0x1e2: {  	v20 =	vld [tilespmem:$0x1F790];
	vm0 =	veq.s32 v6, $0x0;
	v15 =	vsel vm13, $0xFF61B1E6, v62;
	v16 =	vsel vm14, $0xFF61B1E6, v63  }
0x1e3: {  	vm14 =	veq.s32 v6, $0x1;
	vm15 =	veq.s32 v5, $0x1;
	v7 =	vsel vm0, $0xFF61B1E6, v7  }
0x1e4: {  	v18 =	vsel vm14, $0xFF61B1E6, v18;
	vm0 =	veq.s32 v1, $0x0;
	vm5 =	vgt.f32 v7, $-3.000000010e+38  }
0x1e5: {  	[tilespmem:$0x1F9C0] =	vst v17;
	v17 =	vsel vm0, $0xFF61B1E6, v26;
	vm0 =	vgt.f32 v10, $-3.000000010e+38;
	v7 =	vnsel vm5, $0xFF61B1E6, v7  }
0x1e6: {  	vm5 =	vgt.f32 v18, v7;
	v62 =	vsel vm1, $0xFF61B1E6, v9;
	v9 =	vimm.s32 $0x0  }
0x1e7: {  	v20 =	vsel vm15, $0xFF61B1E6, v20;
	v10 =	vnsel vm0, $0xFF61B1E6, v10;
	v9 =	vsel vm5, $0xFFFFFFFF, v9  }
0x1e8: {  	vm6 =	vgt.f32 v13, $-3.000000010e+38;
	vm14 =	vgt.f32 v20, v10;
	[tilespmem:$0x1F9E0] =	vst v9;
	v9 =	vimm.s32 $0x0  }
0x1e9: {  	vm8 =	vgt.f32 v14, $-3.000000010e+38;
	v13 =	vnsel vm6, $0xFF61B1E6, v13;
	v9 =	vsel vm14, $0xFFFFFFFF, v9  }
0x1ea: {  	v14 =	vnsel vm8, $0xFF61B1E6, v14;
	vm13 =	vgt.f32 v27, v13;
	[tilespmem:$0x1F9F0] =	vst v9;
	v9 =	vimm.s32 $0x0  }
0x1eb: {  	vm9 =	vgt.f32 v15, $-3.000000010e+38;
	vm12 =	vgt.f32 v17, $-3.000000010e+38;
	v9 =	vsel vm13, $0xFFFFFFFF, v9  }
0x1ec: {  	v17 =	vnsel vm12, $0xFF61B1E6, v17;
	vm12 =	vgt.f32 v62, v14;
	[tilespmem:$0x1FA00] =	vst v9;
	v9 =	vimm.s32 $0x0  }
0x1ed: {  	vm4 =	veq.s32 v2, $0x1;
	v15 =	vnsel vm9, $0xFF61B1E6, v15;
	v9 =	vsel vm12, $0xFFFFFFFF, v9  }
0x1ee: {  	vm10 =	vgt.f32 v16, $-3.000000010e+38;
	vm8 =	vgt.f32 v25, v15;
	[tilespmem:$0x1FA10] =	vst v9;
	v9 =	vimm.s32 $0x0  }
0x1ef: {  	v63 =	vsel vm4, $0xFF61B1E6, v47;
	v16 =	vnsel vm10, $0xFF61B1E6, v16;
	v9 =	vsel vm8, $0xFFFFFFFF, v9  }
0x1f0: {  	vm9 =	vgt.f32 v63, v16;
	vm0 =	veq.s32 v1, $0x1;
	[tilespmem:$0x1FA20] =	vst v9;
	v9 =	vimm.s32 $0x0  }
0x1f1: {  	v43 =	vsel vm0, $0xFF61B1E6, v60;
	v9 =	vsel vm9, $0xFFFFFFFF, v9  }
0x1f2: {  	vm15 =	vgt.f32 v43, v17;
	[tilespmem:$0x1FA30] =	vst v9;
	v9 =	vimm.s32 $0x0  }
0x1f3: {  	v9 =	vsel vm15, $0xFFFFFFFF, v9  }
0x1f4: {  	[tilespmem:$0x1FA40] =	vst v9;
	v9 =	vld [tilespmem:$0x1F7C0];
	_ =	sdelay $0x3  }
0x1f5: {  	vm0 =	veq.s32 v6, $0x2  }
0x1f6: {  	vm2 =	veq.s32 v4, $0x2;
	v7 =	vsel vm5, v18, v7;
	v18 =	vsel vm0, $0xFF61B1E6, v9  }
0x1f7: {  	vm1 =	veq.s32 v5, $0x2;
	v9 =	vimm.s32 $0x0;
	vm10 =	vgt.f32 v18, v7  }
0x1f8: {  	v10 =	vsel vm14, v20, v10;
	v20 =	vsel vm1, $0xFF61B1E6, v39;
	v9 =	vsel vm10, $0xFFFFFFFF, v9  }
0x1f9: {  	v14 =	vsel vm12, v62, v14;
	vm12 =	vgt.f32 v20, v10;
	[tilespmem:$0x1FA60] =	vst v9;
	v9 =	vimm.s32 $0x0  }
0x1fa: {  	[tilespmem:$0x1F930] =	vst v24;
	v24 =	vsel vm2, $0xFF61B1E6, v33;
	v13 =	vsel vm13, v27, v13;
	v9 =	vsel vm12, $0xFFFFFFFF, v9  }
0x1fb: {  	vm3 =	veq.s32 v3, $0x2;
	vm13 =	vgt.f32 v24, v13;
	[tilespmem:$0x1FA70] =	vst v9;
	v9 =	vimm.s32 $0x0  }
0x1fc: {  	v15 =	vsel vm8, v25, v15;
	v25 =	vsel vm3, $0xFF61B1E6, v44;
	v9 =	vsel vm13, $0xFFFFFFFF, v9  }
0x1fd: {  	vm4 =	veq.s32 v0, $0x2;
	vm14 =	vgt.f32 v25, v14;
	[tilespmem:$0x1FA80] =	vst v9;
	v9 =	vimm.s32 $0x0  }
0x1fe: {  	vm6 =	veq.s32 v1, $0x2;
	v27 =	vsel vm4, $0xFF61B1E6, v50;
	v9 =	vsel vm14, $0xFFFFFFFF, v9  }
0x1ff: {  	vm5 =	veq.s32 v2, $0x2;
	vm8 =	vgt.f32 v27, v15;
	[tilespmem:$0x1FA90] =	vst v9;
	v9 =	vimm.s32 $0x0  }
0x200: {  	v16 =	vsel vm9, v63, v16;
	v50 =	vsel vm5, $0xFF61B1E6, v56;
	v9 =	vsel vm8, $0xFFFFFFFF, v9  }
0x201: {  	v17 =	vsel vm15, v43, v17;
	vm15 =	vgt.f32 v50, v16;
	[tilespmem:$0x1FAA0] =	vst v9;
	v9 =	vimm.s32 $0x0  }
0x202: {  	v56 =	vsel vm6, $0xFF61B1E6, v58;
	v9 =	vsel vm15, $0xFFFFFFFF, v9  }
0x203: {  	vm9 =	vgt.f32 v56, v17;
	[tilespmem:$0x1FAB0] =	vst v9;
	v9 =	vimm.s32 $0x0  }
0x204: {  	v9 =	vsel vm9, $0xFFFFFFFF, v9  }
0x205: {  	[tilespmem:$0x1FAC0] =	vst v9;
	v9 =	vld [tilespmem:$0x1F7D0];
	_ =	sdelay $0x3  }
0x206: {  	vm2 =	veq.s32 v4, $0x3;
	vm1 =	veq.s32 v5, $0x3;
	vm0 =	veq.s32 v6, $0x3  }
0x207: {  	vm6 =	veq.s32 v1, $0x3;
	v7 =	vsel vm10, v18, v7;
	v18 =	vsel vm0, $0xFF61B1E6, v9  }
0x208: {  	v15 =	vsel vm8, v27, v15;
	v9 =	vimm.s32 $0x0;
	vm8 =	vgt.f32 v18, v7  }
0x209: {  	v10 =	vsel vm12, v20, v10;
	v20 =	vsel vm1, $0xFF61B1E6, v42;
	v9 =	vsel vm8, $0xFFFFFFFF, v9  }
0x20a: {  	v27 =	vsel vm6, $0xFF61B1E6, v59;
	vm6 =	vgt.f32 v20, v10;
	[tilespmem:$0x1FAE0] =	vst v9;
	v9 =	vimm.s32 $0x0  }
0x20b: {  	[tilespmem:$0x1F980] =	vst v21;
	v21 =	vsel vm2, $0xFF61B1E6, v32;
	v13 =	vsel vm13, v24, v13;
	v9 =	vsel vm6, $0xFFFFFFFF, v9  }
0x20c: {  	vm3 =	veq.s32 v3, $0x3;
	vm12 =	vgt.f32 v21, v13;
	[tilespmem:$0x1FAF0] =	vst v9;
	v9 =	vimm.s32 $0x0  }
0x20d: {  	v14 =	vsel vm14, v25, v14;
	v24 =	vsel vm3, $0xFF61B1E6, v36;
	v9 =	vsel vm12, $0xFFFFFFFF, v9  }
0x20e: {  	vm4 =	veq.s32 v0, $0x3;
	vm10 =	vgt.f32 v24, v14;
	[tilespmem:$0x1FB00] =	vst v9;
	v9 =	vimm.s32 $0x0  }
0x20f: {  	v25 =	vsel vm4, $0xFF61B1E6, v48;
	v9 =	vsel vm10, $0xFFFFFFFF, v9  }
0x210: {  	vm5 =	veq.s32 v2, $0x3;
	vm13 =	vgt.f32 v25, v15;
	[tilespmem:$0x1FB10] =	vst v9;
	v9 =	vimm.s32 $0x0  }
0x211: {  	v26 =	vsel vm5, $0xFF61B1E6, v51;
	v16 =	vsel vm15, v50, v16;
	v9 =	vsel vm13, $0xFFFFFFFF, v9  }
0x212: {  	vm14 =	vgt.f32 v26, v16;
	[tilespmem:$0x1FB20] =	vst v9;
	v9 =	vimm.s32 $0x0  }
0x213: {  	v17 =	vsel vm9, v56, v17;
	v9 =	vsel vm14, $0xFFFFFFFF, v9  }
0x214: {  	vm9 =	vgt.f32 v27, v17;
	[tilespmem:$0x1FB30] =	vst v9;
	v9 =	vimm.s32 $0x0  }
0x215: {  	v9 =	vsel vm9, $0xFFFFFFFF, v9  }
0x216: {  	[tilespmem:$0x1FB50] =	vst v9;
	v9 =	vld [tilespmem:$0x1F7E0];
	_ =	sdelay $0x3  }
0x217: {  	vm0 =	veq.s32 v6, $0x4  }
0x218: {  	v7 =	vsel vm8, v18, v7;
	v18 =	vsel vm0, $0xFF61B1E6, v9;
	v9 =	vld [tilespmem:$0x1F7F0];
	_ =	sdelay $0x3  }
0x219: {  	vm2 =	veq.s32 v4, $0x4;
	vm1 =	veq.s32 v5, $0x4  }
0x21a: {  	[tilespmem:$0x1F990] =	vst v19;
	vm0 =	vgt.f32 v18, v7;
	v19 =	vsel vm1, $0xFF61B1E6, v9;
	v9 =	vimm.s32 $0x0  }
0x21b: {  	vm3 =	veq.s32 v3, $0x4;
	v10 =	vsel vm6, v20, v10;
	v9 =	vsel vm0, $0xFFFFFFFF, v9  }
0x21c: {  	v16 =	vsel vm14, v26, v16;
	vm14 =	vgt.f32 v19, v10;
	[tilespmem:$0x1FB40] =	vst v9;
	v9 =	vimm.s32 $0x0  }
0x21d: {  	v20 =	vsel vm2, $0xFF61B1E6, v41;
	v13 =	vsel vm12, v21, v13;
	v9 =	vsel vm14, $0xFFFFFFFF, v9  }
0x21e: {  	v15 =	vsel vm13, v25, v15;
	vm13 =	vgt.f32 v20, v13;
	[tilespmem:$0x1FB70] =	vst v9;
	v9 =	vimm.s32 $0x0  }
0x21f: {  	v14 =	vsel vm10, v24, v14;
	v21 =	vsel vm3, $0xFF61B1E6, v34;
	v9 =	vsel vm13, $0xFFFFFFFF, v9  }
0x220: {  	vm4 =	veq.s32 v0, $0x4;
	vm6 =	vgt.f32 v21, v14;
	[tilespmem:$0x1FB80] =	vst v9;
	v9 =	vimm.s32 $0x0  }
0x221: {  	[tilespmem:$0x1F960] =	vst v22;
	v22 =	vsel vm4, $0xFF61B1E6, v49;
	v9 =	vsel vm6, $0xFFFFFFFF, v9  }
0x222: {  	vm5 =	veq.s32 v2, $0x4;
	vm10 =	vgt.f32 v22, v15;
	[tilespmem:$0x1FB90] =	vst v9;
	v9 =	vimm.s32 $0x0  }
0x223: {  	v24 =	vsel vm5, $0xFF61B1E6, v52;
	v9 =	vsel vm10, $0xFFFFFFFF, v9  }
0x224: {  	vm8 =	vgt.f32 v24, v16;
	[tilespmem:$0x1FBA0] =	vst v9;
	v9 =	vimm.s32 $0x0  }
0x225: {  	[tilespmem:s15+$0x2A80] =	vst v0;
	vm1 =	veq.s32 v0, $0x5;
	v0 =	vsel vm0, v18, v7;
	v7 =	vld [tilespmem:$0x1F800];
	v9 =	vsel vm8, $0xFFFFFFFF, v9  }
0x226: {  	[tilespmem:$0x1FBB0] =	vst v9;
	v9 =	vld [tilespmem:$0x1F810];
	_ =	sdelay $0x1  }
0x227: {  	vm4 =	veq.s32 v3, $0x5;
	vm2 =	veq.s32 v5, $0x5  }
0x228: {  	[tilespmem:s15+$0x2A00] =	vst v3;
	vm5 =	veq.s32 v6, $0x5;
	vm15 =	veq.s32 v1, $0x4;
	v3 =	vsel vm6, v21, v14  }
0x229: {  	[tilespmem:s15+$0x2B80] =	vst v1;
	vm12 =	veq.s32 v1, $0x5;
	v1 =	vsel vm14, v19, v10;
	v7 =	vsel vm5, $0xFF61B1E6, v7  }
0x22a: {  	vm6 =	vgt.f32 v7, v0;
	v10 =	vsel vm2, $0xFF61B1E6, v9;
	v9 =	vimm.s32 $0x0  }
0x22b: {  	[tilespmem:s15+$0x2980] =	vst v4;
	vm3 =	veq.s32 v4, $0x5;
	v4 =	vsel vm10, v22, v15;
	v9 =	vsel vm6, $0xFFFFFFFF, v9  }
0x22c: {  	vm0 =	veq.s32 v2, $0x5;
	vm5 =	vgt.f32 v10, v1;
	[tilespmem:$0x1FBE0] =	vst v9;
	v9 =	vimm.s32 $0x0  }
0x22d: {  	[tilespmem:s15+$0x2B00] =	vst v2;
	v2 =	vsel vm13, v20, v13;
	v13 =	vsel vm3, $0xFF61B1E6, v29;
	v9 =	vsel vm5, $0xFFFFFFFF, v9  }
0x22e: {  	v15 =	vsel vm1, $0xFF61B1E6, v38;
	vm1 =	vgt.f32 v13, v2;
	[tilespmem:$0x1FBF0] =	vst v9;
	v9 =	vimm.s32 $0x0  }
0x22f: {  	v14 =	vsel vm4, $0xFF61B1E6, v30;
	v9 =	vsel vm1, $0xFFFFFFFF, v9  }
0x230: {  	vm3 =	vgt.f32 v14, v3;
	[tilespmem:$0x1FC00] =	vst v9;
	v9 =	vimm.s32 $0x0  }
0x231: {  	v9 =	vsel vm3, $0xFFFFFFFF, v9  }
0x232: {  	vm4 =	vgt.f32 v15, v4;
	[tilespmem:$0x1FC10] =	vst v9;
	v9 =	vimm.s32 $0x0  }
0x233: {  	v9 =	vsel vm4, $0xFFFFFFFF, v9  }
0x234: {  	[tilespmem:$0x1FC20] =	vst v9;
	v9 =	vld [tilespmem:$0x1F940];
	_ =	sdelay $0x1  }
0x235: {  	v25 =	vsel vm15, $0xFF61B1E6, v57;
	v17 =	vsel vm9, v27, v17  }
0x236: {  	[tilespmem:s15+$0x2900] =	vst v5;
	v5 =	vimm.s32 $0x0;
	vm9 =	vgt.f32 v25, v17  }
0x237: {  	v5 =	vsel vm9, $0xFFFFFFFF, v5  }
0x238: {  	[tilespmem:$0x1FBC0] =	vst v5;
	v5 =	vsel vm8, v24, v16;
	v16 =	vsel vm0, $0xFF61B1E6, v53;
	vm0 =	vnez.u8 v9  }
0x239: {  	v9 =	vimm.s32 $0x0;
	vm0 =	vmand vm7, vm0  }
0x23a: {  	v9 =	vsel vm0, $0xFFFFFFFF, v9  }
0x23b: {  	vm0 =	vgt.f32 v16, v5;
	[tilespmem:$0x1F8E0] =	vst v9;
	v9 =	vimm.s32 $0x0  }
0x23c: {  	v9 =	vsel vm0, $0xFFFFFFFF, v9  }
0x23d: {  	[tilespmem:$0x1FC30] =	vst v9;
	v9 =	vld [tilespmem:$0x1F820];
	_ =	sdelay $0x4  }
0x23e: {  	vm7 =	vnez.u8 v9;
	v9 =	vld [tilespmem:$0x1F830];
	_ =	sdelay $0x4  }
0x23f: {  	vm2 =	vnez.u8 v9;
	v9 =	vld [tilespmem:$0x1F840];
	_ =	sdelay $0x4  }
0x240: {  	[tilespmem:s15+$0x2880] =	vst v6;
	v6 =	vsel vm9, v25, v17;
	vm9 =	vnez.u8 v9;
	v9 =	vld [tilespmem:$0x1F850];
	_ =	sdelay $0x4  }
0x241: {  	vm8 =	vmand vm2, vm7;
	vm2 =	vnez.u8 v9  }
0x242: {  	v9 =	vimm.s32 $0x0;
	vm2 =	vmand vm2, vm9  }
0x243: {  	v9 =	vsel vm2, $0xFFFFFFFF, v9  }
0x244: {  	[tilespmem:$0x1F900] =	vst v9;
	v9 =	vld [tilespmem:$0x1F860];
	_ =	sdelay $0x4  }
0x245: {  	vm10 =	vnez.u8 v9;
	v9 =	vld [tilespmem:$0x1F870];
	_ =	sdelay $0x4  }
0x246: {  	vm2 =	vnez.u8 v9  }
0x247: {  	v9 =	vimm.s32 $0x0;
	vm2 =	vmand vm2, vm10  }
0x248: {  	v9 =	vsel vm2, $0xFFFFFFFF, v9  }
0x249: {  	[tilespmem:$0x1F910] =	vst v9;
	v9 =	vld [tilespmem:$0x1F880];
	_ =	sdelay $0x4  }
0x24a: {  	v17 =	vsel vm12, $0xFF61B1E6, v54;
	vm12 =	vnez.u8 v9;
	v9 =	vld [tilespmem:$0x1F890];
	_ =	sdelay $0x4  }
0x24b: {  	vm2 =	vnez.u8 v9;
	v9 =	vld [tilespmem:$0x1F8A0];
	_ =	sdelay $0x4  }
0x24c: {  	vm13 =	vnez.u8 v9  }
0x24d: {  	v9 =	vimm.s32 $0x0;
	vm11 =	vmand vm11, vm13  }
0x24e: {  	v9 =	vsel vm11, $0xFFFFFFFF, v9  }
0x24f: {  	[tilespmem:$0x1F920] =	vst v9;
	v9 =	vld [tilespmem:$0x1F8B0];
	_ =	sdelay $0x4  }
0x250: {  	vm11 =	vnez.u8 v9;
	v9 =	vld [tilespmem:$0x1F8C0];
	_ =	sdelay $0x4  }
0x251: {  	vm14 =	vnez.u8 v9;
	v9 =	vld [tilespmem:$0x1F8E0];
	_ =	sdelay $0x4  }
0x252: {  	v5 =	vsel vm0, v16, v5;
	vm0 =	vnez.u8 v9;
	v9 =	vld [tilespmem:$0x1F8F0];
	_ =	sdelay $0x3  }
0x253: {  	v0 =	vsel vm6, v7, v0;
	v7 =	vld [tilespmem:$0x1F8D0]  }
0x254: {  	v1 =	vsel vm5, v10, v1;
	v10 =	vsel vm8, $0xFF61B1E6, v9;
	v9 =	vld [tilespmem:$0x1F900];
	_ =	sdelay $0x4  }
0x255: {  	v7 =	vsel vm0, $0xFF61B1E6, v7;
	vm0 =	vnez.u8 v9;
	v9 =	vld [tilespmem:$0x1F910];
	_ =	sdelay $0x3  }
0x256: {  	v2 =	vsel vm1, v13, v2;
	vm8 =	vgt.f32 v7, v0  }
0x257: {  	v13 =	vsel vm0, $0xFF61B1E6, v45;
	vm0 =	vnez.u8 v9;
	v9 =	vimm.s32 $0x0  }
0x258: {  	v9 =	vsel vm8, $0xFFFFFFFF, v9  }
0x259: {  	[tilespmem:$0x1FC60] =	vst v9;
	v9 =	vld [tilespmem:$0x1F920];
	_ =	sdelay $0x1  }
0x25a: {  	vm2 =	vmand vm2, vm12  }
0x25b: {  	v4 =	vsel vm4, v15, v4;
	v15 =	vsel vm2, $0xFF61B1E6, v35  }
0x25c: {  	v3 =	vsel vm3, v14, v3;
	vm1 =	vgt.f32 v15, v4;
	v0 =	vsel vm8, v7, v0  }
0x25d: {  	v7 =	vimm.s32 $0x0;
	v14 =	vsel vm0, $0xFF61B1E6, v28;
	vm0 =	vnez.u8 v9  }
0x25e: {  	v19 =	vld [tilespmem:$0x1F950];
	v7 =	vsel vm1, $0xFFFFFFFF, v7;
	v16 =	vsel vm0, $0xFF61B1E6, v37  }
0x25f: {  	[tilespmem:$0x1FE70] =	vst v7;
	v7 =	vimm.s32 $0x0;
	vm2 =	vgt.f32 v16, v5  }
0x260: {  	vm15 =	vgt.f32 v17, v6;
	v7 =	vsel vm2, $0xFFFFFFFF, v7  }
0x261: {  	v6 =	vsel vm15, v17, v6;
	vm14 =	vmand vm14, vm11;
	[tilespmem:$0x1FE80] =	vst v7;
	v7 =	vld [tilespmem:$0x1F940]  }
0x262: {  	v18 =	vld [tilespmem:$0x1F930];
	v4 =	vsel vm1, v15, v4;
	v17 =	vsel vm14, $0xFF61B1E6, v55;
	vm3 =	vgt.f32 v10, v1  }
0x263: {  	v20 =	vld [tilespmem:$0x1F960];
	v1 =	vsel vm3, v10, v1;
	v10 =	vnsel vm7, $0xFF61B1E6, v19;
	v9 =	vimm.s32 $0x0  }
0x264: {  	vm4 =	vgt.f32 v13, v2;
	vm14 =	vgt.f32 v14, v3;
	v9 =	vsel vm3, $0xFFFFFFFF, v9  }
0x265: {  	v21 =	vmovc v8;
	v3 =	vsel vm14, v14, v3;
	v14 =	vnsel vm10, $0xFF61B1E6, v8;
	v8 =	vld [tilespmem:$0x1F970];
	[tilespmem:$0x1FC70] =	vst v9;
	v9 =	vimm.s32 $0x0  }
0x266: {  	v2 =	vsel vm4, v13, v2;
	v9 =	vsel vm4, $0xFFFFFFFF, v9;
	vm8 =	vnez.u8 v7  }
0x267: {  	vm0 =	vgt.f32 v17, v6;
	[tilespmem:$0x1FC80] =	vst v9;
	v9 =	vimm.s32 $0x0;
	v7 =	vnsel vm8, $0xFF61B1E6, v18  }
0x268: {  	v13 =	vnsel vm9, $0xFF61B1E6, v20;
	v9 =	vsel vm0, $0xFFFFFFFF, v9;
	vm6 =	vgt.f32 v7, v0  }
0x269: {  	vm3 =	vgt.f32 v10, v1;
	[tilespmem:$0x1FE90] =	vst v9;
	v9 =	vld [tilespmem:$0x1F990];
	v0 =	vsel vm6, v7, v0;
	v7 =	vimm.s32 $0x0  }
0x26a: {  	vm1 =	vgt.f32 v14, v3;
	v15 =	vnsel vm12, $0xFF61B1E6, v8;
	v7 =	vsel vm3, $0xFFFFFFFF, v7  }
0x26b: {  	v5 =	vsel vm2, v16, v5;
	vm2 =	vgt.f32 v13, v2;
	[tilespmem:$0x1FEA0] =	vst v7;
	v7 =	vimm.s32 $0x0  }
0x26c: {  	v6 =	vsel vm0, v17, v6;
	v17 =	vnsel vm11, $0xFF61B1E6, v12;
	v7 =	vsel vm2, $0xFFFFFFFF, v7  }
0x26d: {  	v1 =	vsel vm3, v10, v1;
	vm5 =	vgt.f32 v17, v6;
	[tilespmem:$0x1FEC0] =	vst v7;
	v7 =	vimm.s32 $0x0  }
0x26e: {  	v10 =	vsel vm7, v9, v19;
	v9 =	vimm.s32 $0x0;
	v7 =	vsel vm1, $0xFFFFFFFF, v7  }
0x26f: {  	vm4 =	vgt.f32 v15, v4;
	v9 =	vsel vm5, $0xFFFFFFFF, v9;
	[tilespmem:$0x1FED0] =	vst v7;
	v7 =	vimm.s32 $0x0  }
0x270: {  	v16 =	vnsel vm13, $0xFF61B1E6, v11;
	[tilespmem:$0x1FF00] =	vst v9;
	v9 =	vld [tilespmem:$0x1F9A0];
	v7 =	vsel vm4, $0xFFFFFFFF, v7  }
0x271: {  	vm0 =	vgt.f32 v16, v5;
	[tilespmem:$0x1FEB0] =	vst v7;
	v7 =	vimm.s32 $0x0  }
0x272: {  	v7 =	vsel vm0, $0xFFFFFFFF, v7  }
0x273: {  	[tilespmem:$0x1FEE0] =	vst v7;
	v7 =	vld [tilespmem:$0x1F980];
	_ =	sdelay $0x1  }
0x274: {  	v3 =	vsel vm1, v14, v3;
	v14 =	vsel vm10, v9, v21;
	v9 =	vld [tilespmem:$0x1F9B0];
	_ =	sdelay $0x2  }
0x275: {  	v7 =	vsel vm8, v7, v18  }
0x276: {  	v0 =	vsub.f32 v0, v7;
	v7 =	vld [tilespmem:$0x1F9C0]  }
0x277: {  	v9 =	vsel vm12, v9, v8;
	v8 =	vld [tilespmem:$0x1F9D0];
	_ =	sdelay $0x2  }
0x278: {  	v2 =	vsel vm2, v13, v2;
	v4 =	vsel vm4, v15, v4  }
0x279: {  	v6 =	vsel vm5, v17, v6;
	v5 =	vsel vm0, v16, v5;
	v7 =	vsel vm13, v7, v11;
	v11 =	vld [tilespmem:$0x1F9E0]  }
0x27a: {  	v13 =	vsel vm9, v23, v20;
	v8 =	vsel vm11, v8, v12;
	v5 =	vsub.f32 v5, v7;
	v7 =	vld [tilespmem:$0x1F9F0]  }
0x27b: {  	v1 =	vsub.f32 v1, v10;
	v6 =	vsub.f32 v6, v8;
	v8 =	vld [tilespmem:$0x1FA00];
	v0 =	vmul.f32 $1.442695020e+00, v0  }
0x27c: {  	v2 =	vsub.f32 v2, v13;
	v4 =	vsub.f32 v4, v9;
	v9 =	vld [tilespmem:$0x1FA10]  }
0x27d: {  	v1 =	vmul.f32 $1.442695020e+00, v1;
	(erf) = vpow2.f32 v0;
	v0 =	vld [tilespmem:$0x1FA20]  }
0x27e: {  	v2 =	vmul.f32 $1.442695020e+00, v2;
	v10 =	vld [tilespmem:$0x1FA30];
	vm0 =	vnez.u8 v11  }
0x27f: {  	(erf) = vpow2.f32 v1;
	v1 =	vld [tilespmem:$0x1FA40];
	v11 =	vsel vm0, $0x1, v31;
	vm0 =	vnez.u8 v7  }
0x280: {  	v12 =	vld [tilespmem:$0x1FA50];
	v7 =	vsel vm0, $0x1, v31;
	vm0 =	vnez.u8 v8  }
0x281: {  	(erf) = vpow2.f32 v2;
	v2 =	vld [tilespmem:$0x1FA60];
	v8 =	vsel vm0, $0x1, v31;
	vm0 =	vnez.u8 v9  }
0x282: {  	v9 =	vsel vm0, $0x1, v31;
	vm0 =	vnez.u8 v0  }
0x283: {  	v0 =	vsel vm0, $0x1, v31;
	vm0 =	vnez.u8 v10  }
0x284: {  	v3 =	vsub.f32 v3, v14;
	v10 =	vsel vm0, $0x1, v31;
	vm0 =	vnez.u8 v1  }
0x285: {  	v1 =	vsel vm0, $0x1, v31;
	vm0 =	vnez.u8 v12  }
0x286: {  	v3 =	vmul.f32 $1.442695020e+00, v3;
	v12 =	vsel vm0, $0x1, v31;
	vm0 =	vnez.u8 v2  }
0x287: {  	v2 =	vsel vm0, $0x2, v11;
	v11 =	vld [tilespmem:$0x1FA70]  }
0x288: {  	(erf) = vpow2.f32 v3;
	v3 =	vld [tilespmem:$0x1FA80];
	_ =	sdelay $0x3  }
0x289: {  	vm0 =	vnez.u8 v11  }
0x28a: {  	v4 =	vmul.f32 $1.442695020e+00, v4;
	v7 =	vsel vm0, $0x2, v7;
	vm0 =	vnez.u8 v3  }
0x28b: {  	v3 =	vsel vm0, $0x2, v8;
	v8 =	vld [tilespmem:$0x1FA90]  }
0x28c: {  	(erf) = vpow2.f32 v4;
	v4 =	vld [tilespmem:$0x1FAA0];
	_ =	sdelay $0x3  }
0x28d: {  	v5 =	vmul.f32 $1.442695020e+00, v5;
	vm0 =	vnez.u8 v8  }
0x28e: {  	v8 =	vsel vm0, $0x2, v9;
	vm0 =	vnez.u8 v4;
	v4 =	vld [tilespmem:$0x1FAB0]  }
0x28f: {  	(erf) = vpow2.f32 v5;
	v5 =	vld [tilespmem:$0x1FAC0];
	_ =	sdelay $0x3  }
0x290: {  	v6 =	vmul.f32 $1.442695020e+00, v6;
	v0 =	vsel vm0, $0x2, v0;
	vm0 =	vnez.u8 v4  }
0x291: {  	v4 =	vsel vm0, $0x2, v10;
	vm0 =	vnez.u8 v5;
	v5 =	vld [tilespmem:$0x1FAD0]  }
0x292: {  	(erf) = vpow2.f32 v6;
	v6 =	vld [tilespmem:$0x1FAE0];
	_ =	sdelay $0x3  }
0x293: {  	v1 =	vsel vm0, $0x2, v1;
	vm0 =	vnez.u8 v5  }
0x294: {  	v5 =	vsel vm0, $0x2, v12;
	vm0 =	vnez.u8 v6;
	v6 =	vld [tilespmem:$0x1FAF0];
	_ =	sdelay $0x4  }
0x295: {  	v2 =	vsel vm0, $0x3, v2;
	vm0 =	vnez.u8 v6  }
0x296: {  	v6 =	vsel vm0, $0x3, v7;
	v7 =	vld [tilespmem:$0x1FB00];
	_ =	sdelay $0x4  }
0x297: {  	vm0 =	vnez.u8 v7;
	v7 =	vld [tilespmem:$0x1FB10];
	_ =	sdelay $0x4  }
0x298: {  	v3 =	vsel vm0, $0x3, v3;
	vm0 =	vnez.u8 v7  }
0x299: {  	v7 =	vsel vm0, $0x3, v8;
	v8 =	vld [tilespmem:$0x1FB20];
	_ =	sdelay $0x4  }
0x29a: {  	vm0 =	vnez.u8 v8  }
0x29b: {  	v10 =	vsel vm0, $0x3, v0;
	v0 =	vld [tilespmem:$0x1FB30];
	_ =	sdelay $0x4  }
0x29c: {  	vm0 =	vnez.u8 v0;
	v0 =	vld [tilespmem:$0x1FB40];
	_ =	sdelay $0x4  }
0x29d: {  	v4 =	vsel vm0, $0x3, v4;
	vm0 =	vnez.u8 v0;
	v0 =	vld [tilespmem:$0x1FB50];
	_ =	sdelay $0x4  }
0x29e: {  	v2 =	vsel vm0, $0x4, v2;
	vm0 =	vnez.u8 v0;
	v0 =	vld [tilespmem:$0x1FB60];
	_ =	sdelay $0x4  }
0x29f: {  	v13 =	vsel vm0, $0x3, v1;
	vm0 =	vnez.u8 v0  }
0x2a0: {  	v14 =	vsel vm0, $0x3, v5;
	v5 =	vld [tilespmem:$0x1FB70];
	_ =	sdelay $0x3  }
0x2a1: {  	v0 =	vpop (erf)  }
0x2a2: {  	vm0 =	vnez.u8 v5;
	v5 =	vpop (erf)  }
0x2a3: {  	v1 =	vmul.f32 v0, v0;
	v11 =	vmul.f32 v5, v5;
	v8 =	vadd.f32 v5, v5;
	v5 =	vld [tilespmem:$0x1FB80];
	_ =	sdelay $0x1  }
0x2a4: {  	v1 =	vadd.f32 $1.000000000e+00, v1;
	_ =	sdelay $0x1  }
0x2a5: {  	v42 =	vld [tilespmem:$0x1FB90];
	v17 =	vshra.s32 v1, $0x1;
	v1 =	vmul.f32 $5.000000000e-01, v1;
	v11 =	vadd.f32 $1.000000000e+00, v11  }
0x2a6: {  	v17 =	vsub.s32 $0x5F3759DF, v17;
	v6 =	vsel vm0, $0x4, v6;
	vm0 =	vnez.u8 v5  }
0x2a7: {  	v22 =	vshra.s32 v11, $0x1;
	v24 =	vmul.f32 $5.000000000e-01, v11;
	v15 =	vsel vm0, $0x4, v3;
	v3 =	vpop (erf)  }
0x2a8: {  	v22 =	vsub.s32 $0x5F3759DF, v22;
	v12 =	vmul.f32 v3, v3;
	v9 =	vadd.f32 v3, v3;
	v3 =	vpop (erf)  }
0x2a9: {  	v60 =	vmul.f32 v22, v24;
	v16 =	vmul.f32 v3, v3;
	v5 =	vadd.f32 v3, v3;
	v3 =	vpop (erf)  }
0x2aa: {  	vm0 =	vnez.u8 v42;
	v12 =	vadd.f32 $1.000000000e+00, v12;
	v18 =	vmul.f32 v3, v3;
	v19 =	vpop (erf)  }
0x2ab: {  	v41 =	vmul.f32 v22, v60;
	v16 =	vadd.f32 $1.000000000e+00, v16;
	v20 =	vmul.f32 v19, v19;
	v21 =	vpop (erf)  }
0x2ac: {  	v18 =	vadd.f32 $1.000000000e+00, v18;
	v23 =	vmul.f32 v21, v21;
	v11 =	vshra.s32 v12, $0x1  }
0x2ad: {  	v45 =	vld [tilespmem:$0x1FBA0];
	v25 =	vmul.f32 $5.000000000e-01, v12;
	v20 =	vadd.f32 $1.000000000e+00, v20;
	v12 =	vshra.s32 v16, $0x1  }
0x2ae: {  	v26 =	vmul.f32 $5.000000000e-01, v16;
	v23 =	vadd.f32 $1.000000000e+00, v23;
	v16 =	vshra.s32 v18, $0x1  }
0x2af: {  	v27 =	vmul.f32 $5.000000000e-01, v18;
	v18 =	vshra.s32 v20, $0x1;
	v28 =	vmul.f32 $5.000000000e-01, v20  }
0x2b0: {  	v20 =	vshra.s32 v23, $0x1;
	v29 =	vmul.f32 $5.000000000e-01, v23;
	v18 =	vsub.s32 $0x5F3759DF, v18  }
0x2b1: {  	v23 =	vsub.s32 $0x5F3759DF, v11;
	v11 =	vadd.f32 v19, v19;
	v19 =	vmul.f32 v18, v28  }
0x2b2: {  	v7 =	vsel vm0, $0x4, v7;
	vm0 =	vnez.u8 v45;
	v31 =	vsub.f32 $1.500000000e+00, v41  }
0x2b3: {  	v59 =	vmul.f32 v17, v1;
	v10 =	vsel vm0, $0x4, v10;
	v19 =	vmul.f32 v18, v19  }
0x2b4: {  	v50 =	vld [tilespmem:$0x1FBB0];
	v22 =	vmul.f32 v22, v31;
	v58 =	vsub.s32 $0x5F3759DF, v12;
	v12 =	vadd.f32 v3, v3  }
0x2b5: {  	v3 =	vadd.f32 v21, v21;
	v21 =	vmul.f32 v17, v59;
	v19 =	vsub.f32 $1.500000000e+00, v19  }
0x2b6: {  	v16 =	vsub.s32 $0x5F3759DF, v16;
	v62 =	vmul.f32 v58, v26;
	v53 =	vmul.f32 v22, v24  }
0x2b7: {  	v63 =	vmul.f32 v16, v27;
	v21 =	vsub.f32 $1.500000000e+00, v21;
	v18 =	vmul.f32 v18, v19;
	v19 =	vld [tilespmem:$0x1FBC0]  }
0x2b8: {  	v20 =	vsub.s32 $0x5F3759DF, v20;
	v61 =	vmul.f32 v23, v25;
	v44 =	vmul.f32 v58, v62  }
0x2b9: {  	v51 =	vld [tilespmem:$0x1FBD0];
	vm0 =	vnez.u8 v50;
	v30 =	vmul.f32 v53, v22;
	v40 =	vmul.f32 v20, v29  }
0x2ba: {  	v52 =	vld [tilespmem:$0x1FBE0];
	v17 =	vmul.f32 v17, v21;
	v43 =	vmul.f32 v23, v61;
	v21 =	vsub.f32 $1.500000000e+00, v44  }
0x2bb: {  	v55 =	vld [tilespmem:$0x1FBF0];
	v4 =	vsel vm0, $0x4, v4;
	v46 =	vmul.f32 v16, v63;
	v47 =	vmul.f32 v20, v40  }
0x2bc: {  	v57 =	vld [tilespmem:$0x1FC00];
	v32 =	vsub.f32 $1.500000000e+00, v43;
	v21 =	vmul.f32 v58, v21;
	vm0 =	vnez.u8 v19  }
0x2bd: {  	v48 =	vsub.f32 $1.500000000e+00, v46;
	v19 =	vsel vm0, $0x4, v13;
	v13 =	vmul.f32 v17, v1  }
0x2be: {  	v23 =	vmul.f32 v23, v32;
	v56 =	vmul.f32 v21, v26;
	vm0 =	vnez.u8 v51  }
0x2bf: {  	v14 =	vsel vm0, $0x4, v14;
	vm0 =	vnez.u8 v52;
	v13 =	vmul.f32 v13, v17  }
0x2c0: {  	v32 =	vmul.f32 v56, v21;
	v2 =	vsel vm0, $0x5, v2;
	vm0 =	vnez.u8 v55  }
0x2c1: {  	v6 =	vsel vm0, $0x5, v6;
	vm0 =	vnez.u8 v57;
	v13 =	vsub.f32 $1.500000000e+00, v13  }
0x2c2: {  	v49 =	vsub.f32 $1.500000000e+00, v47;
	v34 =	vsel vm0, $0x5, v15;
	v15 =	vmul.f32 v18, v28  }
0x2c3: {  	v59 =	vld [tilespmem:$0x1FC10];
	v16 =	vmul.f32 v16, v48;
	v61 =	vmul.f32 v13, v17;
	v13 =	vsub.f32 $1.500000000e+00, v32  }
0x2c4: {  	v60 =	vld [tilespmem:$0x1FC20];
	v30 =	vsub.f32 $1.500000000e+00, v30;
	v20 =	vmul.f32 v20, v49;
	v15 =	vmul.f32 v15, v18  }
0x2c5: {  	v33 =	vmul.f32 v16, v27;
	v63 =	vmul.f32 v13, v21;
	v13 =	vld [tilespmem:$0x1FC30]  }
0x2c6: {  	v30 =	vmul.f32 v30, v22;
	v54 =	vmul.f32 v23, v25;
	v15 =	vsub.f32 $1.500000000e+00, v15  }
0x2c7: {  	v58 =	vmul.f32 v20, v29;
	v33 =	vmul.f32 v33, v16  }
0x2c8: {  	v31 =	vmul.f32 v54, v23;
	vm0 =	vnez.u8 v59;
	v22 =	vmul.f32 v15, v18;
	v18 =	vld [tilespmem:$0x1FC50]  }
0x2c9: {  	v35 =	vmul.f32 v58, v20;
	v7 =	vsel vm0, $0x5, v7;
	vm0 =	vnez.u8 v60  }
0x2ca: {  	v31 =	vsub.f32 $1.500000000e+00, v31;
	v10 =	vsel vm0, $0x5, v10;
	vm0 =	vnez.u8 v13  }
0x2cb: {  	v17 =	vsub.f32 $1.500000000e+00, v33;
	v13 =	vsel vm0, $0x5, v4;
	v4 =	vld [tilespmem:$0x1FC40]  }
0x2cc: {  	v62 =	vsub.f32 $1.500000000e+00, v35;
	v31 =	vmul.f32 v31, v23;
	v1 =	vmul.f32 v61, v1  }
0x2cd: {  	v23 =	vmul.f32 v17, v16;
	v15 =	vsel vm15, $0x5, v19;
	v19 =	vadd.f32 v18, v18;
	v18 =	vld [tilespmem:$0x1FC60]  }
0x2ce: {  	v17 =	vmul.f32 v62, v20;
	v20 =	vld [tilespmem:$0x1FC70];
	v1 =	vmul.f32 v1, v61  }
0x2cf: {  	vm3 =	vmmov vm6;
	v0 =	vadd.f32 v0, v0  }
0x2d0: {  	v21 =	vsel vm14, $0x6, v7;
	v1 =	vsub.f32 $1.500000000e+00, v1;
	[tilespmem:s15+$0x2400] =	vst v19;
	v19 =	vld [tilespmem:$0x1FC80];
	vm0 =	vnez.u8 v4  }
0x2d1: {  	v4 =	vmul.f32 v30, v24;
	v24 =	vmul.f32 v23, v27;
	v16 =	vsel vm0, $0x5, v14  }
0x2d2: {  	v14 =	vmul.f32 v31, v25;
	vm0 =	vnez.u8 v18;
	v25 =	vmul.f32 v17, v29  }
0x2d3: {  	v18 =	vsel vm0, $0x6, v2;
	v2 =	vmul.f32 v63, v26;
	vm0 =	vnez.u8 v20  }
0x2d4: {  	v4 =	vmul.f32 v4, v30;
	v7 =	vmul.f32 v24, v23;
	v20 =	vsel vm0, $0x6, v6  }
0x2d5: {  	p0 =	sne.s32 s16, $0xFFFFFFC0;
	v6 =	vmul.f32 v22, v28;
	vm0 =	vnez.u8 v19;
	v14 =	vmul.f32 v14, v31  }
.Ltmp0:
0x2d6: {  	v27 =	vmul.f32 v25, v17;
	v19 =	vsel vm0, $0x6, v34;
	v2 =	vmul.f32 v2, v63;
	(pc) =	sbr.rel @p0 .LBB2_2-.Ltmp0, $4  }
0x2d7: {  	v24 =	vsub.f32 $1.500000000e+00, v4;
	v4 =	vsub.f32 $1.500000000e+00, v7;
	v6 =	vmul.f32 v6, v22  }
0x2d8: {  	v26 =	vsub.f32 $1.500000000e+00, v14;
	v14 =	vmul.f32 v1, v61;
	v28 =	vsub.f32 $1.500000000e+00, v2  }
0x2d9: {  	s17 =	sshra.s32 s16, $0x2;
	v25 =	vmul.f32 v24, v30;
	v2 =	vsub.f32 $1.500000000e+00, v27;
	v7 =	vsub.f32 $1.500000000e+00, v6  }
0x2da: {  	s16 =	sadd.s32 $0x40, s16;
	v1 =	vld [tilespmem:s17+$0x1C80];
	v27 =	vadd.f32 v14, v14;
	v26 =	vmul.f32 v26, v31;
	v24 =	vmul.f32 v28, v63  }
0x2db: {  	v28 =	vld [tilespmem:s17+$0x1D00]  }
0x2dc: {  	v30 =	vld [tilespmem:s17+$0x80]  }
0x2dd: {  	v55 =	vld [tilespmem:$0x1FEA0]  }
0x2de: {  	v56 =	vld [tilespmem:$0x1FE70]  }
0x2df: {  	v57 =	vld [tilespmem:$0x1FE80]  }
0x2e0: {  	v58 =	vld [tilespmem:$0x1FEC0]  }
0x2e1: {  	v60 =	vld [tilespmem:$0x1FE90]  }
0x2e2: {  	v62 =	vld [tilespmem:$0x1FC90]  }
0x2e3: {  	v36 =	vld [tilespmem:$0x1FED0]  }
0x2e4: {  	v6 =	vadd.f32 v25, v25;
	v42 =	vld [tilespmem:$0x1FEB0]  }
0x2e5: {  	v0 =	vmul.f32 v14, v0;
	v43 =	vld [tilespmem:$0x1FEE0];
	[tilespmem:s15+$0x2080] =	vst v27  }
0x2e6: {  	v44 =	vmul.f32 v25, v8;
	v4 =	vmul.f32 v4, v23;
	v27 =	vld [tilespmem:s17+$0x1D80];
	[tilespmem:s15+$0x2100] =	vst v6  }
0x2e7: {  	v49 =	vmul.f32 v7, v22;
	v2 =	vmul.f32 v2, v17;
	v29 =	vld [tilespmem:s17+$0x100];
	[tilespmem:s15+$0x2480] =	vst v0  }
0x2e8: {  	v53 =	vsel vm3, $0x7, v18;
	v45 =	vadd.f32 v26, v26;
	v46 =	vmul.f32 v26, v9;
	v0 =	vld [tilespmem:s17+$0x1E00];
	[tilespmem:s15+$0x2500] =	vst v44  }
0x2e9: {  	v47 =	vadd.f32 v24, v24;
	v5 =	vmul.f32 v24, v5;
	v48 =	vadd.f32 v4, v4;
	v31 =	vld [tilespmem:s17+$0x480]  }
0x2ea: {  	v4 =	vmul.f32 v4, v12;
	v50 =	vadd.f32 v49, v49;
	v51 =	vmul.f32 v49, v11;
	[tilespmem:s15+$0x2180] =	vst v45;
	v45 =	vld [tilespmem:$0x1FF00]  }
0x2eb: {  	v52 =	vadd.f32 v2, v2;
	v2 =	vmul.f32 v2, v3;
	v6 =	vimm.s32 $0x0;
	v8 =	vld [tilespmem:s17+$0x1E80]  }
0x2ec: {  	vm0 =	vgt.f32 v28, v1;
	vm2 =	vnez.u8 v55;
	vm1 =	vnez.u8 v56;
	[tilespmem:s15+$0x2580] =	vst v46;
	v46 =	vld [tilespmem:$0x1FCA0]  }
0x2ed: {  	vm7 =	vnez.u8 v57;
	vm8 =	vnez.u8 v58;
	vm9 =	vnez.u8 v60;
	v25 =	vld [tilespmem:s17+$0x500];
	[tilespmem:s15+$0x2200] =	vst v47  }
0x2ee: {  	vm10 =	vnez.u8 v62;
	vm4 =	vnez.u8 v42;
	vm14 =	vnez.u8 v43;
	v9 =	vld [tilespmem:s17+$0x1F00];
	[tilespmem:s15+$0x2600] =	vst v5  }
0x2ef: {  	v54 =	vsel vm0, v28, v1;
	v3 =	vsel vm2, $0x7, v20;
	v59 =	vsel vm8, $0x7, v19;
	v23 =	vld [tilespmem:s17+$0x880];
	[tilespmem:s15+$0x2280] =	vst v48  }
0x2f0: {  	v61 =	vsel vm9, $0x6, v15;
	v63 =	vsel vm10, $0x6, v16;
	vm12 =	vgt.f32 v29, v30;
	v7 =	vld [tilespmem:s17+$0x1F80];
	[tilespmem:s15+$0x2680] =	vst v4  }
0x2f1: {  	v44 =	vsel vm0, $0x1, v6;
	v16 =	vsel vm12, v29, v30;
	v41 =	vsel vm12, $0x1, v6;
	v14 =	vld [tilespmem:s17+$0x900];
	[tilespmem:s15+$0x2300] =	vst v50  }
0x2f2: {  	v4 =	vsel vm1, $0x6, v10;
	vm1 =	vgt.f32 v27, v54;
	vm5 =	vnez.u8 v45;
	v5 =	vld [tilespmem:s17+$0x2000];
	[tilespmem:s15+$0x2700] =	vst v51  }
0x2f3: {  	v4 =	vsel vm4, $0x7, v4;
	v10 =	vsel vm1, $0x2, v44;
	vm9 =	vnez.u8 v46;
	v37 =	vld [tilespmem:s17+$0xC80];
	[tilespmem:s15+$0x2380] =	vst v52  }
0x2f4: {  	v50 =	vimm.s32 $0x0;
	vm15 =	vgt.f32 v25, v31;
	v17 =	vld [tilespmem:s17+$0xD00];
	[tilespmem:s15+$0x2780] =	vst v2;
	v2 =	vsel vm1, v27, v54  }
0x2f5: {  	v11 =	vsel vm9, $0x7, v63;
	v32 =	vsel vm15, v25, v31;
	v18 =	vld [tilespmem:s17+$0x1080];
	[tilespmem:s15+$0x2C80] =	vst v53;
	vm11 =	vgt.f32 v0, v2  }
0x2f6: {  	v52 =	vimm.s32 $0x0;
	v22 =	vld [tilespmem:s17+$0x1100];
	[tilespmem:s15+$0x2D00] =	vst v3;
	v3 =	vsel vm7, $0x6, v13;
	v2 =	vsel vm11, v0, v2  }
0x2f7: {  	vm7 =	vnez.u8 v36;
	v10 =	vsel vm11, $0x3, v10;
	vm11 =	vgt.f32 v14, v23  }
0x2f8: {  	v20 =	vld [tilespmem:s17+$0x1480];
	[tilespmem:s15+$0x2D80] =	vst v59;
	v38 =	vsel vm7, $0x7, v21;
	vm13 =	vgt.f32 v8, v2;
	v3 =	vsel vm14, $0x7, v3  }
0x2f9: {  	v42 =	vsel vm11, $0x1, v6;
	v15 =	vld [tilespmem:s17+$0x1500];
	[tilespmem:s15+$0x2E00] =	vst v38;
	v2 =	vsel vm13, v8, v2;
	v10 =	vsel vm13, $0x4, v10  }
0x2fa: {  	v26 =	vld [tilespmem:s17+$0x1880];
	vm8 =	vgt.f32 v9, v2;
	[tilespmem:s15+$0x2E80] =	vst v4;
	v4 =	vsel vm5, $0x7, v61;
	vm12 =	vgt.f32 v17, v37  }
0x2fb: {  	v2 =	vsel vm8, v9, v2;
	v21 =	vld [tilespmem:s17+$0x1900];
	[tilespmem:s15+$0x2F00] =	vst v3;
	v3 =	vsel vm15, $0x1, v6;
	v10 =	vsel vm8, $0x5, v10  }
0x2fc: {  	v34 =	vsel vm12, v17, v37;
	v43 =	vsel vm12, $0x1, v6;
	vm1 =	vgt.f32 v7, v2  }
0x2fd: {  	vm2 =	vgt.f32 v22, v18;
	v2 =	vsel vm1, v7, v2;
	v47 =	vsel vm1, $0x6, v10  }
0x2fe: {  	v24 =	vld [tilespmem:s17+$0x180];
	[tilespmem:s15+$0x2F80] =	vst v4;
	v10 =	vsel vm11, v14, v23;
	vm10 =	vgt.f32 v5, v2;
	vm3 =	vgt.f32 v15, v20  }
0x2ff: {  	v33 =	vld [tilespmem:s17+$0x580];
	[tilespmem:s15+$0x3000] =	vst v11;
	v35 =	vsel vm2, v22, v18;
	vm0 =	vmneg vm10;
	v36 =	vsel vm3, v15, v20  }
0x300: {  	v38 =	vld [tilespmem:s17+$0x980];
	v13 =	vnsel vm0, $0x7, v47;
	vm10 =	vgt.f32 v21, v26;
	vm1 =	vmand vm1, vm0  }
0x301: {  	v39 =	vld [tilespmem:s17+$0xD80];
	v2 =	vsel vm0, v2, v5;
	vm13 =	veq.s32 v13, $0x0;
	vm14 =	veq.s32 v13, $0x1  }
0x302: {  	v51 =	vld [tilespmem:s17+$0x1580];
	vm15 =	veq.s32 v13, $0x2;
	vm11 =	veq.s32 v13, $0x3;
	vm12 =	veq.s32 v13, $0x4  }
0x303: {  	v58 =	vsel vm1, $0xFF61B1E6, v7;
	[tilespmem:$0x1F0F0] =	vst v2;
	v2 =	vsel vm2, $0x1, v6;
	v48 =	vsel vm13, $0xFF61B1E6, v1  }
0x304: {  	v44 =	vld [tilespmem:s17+$0x600];
	v49 =	vsel vm14, $0xFF61B1E6, v28;
	v56 =	vsel vm15, $0xFF61B1E6, v27;
	v19 =	vsel vm11, $0xFF61B1E6, v0  }
0x305: {  	v45 =	vld [tilespmem:s17+$0xA00];
	vm11 =	vgt.f32 v33, v32;
	v54 =	vsel vm12, $0xFF61B1E6, v8;
	vm13 =	veq.s32 v13, $0x5  }
0x306: {  	vm4 =	vgt.f32 v48, $-3.000000010e+38;
	vm6 =	vgt.f32 v38, v10;
	vm7 =	vgt.f32 v39, v34  }
0x307: {  	v55 =	vsel vm13, $0xFF61B1E6, v9;
	vm12 =	vgt.f32 v51, v36;
	v60 =	vsel vm11, v33, v32  }
0x308: {  	v28 =	vld [tilespmem:s17+$0x1180];
	v57 =	vmovc v51;
	v3 =	vsel vm11, $0x2, v3;
	v1 =	vnsel vm4, $0xFF61B1E6, v48;
	v8 =	vsel vm6, v38, v10  }
0x309: {  	[tilespmem:s17+$0x2C00] =	vst v13;
	v13 =	vld [tilespmem:s17+$0xE00];
	v61 =	vsel vm7, v39, v34;
	v40 =	vsel vm12, v57, v36;
	vm15 =	vgt.f32 v44, v60  }
0x30a: {  	v4 =	vld [tilespmem:s17+$0x1980];
	v57 =	vsel vm3, $0x1, v6;
	vm5 =	vgt.f32 v49, v1;
	vm13 =	vgt.f32 v45, v8  }
0x30b: {  	v46 =	vld [tilespmem:s17+$0x1200];
	v7 =	vsel vm15, v44, v60;
	v60 =	vimm.s32 $0x0;
	v11 =	vsel vm5, $0xFFFFFFFF, v50  }
0x30c: {  	v53 =	vld [tilespmem:s17+$0x200];
	v63 =	vsel vm5, v49, v1;
	v1 =	vsel vm10, v21, v26;
	vm5 =	vgt.f32 v24, v16  }
0x30d: {  	[tilespmem:$0x1F0E0] =	vst v58;
	v34 =	vld [tilespmem:s17+$0x680];
	v50 =	vsel vm7, $0x2, v43;
	vm4 =	vgt.f32 v56, v63;
	vm8 =	vgt.f32 v28, v35  }
0x30e: {  	[tilespmem:$0x1F0D0] =	vst v55;
	v36 =	vld [tilespmem:s17+$0xE80];
	v55 =	vmovc v45;
	v59 =	vsel vm5, v24, v16;
	v16 =	vnsel vm0, $0xFF61B1E6, v5;
	vm9 =	vgt.f32 v13, v61  }
0x30f: {  	[tilespmem:$0x1F0C0] =	vst v54;
	v32 =	vld [tilespmem:s17+$0x1A00];
	v8 =	vsel vm13, v55, v8;
	v48 =	vsel vm5, $0x2, v41;
	v5 =	vsel vm12, $0x2, v57  }
0x310: {  	v58 =	vld [tilespmem:s17+$0x1680];
	[tilespmem:$0x1F140] =	vst v46;
	v12 =	vsel vm4, $0xFFFFFFFF, v52;
	vm4 =	vgt.f32 v4, v1;
	v62 =	vsel vm8, v28, v35  }
0x311: {  	[tilespmem:$0x1F100] =	vst v51;
	v54 =	vmovc v53;
	v49 =	vld [tilespmem:s17+$0x280];
	vm0 =	vgt.f32 v53, v59;
	v9 =	vsel vm9, v13, v61;
	v2 =	vsel vm8, $0x2, v2  }
0x312: {  	[tilespmem:$0x1F110] =	vst v4;
	v51 =	vld [tilespmem:s17+$0x1280];
	v1 =	vsel vm4, v4, v1;
	vm2 =	vgt.f32 v46, v62;
	v0 =	vsel vm0, v54, v59  }
0x313: {  	[tilespmem:$0x1F360] =	vst v11;
	v11 =	vld [tilespmem:s17+$0x1600];
	v59 =	vsel vm10, $0x1, v6;
	vm10 =	vgt.f32 v34, v7;
	vm11 =	vgt.f32 v36, v9  }
0x314: {  	[tilespmem:$0x1F120] =	vst v53;
	v27 =	vmovc v55;
	v41 =	vld [tilespmem:s17+$0x700];
	v55 =	vsel vm0, $0x3, v48;
	vm14 =	vgt.f32 v32, v1;
	v10 =	vsel vm2, v46, v62  }
0x315: {  	v52 =	vld [tilespmem:s17+$0x1A80];
	[tilespmem:$0x1F370] =	vst v12;
	v46 =	vmovc v36;
	v53 =	vsel vm4, $0x2, v59;
	v59 =	vsel vm9, $0x3, v50;
	v6 =	vsel vm14, $0xFFFFFFFF, v60  }
0x316: {  	v12 =	vld [tilespmem:s17+$0xA80];
	v1 =	vsel vm14, v32, v1;
	v61 =	vmovc v49;
	[tilespmem:$0x1F170] =	vst v49;
	vm5 =	vgt.f32 v49, v0;
	v49 =	vsel vm6, $0x2, v42  }
0x317: {  	[tilespmem:$0x1F1C0] =	vst v58;
	v48 =	vld [tilespmem:s17+$0x780];
	v62 =	vmovc v34;
	vm8 =	vgt.f32 v51, v10;
	v9 =	vsel vm11, v46, v9;
	v60 =	vsel vm15, $0x3, v3  }
0x318: {  	[tilespmem:$0x1F1A0] =	vst v36;
	v36 =	vld [tilespmem:s17+$0xF00];
	vm1 =	vgt.f32 v11, v40;
	v0 =	vsel vm5, v61, v0;
	v7 =	vsel vm10, v62, v7  }
0x319: {  	[tilespmem:$0x1F180] =	vst v34;
	v34 =	vld [tilespmem:s17+$0xB00];
	v10 =	vsel vm8, v51, v10;
	v62 =	vsel vm2, $0x3, v2;
	v47 =	vsel vm1, v11, v40  }
0x31a: {  	[tilespmem:$0x1F160] =	vst v32;
	v42 =	vld [tilespmem:s17+$0x1300];
	vm4 =	vgt.f32 v52, v1;
	vm15 =	vgt.f32 v41, v7;
	v5 =	vsel vm1, $0x3, v5  }
0x31b: {  	v43 =	vld [tilespmem:s17+$0x1700];
	[tilespmem:$0x1F150] =	vst v11;
	v4 =	vsel vm8, $0x4, v62;
	vm3 =	vgt.f32 v12, v8;
	vm12 =	vgt.f32 v58, v47  }
0x31c: {  	v40 =	vld [tilespmem:s17+$0x300];
	v32 =	vmovc v12;
	[tilespmem:$0x1F190] =	vst v12;
	v1 =	vsel vm4, v52, v1;
	v7 =	vsel vm15, v41, v7;
	v12 =	vsel vm10, $0x4, v60  }
0x31d: {  	[tilespmem:$0x1F0B0] =	vst v6;
	v11 =	vld [tilespmem:s17+$0x1B00];
	v8 =	vsel vm3, v32, v8;
	v57 =	vsel vm12, v58, v47;
	v58 =	vsel vm13, $0x3, v49  }
0x31e: {  	v50 =	vld [tilespmem:$0x1F0B0];
	vm14 =	vgt.f32 v36, v9;
	vm6 =	vgt.f32 v48, v7;
	v5 =	vsel vm12, $0x4, v5  }
0x31f: {  	[tilespmem:$0x1F1E0] =	vst v41;
	v41 =	vld [tilespmem:s17+$0x1380];
	v49 =	vmovc v36;
	v12 =	vsel vm15, $0x5, v12;
	vm13 =	vgt.f32 v34, v8;
	vm2 =	vgt.f32 v42, v10  }
0x320: {  	v35 =	vmovc v13;
	v47 =	vld [tilespmem:s17+$0x380];
	vm1 =	vgt.f32 v43, v57;
	v61 =	vsel vm14, v49, v9;
	v13 =	vsel vm3, $0x4, v58  }
0x321: {  	[tilespmem:$0x1F200] =	vst v36;
	v36 =	vld [tilespmem:s17+$0xB80];
	v8 =	vsel vm13, v34, v8;
	v3 =	vsel vm2, v42, v10;
	v2 =	vsel vm1, v43, v57  }
0x322: {  	[tilespmem:$0x1F1B0] =	vst v51;
	v60 =	vmovc v48;
	v10 =	vsel vm11, $0x4, v59;
	v4 =	vsel vm2, $0x5, v4;
	vm7 =	vgt.f32 v40, v0  }
0x323: {  	[tilespmem:$0x1F210] =	vst v42;
	v42 =	vld [tilespmem:s17+$0x1780];
	vm9 =	vnez.u8 v50;
	vm0 =	vgt.f32 v11, v1;
	v50 =	vsel vm6, v60, v7  }
0x324: {  	[tilespmem:$0x1F220] =	vst v43;
	v43 =	vld [tilespmem:s17+$0x1B80];
	v0 =	vsel vm7, v40, v0;
	v51 =	vsel vm9, $0x3, v53;
	v1 =	vsel vm0, v11, v1  }
0x325: {  	v59 =	vld [tilespmem:s17+$0x800];
	[tilespmem:$0x1F240] =	vst v11;
	v11 =	vsel vm5, $0x4, v55;
	vm3 =	vgt.f32 v41, v3;
	vm5 =	vgt.f32 v47, v0  }
0x326: {  	[tilespmem:$0x1F260] =	vst v48;
	v60 =	vld [tilespmem:s17+$0x1400];
	vm10 =	vgt.f32 v36, v8;
	v48 =	vsel vm4, $0x4, v51;
	v51 =	vimm.s32 $0x0  }
0x327: {  	v45 =	vmovc v40;
	v40 =	vld [tilespmem:s17+$0xF80];
	[tilespmem:$0x1F290] =	vst v41;
	v54 =	vsel vm3, v41, v3;
	v41 =	vsel vm1, $0x5, v5;
	v4 =	vsel vm3, $0x6, v4  }
0x328: {  	[tilespmem:$0x1F1D0] =	vst v52;
	v55 =	vld [tilespmem:s17+$0xC00];
	v49 =	vsel vm5, v47, v0;
	v0 =	vsel vm6, $0xFFFFFFFF, v51;
	v52 =	vsel vm10, v36, v8  }
0x329: {  	v57 =	vld [tilespmem:s17+$0x400];
	[tilespmem:$0x1F270] =	vst v36;
	v36 =	vsel vm13, $0x5, v13;
	v6 =	vsel vm0, $0x5, v48;
	v8 =	vimm.s32 $0x0  }
0x32a: {  	v58 =	vld [tilespmem:s17+$0x1000];
	vm9 =	vgt.f32 v42, v2;
	vm4 =	vgt.f32 v43, v1;
	vm8 =	vgt.f32 v59, v50  }
0x32b: {  	[tilespmem:$0x1F250] =	vst v47;
	v9 =	vsel vm9, v42, v2;
	v7 =	vsel vm4, v43, v1;
	vm2 =	vgt.f32 v60, v54  }
0x32c: {  	v47 =	vld [tilespmem:s17+$0x1C00];
	[tilespmem:$0x1F2A0] =	vst v42;
	v42 =	vsel vm6, $0x6, v12;
	v2 =	vsel vm10, $0x6, v36;
	vm11 =	vgt.f32 v40, v61  }
0x32d: {  	v32 =	vsel vm4, $0x6, v6;
	vm12 =	vgt.f32 v55, v52;
	v53 =	vsel vm11, v40, v61  }
0x32e: {  	[tilespmem:$0x1F280] =	vst v40;
	v61 =	vsel vm7, $0x5, v11;
	vm7 =	vgt.f32 v57, v49;
	v40 =	vsel vm14, $0x5, v10  }
0x32f: {  	v10 =	vsel vm9, $0x6, v41;
	v11 =	vimm.s32 $0x0;
	vm13 =	vgt.f32 v58, v53  }
0x330: {  	[tilespmem:$0x1F2D0] =	vst v50;
	vm15 =	vmneg vm7;
	vm7 =	vmneg vm8;
	vm8 =	vmneg vm12  }
0x331: {  	[tilespmem:$0x1F230] =	vst v0;
	v62 =	vmovc v43;
	v0 =	vsel vm5, $0x6, v61;
	v43 =	vsel vm11, $0x6, v40;
	vm0 =	vgt.f32 v47, v7  }
0x332: {  	[tilespmem:$0x1F300] =	vst v54;
	vm14 =	vmneg vm13;
	vm13 =	vmneg vm2;
	v50 =	vnsel vm15, $0x7, v0  }
0x333: {  	v48 =	vld [tilespmem:s17+$0x1800];
	[tilespmem:$0x1F2E0] =	vst v52;
	v52 =	vnsel vm7, $0x7, v42;
	v54 =	vnsel vm8, $0x7, v2;
	v61 =	vnsel vm14, $0x7, v43  }
0x334: {  	[tilespmem:$0x1F1F0] =	vst v34;
	v34 =	vld [tilespmem:$0x1F370];
	v2 =	vnsel vm13, $0x7, v4;
	vm6 =	vmmov vm13;
	vm12 =	veq.s32 v50, $0x0  }
0x335: {  	[tilespmem:$0x1F130] =	vst v44;
	vm13 =	veq.s32 v52, $0x0;
	vm2 =	veq.s32 v50, $0x2;
	v44 =	vsel vm12, $0xFF61B1E6, v30  }
0x336: {  	vm12 =	veq.s32 v54, $0x0;
	v46 =	vsel vm13, $0xFF61B1E6, v31;
	vm13 =	veq.s32 v61, $0x0  }
0x337: {  	v40 =	vsel vm2, $0xFF61B1E6, v24;
	v30 =	vsel vm12, $0xFF61B1E6, v23;
	vm12 =	veq.s32 v2, $0x0  }
0x338: {  	v31 =	vsel vm13, $0xFF61B1E6, v37;
	vm13 =	vgt.f32 v48, v9;
	v18 =	vsel vm12, $0xFF61B1E6, v18  }
0x339: {  	[tilespmem:$0x1F320] =	vst v7;
	v7 =	vld [tilespmem:$0x1F0C0];
	vm13 =	vmneg vm13;
	vm12 =	vmneg vm0;
	vm0 =	vnez.u8 v34  }
0x33a: {  	v23 =	vimm.s32 $0x0;
	v51 =	vnsel vm13, $0x7, v10;
	v36 =	vsel vm0, v56, v63  }
0x33b: {  	[tilespmem:$0x1F310] =	vst v9;
	v56 =	vimm.s32 $0x0;
	vm0 =	veq.s32 v51, $0x0;
	vm1 =	vgt.f32 v19, v36  }
0x33c: {  	[tilespmem:$0x1F2F0] =	vst v53;
	v9 =	vld [tilespmem:$0x1F0D0];
	v53 =	vnsel vm12, $0x7, v32;
	v37 =	vsel vm0, $0xFF61B1E6, v20;
	v1 =	vsel vm1, $0xFFFFFFFF, v56  }
0x33d: {  	vm0 =	veq.s32 v53, $0x0;
	v10 =	vsel vm1, v19, v36;
	v19 =	vimm.s32 $0x0  }
0x33e: {  	v13 =	vld [tilespmem:$0x1F0E0];
	v63 =	vsel vm0, $0xFF61B1E6, v26;
	vm0 =	vgt.f32 v44, $-3.000000010e+38;
	vm1 =	vgt.f32 v7, v10  }
0x33f: {  	v41 =	vnsel vm0, $0xFF61B1E6, v44;
	v3 =	vsel vm1, $0xFFFFFFFF, v8;
	vm0 =	vgt.f32 v46, $-3.000000010e+38  }
0x340: {  	v10 =	vsel vm1, v7, v10;
	v46 =	vnsel vm0, $0xFF61B1E6, v46;
	vm0 =	vgt.f32 v30, $-3.000000010e+38  }
0x341: {  	vm1 =	vgt.f32 v9, v10;
	v44 =	vnsel vm0, $0xFF61B1E6, v30;
	vm0 =	vgt.f32 v31, $-3.000000010e+38  }
0x342: {  	[tilespmem:$0x1F2C0] =	vst v49;
	v12 =	vsel vm1, v9, v10;
	v56 =	vnsel vm0, $0xFF61B1E6, v31;
	vm0 =	vgt.f32 v18, $-3.000000010e+38  }
0x343: {  	v26 =	vld [tilespmem:$0x1F0F0];
	[tilespmem:$0x1F4A0] =	vst v3;
	v3 =	vsel vm1, $0xFFFFFFFF, v11;
	vm1 =	vgt.f32 v13, v12;
	v49 =	vnsel vm0, $0xFF61B1E6, v18  }
0x344: {  	[tilespmem:$0x1F5B0] =	vst v3;
	v3 =	vsel vm1, $0xFFFFFFFF, v19;
	vm0 =	veq.s32 v50, $0x1;
	v4 =	vsel vm1, v13, v12  }
0x345: {  	v18 =	vsel vm0, $0xFF61B1E6, v29;
	vm0 =	vgt.f32 v37, $-3.000000010e+38;
	vm1 =	vgt.f32 v16, v4  }
0x346: {  	v43 =	vnsel vm0, $0xFF61B1E6, v37;
	v0 =	vsel vm1, $0xFFFFFFFF, v23;
	vm0 =	vgt.f32 v63, $-3.000000010e+38  }
0x347: {  	v4 =	vsel vm1, v16, v4;
	v42 =	vnsel vm0, $0xFF61B1E6, v63;
	vm0 =	veq.s32 v52, $0x1  }
0x348: {  	v4 =	vsub.f32 v4, v26;
	v16 =	vsel vm0, $0xFF61B1E6, v25;
	vm0 =	veq.s32 v54, $0x1  }
0x349: {  	v5 =	vld [tilespmem:$0x1F160];
	vm1 =	veq.s32 v2, $0x1;
	v63 =	vsel vm0, $0xFF61B1E6, v14;
	vm0 =	veq.s32 v61, $0x1  }
0x34a: {  	v30 =	vld [tilespmem:$0x1F110];
	v4 =	vmul.f32 $1.442695020e+00, v4;
	v12 =	vsel vm0, $0xFF61B1E6, v17;
	vm0 =	veq.s32 v51, $0x1  }
0x34b: {  	v29 =	vld [tilespmem:$0x1F100];
	v34 =	vsel vm1, $0xFF61B1E6, v22;
	vm1 =	veq.s32 v53, $0x1;
	v10 =	vsel vm0, $0xFF61B1E6, v15  }
0x34c: {  	v31 =	vld [tilespmem:$0x1F120];
	v15 =	vsel vm1, $0xFF61B1E6, v21;
	(erf) = vpow2.f32 v4;
	vm0 =	veq.s32 v52, $0x2  }
0x34d: {  	vm1 =	veq.s32 v54, $0x2;
	v26 =	vsel vm0, $0xFF61B1E6, v33;
	vm0 =	veq.s32 v61, $0x2;
	v33 =	vld [tilespmem:$0x1F130]  }
0x34e: {  	v4 =	vld [tilespmem:$0x1F150];
	v32 =	vsel vm1, $0xFF61B1E6, v38;
	v36 =	vsel vm0, $0xFF61B1E6, v39;
	vm0 =	veq.s32 v2, $0x2  }
0x34f: {  	vm1 =	veq.s32 v51, $0x2;
	v38 =	vld [tilespmem:$0x1F140];
	v23 =	vsel vm0, $0xFF61B1E6, v28;
	vm0 =	veq.s32 v53, $0x2  }
0x350: {  	v6 =	vld [tilespmem:$0x1F170];
	v29 =	vsel vm1, $0xFF61B1E6, v29;
	v37 =	vsel vm0, $0xFF61B1E6, v30;
	vm0 =	veq.s32 v50, $0x3  }
0x351: {  	v8 =	vld [tilespmem:$0x1F180];
	vm1 =	veq.s32 v52, $0x3;
	v24 =	vsel vm0, $0xFF61B1E6, v31;
	vm0 =	veq.s32 v54, $0x3  }
0x352: {  	v11 =	vld [tilespmem:$0x1F190];
	v33 =	vsel vm1, $0xFF61B1E6, v33;
	v39 =	vsel vm0, $0xFF61B1E6, v27;
	vm0 =	veq.s32 v61, $0x3  }
0x353: {  	v14 =	vld [tilespmem:$0x1F1A0];
	vm1 =	veq.s32 v2, $0x3;
	v27 =	vsel vm0, $0xFF61B1E6, v35;
	vm0 =	veq.s32 v51, $0x3  }
0x354: {  	v19 =	vld [tilespmem:$0x1F1C0];
	v35 =	vsel vm1, $0xFF61B1E6, v38;
	v38 =	vsel vm0, $0xFF61B1E6, v4;
	vm0 =	veq.s32 v53, $0x3  }
0x355: {  	vm1 =	veq.s32 v50, $0x4;
	v28 =	vsel vm0, $0xFF61B1E6, v5;
	vm0 =	veq.s32 v52, $0x4;
	v5 =	vld [tilespmem:$0x1F1E0]  }
0x356: {  	v17 =	vld [tilespmem:$0x1F1B0];
	v30 =	vsel vm1, $0xFF61B1E6, v6;
	v7 =	vpop (erf);
	v31 =	vsel vm0, $0xFF61B1E6, v8;
	vm0 =	veq.s32 v54, $0x4  }
0x357: {  	v6 =	vld [tilespmem:$0x1F1F0];
	v9 =	vmul.f32 v7, v7;
	v21 =	vsel vm0, $0xFF61B1E6, v11;
	vm0 =	veq.s32 v61, $0x4  }
0x358: {  	v8 =	vld [tilespmem:$0x1F200];
	v20 =	vsel vm0, $0xFF61B1E6, v14;
	vm0 =	veq.s32 v51, $0x4  }
0x359: {  	[tilespmem:$0x1F3D0] =	vst v7;
	v13 =	vadd.f32 $1.000000000e+00, v9;
	v9 =	vld [tilespmem:$0x1F210];
	v7 =	vsel vm0, $0xFF61B1E6, v19;
	vm0 =	veq.s32 v52, $0x5  }
0x35a: {  	v19 =	vsel vm0, $0xFF61B1E6, v5;
	v5 =	vld [tilespmem:$0x1F230]  }
0x35b: {  	vm2 =	veq.s32 v50, $0x5;
	v22 =	vld [tilespmem:$0x1F1D0];
	vm1 =	veq.s32 v2, $0x4  }
0x35c: {  	v25 =	vsel vm1, $0xFF61B1E6, v17;
	vm1 =	veq.s32 v53, $0x4;
	vm0 =	veq.s32 v54, $0x5  }
0x35d: {  	v4 =	vshra.s32 v13, $0x1;
	v14 =	vsel vm0, $0xFF61B1E6, v6;
	vm0 =	veq.s32 v61, $0x5  }
0x35e: {  	[tilespmem:$0x1F5F0] =	vst v0;
	v0 =	vsub.s32 $0x5F3759DF, v4;
	v4 =	vld [tilespmem:$0x1F220];
	v17 =	vsel vm0, $0xFF61B1E6, v8;
	vm0 =	veq.s32 v2, $0x5  }
0x35f: {  	v8 =	vsel vm0, $0xFF61B1E6, v9;
	vm0 =	vmand vm5, vm15;
	vm5 =	vnez.u8 v5;
	v5 =	vld [tilespmem:$0x1F260]  }
0x360: {  	v11 =	vsel vm1, $0xFF61B1E6, v22;
	v22 =	vsel vm2, $0xFF61B1E6, v45;
	v45 =	vmul.f32 $5.000000000e-01, v13;
	_ =	sdelay $0x1  }
0x361: {  	vm1 =	veq.s32 v51, $0x5;
	v6 =	vld [tilespmem:$0x1F240];
	v13 =	vmul.f32 v0, v45  }
0x362: {  	v9 =	vsel vm1, $0xFF61B1E6, v4;
	vm1 =	vmand vm5, vm7;
	v4 =	vld [tilespmem:$0x1F250]  }
0x363: {  	[tilespmem:$0x1F5E0] =	vst v3;
	v13 =	vmul.f32 v0, v13;
	v3 =	vsel vm1, $0xFF61B1E6, v5;
	v5 =	vld [tilespmem:$0x1F280]  }
0x364: {  	[tilespmem:$0x1F420] =	vst v1;
	v1 =	vld [tilespmem:$0x1F290]  }
0x365: {  	vm5 =	veq.s32 v53, $0x5;
	v13 =	vsub.f32 $1.500000000e+00, v13  }
0x366: {  	vm11 =	vmand vm11, vm14;
	vm4 =	vmand vm4, vm12;
	v6 =	vsel vm5, $0xFF61B1E6, v6  }
0x367: {  	[tilespmem:$0x1F400] =	vst v2;
	vm5 =	vmand vm3, vm6;
	v13 =	vmul.f32 v0, v13;
	v2 =	vsel vm0, $0xFF61B1E6, v4;
	v4 =	vld [tilespmem:$0x1F270]  }
0x368: {  	v0 =	vld [tilespmem:$0x1F2A0];
	[tilespmem:$0x1F2B0] =	vst v7;
	v7 =	vimm.s32 $0x0;
	v5 =	vsel vm11, $0xFF61B1E6, v5;
	vm11 =	vgt.f32 v18, v41  }
0x369: {  	v1 =	vsel vm5, $0xFF61B1E6, v1;
	vm5 =	vgt.f32 v16, v46;
	v7 =	vsel vm11, $0xFFFFFFFF, v7  }
0x36a: {  	v18 =	vsel vm11, v18, v41;
	v41 =	vsel vm4, $0xFF61B1E6, v62;
	v62 =	vimm.s32 $0x0;
	[tilespmem:$0x1F340] =	vst v7  }
0x36b: {  	vm10 =	vmand vm10, vm8;
	v62 =	vsel vm5, $0xFFFFFFFF, v62;
	v7 =	vld [tilespmem:$0x1F2B0]  }
0x36c: {  	v4 =	vsel vm10, $0xFF61B1E6, v4;
	vm10 =	vmand vm9, vm13;
	vm11 =	vgt.f32 v12, v56;
	[tilespmem:$0x1F350] =	vst v62;
	v62 =	vld [tilespmem:$0x1F2C0]  }
0x36d: {  	v0 =	vsel vm10, $0xFF61B1E6, v0;
	v12 =	vsel vm11, v12, v56;
	vm10 =	vgt.f32 v34, v49;
	v56 =	vld [tilespmem:$0x1F2E0]  }
0x36e: {  	v34 =	vsel vm10, v34, v49;
	v49 =	vld [tilespmem:$0x1F310]  }
0x36f: {  	v16 =	vsel vm5, v16, v46;
	vm9 =	vgt.f32 v10, v43;
	vm5 =	vgt.f32 v15, v42  }
0x370: {  	v10 =	vsel vm9, v10, v43;
	v43 =	vnsel vm13, $0xFF61B1E6, v48;
	vm4 =	vgt.f32 v36, v12  }
0x371: {  	v62 =	vsel vm15, v62, v57;
	v57 =	vnsel vm15, $0xFF61B1E6, v57;
	vm15 =	vgt.f32 v63, v44  }
0x372: {  	v15 =	vsel vm5, v15, v42;
	v12 =	vsel vm4, v36, v12;
	v44 =	vsel vm15, v63, v44;
	v63 =	vld [tilespmem:$0x1F2F0]  }
0x373: {  	v36 =	vimm.s32 $0x0;
	v46 =	vsel vm8, v56, v55;
	v42 =	vsel vm13, v49, v48;
	v48 =	vld [tilespmem:$0x1F320]  }
0x374: {  	v55 =	vnsel vm8, $0xFF61B1E6, v55;
	vm8 =	vgt.f32 v23, v34;
	vm13 =	vgt.f32 v37, v15  }
0x375: {  	[tilespmem:$0x1F330] =	vst v62;
	v62 =	vld [tilespmem:$0x1F2D0];
	v23 =	vsel vm8, v23, v34;
	v15 =	vsel vm13, v37, v15;
	vm3 =	vgt.f32 v32, v44  }
0x376: {  	v34 =	vimm.s32 $0x0;
	v37 =	vimm.s32 $0x0;
	v49 =	vsel vm3, v32, v44  }
0x377: {  	v32 =	vimm.s32 $0x0;
	v44 =	vimm.s32 $0x0;
	v56 =	vsel vm14, v63, v58;
	v63 =	vld [tilespmem:$0x1F300]  }
0x378: {  	vm1 =	vgt.f32 v39, v49;
	v48 =	vsel vm12, v48, v47;
	v47 =	vnsel vm12, $0xFF61B1E6, v47  }
0x379: {  	vm12 =	vgt.f32 v29, v10;
	v39 =	vsel vm1, v39, v49;
	v49 =	vimm.s32 $0x0  }
0x37a: {  	v62 =	vsel vm7, v62, v59;
	v59 =	vnsel vm7, $0xFF61B1E6, v59;
	vm7 =	vgt.f32 v40, v18  }
0x37b: {  	v58 =	vnsel vm14, $0xFF61B1E6, v58;
	v10 =	vsel vm12, v29, v10;
	v18 =	vsel vm7, v40, v18  }
0x37c: {  	v63 =	vsel vm6, v63, v60;
	v60 =	vnsel vm6, $0xFF61B1E6, v60;
	vm6 =	vgt.f32 v26, v16  }
0x37d: {  	v40 =	vimm.s32 $0x0;
	vm14 =	vgt.f32 v24, v18;
	v16 =	vsel vm6, v26, v16  }
0x37e: {  	v29 =	vsel vm14, $0xFFFFFFFF, v32;
	v18 =	vsel vm14, v24, v18;
	vm14 =	vgt.f32 v33, v16  }
0x37f: {  	v32 =	vimm.s32 $0x0;
	[tilespmem:$0x1F380] =	vst v29;
	v29 =	vimm.s32 $0x0;
	v24 =	vsel vm14, $0xFFFFFFFF, v34  }
0x380: {  	v16 =	vsel vm14, v33, v16;
	vm14 =	vgt.f32 v27, v12;
	v33 =	vimm.s32 $0x0  }
0x381: {  	v34 =	vimm.s32 $0x0;
	[tilespmem:$0x1F390] =	vst v24;
	v24 =	vsel vm1, $0xFFFFFFFF, v36;
	v12 =	vsel vm14, v27, v12  }
0x382: {  	vm1 =	vgt.f32 v38, v10;
	v36 =	vimm.s32 $0x0;
	v27 =	vimm.s32 $0x0  }
0x383: {  	[tilespmem:$0x1F3A0] =	vst v24;
	v24 =	vsel vm14, $0xFFFFFFFF, v37;
	vm14 =	vgt.f32 v35, v23;
	v10 =	vsel vm1, v38, v10  }
0x384: {  	v38 =	vimm.s32 $0x0;
	v26 =	vsel vm14, $0xFFFFFFFF, v40;
	v23 =	vsel vm14, v35, v23  }
0x385: {  	vm14 =	vgt.f32 v28, v15;
	v35 =	vimm.s32 $0x0;
	v40 =	vmul.f32 v13, v45  }
0x386: {  	[tilespmem:$0x1F3C0] =	vst v26;
	v26 =	vsel vm1, $0xFFFFFFFF, v44;
	v15 =	vsel vm14, v28, v15;
	vm1 =	vgt.f32 v31, v16  }
0x387: {  	vm0 =	vgt.f32 v25, v23;
	v44 =	vimm.s32 $0x0;
	v28 =	vimm.s32 $0x0  }
0x388: {  	[tilespmem:$0x1F3E0] =	vst v26;
	v26 =	vsel vm14, $0xFFFFFFFF, v49;
	vm14 =	vgt.f32 v30, v18;
	v16 =	vsel vm1, v31, v16  }
0x389: {  	v37 =	vsel vm0, v25, v23;
	v23 =	vimm.s32 $0x0;
	v25 =	vimm.s32 $0x0  }
0x38a: {  	v31 =	vimm.s32 $0x0;
	[tilespmem:$0x1F410] =	vst v26;
	v26 =	vsel vm14, $0xFFFFFFFF, v29;
	v18 =	vsel vm14, v30, v18  }
0x38b: {  	vm14 =	vgt.f32 v21, v39;
	v29 =	vimm.s32 $0x0;
	v30 =	vimm.s32 $0x0  }
0x38c: {  	[tilespmem:$0x1F3F0] =	vst v26;
	v26 =	vsel vm1, $0xFFFFFFFF, v32;
	v21 =	vsel vm14, v21, v39;
	vm1 =	vgt.f32 v19, v16  }
0x38d: {  	v32 =	vimm.s32 $0x0;
	[tilespmem:$0x1F430] =	vst v26;
	v26 =	vsel vm14, $0xFFFFFFFF, v33;
	vm14 =	vgt.f32 v20, v12  }
0x38e: {  	[tilespmem:$0x1F3B0] =	vst v24;
	v16 =	vsel vm1, v19, v16;
	v33 =	vimm.s32 $0x0;
	v24 =	vsel vm14, $0xFFFFFFFF, v34  }
0x38f: {  	v12 =	vsel vm14, v20, v12;
	v20 =	vsel vm0, $0xFFFFFFFF, v35;
	vm14 =	vgt.f32 v7, v10  }
0x390: {  	[tilespmem:$0x1F440] =	vst v26;
	v26 =	vimm.s32 $0x0;
	v34 =	vimm.s32 $0x0;
	v35 =	vimm.s32 $0x0  }
0x391: {  	[tilespmem:$0x1F460] =	vst v20;
	v20 =	vsel vm14, $0xFFFFFFFF, v36;
	v7 =	vsel vm14, v7, v10;
	vm14 =	vgt.f32 v11, v15  }
0x392: {  	[tilespmem:$0x1F450] =	vst v24;
	vm2 =	vgt.f32 v17, v12;
	v24 =	vimm.s32 $0x0;
	v36 =	vimm.s32 $0x0  }
0x393: {  	v10 =	vsel vm14, $0xFFFFFFFF, v38;
	v39 =	vsel vm14, v11, v15;
	vm14 =	vgt.f32 v22, v18  }
0x394: {  	v11 =	vmul.f32 v40, v13;
	v12 =	vsel vm2, v17, v12;
	v40 =	vimm.s32 $0x0  }
0x395: {  	v15 =	vsel vm14, $0xFFFFFFFF, v44;
	v49 =	vsel vm14, v22, v18;
	v22 =	vimm.s32 $0x0  }
0x396: {  	vm14 =	vgt.f32 v14, v21;
	vm0 =	vgt.f32 v6, v39;
	v18 =	vsel vm1, $0xFFFFFFFF, v22  }
0x397: {  	v14 =	vsel vm14, v14, v21;
	vm1 =	vgt.f32 v8, v37;
	v6 =	vsel vm0, v6, v39  }
0x398: {  	v39 =	vimm.s32 $0x0;
	[tilespmem:$0x1F4B0] =	vst v18;
	v18 =	vsel vm14, $0xFFFFFFFF, v23;
	vm14 =	vgt.f32 v9, v7  }
0x399: {  	v8 =	vsel vm1, v8, v37;
	v37 =	vimm.s32 $0x0;
	[tilespmem:$0x1F4D0] =	vst v18;
	v18 =	vsel vm2, $0xFFFFFFFF, v24  }
0x39a: {  	v7 =	vsel vm14, v9, v7;
	v9 =	vsel vm0, $0xFFFFFFFF, v27;
	vm2 =	vgt.f32 v2, v49;
	[tilespmem:$0x1F500] =	vst v18  }
0x39b: {  	vm0 =	vgt.f32 v5, v12;
	v18 =	vsel vm1, $0xFFFFFFFF, v25;
	[tilespmem:$0x1F580] =	vst v9;
	v9 =	vsel vm2, $0xFFFFFFFF, v28  }
0x39c: {  	v2 =	vsel vm2, v2, v49;
	vm1 =	vgt.f32 v4, v14;
	v5 =	vsel vm0, v5, v12  }
0x39d: {  	[tilespmem:$0x1F530] =	vst v18;
	v18 =	vsel vm14, $0xFFFFFFFF, v26;
	vm14 =	vgt.f32 v3, v16;
	v4 =	vsel vm1, v4, v14  }
0x39e: {  	[tilespmem:$0x1F4C0] =	vst v9;
	vm2 =	vgt.f32 v58, v5;
	v9 =	vsel vm14, $0xFFFFFFFF, v29;
	v3 =	vsel vm14, v3, v16  }
0x39f: {  	vm14 =	vgt.f32 v1, v8;
	v5 =	vsel vm2, v58, v5;
	[tilespmem:$0x1F4E0] =	vst v9;
	v9 =	vsel vm1, $0xFFFFFFFF, v30  }
0x3a0: {  	v1 =	vsel vm14, v1, v8;
	vm1 =	vgt.f32 v41, v6;
	v5 =	vsub.f32 v5, v56  }
0x3a1: {  	v38 =	vld [tilespmem:$0x1F330];
	[tilespmem:$0x1F510] =	vst v9;
	v9 =	vsel vm0, $0xFFFFFFFF, v31;
	vm0 =	vgt.f32 v0, v7;
	v6 =	vsel vm1, v41, v6  }
0x3a2: {  	[tilespmem:$0x1F540] =	vst v9;
	v9 =	vsel vm14, $0xFFFFFFFF, v32;
	v8 =	vsel vm0, $0xFFFFFFFF, v33;
	vm14 =	vgt.f32 v57, v2  }
0x3a3: {  	v0 =	vsel vm0, v0, v7;
	vm0 =	vgt.f32 v60, v1;
	v41 =	vmul.f32 $1.442695020e+00, v5  }
0x3a4: {  	[tilespmem:$0x1F590] =	vst v8;
	v8 =	vsel vm1, $0xFFFFFFFF, v34;
	v2 =	vsel vm14, v57, v2;
	vm1 =	vgt.f32 v59, v3  }
0x3a5: {  	v1 =	vsel vm0, v60, v1;
	[tilespmem:$0x1F5C0] =	vst v8;
	v8 =	vsel vm14, $0xFFFFFFFF, v35;
	v7 =	vsel vm1, $0xFFFFFFFF, v36  }
0x3a6: {  	vm14 =	vgt.f32 v55, v4;
	v3 =	vsel vm1, v59, v3;
	v2 =	vsub.f32 v2, v38  }
0x3a7: {  	vm1 =	vgt.f32 v47, v6;
	v1 =	vsub.f32 v1, v63;
	[tilespmem:$0x1F520] =	vst v7;
	v7 =	vsel vm14, $0xFFFFFFFF, v37  }
0x3a8: {  	v4 =	vsel vm14, v55, v4;
	vm14 =	vgt.f32 v43, v0;
	v3 =	vsub.f32 v3, v62  }
0x3a9: {  	v6 =	vsel vm1, v47, v6;
	v47 =	vimm.s32 $0x0;
	[tilespmem:$0x1F550] =	vst v7;
	v7 =	vsel vm0, $0xFFFFFFFF, v39  }
0x3aa: {  	v0 =	vsel vm14, v43, v0;
	v4 =	vsub.f32 v4, v46;
	v2 =	vmul.f32 $1.442695020e+00, v2  }
0x3ab: {  	v1 =	vmul.f32 $1.442695020e+00, v1;
	v43 =	vsub.f32 $1.500000000e+00, v11;
	v55 =	vsel vm15, $0x1, v47  }
0x3ac: {  	v56 =	vsel vm11, $0x1, v47;
	v58 =	vsel vm10, $0x1, v47;
	v59 =	vsel vm9, $0x1, v47  }
0x3ad: {  	v60 =	vsel vm5, $0x1, v47;
	[tilespmem:$0x1F5A0] =	vst v7;
	v7 =	vsel vm14, $0xFFFFFFFF, v40;
	v3 =	vmul.f32 $1.442695020e+00, v3  }
0x3ae: {  	v62 =	vld [tilespmem:$0x1F360];
	v0 =	vsub.f32 v0, v42;
	v42 =	vsub.f32 v6, v48;
	(erf) = vpow2.f32 v2  }
0x3af: {  	v48 =	vld [tilespmem:$0x1F340];
	v6 =	vsel vm8, $0x2, v58;
	v4 =	vmul.f32 $1.442695020e+00, v4;
	(erf) = vpow2.f32 v3  }
0x3b0: {  	[tilespmem:$0x1F4F0] =	vst v8;
	v8 =	vsel vm13, $0x2, v60;
	v58 =	vld [tilespmem:$0x1F370];
	v46 =	vmul.f32 v43, v13;
	v0 =	vmul.f32 $1.442695020e+00, v0  }
0x3b1: {  	v49 =	vld [tilespmem:$0x1F350];
	v2 =	vsel vm3, $0x2, v55;
	v44 =	vmul.f32 $1.442695020e+00, v42;
	(erf) = vpow2.f32 v4  }
0x3b2: {  	[tilespmem:$0x1F5D0] =	vst v7;
	v7 =	vsel vm12, $0x2, v59;
	v57 =	vmul.f32 v46, v45;
	(erf) = vpow2.f32 v41  }
0x3b3: {  	vm11 =	vnez.u8 v62;
	v4 =	vsel vm4, $0x2, v56;
	v62 =	vld [tilespmem:$0x1F380];
	(erf) = vpow2.f32 v1  }
0x3b4: {  	[tilespmem:$0x1F570] =	vst v9;
	v9 =	vsel vm11, $0x1, v47;
	vm14 =	vnez.u8 v48;
	(erf) = vpow2.f32 v0  }
0x3b5: {  	v30 =	vmul.f32 v57, v46;
	vm13 =	vnez.u8 v58;
	v0 =	vsel vm14, $0x1, v47  }
0x3b6: {  	vm14 =	vnez.u8 v49;
	v9 =	vsel vm13, $0x2, v9;
	(erf) = vpow2.f32 v44  }
0x3b7: {  	v3 =	vsel vm14, $0x1, v47;
	v63 =	vsel vm7, $0x2, v0;
	v0 =	vsub.f32 $1.500000000e+00, v30;
	v14 =	vpop (erf)  }
0x3b8: {  	v5 =	vsel vm6, $0x2, v3;
	vm14 =	vnez.u8 v62;
	v31 =	vmul.f32 v14, v14;
	v13 =	vpop (erf)  }
0x3b9: {  	[tilespmem:$0x1F560] =	vst v18;
	v18 =	vmul.f32 v0, v46;
	v14 =	vadd.f32 v14, v14;
	v32 =	vmul.f32 v13, v13  }
0x3ba: {  	[tilespmem:$0x1F480] =	vst v10;
	v11 =	vsel vm14, $0x3, v63;
	v12 =	vpop (erf);
	v13 =	vadd.f32 v13, v13;
	v33 =	vadd.f32 $1.000000000e+00, v31  }
0x3bb: {  	[tilespmem:$0x1F490] =	vst v15;
	v34 =	vmul.f32 v12, v12;
	v10 =	vpop (erf);
	v12 =	vadd.f32 v12, v12;
	v15 =	vadd.f32 $1.000000000e+00, v32  }
0x3bc: {  	v35 =	vmul.f32 v10, v10;
	v3 =	vpop (erf);
	v10 =	vadd.f32 v10, v10;
	v36 =	vshra.s32 v33, $0x1  }
0x3bd: {  	v17 =	vadd.f32 $1.000000000e+00, v34;
	v37 =	vmul.f32 v3, v3;
	v1 =	vpop (erf);
	v16 =	vmul.f32 $5.000000000e-01, v33  }
0x3be: {  	v3 =	vadd.f32 v3, v3;
	v38 =	vadd.f32 $1.000000000e+00, v35;
	v39 =	vmul.f32 v1, v1  }
0x3bf: {  	v0 =	vpop (erf);
	v40 =	vshra.s32 v15, $0x1;
	v15 =	vmul.f32 $5.000000000e-01, v15;
	v19 =	vsub.s32 $0x5F3759DF, v36  }
0x3c0: {  	[tilespmem:$0x1F470] =	vst v20;
	v1 =	vadd.f32 v1, v1;
	v20 =	vadd.f32 $1.000000000e+00, v37;
	v41 =	vmul.f32 v0, v0  }
0x3c1: {  	v42 =	vshra.s32 v17, $0x1;
	v17 =	vmul.f32 $5.000000000e-01, v17;
	v44 =	vmul.f32 v19, v16  }
0x3c2: {  	v23 =	vsub.s32 $0x5F3759DF, v40;
	v0 =	vadd.f32 v0, v0;
	v22 =	vadd.f32 $1.000000000e+00, v39  }
0x3c3: {  	v43 =	vshra.s32 v38, $0x1;
	v21 =	vmul.f32 $5.000000000e-01, v38;
	v25 =	vsub.s32 $0x5F3759DF, v42  }
0x3c4: {  	v46 =	vmul.f32 v23, v15;
	v24 =	vadd.f32 $1.000000000e+00, v41;
	v45 =	vshra.s32 v20, $0x1  }
0x3c5: {  	v36 =	vld [tilespmem:$0x1F450];
	v20 =	vmul.f32 $5.000000000e-01, v20;
	v27 =	vmul.f32 v19, v44;
	v26 =	vsub.s32 $0x5F3759DF, v43  }
0x3c6: {  	v47 =	vmul.f32 v25, v17;
	v29 =	vmul.f32 $5.000000000e-01, v22;
	v28 =	vsub.s32 $0x5F3759DF, v45  }
0x3c7: {  	v37 =	vld [tilespmem:$0x1F460];
	v22 =	vshra.s32 v22, $0x1;
	v48 =	vmul.f32 v26, v21;
	v31 =	vmul.f32 v23, v46  }
0x3c8: {  	v41 =	vld [tilespmem:$0x1F390];
	v30 =	vmul.f32 $5.000000000e-01, v24;
	v27 =	vsub.f32 $1.500000000e+00, v27;
	v49 =	vmul.f32 v28, v20  }
0x3c9: {  	v43 =	vld [tilespmem:$0x1F3A0];
	v22 =	vsub.s32 $0x5F3759DF, v22;
	v24 =	vshra.s32 v24, $0x1;
	v32 =	vmul.f32 v25, v47  }
0x3ca: {  	vm13 =	vnez.u8 v36;
	v55 =	vmul.f32 v22, v29;
	v24 =	vsub.s32 $0x5F3759DF, v24  }
0x3cb: {  	v38 =	vld [tilespmem:$0x1F470];
	v33 =	vmul.f32 v26, v48;
	v31 =	vsub.f32 $1.500000000e+00, v31;
	v19 =	vmul.f32 v19, v27  }
0x3cc: {  	v46 =	vld [tilespmem:$0x1F3B0];
	vm14 =	vnez.u8 v37;
	v34 =	vmul.f32 v28, v49;
	v56 =	vmul.f32 v24, v30  }
0x3cd: {  	v32 =	vsub.f32 $1.500000000e+00, v32;
	v27 =	vmul.f32 v22, v55;
	v23 =	vmul.f32 v23, v31  }
0x3ce: {  	v33 =	vsub.f32 $1.500000000e+00, v33;
	vm15 =	vnez.u8 v41;
	vm4 =	vnez.u8 v43  }
0x3cf: {  	v48 =	vld [tilespmem:$0x1F3C0];
	v25 =	vmul.f32 v25, v32;
	v57 =	vsub.f32 $1.500000000e+00, v34;
	v31 =	vmul.f32 v24, v56  }
0x3d0: {  	v59 =	vmul.f32 v19, v16;
	v5 =	vsel vm15, $0x3, v5;
	v2 =	vsel vm4, $0x3, v2  }
0x3d1: {  	vm5 =	vnez.u8 v46;
	vm15 =	vnez.u8 v38;
	v27 =	vsub.f32 $1.500000000e+00, v27  }
0x3d2: {  	v41 =	vld [tilespmem:$0x1F490];
	v26 =	vmul.f32 v26, v33;
	v60 =	vmul.f32 v23, v15;
	v4 =	vsel vm5, $0x3, v4  }
0x3d3: {  	v28 =	vmul.f32 v28, v57;
	v63 =	vmul.f32 v25, v17;
	v31 =	vsub.f32 $1.500000000e+00, v31  }
0x3d4: {  	v56 =	vld [tilespmem:$0x1F3E0];
	vm6 =	vnez.u8 v48;
	v22 =	vmul.f32 v22, v27;
	v40 =	vmul.f32 v26, v21  }
0x3d5: {  	v43 =	vld [tilespmem:$0x1F4B0];
	v4 =	vsel vm13, $0x4, v4;
	v27 =	vmul.f32 v59, v19;
	v32 =	vmul.f32 v60, v23  }
0x3d6: {  	v55 =	vld [tilespmem:$0x1F3D0];
	v6 =	vsel vm6, $0x3, v6;
	v42 =	vmul.f32 v28, v20;
	v33 =	vmul.f32 v63, v25  }
0x3d7: {  	v57 =	vld [tilespmem:$0x1F3F0];
	v24 =	vmul.f32 v24, v31;
	vm5 =	vnez.u8 v41;
	v34 =	vmul.f32 v40, v26  }
0x3d8: {  	v27 =	vsub.f32 $1.500000000e+00, v27;
	v32 =	vsub.f32 $1.500000000e+00, v32;
	v47 =	vmul.f32 v22, v29  }
0x3d9: {  	vm7 =	vnez.u8 v56;
	v35 =	vmul.f32 v42, v28;
	v33 =	vsub.f32 $1.500000000e+00, v33  }
0x3da: {  	v49 =	vmul.f32 v24, v30;
	v7 =	vsel vm7, $0x3, v7;
	vm7 =	vnez.u8 v43  }
0x3db: {  	v63 =	vld [tilespmem:$0x1F410];
	v19 =	vmul.f32 v27, v19;
	v44 =	vsub.f32 $1.500000000e+00, v34;
	v23 =	vmul.f32 v32, v23  }
0x3dc: {  	[tilespmem:s17+$0x2B80] =	vst v53;
	v53 =	vld [tilespmem:$0x1F550];
	v32 =	vadd.f32 v55, v55;
	v27 =	vmul.f32 v47, v22;
	vm8 =	vnez.u8 v57  }
0x3dd: {  	v25 =	vmul.f32 v33, v25;
	v45 =	vsub.f32 $1.500000000e+00, v35;
	v31 =	vmul.f32 v49, v24  }
0x3de: {  	v40 =	vld [tilespmem:$0x1F480];
	v11 =	vsel vm8, $0x4, v11;
	v26 =	vmul.f32 v44, v26;
	v16 =	vmul.f32 v19, v16  }
0x3df: {  	v42 =	vld [tilespmem:$0x1F4A0];
	v15 =	vmul.f32 v23, v15;
	v32 =	vmul.f32 v18, v32;
	v27 =	vsub.f32 $1.500000000e+00, v27  }
0x3e0: {  	[tilespmem:s17+$0x2900] =	vst v52;
	v52 =	vld [tilespmem:$0x1F540];
	v18 =	vadd.f32 v18, v18;
	vm9 =	vnez.u8 v63;
	v11 =	vsel vm5, $0x5, v11  }
0x3e1: {  	v48 =	vld [tilespmem:$0x1F500];
	vm5 =	vnez.u8 v53;
	v28 =	vmul.f32 v45, v28;
	v31 =	vsub.f32 $1.500000000e+00, v31  }
0x3e2: {  	v33 =	vld [tilespmem:$0x1F440];
	v17 =	vmul.f32 v25, v17;
	v8 =	vsel vm9, $0x3, v8;
	v16 =	vmul.f32 v16, v19  }
0x3e3: {  	v49 =	vld [tilespmem:$0x1F510];
	vm4 =	vnez.u8 v40;
	v15 =	vmul.f32 v15, v23;
	v22 =	vmul.f32 v27, v22  }
0x3e4: {  	v44 =	vld [tilespmem:$0x1F4C0];
	v21 =	vmul.f32 v26, v21;
	v8 =	vsel vm4, $0x4, v8;
	vm6 =	vnez.u8 v42  }
0x3e5: {  	v59 =	vld [tilespmem:$0x1F400];
	vm4 =	vnez.u8 v52;
	v24 =	vmul.f32 v31, v24;
	v17 =	vmul.f32 v17, v25  }
0x3e6: {  	v45 =	vld [tilespmem:$0x1F4D0];
	v20 =	vmul.f32 v28, v20;
	v16 =	vsub.f32 $1.500000000e+00, v16;
	v15 =	vsub.f32 $1.500000000e+00, v15  }
0x3e7: {  	[tilespmem:s17+$0x2800] =	vst v32;
	v32 =	vld [tilespmem:$0x1F430];
	v58 =	vmul.f32 v21, v26;
	v21 =	vmul.f32 v22, v29;
	vm12 =	vnez.u8 v33  }
0x3e8: {  	[tilespmem:s17+$0x2A00] =	vst v61;
	vm13 =	vnez.u8 v49;
	v17 =	vsub.f32 $1.500000000e+00, v17;
	v61 =	vmul.f32 v20, v28  }
0x3e9: {  	[tilespmem:s17+$0x2880] =	vst v50;
	v57 =	vld [tilespmem:$0x1F590];
	v2 =	vsel vm12, $0x4, v2;
	vm8 =	vnez.u8 v44;
	vm12 =	vnez.u8 v48  }
0x3ea: {  	[tilespmem:s17+$0x2980] =	vst v54;
	v47 =	vld [tilespmem:$0x1F4F0];
	v16 =	vmul.f32 v16, v19;
	v15 =	vmul.f32 v15, v23;
	v19 =	vsub.f32 $1.500000000e+00, v58  }
0x3eb: {  	[tilespmem:s17+$0x2B00] =	vst v51;
	vm9 =	vnez.u8 v45;
	v17 =	vmul.f32 v17, v25;
	v23 =	vsub.f32 $1.500000000e+00, v61  }
0x3ec: {  	v55 =	vld [tilespmem:$0x1F570];
	[tilespmem:s17+$0x2A80] =	vst v59;
	v25 =	vmul.f32 v24, v30;
	vm11 =	vnez.u8 v32;
	v60 =	vadd.f32 v16, v16  }
0x3ed: {  	[tilespmem:s17+$0x2400] =	vst v18;
	v29 =	vld [tilespmem:$0x1F420];
	v2 =	vsel vm9, $0x5, v2;
	v19 =	vmul.f32 v19, v26;
	v62 =	vadd.f32 v15, v15  }
0x3ee: {  	vm9 =	vnez.u8 v57;
	v14 =	vmul.f32 v16, v14;
	v13 =	vmul.f32 v15, v13;
	[tilespmem:s17+$0x2080] =	vst v60  }
0x3ef: {  	v46 =	vld [tilespmem:$0x1F4E0];
	v16 =	vmul.f32 v21, v22;
	v5 =	vsel vm11, $0x4, v5;
	vm11 =	vnez.u8 v47;
	[tilespmem:s17+$0x2100] =	vst v62  }
0x3f0: {  	v58 =	vld [tilespmem:$0x1F5A0];
	v2 =	vsel vm13, $0x6, v2;
	v26 =	vadd.f32 v17, v17;
	v15 =	vmul.f32 v23, v28;
	[tilespmem:s17+$0x2480] =	vst v14  }
0x3f1: {  	v61 =	vld [tilespmem:$0x1F5D0];
	v12 =	vmul.f32 v17, v12;
	v27 =	vmul.f32 v25, v24;
	v2 =	vsel vm5, $0x7, v2;
	[tilespmem:s17+$0x2500] =	vst v13  }
0x3f2: {  	vm10 =	vnez.u8 v29;
	v5 =	vsel vm7, $0x5, v5;
	vm7 =	vnez.u8 v55;
	[tilespmem:s17+$0x2D80] =	vst v2  }
0x3f3: {  	v51 =	vld [tilespmem:$0x1F530];
	v16 =	vsub.f32 $1.500000000e+00, v16;
	v28 =	vadd.f32 v19, v19;
	v9 =	vsel vm10, $0x3, v9;
	[tilespmem:s17+$0x2180] =	vst v26  }
0x3f4: {  	v50 =	vld [tilespmem:$0x1F520];
	v10 =	vmul.f32 v19, v10;
	vm10 =	vnez.u8 v46;
	[tilespmem:s17+$0x2580] =	vst v12;
	v13 =	vsub.f32 $1.500000000e+00, v27  }
0x3f5: {  	v54 =	vld [tilespmem:$0x1F560];
	v31 =	vadd.f32 v15, v15;
	v3 =	vmul.f32 v15, v3;
	v30 =	vmul.f32 v16, v22;
	[tilespmem:s17+$0x2200] =	vst v28  }
0x3f6: {  	v56 =	vld [tilespmem:$0x1F580];
	v5 =	vsel vm10, $0x6, v5;
	vm10 =	vnez.u8 v58;
	[tilespmem:s17+$0x2600] =	vst v10;
	vm13 =	vnez.u8 v61  }
0x3f7: {  	v34 =	vmul.f32 v13, v24;
	[tilespmem:s17+$0x2680] =	vst v3;
	v3 =	vsel vm14, $0x4, v6;
	v35 =	vadd.f32 v30, v30  }
0x3f8: {  	v59 =	vld [tilespmem:$0x1F5B0];
	[tilespmem:s17+$0x2280] =	vst v31;
	v6 =	vsel vm15, $0x4, v7;
	vm15 =	vnez.u8 v51;
	v1 =	vmul.f32 v30, v1  }
0x3f9: {  	v60 =	vld [tilespmem:$0x1F5C0];
	vm14 =	vnez.u8 v50;
	v3 =	vsel vm15, $0x5, v3;
	v39 =	vadd.f32 v34, v34;
	[tilespmem:s17+$0x2300] =	vst v35  }
0x3fa: {  	v62 =	vld [tilespmem:$0x1F5E0];
	v0 =	vmul.f32 v34, v0;
	v3 =	vsel vm7, $0x6, v3;
	[tilespmem:s17+$0x2700] =	vst v1;
	v1 =	vsel vm6, $0x4, v9  }
0x3fb: {  	v9 =	vsel vm8, $0x6, v11;
	vm6 =	vnez.u8 v54;
	vm8 =	vnez.u8 v56;
	[tilespmem:s17+$0x2380] =	vst v39  }
0x3fc: {  	v63 =	vld [tilespmem:$0x1F5F0];
	v3 =	vsel vm10, $0x7, v3;
	v7 =	vsel vm11, $0x7, v9;
	[tilespmem:s17+$0x2780] =	vst v0;
	v0 =	vsel vm12, $0x5, v4  }
0x3fd: {  	v4 =	vsel vm14, $0x7, v5;
	v2 =	vsel vm8, $0x5, v8;
	vm11 =	vnez.u8 v59;
	[tilespmem:s17+$0x2E80] =	vst v3  }
0x3fe: {  	vm12 =	vnez.u8 v60;
	v0 =	vsel vm4, $0x6, v0;
	[tilespmem:s17+$0x2D00] =	vst v4;
	v4 =	vsel vm6, $0x5, v6  }
0x3ff: {  	vm14 =	vnez.u8 v62;
	[tilespmem:s17+$0x2C80] =	vst v7;
	v0 =	vsel vm2, $0x7, v0;
	v4 =	vsel vm9, $0x6, v4  }
0x400: {  	[tilespmem:s17+$0x2E00] =	vst v0;
	v0 =	vsel vm11, $0x5, v1;
	v1 =	vsel vm12, $0x6, v2;
	v2 =	vsel vm13, $0x7, v4  }
0x401: {  	vm15 =	vnez.u8 v63;
	v0 =	vsel vm14, $0x6, v0;
	v1 =	vsel vm1, $0x7, v1;
	[tilespmem:s17+$0x2F00] =	vst v2  }
0x402: {  	v0 =	vsel vm15, $0x7, v0;
	[tilespmem:s17+$0x2F80] =	vst v1  }
0x403: {  	[tilespmem:s17+$0x3000] =	vst v0  }
0x404: {  	[hbm4b:s4+s2] =	stream.linear.scatter [tilespmem:s10], [sflag:$0x1], $0x400, $0x38;
	[tilespmem:$0x3000] =	vst v63  }
0x405: {  	_ =	swait.ge [sflag:s9], $0x400  }
0x406: {  	[sflag:s9] =	ssyncset.done $0x0  }
0x407: {  	[sflag:s9] =	ssyncadd.s32 $0xFFFFFC00  }
0x408: {  	[hbm4b:s5+s2] =	stream.linear.scatter [tilespmem:s11], [sflag:$0x1], $0x400, $0x38;
	[tilespmem:$0x3000] =	vst v63  }
0x409: {  	_ =	swait.ge [sflag:s9], $0x400  }
0x40a: {  	[sflag:s9] =	ssyncset.done $0x0  }
0x40b: {  	[sflag:s9] =	ssyncadd.s32 $0xFFFFFC00  }
0x40c: {  	[hbm4b:s6+s2] =	stream.linear.scatter [tilespmem:s12], [sflag:$0x1], $0x400, $0x38;
	[tilespmem:$0x3000] =	vst v63  }
0x40d: {  	s14 =	sadd.s32 $0x1, s14;
	_ =	swait.ge [sflag:s9], $0x400  }
0x40e: {  	p0 =	sne.s32 s14, s8;
	[sflag:s9] =	ssyncset.done $0x0  }
.Ltmp1:
0x40f: {  	[sflag:s9] =	ssyncadd.s32 $0xFFFFFC00;
	(pc) =	sbr.rel @p0 .LBB2_1-.Ltmp1, $4  }
0x410: {  	[hbm4b:s7+s2] =	stream.linear.scatter [tilespmem:s13], [sflag:$0x1], $0x400, $0x38;
	[tilespmem:$0x3000] =	vst v63  }
0x411: {  	_ =	swait.ge [sflag:s9], $0x400  }
0x412: {  	[sflag:s9] =	ssyncset.done $0x0  }
0x413: {  	[sflag:s9] =	ssyncadd.s32 $0xFFFFFC00  }
0x414: {  	_ =	sfence.sel $0x180000  }
0x415: {  	[bflag:$0x0] =	sbarrier.arrive $0xFFFF  }
0x416: {  	p0 =	sne.s32 s1, $0x0;
	_ =	strace $0x90000047  }
0x417: {  	s0 =	sadd.s32 @!p0 $0x100000, s0;
	[bflag:$0x2] =	sbarrier.arrive $0xFFFF  }
0x418: {  	[sflag:s0] =	ssyncadd.tile.s32 @!p0 $0x1;
	_ =	shalt  }
.Lfunc_end2:
_tile_overlayer_lowered:
.L_overlay_start_2:
0x419: {  	(tag) =	ssettag $0x2  }
0x41a: {  	s0 =	rddreg [dreg:$0x0];
	s2 =	stileid.u32  }
0x41b: {  	s1 =	rddreg [dreg:$0x1];
	p0 =	sne.s32 s2, $0x0  }
0x41c: {  	s3 =	rddreg [dreg:$0x2];
	[bflag:$0x3] =	sbarrier.arrive $0xFFFF;
	s2 =	simm.s32 @!p0 $0x1C01  }
0x41d: {  	[timem:s3], [sflag:s2] =	dma.local @!p0 [hbm:s0], s1  }
0x41e: {  	s0 =	simm.s32 @!p0 $0x1  }
0x41f: {  	_ =	swait.ge @!p0 [sflag:s0], s1  }
0x420: {  	s1 =	ssub.s32 @!p0 $0x0, s1;
	[sflag:s0] =	ssyncset.done @!p0 $0x0  }
0x421: {  	[sflag:s0] =	ssyncadd.s32 @!p0 s1  }
0x422: {  	[bflag:$0x3] =	sbarrier.arrive $0xFFFF  }
0x423: {  	_ =	shalt  }

</sc_bundles>
